<compile_context>
chip_gen: v7x
topology: tpu7x:2x2x1
jax: 0.10.2.dev20260603
libtpu: 0.0.44.dev20260713+nightly
codegen_flags: <defaults>
</compile_context>

<pallas_src>
import functools

import jax
import jax.numpy as jnp
from jax import lax
from jax.experimental import pallas as pl
from jax.experimental.pallas import tpu as pltpu
from jax.experimental.pallas import tpu_sc as plsc

B = 16384
N_DENSE = 13
N_SPARSE = 26
VOCAB = 100000
EMB_DIM = 16

NC = 2
NS = 16
NW = NC * NS

BPT = B // NW
RPT = BPT * N_SPARSE
NROWS = N_SPARSE * VOCAB
TN = 104
NT = RPT // TN
SGB = 16
NSG = BPT // SGB
OFF_PERIOD = 208
OFF_VECS = OFF_PERIOD // 16


def _sc_body(rs_hbm, idx_hbm, offs_hbm, dvt_hbm, dwt_hbm, out_hbm,
             idx_v, offs_v, dvt_v, dwt_v, out_v, val_v, sem):
    wid = lax.axis_index("s") * NC + lax.axis_index("c")
    ibase = wid * RPT
    bbase = wid * BPT

    pltpu.sync_copy(idx_hbm.at[pl.ds(ibase, RPT)], idx_v)
    pltpu.sync_copy(offs_hbm, offs_v)
    pltpu.sync_copy(dwt_hbm, dwt_v)
    pltpu.sync_copy(dvt_hbm.at[:, pl.ds(bbase, BPT)], dvt_v)

    def off_body(o, carry):
        for j in range(OFF_VECS):
            sl = pl.ds((o * OFF_VECS + j) * 16, 16)
            idx_v[sl] = idx_v[sl] + offs_v[pl.ds(j * 16, 16)]
        return carry

    lax.fori_loop(0, RPT // OFF_PERIOD, off_body, 0)

    def fire_body(t, carry):
        pltpu.make_async_copy(
            rs_hbm.at[idx_v.at[pl.ds(t * TN, TN)]],
            val_v.at[pl.ds(t * TN, TN)], sem).start()
        return carry

    lax.fori_loop(0, NT, fire_body, 0)

    pltpu.make_async_copy(rs_hbm.at[pl.ds(0, RPT)], val_v, sem).wait()

    lanes26 = lax.iota(jnp.int32, 16) * N_SPARSE

    def sg_body(sg, carry):
        base = lanes26 + sg * (SGB * N_SPARSE)
        b0 = plsc.load_gather(val_v, [base + 0])
        b1 = plsc.load_gather(val_v, [base + 1])
        b2 = dvt_v[0, pl.ds(sg * SGB, 16)] * dwt_v[0, :]
        b3 = dvt_v[1, pl.ds(sg * SGB, 16)] * dwt_v[1, :]
        for f in range(2, N_SPARSE, 2):
            b0 = b0 + plsc.load_gather(val_v, [base + f])
            b1 = b1 + plsc.load_gather(val_v, [base + f + 1])
        for k in range(2, EMB_DIM, 2):
            b2 = b2 + dvt_v[k, pl.ds(sg * SGB, 16)] * dwt_v[k, :]
            b3 = b3 + dvt_v[k + 1, pl.ds(sg * SGB, 16)] * dwt_v[k + 1, :]
        out_v[pl.ds(sg * SGB, 16)] = (b0 + b1) + (b2 + b3)
        return carry

    lax.fori_loop(0, NSG, sg_body, 0)

    pltpu.sync_copy(out_v, out_hbm.at[pl.ds(bbase, BPT)])


@functools.partial(
    pl.kernel,
    out_type=jax.ShapeDtypeStruct((B,), jnp.float32),
    mesh=plsc.VectorSubcoreMesh(core_axis_name="c", subcore_axis_name="s"),
    compiler_params=pltpu.CompilerParams(needs_layout_passes=False),
    scratch_types=[
        pltpu.VMEM((RPT,), jnp.int32),
        pltpu.VMEM((OFF_PERIOD,), jnp.int32),
        pltpu.VMEM((EMB_DIM, BPT), jnp.float32),
        pltpu.VMEM((EMB_DIM, EMB_DIM), jnp.float32),
        pltpu.VMEM((BPT,), jnp.float32),
        pltpu.VMEM((RPT,), jnp.float32),
        pltpu.SemaphoreType.DMA,
    ],
)
def _sc_linear(rs_hbm, idx_hbm, offs_hbm, dvt_hbm, dwt_hbm, out_hbm,
               idx_v, offs_v, dvt_v, dwt_v, out_v, val_v, sem):
    _sc_body(rs_hbm, idx_hbm, offs_hbm, dvt_hbm, dwt_hbm, out_hbm,
             idx_v, offs_v, dvt_v, dwt_v, out_v, val_v, sem)


DM_ROWS = N_SPARSE * EMB_DIM
W_COLS = 3072
T31_BASE = 31 * W_COLS
T31_COLS = VOCAB - VOCAB % 128 - T31_BASE
TAIL_V = VOCAB - VOCAB % 128
SUBC = 768
SUBC31 = 1152


def _rowsum_body(dm_hbm, tail_hbm, rs_hbm, blk0, blk1, blk2, blk3,
                 outf, tailb, outt, sem0, sem1, sem2, sem3):
    blks = (blk0, blk1, blk2, blk3)
    sems = (sem0, sem1, sem2, sem3)
    wid = lax.axis_index("s") * NC + lax.axis_index("c")

    def reduce_cols(buf, ncols, obase):
        def qbody(q, carry):
            acc = buf[0, pl.ds(q * 16, 16)] + buf[1, pl.ds(q * 16, 16)]
            a1 = buf[2, pl.ds(q * 16, 16)] + buf[3, pl.ds(q * 16, 16)]
            for rr in range(4, EMB_DIM, 2):
                acc = acc + buf[rr, pl.ds(q * 16, 16)]
                a1 = a1 + buf[rr + 1, pl.ds(q * 16, 16)]
            outf[pl.ds(obase + q * 16, 16)] = acc + a1
            return carry
        lax.fori_loop(0, ncols // 16, qbody, 0, unroll=2)

    def mk_ring(cbase, subc):
        def fire(f, sub):
            pltpu.make_async_copy(
                dm_hbm.at[pl.ds(f * EMB_DIM, EMB_DIM),
                          pl.ds(cbase + sub * subc, subc)],
                blks[sub].at[:, pl.ds(0, subc)], sems[sub]).start()

        def drain(f, sub):
            pltpu.make_async_copy(
                dm_hbm.at[pl.ds(f * EMB_DIM, EMB_DIM),
                          pl.ds(cbase + sub * subc, subc)],
                blks[sub].at[:, pl.ds(0, subc)], sems[sub]).wait()
        return fire, drain

    @pl.when(wid < 31)
    def _():
        cbase = wid * W_COLS
        fire, drain = mk_ring(cbase, SUBC)
        for sub in range(4):
            fire(0, sub)

        def f_body(f, carry):
            for sub in range(4):
                drain(f, sub)
                reduce_cols(blks[sub], SUBC, sub * SUBC)

                @pl.when(f < N_SPARSE - 1)
                def _():
                    fire(f + 1, sub)
            pltpu.sync_copy(outf.at[pl.ds(0, W_COLS)],
                            rs_hbm.at[pl.ds(f * VOCAB + cbase, W_COLS)])
            return carry

        lax.fori_loop(0, N_SPARSE, f_body, 0)

    @pl.when(wid == 31)
    def _():
        fire, drain = mk_ring(T31_BASE, SUBC31)
        for sub in range(4):
            fire(0, sub)

        def f_body(f, carry):
            for sub in range(4):
                drain(f, sub)
                reduce_cols(blks[sub], SUBC31, sub * SUBC31)

                @pl.when(f < N_SPARSE - 1)
                def _():
                    fire(f + 1, sub)
            pltpu.sync_copy(
                dm_hbm.at[pl.ds(f * EMB_DIM, EMB_DIM),
                          pl.ds(T31_BASE + 4 * SUBC31, 128)],
                tailb.at[:, pl.ds(0, 128)])
            reduce_cols(tailb, 128, 4 * SUBC31)
            pltpu.sync_copy(outf.at[pl.ds(0, T31_COLS)],
                            rs_hbm.at[pl.ds(f * VOCAB + T31_BASE, T31_COLS)])
            return carry

        lax.fori_loop(0, N_SPARSE, f_body, 0)

    @pl.when(wid < N_SPARSE)
    def _():
        pltpu.sync_copy(tail_hbm.at[pl.ds(wid * 32, 32)], outt)
        pltpu.sync_copy(outt, rs_hbm.at[pl.ds(wid * VOCAB + TAIL_V, 32)])


@functools.partial(
    pl.kernel,
    out_type=jax.ShapeDtypeStruct((NROWS,), jnp.float32),
    mesh=plsc.VectorSubcoreMesh(core_axis_name="c", subcore_axis_name="s"),
    compiler_params=pltpu.CompilerParams(needs_layout_passes=False),
    scratch_types=[
        pltpu.VMEM((EMB_DIM, SUBC31), jnp.float32),
        pltpu.VMEM((EMB_DIM, SUBC31), jnp.float32),
        pltpu.VMEM((EMB_DIM, SUBC31), jnp.float32),
        pltpu.VMEM((EMB_DIM, SUBC31), jnp.float32),
        pltpu.VMEM((T31_COLS,), jnp.float32),
        pltpu.VMEM((EMB_DIM, 128), jnp.float32),
        pltpu.VMEM((32,), jnp.float32),
        pltpu.SemaphoreType.DMA,
        pltpu.SemaphoreType.DMA,
        pltpu.SemaphoreType.DMA,
        pltpu.SemaphoreType.DMA,
    ],
)
def _sc_rowsum(dm_hbm, tail_hbm, rs_hbm, blk0, blk1, blk2, blk3,
               outf, tailb, outt, sem0, sem1, sem2, sem3):
    _rowsum_body(dm_hbm, tail_hbm, rs_hbm, blk0, blk1, blk2, blk3,
                 outf, tailb, outt, sem0, sem1, sem2, sem3)


def kernel(inputs, emb_tables, dense_weight, bias):
    idx = inputs[:, N_DENSE:N_DENSE + N_SPARSE].astype(jnp.int32).reshape(-1)
    dm = jnp.transpose(emb_tables, (0, 2, 1)).reshape(
        N_SPARSE * EMB_DIM, VOCAB)
    tail = jnp.sum(emb_tables[:, TAIL_V:, :], axis=2).reshape(-1)
    rowsum = _sc_rowsum(dm, tail)
    offs = ((jnp.arange(OFF_PERIOD, dtype=jnp.int32) % N_SPARSE)
            * jnp.int32(VOCAB))
    dvt = jnp.concatenate(
        [inputs[:, :N_DENSE],
         jnp.ones((B, 1), jnp.float32),
         jnp.zeros((B, EMB_DIM - N_DENSE - 1), jnp.float32)], axis=1).T
    dwt = jnp.tile(
        jnp.concatenate([dense_weight[:, 0], bias,
                         jnp.zeros((EMB_DIM - N_DENSE - 1,), jnp.float32)]
                        )[:, None], (1, EMB_DIM))
    out = _sc_linear(rowsum, idx, offs, dvt, dwt)
    return out.reshape(B, 1)

# --- scband reference (transcript-rebuilt; emitter-appended) ---
"""Pipeline reference for scband-linear-3221225472058 (READ-ONLY COPY).

The authoritative reference and input builder live on the scoring server;
editing this copy changes nothing except your own understanding.
"""

import jax, jax.numpy as jnp
import numpy as np

B = 16384
N_DENSE = 13
N_SPARSE = 26
VOCAB = 100000
EMB_DIM = 16

def setup_inputs(seed: int = 0) -> dict:
    key = jax.random.key(seed)
    k1, k2, k3, k4 = jax.random.split(key, 4)
    dense = jax.random.uniform(k1, (B, N_DENSE), dtype=jnp.float32)
    sparse_idx = jax.random.randint(k2, (B, N_SPARSE), 0, VOCAB)
    inputs = jnp.concatenate([dense, sparse_idx.astype(jnp.float32)], axis=1)
    # learned params: one embedding table per sparse field (all same vocab/dim -> stacked),
    # dense linear weight, bias
    emb_tables = 0.0001 * jax.random.normal(k3, (N_SPARSE, VOCAB, EMB_DIM), dtype=jnp.float32)
    dense_weight = 0.0001 * jax.random.normal(k4, (N_DENSE, 1), dtype=jnp.float32)
    bias = jnp.zeros((1,), dtype=jnp.float32)
    return {"inputs": inputs, "emb_tables": emb_tables, "dense_weight": dense_weight, "bias": bias}

def reference(inputs, emb_tables, dense_weight, bias):
    # dense_value_list: slices [B,1] each -> concatenated [B, N_DENSE]
    dense_vals = inputs[:, :N_DENSE]
    # sparse_embedding_list: each slice [B,1].long() -> embedding [B,1,EMB_DIM]
    idx = inputs[:, N_DENSE:N_DENSE + N_SPARSE].astype(jnp.int32)  # [B, N_SPARSE]
    field_ids = jnp.arange(N_SPARSE)[None, :]
    emb = emb_tables[field_ids, idx]  # gather -> [B, N_SPARSE, EMB_DIM]
    # torch: cat along dim=-1 of [B,1,EMB_DIM] pieces -> [B,1,N_SPARSE*EMB_DIM]; sum(dim=-1) -> [B,1]
    sparse_feat_logit = jnp.sum(emb, axis=(1, 2))[:, None]  # [B,1]
    dense_value_logit = dense_vals @ dense_weight  # [B,1]
    linear_logit = jnp.zeros((inputs.shape[0], 1), dtype=jnp.float32)
    linear_logit = linear_logit + sparse_feat_logit + dense_value_logit + bias
    return linear_logit

if __name__ == "__main__":
    import jax
    _d = setup_inputs()
    print(jax.jit(kernel)(*tuple(_d.values())))

</pallas_src>

<mosaic_0001>
#map = affine_map<(d0, d1) -> (0, 0)>
#map1 = affine_map<(d0, d1) -> (0)>
module attributes {stable_mosaic.version = 14 : i64} {
  func.func @_sc_rowsum(%arg0: i32, %arg1: i32, %arg2: memref<416x100000xf32, #tpu.memory_space<hbm>>, %arg3: memref<832xf32, #tpu.memory_space<hbm>>, %arg4: memref<2600000xf32, #tpu.memory_space<hbm>>, %arg5: memref<16x1152xf32, #tpu.memory_space<vmem>>, %arg6: memref<16x1152xf32, #tpu.memory_space<vmem>>, %arg7: memref<16x1152xf32, #tpu.memory_space<vmem>>, %arg8: memref<16x1152xf32, #tpu.memory_space<vmem>>, %arg9: memref<4736xf32, #tpu.memory_space<vmem>>, %arg10: memref<16x128xf32, #tpu.memory_space<vmem>>, %arg11: memref<32xf32, #tpu.memory_space<vmem>>, %arg12: memref<!tpu.dma_semaphore, #tpu.memory_space<semaphore_mem>>, %arg13: memref<!tpu.dma_semaphore, #tpu.memory_space<semaphore_mem>>, %arg14: memref<!tpu.dma_semaphore, #tpu.memory_space<semaphore_mem>>, %arg15: memref<!tpu.dma_semaphore, #tpu.memory_space<semaphore_mem>>) attributes {dimension_semantics = [#tpu.dimension_semantics<core_parallel>, #tpu.dimension_semantics<subcore_parallel>], iteration_bounds = array<i64: 2, 16>, scalar_prefetch = 0 : i64, scratch_operands = 11 : i64, tpu.core_type = #tpu.core_type<sc_vector_subcore>, window_params = [{transform_indices = #map}, {transform_indices = #map1}, {transform_indices = #map1}]} {
    %mul3A = arith.constant 2 : i32
    %mul3A_0 = arith.muli %arg1, %mul3A : i32
    %add3A = arith.addi %mul3A_0, %arg0 : i32
    %lt3A = arith.constant 31 : i32
    %lt3A_1 = arith.cmpi slt, %add3A, %lt3A : i32
    %convert_element_type3A = arith.extui %lt3A_1 : i1 to i32
    %cond3A = arith.constant 0 : i32
    %cond3A_2 = arith.cmpi ne, %convert_element_type3A, %cond3A : i32
    scf.if %cond3A_2 {
      %mul3A_12 = arith.constant 3072 : i32
      %mul3A_13 = arith.muli %add3A, %mul3A_12 : i32
      %add3A_14 = arith.constant 0 : i32
      %add3A_15 = arith.addi %mul3A_13, %add3A_14 : i32
      %dma_start3A = arith.constant 0 : i32
      %dma_start3A_16 = arith.constant 0 : i32
      %dma_start3A_17 = tpu.memref_slice %arg5[%dma_start3A, %dma_start3A_16] : memref<16x1152xf32, #tpu.memory_space<vmem>> -> memref<16x768xf32, #tpu.memory_space<vmem>>
      %dma_start3A_18 = arith.constant 0 : i32
      %dma_start3A_19 = tpu.memref_slice %arg2[%dma_start3A_18, %add3A_15] : memref<416x100000xf32, #tpu.memory_space<hbm>> -> memref<16x768xf32, #tpu.memory_space<hbm>>
      %dma_start3A_20 = arith.constant 0 : i32
      %dma_start3A_21 = arith.constant 0 : i32
      %dma_start3A_22 = tpu.memref_slice %arg5[%dma_start3A_20, %dma_start3A_21] : memref<16x1152xf32, #tpu.memory_space<vmem>> -> memref<16x768xf32, #tpu.memory_space<vmem>>
      %dma_start3A_23 = arith.constant 0 : i32
      %dma_start3A_24 = tpu.memref_slice %arg2[%dma_start3A_23, %add3A_15] : memref<416x100000xf32, #tpu.memory_space<hbm>> -> memref<16x768xf32, #tpu.memory_space<hbm>>
      tpu.enqueue_dma source(%dma_start3A_24 : memref<16x768xf32, #tpu.memory_space<hbm>>) target(%dma_start3A_22 : memref<16x768xf32, #tpu.memory_space<vmem>>) target_semaphore(%arg12 : memref<!tpu.dma_semaphore, #tpu.memory_space<semaphore_mem>>)
      %add3A_25 = arith.constant 768 : i32
      %add3A_26 = arith.addi %mul3A_13, %add3A_25 : i32
      %dma_start3A_27 = arith.constant 0 : i32
      %dma_start3A_28 = arith.constant 0 : i32
      %dma_start3A_29 = tpu.memref_slice %arg6[%dma_start3A_27, %dma_start3A_28] : memref<16x1152xf32, #tpu.memory_space<vmem>> -> memref<16x768xf32, #tpu.memory_space<vmem>>
      %dma_start3A_30 = arith.constant 0 : i32
      %dma_start3A_31 = tpu.memref_slice %arg2[%dma_start3A_30, %add3A_26] : memref<416x100000xf32, #tpu.memory_space<hbm>> -> memref<16x768xf32, #tpu.memory_space<hbm>>
      %dma_start3A_32 = arith.constant 0 : i32
      %dma_start3A_33 = arith.constant 0 : i32
      %dma_start3A_34 = tpu.memref_slice %arg6[%dma_start3A_32, %dma_start3A_33] : memref<16x1152xf32, #tpu.memory_space<vmem>> -> memref<16x768xf32, #tpu.memory_space<vmem>>
      %dma_start3A_35 = arith.constant 0 : i32
      %dma_start3A_36 = tpu.memref_slice %arg2[%dma_start3A_35, %add3A_26] : memref<416x100000xf32, #tpu.memory_space<hbm>> -> memref<16x768xf32, #tpu.memory_space<hbm>>
      tpu.enqueue_dma source(%dma_start3A_36 : memref<16x768xf32, #tpu.memory_space<hbm>>) target(%dma_start3A_34 : memref<16x768xf32, #tpu.memory_space<vmem>>) target_semaphore(%arg13 : memref<!tpu.dma_semaphore, #tpu.memory_space<semaphore_mem>>)
      %add3A_37 = arith.constant 1536 : i32
      %add3A_38 = arith.addi %mul3A_13, %add3A_37 : i32
      %dma_start3A_39 = arith.constant 0 : i32
      %dma_start3A_40 = arith.constant 0 : i32
      %dma_start3A_41 = tpu.memref_slice %arg7[%dma_start3A_39, %dma_start3A_40] : memref<16x1152xf32, #tpu.memory_space<vmem>> -> memref<16x768xf32, #tpu.memory_space<vmem>>
      %dma_start3A_42 = arith.constant 0 : i32
      %dma_start3A_43 = tpu.memref_slice %arg2[%dma_start3A_42, %add3A_38] : memref<416x100000xf32, #tpu.memory_space<hbm>> -> memref<16x768xf32, #tpu.memory_space<hbm>>
      %dma_start3A_44 = arith.constant 0 : i32
      %dma_start3A_45 = arith.constant 0 : i32
      %dma_start3A_46 = tpu.memref_slice %arg7[%dma_start3A_44, %dma_start3A_45] : memref<16x1152xf32, #tpu.memory_space<vmem>> -> memref<16x768xf32, #tpu.memory_space<vmem>>
      %dma_start3A_47 = arith.constant 0 : i32
      %dma_start3A_48 = tpu.memref_slice %arg2[%dma_start3A_47, %add3A_38] : memref<416x100000xf32, #tpu.memory_space<hbm>> -> memref<16x768xf32, #tpu.memory_space<hbm>>
      tpu.enqueue_dma source(%dma_start3A_48 : memref<16x768xf32, #tpu.memory_space<hbm>>) target(%dma_start3A_46 : memref<16x768xf32, #tpu.memory_space<vmem>>) target_semaphore(%arg14 : memref<!tpu.dma_semaphore, #tpu.memory_space<semaphore_mem>>)
      %add3A_49 = arith.constant 2304 : i32
      %add3A_50 = arith.addi %mul3A_13, %add3A_49 : i32
      %dma_start3A_51 = arith.constant 0 : i32
      %dma_start3A_52 = arith.constant 0 : i32
      %dma_start3A_53 = tpu.memref_slice %arg8[%dma_start3A_51, %dma_start3A_52] : memref<16x1152xf32, #tpu.memory_space<vmem>> -> memref<16x768xf32, #tpu.memory_space<vmem>>
      %dma_start3A_54 = arith.constant 0 : i32
      %dma_start3A_55 = tpu.memref_slice %arg2[%dma_start3A_54, %add3A_50] : memref<416x100000xf32, #tpu.memory_space<hbm>> -> memref<16x768xf32, #tpu.memory_space<hbm>>
      %dma_start3A_56 = arith.constant 0 : i32
      %dma_start3A_57 = arith.constant 0 : i32
      %dma_start3A_58 = tpu.memref_slice %arg8[%dma_start3A_56, %dma_start3A_57] : memref<16x1152xf32, #tpu.memory_space<vmem>> -> memref<16x768xf32, #tpu.memory_space<vmem>>
      %dma_start3A_59 = arith.constant 0 : i32
      %dma_start3A_60 = tpu.memref_slice %arg2[%dma_start3A_59, %add3A_50] : memref<416x100000xf32, #tpu.memory_space<hbm>> -> memref<16x768xf32, #tpu.memory_space<hbm>>
      tpu.enqueue_dma source(%dma_start3A_60 : memref<16x768xf32, #tpu.memory_space<hbm>>) target(%dma_start3A_58 : memref<16x768xf32, #tpu.memory_space<vmem>>) target_semaphore(%arg15 : memref<!tpu.dma_semaphore, #tpu.memory_space<semaphore_mem>>)
      %scan3A = arith.constant 0 : i32
      %scan3A_61 = arith.constant 0 : i32
      %scan3A_62 = arith.constant 26 : i32
      %scan3A_63 = arith.addi %scan3A_61, %scan3A_62 : i32
      %scan3A_64 = arith.constant 1 : i32
      scf.for %scan3A_66 = %scan3A_61 to %scan3A_63 step %scan3A_64  : i32 {
        %mul3A_67 = arith.constant 16 : i32
        %mul3A_68 = arith.muli %scan3A_66, %mul3A_67 : i32
        %add3A_69 = arith.constant 0 : i32
        %add3A_70 = arith.addi %mul3A_13, %add3A_69 : i32
        %dma_wait3A = arith.constant 0 : i32
        %dma_wait3A_71 = arith.constant 0 : i32
        %dma_wait3A_72 = tpu.memref_slice %arg5[%dma_wait3A, %dma_wait3A_71] : memref<16x1152xf32, #tpu.memory_space<vmem>> -> memref<16x768xf32, #tpu.memory_space<vmem>>
        %dma_wait3A_73 = tpu.memref_slice %arg2[%mul3A_68, %add3A_70] : memref<416x100000xf32, #tpu.memory_space<hbm>> -> memref<16x768xf32, #tpu.memory_space<hbm>>
        %dma_wait3A_74 = arith.constant 0 : i32
        %dma_wait3A_75 = arith.constant 0 : i32
        %dma_wait3A_76 = tpu.memref_slice %arg5[%dma_wait3A_74, %dma_wait3A_75] : memref<16x1152xf32, #tpu.memory_space<vmem>> -> memref<16x768xf32, #tpu.memory_space<vmem>>
        %dma_wait3A_77 = tpu.memref_slice %arg2[%mul3A_68, %add3A_70] : memref<416x100000xf32, #tpu.memory_space<hbm>> -> memref<16x768xf32, #tpu.memory_space<hbm>>
        tpu.wait_dma2 semaphore(%arg12 : memref<!tpu.dma_semaphore, #tpu.memory_space<semaphore_mem>>) src(%dma_wait3A_77 : memref<16x768xf32, #tpu.memory_space<hbm>>) dst(%dma_wait3A_76 : memref<16x768xf32, #tpu.memory_space<vmem>>)
        %scan3A_78 = arith.constant 0 : i32
        %scan3A_79 = arith.constant 0 : i32
        %scan3A_80 = arith.constant 48 : i32
        %scan3A_81 = arith.addi %scan3A_79, %scan3A_80 : i32
        %scan3A_82 = arith.constant 2 : i32
        scf.for %scan3A_161 = %scan3A_79 to %scan3A_81 step %scan3A_82  : i32 {
          %mul3A_162 = arith.constant 16 : i32
          %mul3A_163 = arith.muli %scan3A_161, %mul3A_162 : i32
          %get3A = arith.constant 0 : i32
          %get3A_164 = arith.index_cast %get3A : i32 to index
          %get3A_165 = arith.index_cast %mul3A_163 : i32 to index
          %get3A_166 = tpu.vector_load %arg5[%get3A_164, %get3A_165] {strides = array<i32>} : memref<16x1152xf32, #tpu.memory_space<vmem>>, vector<16xf32>,
          %mul3A_167 = arith.constant 16 : i32
          %mul3A_168 = arith.muli %scan3A_161, %mul3A_167 : i32
          %get3A_169 = arith.constant 1 : i32
          %get3A_170 = arith.index_cast %get3A_169 : i32 to index
          %get3A_171 = arith.index_cast %mul3A_168 : i32 to index
          %get3A_172 = tpu.vector_load %arg5[%get3A_170, %get3A_171] {strides = array<i32>} : memref<16x1152xf32, #tpu.memory_space<vmem>>, vector<16xf32>,
          %add3A_173 = arith.addf %get3A_166, %get3A_172 : vector<16xf32>
          %mul3A_174 = arith.constant 16 : i32
          %mul3A_175 = arith.muli %scan3A_161, %mul3A_174 : i32
          %get3A_176 = arith.constant 2 : i32
          %get3A_177 = arith.index_cast %get3A_176 : i32 to index
          %get3A_178 = arith.index_cast %mul3A_175 : i32 to index
          %get3A_179 = tpu.vector_load %arg5[%get3A_177, %get3A_178] {strides = array<i32>} : memref<16x1152xf32, #tpu.memory_space<vmem>>, vector<16xf32>,
          %mul3A_180 = arith.constant 16 : i32
          %mul3A_181 = arith.muli %scan3A_161, %mul3A_180 : i32
          %get3A_182 = arith.constant 3 : i32
          %get3A_183 = arith.index_cast %get3A_182 : i32 to index
          %get3A_184 = arith.index_cast %mul3A_181 : i32 to index
          %get3A_185 = tpu.vector_load %arg5[%get3A_183, %get3A_184] {strides = array<i32>} : memref<16x1152xf32, #tpu.memory_space<vmem>>, vector<16xf32>,
          %add3A_186 = arith.addf %get3A_179, %get3A_185 : vector<16xf32>
          %mul3A_187 = arith.constant 16 : i32
          %mul3A_188 = arith.muli %scan3A_161, %mul3A_187 : i32
          %get3A_189 = arith.constant 4 : i32
          %get3A_190 = arith.index_cast %get3A_189 : i32 to index
          %get3A_191 = arith.index_cast %mul3A_188 : i32 to index
          %get3A_192 = tpu.vector_load %arg5[%get3A_190, %get3A_191] {strides = array<i32>} : memref<16x1152xf32, #tpu.memory_space<vmem>>, vector<16xf32>,
          %add3A_193 = arith.addf %add3A_173, %get3A_192 : vector<16xf32>
          %mul3A_194 = arith.constant 16 : i32
          %mul3A_195 = arith.muli %scan3A_161, %mul3A_194 : i32
          %get3A_196 = arith.constant 5 : i32
          %get3A_197 = arith.index_cast %get3A_196 : i32 to index
          %get3A_198 = arith.index_cast %mul3A_195 : i32 to index
          %get3A_199 = tpu.vector_load %arg5[%get3A_197, %get3A_198] {strides = array<i32>} : memref<16x1152xf32, #tpu.memory_space<vmem>>, vector<16xf32>,
          %add3A_200 = arith.addf %add3A_186, %get3A_199 : vector<16xf32>
          %mul3A_201 = arith.constant 16 : i32
          %mul3A_202 = arith.muli %scan3A_161, %mul3A_201 : i32
          %get3A_203 = arith.constant 6 : i32
          %get3A_204 = arith.index_cast %get3A_203 : i32 to index
          %get3A_205 = arith.index_cast %mul3A_202 : i32 to index
          %get3A_206 = tpu.vector_load %arg5[%get3A_204, %get3A_205] {strides = array<i32>} : memref<16x1152xf32, #tpu.memory_space<vmem>>, vector<16xf32>,
          %add3A_207 = arith.addf %add3A_193, %get3A_206 : vector<16xf32>
          %mul3A_208 = arith.constant 16 : i32
          %mul3A_209 = arith.muli %scan3A_161, %mul3A_208 : i32
          %get3A_210 = arith.constant 7 : i32
          %get3A_211 = arith.index_cast %get3A_210 : i32 to index
          %get3A_212 = arith.index_cast %mul3A_209 : i32 to index
          %get3A_213 = tpu.vector_load %arg5[%get3A_211, %get3A_212] {strides = array<i32>} : memref<16x1152xf32, #tpu.memory_space<vmem>>, vector<16xf32>,
          %add3A_214 = arith.addf %add3A_200, %get3A_213 : vector<16xf32>
          %mul3A_215 = arith.constant 16 : i32
          %mul3A_216 = arith.muli %scan3A_161, %mul3A_215 : i32
          %get3A_217 = arith.constant 8 : i32
          %get3A_218 = arith.index_cast %get3A_217 : i32 to index
          %get3A_219 = arith.index_cast %mul3A_216 : i32 to index
          %get3A_220 = tpu.vector_load %arg5[%get3A_218, %get3A_219] {strides = array<i32>} : memref<16x1152xf32, #tpu.memory_space<vmem>>, vector<16xf32>,
          %add3A_221 = arith.addf %add3A_207, %get3A_220 : vector<16xf32>
          %mul3A_222 = arith.constant 16 : i32
          %mul3A_223 = arith.muli %scan3A_161, %mul3A_222 : i32
          %get3A_224 = arith.constant 9 : i32
          %get3A_225 = arith.index_cast %get3A_224 : i32 to index
          %get3A_226 = arith.index_cast %mul3A_223 : i32 to index
          %get3A_227 = tpu.vector_load %arg5[%get3A_225, %get3A_226] {strides = array<i32>} : memref<16x1152xf32, #tpu.memory_space<vmem>>, vector<16xf32>,
          %add3A_228 = arith.addf %add3A_214, %get3A_227 : vector<16xf32>
          %mul3A_229 = arith.constant 16 : i32
          %mul3A_230 = arith.muli %scan3A_161, %mul3A_229 : i32
          %get3A_231 = arith.constant 10 : i32
          %get3A_232 = arith.index_cast %get3A_231 : i32 to index
          %get3A_233 = arith.index_cast %mul3A_230 : i32 to index
          %get3A_234 = tpu.vector_load %arg5[%get3A_232, %get3A_233] {strides = array<i32>} : memref<16x1152xf32, #tpu.memory_space<vmem>>, vector<16xf32>,
          %add3A_235 = arith.addf %add3A_221, %get3A_234 : vector<16xf32>
          %mul3A_236 = arith.constant 16 : i32
          %mul3A_237 = arith.muli %scan3A_161, %mul3A_236 : i32
          %get3A_238 = arith.constant 11 : i32
          %get3A_239 = arith.index_cast %get3A_238 : i32 to index
          %get3A_240 = arith.index_cast %mul3A_237 : i32 to index
          %get3A_241 = tpu.vector_load %arg5[%get3A_239, %get3A_240] {strides = array<i32>} : memref<16x1152xf32, #tpu.memory_space<vmem>>, vector<16xf32>,
          %add3A_242 = arith.addf %add3A_228, %get3A_241 : vector<16xf32>
          %mul3A_243 = arith.constant 16 : i32
          %mul3A_244 = arith.muli %scan3A_161, %mul3A_243 : i32
          %get3A_245 = arith.constant 12 : i32
          %get3A_246 = arith.index_cast %get3A_245 : i32 to index
          %get3A_247 = arith.index_cast %mul3A_244 : i32 to index
          %get3A_248 = tpu.vector_load %arg5[%get3A_246, %get3A_247] {strides = array<i32>} : memref<16x1152xf32, #tpu.memory_space<vmem>>, vector<16xf32>,
          %add3A_249 = arith.addf %add3A_235, %get3A_248 : vector<16xf32>
          %mul3A_250 = arith.constant 16 : i32
          %mul3A_251 = arith.muli %scan3A_161, %mul3A_250 : i32
          %get3A_252 = arith.constant 13 : i32
          %get3A_253 = arith.index_cast %get3A_252 : i32 to index
          %get3A_254 = arith.index_cast %mul3A_251 : i32 to index
          %get3A_255 = tpu.vector_load %arg5[%get3A_253, %get3A_254] {strides = array<i32>} : memref<16x1152xf32, #tpu.memory_space<vmem>>, vector<16xf32>,
          %add3A_256 = arith.addf %add3A_242, %get3A_255 : vector<16xf32>
          %mul3A_257 = arith.constant 16 : i32
          %mul3A_258 = arith.muli %scan3A_161, %mul3A_257 : i32
          %get3A_259 = arith.constant 14 : i32
          %get3A_260 = arith.index_cast %get3A_259 : i32 to index
          %get3A_261 = arith.index_cast %mul3A_258 : i32 to index
          %get3A_262 = tpu.vector_load %arg5[%get3A_260, %get3A_261] {strides = array<i32>} : memref<16x1152xf32, #tpu.memory_space<vmem>>, vector<16xf32>,
          %add3A_263 = arith.addf %add3A_249, %get3A_262 : vector<16xf32>
          %mul3A_264 = arith.constant 16 : i32
          %mul3A_265 = arith.muli %scan3A_161, %mul3A_264 : i32
          %get3A_266 = arith.constant 15 : i32
          %get3A_267 = arith.index_cast %get3A_266 : i32 to index
          %get3A_268 = arith.index_cast %mul3A_265 : i32 to index
          %get3A_269 = tpu.vector_load %arg5[%get3A_267, %get3A_268] {strides = array<i32>} : memref<16x1152xf32, #tpu.memory_space<vmem>>, vector<16xf32>,
          %add3A_270 = arith.addf %add3A_256, %get3A_269 : vector<16xf32>
          %add3A_271 = arith.addf %add3A_263, %add3A_270 : vector<16xf32>
          %mul3A_272 = arith.constant 16 : i32
          %mul3A_273 = arith.muli %scan3A_161, %mul3A_272 : i32
          %add3A_274 = arith.constant 0 : i32
          %add3A_275 = arith.addi %add3A_274, %mul3A_273 : i32
          %swap3A = arith.index_cast %add3A_275 : i32 to index
          %swap3A_276 = tpu.vector_load %arg9[%swap3A] {strides = array<i32>} : memref<4736xf32, #tpu.memory_space<vmem>>, vector<16xf32>,
          tpu.vector_store %arg9[%swap3A], %add3A_271 {strides = array<i32>} : memref<4736xf32, #tpu.memory_space<vmem>>, vector<16xf32>,
          %scan3A_277 = arith.constant 1 : i32
          %scan3A_278 = arith.addi %scan3A_161, %scan3A_277 : i32
          %mul3A_279 = arith.constant 16 : i32
          %mul3A_280 = arith.muli %scan3A_278, %mul3A_279 : i32
          %get3A_281 = arith.constant 0 : i32
          %get3A_282 = arith.index_cast %get3A_281 : i32 to index
          %get3A_283 = arith.index_cast %mul3A_280 : i32 to index
          %get3A_284 = tpu.vector_load %arg5[%get3A_282, %get3A_283] {strides = array<i32>} : memref<16x1152xf32, #tpu.memory_space<vmem>>, vector<16xf32>,
          %mul3A_285 = arith.constant 16 : i32
          %mul3A_286 = arith.muli %scan3A_278, %mul3A_285 : i32
          %get3A_287 = arith.constant 1 : i32
          %get3A_288 = arith.index_cast %get3A_287 : i32 to index
          %get3A_289 = arith.index_cast %mul3A_286 : i32 to index
          %get3A_290 = tpu.vector_load %arg5[%get3A_288, %get3A_289] {strides = array<i32>} : memref<16x1152xf32, #tpu.memory_space<vmem>>, vector<16xf32>,
          %add3A_291 = arith.addf %get3A_284, %get3A_290 : vector<16xf32>
          %mul3A_292 = arith.constant 16 : i32
          %mul3A_293 = arith.muli %scan3A_278, %mul3A_292 : i32
          %get3A_294 = arith.constant 2 : i32
          %get3A_295 = arith.index_cast %get3A_294 : i32 to index
          %get3A_296 = arith.index_cast %mul3A_293 : i32 to index
          %get3A_297 = tpu.vector_load %arg5[%get3A_295, %get3A_296] {strides = array<i32>} : memref<16x1152xf32, #tpu.memory_space<vmem>>, vector<16xf32>,
          %mul3A_298 = arith.constant 16 : i32
          %mul3A_299 = arith.muli %scan3A_278, %mul3A_298 : i32
          %get3A_300 = arith.constant 3 : i32
          %get3A_301 = arith.index_cast %get3A_300 : i32 to index
          %get3A_302 = arith.index_cast %mul3A_299 : i32 to index
          %get3A_303 = tpu.vector_load %arg5[%get3A_301, %get3A_302] {strides = array<i32>} : memref<16x1152xf32, #tpu.memory_space<vmem>>, vector<16xf32>,
          %add3A_304 = arith.addf %get3A_297, %get3A_303 : vector<16xf32>
          %mul3A_305 = arith.constant 16 : i32
          %mul3A_306 = arith.muli %scan3A_278, %mul3A_305 : i32
          %get3A_307 = arith.constant 4 : i32
          %get3A_308 = arith.index_cast %get3A_307 : i32 to index
          %get3A_309 = arith.index_cast %mul3A_306 : i32 to index
          %get3A_310 = tpu.vector_load %arg5[%get3A_308, %get3A_309] {strides = array<i32>} : memref<16x1152xf32, #tpu.memory_space<vmem>>, vector<16xf32>,
          %add3A_311 = arith.addf %add3A_291, %get3A_310 : vector<16xf32>
          %mul3A_312 = arith.constant 16 : i32
          %mul3A_313 = arith.muli %scan3A_278, %mul3A_312 : i32
          %get3A_314 = arith.constant 5 : i32
          %get3A_315 = arith.index_cast %get3A_314 : i32 to index
          %get3A_316 = arith.index_cast %mul3A_313 : i32 to index
          %get3A_317 = tpu.vector_load %arg5[%get3A_315, %get3A_316] {strides = array<i32>} : memref<16x1152xf32, #tpu.memory_space<vmem>>, vector<16xf32>,
          %add3A_318 = arith.addf %add3A_304, %get3A_317 : vector<16xf32>
          %mul3A_319 = arith.constant 16 : i32
          %mul3A_320 = arith.muli %scan3A_278, %mul3A_319 : i32
          %get3A_321 = arith.constant 6 : i32
          %get3A_322 = arith.index_cast %get3A_321 : i32 to index
          %get3A_323 = arith.index_cast %mul3A_320 : i32 to index
          %get3A_324 = tpu.vector_load %arg5[%get3A_322, %get3A_323] {strides = array<i32>} : memref<16x1152xf32, #tpu.memory_space<vmem>>, vector<16xf32>,
          %add3A_325 = arith.addf %add3A_311, %get3A_324 : vector<16xf32>
          %mul3A_326 = arith.constant 16 : i32
          %mul3A_327 = arith.muli %scan3A_278, %mul3A_326 : i32
          %get3A_328 = arith.constant 7 : i32
          %get3A_329 = arith.index_cast %get3A_328 : i32 to index
          %get3A_330 = arith.index_cast %mul3A_327 : i32 to index
          %get3A_331 = tpu.vector_load %arg5[%get3A_329, %get3A_330] {strides = array<i32>} : memref<16x1152xf32, #tpu.memory_space<vmem>>, vector<16xf32>,
          %add3A_332 = arith.addf %add3A_318, %get3A_331 : vector<16xf32>
          %mul3A_333 = arith.constant 16 : i32
          %mul3A_334 = arith.muli %scan3A_278, %mul3A_333 : i32
          %get3A_335 = arith.constant 8 : i32
          %get3A_336 = arith.index_cast %get3A_335 : i32 to index
          %get3A_337 = arith.index_cast %mul3A_334 : i32 to index
          %get3A_338 = tpu.vector_load %arg5[%get3A_336, %get3A_337] {strides = array<i32>} : memref<16x1152xf32, #tpu.memory_space<vmem>>, vector<16xf32>,
          %add3A_339 = arith.addf %add3A_325, %get3A_338 : vector<16xf32>
          %mul3A_340 = arith.constant 16 : i32
          %mul3A_341 = arith.muli %scan3A_278, %mul3A_340 : i32
          %get3A_342 = arith.constant 9 : i32
          %get3A_343 = arith.index_cast %get3A_342 : i32 to index
          %get3A_344 = arith.index_cast %mul3A_341 : i32 to index
          %get3A_345 = tpu.vector_load %arg5[%get3A_343, %get3A_344] {strides = array<i32>} : memref<16x1152xf32, #tpu.memory_space<vmem>>, vector<16xf32>,
          %add3A_346 = arith.addf %add3A_332, %get3A_345 : vector<16xf32>
          %mul3A_347 = arith.constant 16 : i32
          %mul3A_348 = arith.muli %scan3A_278, %mul3A_347 : i32
          %get3A_349 = arith.constant 10 : i32
          %get3A_350 = arith.index_cast %get3A_349 : i32 to index
          %get3A_351 = arith.index_cast %mul3A_348 : i32 to index
          %get3A_352 = tpu.vector_load %arg5[%get3A_350, %get3A_351] {strides = array<i32>} : memref<16x1152xf32, #tpu.memory_space<vmem>>, vector<16xf32>,
          %add3A_353 = arith.addf %add3A_339, %get3A_352 : vector<16xf32>
          %mul3A_354 = arith.constant 16 : i32
          %mul3A_355 = arith.muli %scan3A_278, %mul3A_354 : i32
          %get3A_356 = arith.constant 11 : i32
          %get3A_357 = arith.index_cast %get3A_356 : i32 to index
          %get3A_358 = arith.index_cast %mul3A_355 : i32 to index
          %get3A_359 = tpu.vector_load %arg5[%get3A_357, %get3A_358] {strides = array<i32>} : memref<16x1152xf32, #tpu.memory_space<vmem>>, vector<16xf32>,
          %add3A_360 = arith.addf %add3A_346, %get3A_359 : vector<16xf32>
          %mul3A_361 = arith.constant 16 : i32
          %mul3A_362 = arith.muli %scan3A_278, %mul3A_361 : i32
          %get3A_363 = arith.constant 12 : i32
          %get3A_364 = arith.index_cast %get3A_363 : i32 to index
          %get3A_365 = arith.index_cast %mul3A_362 : i32 to index
          %get3A_366 = tpu.vector_load %arg5[%get3A_364, %get3A_365] {strides = array<i32>} : memref<16x1152xf32, #tpu.memory_space<vmem>>, vector<16xf32>,
          %add3A_367 = arith.addf %add3A_353, %get3A_366 : vector<16xf32>
          %mul3A_368 = arith.constant 16 : i32
          %mul3A_369 = arith.muli %scan3A_278, %mul3A_368 : i32
          %get3A_370 = arith.constant 13 : i32
          %get3A_371 = arith.index_cast %get3A_370 : i32 to index
          %get3A_372 = arith.index_cast %mul3A_369 : i32 to index
          %get3A_373 = tpu.vector_load %arg5[%get3A_371, %get3A_372] {strides = array<i32>} : memref<16x1152xf32, #tpu.memory_space<vmem>>, vector<16xf32>,
          %add3A_374 = arith.addf %add3A_360, %get3A_373 : vector<16xf32>
          %mul3A_375 = arith.constant 16 : i32
          %mul3A_376 = arith.muli %scan3A_278, %mul3A_375 : i32
          %get3A_377 = arith.constant 14 : i32
          %get3A_378 = arith.index_cast %get3A_377 : i32 to index
          %get3A_379 = arith.index_cast %mul3A_376 : i32 to index
          %get3A_380 = tpu.vector_load %arg5[%get3A_378, %get3A_379] {strides = array<i32>} : memref<16x1152xf32, #tpu.memory_space<vmem>>, vector<16xf32>,
          %add3A_381 = arith.addf %add3A_367, %get3A_380 : vector<16xf32>
          %mul3A_382 = arith.constant 16 : i32
          %mul3A_383 = arith.muli %scan3A_278, %mul3A_382 : i32
          %get3A_384 = arith.constant 15 : i32
          %get3A_385 = arith.index_cast %get3A_384 : i32 to index
          %get3A_386 = arith.index_cast %mul3A_383 : i32 to index
          %get3A_387 = tpu.vector_load %arg5[%get3A_385, %get3A_386] {strides = array<i32>} : memref<16x1152xf32, #tpu.memory_space<vmem>>, vector<16xf32>,
          %add3A_388 = arith.addf %add3A_374, %get3A_387 : vector<16xf32>
          %add3A_389 = arith.addf %add3A_381, %add3A_388 : vector<16xf32>
          %mul3A_390 = arith.constant 16 : i32
          %mul3A_391 = arith.muli %scan3A_278, %mul3A_390 : i32
          %add3A_392 = arith.constant 0 : i32
          %add3A_393 = arith.addi %add3A_392, %mul3A_391 : i32
          %swap3A_394 = arith.index_cast %add3A_393 : i32 to index
          %swap3A_395 = tpu.vector_load %arg9[%swap3A_394] {strides = array<i32>} : memref<4736xf32, #tpu.memory_space<vmem>>, vector<16xf32>,
          tpu.vector_store %arg9[%swap3A_394], %add3A_389 {strides = array<i32>} : memref<4736xf32, #tpu.memory_space<vmem>>, vector<16xf32>,
        }
        %scan3A_83 = arith.constant 48 : i32
        %lt3A_84 = arith.constant 25 : i32
        %lt3A_85 = arith.cmpi slt, %scan3A_66, %lt3A_84 : i32
        %convert_element_type3A_86 = arith.extui %lt3A_85 : i1 to i32
        %cond3A_87 = arith.constant 0 : i32
        %cond3A_88 = arith.cmpi ne, %convert_element_type3A_86, %cond3A_87 : i32
        scf.if %cond3A_88 {
          %add3A_161 = arith.constant 1 : i32
          %add3A_162 = arith.addi %scan3A_66, %add3A_161 : i32
          %mul3A_163 = arith.constant 16 : i32
          %mul3A_164 = arith.muli %add3A_162, %mul3A_163 : i32
          %add3A_165 = arith.constant 0 : i32
          %add3A_166 = arith.addi %mul3A_13, %add3A_165 : i32
          %dma_start3A_167 = arith.constant 0 : i32
          %dma_start3A_168 = arith.constant 0 : i32
          %dma_start3A_169 = tpu.memref_slice %arg5[%dma_start3A_167, %dma_start3A_168] : memref<16x1152xf32, #tpu.memory_space<vmem>> -> memref<16x768xf32, #tpu.memory_space<vmem>>
          %dma_start3A_170 = tpu.memref_slice %arg2[%mul3A_164, %add3A_166] : memref<416x100000xf32, #tpu.memory_space<hbm>> -> memref<16x768xf32, #tpu.memory_space<hbm>>
          %dma_start3A_171 = arith.constant 0 : i32
          %dma_start3A_172 = arith.constant 0 : i32
          %dma_start3A_173 = tpu.memref_slice %arg5[%dma_start3A_171, %dma_start3A_172] : memref<16x1152xf32, #tpu.memory_space<vmem>> -> memref<16x768xf32, #tpu.memory_space<vmem>>
          %dma_start3A_174 = tpu.memref_slice %arg2[%mul3A_164, %add3A_166] : memref<416x100000xf32, #tpu.memory_space<hbm>> -> memref<16x768xf32, #tpu.memory_space<hbm>>
          tpu.enqueue_dma source(%dma_start3A_174 : memref<16x768xf32, #tpu.memory_space<hbm>>) target(%dma_start3A_173 : memref<16x768xf32, #tpu.memory_space<vmem>>) target_semaphore(%arg12 : memref<!tpu.dma_semaphore, #tpu.memory_space<semaphore_mem>>)
        } else {
        }
        %mul3A_89 = arith.constant 16 : i32
        %mul3A_90 = arith.muli %scan3A_66, %mul3A_89 : i32
        %add3A_91 = arith.constant 768 : i32
        %add3A_92 = arith.addi %mul3A_13, %add3A_91 : i32
        %dma_wait3A_93 = arith.constant 0 : i32
        %dma_wait3A_94 = arith.constant 0 : i32
        %dma_wait3A_95 = tpu.memref_slice %arg6[%dma_wait3A_93, %dma_wait3A_94] : memref<16x1152xf32, #tpu.memory_space<vmem>> -> memref<16x768xf32, #tpu.memory_space<vmem>>
        %dma_wait3A_96 = tpu.memref_slice %arg2[%mul3A_90, %add3A_92] : memref<416x100000xf32, #tpu.memory_space<hbm>> -> memref<16x768xf32, #tpu.memory_space<hbm>>
        %dma_wait3A_97 = arith.constant 0 : i32
        %dma_wait3A_98 = arith.constant 0 : i32
        %dma_wait3A_99 = tpu.memref_slice %arg6[%dma_wait3A_97, %dma_wait3A_98] : memref<16x1152xf32, #tpu.memory_space<vmem>> -> memref<16x768xf32, #tpu.memory_space<vmem>>
        %dma_wait3A_100 = tpu.memref_slice %arg2[%mul3A_90, %add3A_92] : memref<416x100000xf32, #tpu.memory_space<hbm>> -> memref<16x768xf32, #tpu.memory_space<hbm>>
        tpu.wait_dma2 semaphore(%arg13 : memref<!tpu.dma_semaphore, #tpu.memory_space<semaphore_mem>>) src(%dma_wait3A_100 : memref<16x768xf32, #tpu.memory_space<hbm>>) dst(%dma_wait3A_99 : memref<16x768xf32, #tpu.memory_space<vmem>>)
        %scan3A_101 = arith.constant 0 : i32
        %scan3A_102 = arith.constant 0 : i32
        %scan3A_103 = arith.constant 48 : i32
        %scan3A_104 = arith.addi %scan3A_102, %scan3A_103 : i32
        %scan3A_105 = arith.constant 2 : i32
        scf.for %scan3A_161 = %scan3A_102 to %scan3A_104 step %scan3A_105  : i32 {
          %mul3A_162 = arith.constant 16 : i32
          %mul3A_163 = arith.muli %scan3A_161, %mul3A_162 : i32
          %get3A = arith.constant 0 : i32
          %get3A_164 = arith.index_cast %get3A : i32 to index
          %get3A_165 = arith.index_cast %mul3A_163 : i32 to index
          %get3A_166 = tpu.vector_load %arg6[%get3A_164, %get3A_165] {strides = array<i32>} : memref<16x1152xf32, #tpu.memory_space<vmem>>, vector<16xf32>,
          %mul3A_167 = arith.constant 16 : i32
          %mul3A_168 = arith.muli %scan3A_161, %mul3A_167 : i32
          %get3A_169 = arith.constant 1 : i32
          %get3A_170 = arith.index_cast %get3A_169 : i32 to index
          %get3A_171 = arith.index_cast %mul3A_168 : i32 to index
          %get3A_172 = tpu.vector_load %arg6[%get3A_170, %get3A_171] {strides = array<i32>} : memref<16x1152xf32, #tpu.memory_space<vmem>>, vector<16xf32>,
          %add3A_173 = arith.addf %get3A_166, %get3A_172 : vector<16xf32>
          %mul3A_174 = arith.constant 16 : i32
          %mul3A_175 = arith.muli %scan3A_161, %mul3A_174 : i32
          %get3A_176 = arith.constant 2 : i32
          %get3A_177 = arith.index_cast %get3A_176 : i32 to index
          %get3A_178 = arith.index_cast %mul3A_175 : i32 to index
          %get3A_179 = tpu.vector_load %arg6[%get3A_177, %get3A_178] {strides = array<i32>} : memref<16x1152xf32, #tpu.memory_space<vmem>>, vector<16xf32>,
          %mul3A_180 = arith.constant 16 : i32
          %mul3A_181 = arith.muli %scan3A_161, %mul3A_180 : i32
          %get3A_182 = arith.constant 3 : i32
          %get3A_183 = arith.index_cast %get3A_182 : i32 to index
          %get3A_184 = arith.index_cast %mul3A_181 : i32 to index
          %get3A_185 = tpu.vector_load %arg6[%get3A_183, %get3A_184] {strides = array<i32>} : memref<16x1152xf32, #tpu.memory_space<vmem>>, vector<16xf32>,
          %add3A_186 = arith.addf %get3A_179, %get3A_185 : vector<16xf32>
          %mul3A_187 = arith.constant 16 : i32
          %mul3A_188 = arith.muli %scan3A_161, %mul3A_187 : i32
          %get3A_189 = arith.constant 4 : i32
          %get3A_190 = arith.index_cast %get3A_189 : i32 to index
          %get3A_191 = arith.index_cast %mul3A_188 : i32 to index
          %get3A_192 = tpu.vector_load %arg6[%get3A_190, %get3A_191] {strides = array<i32>} : memref<16x1152xf32, #tpu.memory_space<vmem>>, vector<16xf32>,
          %add3A_193 = arith.addf %add3A_173, %get3A_192 : vector<16xf32>
          %mul3A_194 = arith.constant 16 : i32
          %mul3A_195 = arith.muli %scan3A_161, %mul3A_194 : i32
          %get3A_196 = arith.constant 5 : i32
          %get3A_197 = arith.index_cast %get3A_196 : i32 to index
          %get3A_198 = arith.index_cast %mul3A_195 : i32 to index
          %get3A_199 = tpu.vector_load %arg6[%get3A_197, %get3A_198] {strides = array<i32>} : memref<16x1152xf32, #tpu.memory_space<vmem>>, vector<16xf32>,
          %add3A_200 = arith.addf %add3A_186, %get3A_199 : vector<16xf32>
          %mul3A_201 = arith.constant 16 : i32
          %mul3A_202 = arith.muli %scan3A_161, %mul3A_201 : i32
          %get3A_203 = arith.constant 6 : i32
          %get3A_204 = arith.index_cast %get3A_203 : i32 to index
          %get3A_205 = arith.index_cast %mul3A_202 : i32 to index
          %get3A_206 = tpu.vector_load %arg6[%get3A_204, %get3A_205] {strides = array<i32>} : memref<16x1152xf32, #tpu.memory_space<vmem>>, vector<16xf32>,
          %add3A_207 = arith.addf %add3A_193, %get3A_206 : vector<16xf32>
          %mul3A_208 = arith.constant 16 : i32
          %mul3A_209 = arith.muli %scan3A_161, %mul3A_208 : i32
          %get3A_210 = arith.constant 7 : i32
          %get3A_211 = arith.index_cast %get3A_210 : i32 to index
          %get3A_212 = arith.index_cast %mul3A_209 : i32 to index
          %get3A_213 = tpu.vector_load %arg6[%get3A_211, %get3A_212] {strides = array<i32>} : memref<16x1152xf32, #tpu.memory_space<vmem>>, vector<16xf32>,
          %add3A_214 = arith.addf %add3A_200, %get3A_213 : vector<16xf32>
          %mul3A_215 = arith.constant 16 : i32
          %mul3A_216 = arith.muli %scan3A_161, %mul3A_215 : i32
          %get3A_217 = arith.constant 8 : i32
          %get3A_218 = arith.index_cast %get3A_217 : i32 to index
          %get3A_219 = arith.index_cast %mul3A_216 : i32 to index
          %get3A_220 = tpu.vector_load %arg6[%get3A_218, %get3A_219] {strides = array<i32>} : memref<16x1152xf32, #tpu.memory_space<vmem>>, vector<16xf32>,
          %add3A_221 = arith.addf %add3A_207, %get3A_220 : vector<16xf32>
          %mul3A_222 = arith.constant 16 : i32
          %mul3A_223 = arith.muli %scan3A_161, %mul3A_222 : i32
          %get3A_224 = arith.constant 9 : i32
          %get3A_225 = arith.index_cast %get3A_224 : i32 to index
          %get3A_226 = arith.index_cast %mul3A_223 : i32 to index
          %get3A_227 = tpu.vector_load %arg6[%get3A_225, %get3A_226] {strides = array<i32>} : memref<16x1152xf32, #tpu.memory_space<vmem>>, vector<16xf32>,
          %add3A_228 = arith.addf %add3A_214, %get3A_227 : vector<16xf32>
          %mul3A_229 = arith.constant 16 : i32
          %mul3A_230 = arith.muli %scan3A_161, %mul3A_229 : i32
          %get3A_231 = arith.constant 10 : i32
          %get3A_232 = arith.index_cast %get3A_231 : i32 to index
          %get3A_233 = arith.index_cast %mul3A_230 : i32 to index
          %get3A_234 = tpu.vector_load %arg6[%get3A_232, %get3A_233] {strides = array<i32>} : memref<16x1152xf32, #tpu.memory_space<vmem>>, vector<16xf32>,
          %add3A_235 = arith.addf %add3A_221, %get3A_234 : vector<16xf32>
          %mul3A_236 = arith.constant 16 : i32
          %mul3A_237 = arith.muli %scan3A_161, %mul3A_236 : i32
          %get3A_238 = arith.constant 11 : i32
          %get3A_239 = arith.index_cast %get3A_238 : i32 to index
          %get3A_240 = arith.index_cast %mul3A_237 : i32 to index
          %get3A_241 = tpu.vector_load %arg6[%get3A_239, %get3A_240] {strides = array<i32>} : memref<16x1152xf32, #tpu.memory_space<vmem>>, vector<16xf32>,
          %add3A_242 = arith.addf %add3A_228, %get3A_241 : vector<16xf32>
          %mul3A_243 = arith.constant 16 : i32
          %mul3A_244 = arith.muli %scan3A_161, %mul3A_243 : i32
          %get3A_245 = arith.constant 12 : i32
          %get3A_246 = arith.index_cast %get3A_245 : i32 to index
          %get3A_247 = arith.index_cast %mul3A_244 : i32 to index
          %get3A_248 = tpu.vector_load %arg6[%get3A_246, %get3A_247] {strides = array<i32>} : memref<16x1152xf32, #tpu.memory_space<vmem>>, vector<16xf32>,
          %add3A_249 = arith.addf %add3A_235, %get3A_248 : vector<16xf32>
          %mul3A_250 = arith.constant 16 : i32
          %mul3A_251 = arith.muli %scan3A_161, %mul3A_250 : i32
          %get3A_252 = arith.constant 13 : i32
          %get3A_253 = arith.index_cast %get3A_252 : i32 to index
          %get3A_254 = arith.index_cast %mul3A_251 : i32 to index
          %get3A_255 = tpu.vector_load %arg6[%get3A_253, %get3A_254] {strides = array<i32>} : memref<16x1152xf32, #tpu.memory_space<vmem>>, vector<16xf32>,
          %add3A_256 = arith.addf %add3A_242, %get3A_255 : vector<16xf32>
          %mul3A_257 = arith.constant 16 : i32
          %mul3A_258 = arith.muli %scan3A_161, %mul3A_257 : i32
          %get3A_259 = arith.constant 14 : i32
          %get3A_260 = arith.index_cast %get3A_259 : i32 to index
          %get3A_261 = arith.index_cast %mul3A_258 : i32 to index
          %get3A_262 = tpu.vector_load %arg6[%get3A_260, %get3A_261] {strides = array<i32>} : memref<16x1152xf32, #tpu.memory_space<vmem>>, vector<16xf32>,
          %add3A_263 = arith.addf %add3A_249, %get3A_262 : vector<16xf32>
          %mul3A_264 = arith.constant 16 : i32
          %mul3A_265 = arith.muli %scan3A_161, %mul3A_264 : i32
          %get3A_266 = arith.constant 15 : i32
          %get3A_267 = arith.index_cast %get3A_266 : i32 to index
          %get3A_268 = arith.index_cast %mul3A_265 : i32 to index
          %get3A_269 = tpu.vector_load %arg6[%get3A_267, %get3A_268] {strides = array<i32>} : memref<16x1152xf32, #tpu.memory_space<vmem>>, vector<16xf32>,
          %add3A_270 = arith.addf %add3A_256, %get3A_269 : vector<16xf32>
          %add3A_271 = arith.addf %add3A_263, %add3A_270 : vector<16xf32>
          %mul3A_272 = arith.constant 16 : i32
          %mul3A_273 = arith.muli %scan3A_161, %mul3A_272 : i32
          %add3A_274 = arith.constant 768 : i32
          %add3A_275 = arith.addi %add3A_274, %mul3A_273 : i32
          %swap3A = arith.index_cast %add3A_275 : i32 to index
          %swap3A_276 = tpu.vector_load %arg9[%swap3A] {strides = array<i32>} : memref<4736xf32, #tpu.memory_space<vmem>>, vector<16xf32>,
          tpu.vector_store %arg9[%swap3A], %add3A_271 {strides = array<i32>} : memref<4736xf32, #tpu.memory_space<vmem>>, vector<16xf32>,
          %scan3A_277 = arith.constant 1 : i32
          %scan3A_278 = arith.addi %scan3A_161, %scan3A_277 : i32
          %mul3A_279 = arith.constant 16 : i32
          %mul3A_280 = arith.muli %scan3A_278, %mul3A_279 : i32
          %get3A_281 = arith.constant 0 : i32
          %get3A_282 = arith.index_cast %get3A_281 : i32 to index
          %get3A_283 = arith.index_cast %mul3A_280 : i32 to index
          %get3A_284 = tpu.vector_load %arg6[%get3A_282, %get3A_283] {strides = array<i32>} : memref<16x1152xf32, #tpu.memory_space<vmem>>, vector<16xf32>,
          %mul3A_285 = arith.constant 16 : i32
          %mul3A_286 = arith.muli %scan3A_278, %mul3A_285 : i32
          %get3A_287 = arith.constant 1 : i32
          %get3A_288 = arith.index_cast %get3A_287 : i32 to index
          %get3A_289 = arith.index_cast %mul3A_286 : i32 to index
          %get3A_290 = tpu.vector_load %arg6[%get3A_288, %get3A_289] {strides = array<i32>} : memref<16x1152xf32, #tpu.memory_space<vmem>>, vector<16xf32>,
          %add3A_291 = arith.addf %get3A_284, %get3A_290 : vector<16xf32>
          %mul3A_292 = arith.constant 16 : i32
          %mul3A_293 = arith.muli %scan3A_278, %mul3A_292 : i32
          %get3A_294 = arith.constant 2 : i32
          %get3A_295 = arith.index_cast %get3A_294 : i32 to index
          %get3A_296 = arith.index_cast %mul3A_293 : i32 to index
          %get3A_297 = tpu.vector_load %arg6[%get3A_295, %get3A_296] {strides = array<i32>} : memref<16x1152xf32, #tpu.memory_space<vmem>>, vector<16xf32>,
          %mul3A_298 = arith.constant 16 : i32
          %mul3A_299 = arith.muli %scan3A_278, %mul3A_298 : i32
          %get3A_300 = arith.constant 3 : i32
          %get3A_301 = arith.index_cast %get3A_300 : i32 to index
          %get3A_302 = arith.index_cast %mul3A_299 : i32 to index
          %get3A_303 = tpu.vector_load %arg6[%get3A_301, %get3A_302] {strides = array<i32>} : memref<16x1152xf32, #tpu.memory_space<vmem>>, vector<16xf32>,
          %add3A_304 = arith.addf %get3A_297, %get3A_303 : vector<16xf32>
          %mul3A_305 = arith.constant 16 : i32
          %mul3A_306 = arith.muli %scan3A_278, %mul3A_305 : i32
          %get3A_307 = arith.constant 4 : i32
          %get3A_308 = arith.index_cast %get3A_307 : i32 to index
          %get3A_309 = arith.index_cast %mul3A_306 : i32 to index
          %get3A_310 = tpu.vector_load %arg6[%get3A_308, %get3A_309] {strides = array<i32>} : memref<16x1152xf32, #tpu.memory_space<vmem>>, vector<16xf32>,
          %add3A_311 = arith.addf %add3A_291, %get3A_310 : vector<16xf32>
          %mul3A_312 = arith.constant 16 : i32
          %mul3A_313 = arith.muli %scan3A_278, %mul3A_312 : i32
          %get3A_314 = arith.constant 5 : i32
          %get3A_315 = arith.index_cast %get3A_314 : i32 to index
          %get3A_316 = arith.index_cast %mul3A_313 : i32 to index
          %get3A_317 = tpu.vector_load %arg6[%get3A_315, %get3A_316] {strides = array<i32>} : memref<16x1152xf32, #tpu.memory_space<vmem>>, vector<16xf32>,
          %add3A_318 = arith.addf %add3A_304, %get3A_317 : vector<16xf32>
          %mul3A_319 = arith.constant 16 : i32
          %mul3A_320 = arith.muli %scan3A_278, %mul3A_319 : i32
          %get3A_321 = arith.constant 6 : i32
          %get3A_322 = arith.index_cast %get3A_321 : i32 to index
          %get3A_323 = arith.index_cast %mul3A_320 : i32 to index
          %get3A_324 = tpu.vector_load %arg6[%get3A_322, %get3A_323] {strides = array<i32>} : memref<16x1152xf32, #tpu.memory_space<vmem>>, vector<16xf32>,
          %add3A_325 = arith.addf %add3A_311, %get3A_324 : vector<16xf32>
          %mul3A_326 = arith.constant 16 : i32
          %mul3A_327 = arith.muli %scan3A_278, %mul3A_326 : i32
          %get3A_328 = arith.constant 7 : i32
          %get3A_329 = arith.index_cast %get3A_328 : i32 to index
          %get3A_330 = arith.index_cast %mul3A_327 : i32 to index
          %get3A_331 = tpu.vector_load %arg6[%get3A_329, %get3A_330] {strides = array<i32>} : memref<16x1152xf32, #tpu.memory_space<vmem>>, vector<16xf32>,
          %add3A_332 = arith.addf %add3A_318, %get3A_331 : vector<16xf32>
          %mul3A_333 = arith.constant 16 : i32
          %mul3A_334 = arith.muli %scan3A_278, %mul3A_333 : i32
          %get3A_335 = arith.constant 8 : i32
          %get3A_336 = arith.index_cast %get3A_335 : i32 to index
          %get3A_337 = arith.index_cast %mul3A_334 : i32 to index
          %get3A_338 = tpu.vector_load %arg6[%get3A_336, %get3A_337] {strides = array<i32>} : memref<16x1152xf32, #tpu.memory_space<vmem>>, vector<16xf32>,
          %add3A_339 = arith.addf %add3A_325, %get3A_338 : vector<16xf32>
          %mul3A_340 = arith.constant 16 : i32
          %mul3A_341 = arith.muli %scan3A_278, %mul3A_340 : i32
          %get3A_342 = arith.constant 9 : i32
          %get3A_343 = arith.index_cast %get3A_342 : i32 to index
          %get3A_344 = arith.index_cast %mul3A_341 : i32 to index
          %get3A_345 = tpu.vector_load %arg6[%get3A_343, %get3A_344] {strides = array<i32>} : memref<16x1152xf32, #tpu.memory_space<vmem>>, vector<16xf32>,
          %add3A_346 = arith.addf %add3A_332, %get3A_345 : vector<16xf32>
          %mul3A_347 = arith.constant 16 : i32
          %mul3A_348 = arith.muli %scan3A_278, %mul3A_347 : i32
          %get3A_349 = arith.constant 10 : i32
          %get3A_350 = arith.index_cast %get3A_349 : i32 to index
          %get3A_351 = arith.index_cast %mul3A_348 : i32 to index
          %get3A_352 = tpu.vector_load %arg6[%get3A_350, %get3A_351] {strides = array<i32>} : memref<16x1152xf32, #tpu.memory_space<vmem>>, vector<16xf32>,
          %add3A_353 = arith.addf %add3A_339, %get3A_352 : vector<16xf32>
          %mul3A_354 = arith.constant 16 : i32
          %mul3A_355 = arith.muli %scan3A_278, %mul3A_354 : i32
          %get3A_356 = arith.constant 11 : i32
          %get3A_357 = arith.index_cast %get3A_356 : i32 to index
          %get3A_358 = arith.index_cast %mul3A_355 : i32 to index
          %get3A_359 = tpu.vector_load %arg6[%get3A_357, %get3A_358] {strides = array<i32>} : memref<16x1152xf32, #tpu.memory_space<vmem>>, vector<16xf32>,
          %add3A_360 = arith.addf %add3A_346, %get3A_359 : vector<16xf32>
          %mul3A_361 = arith.constant 16 : i32
          %mul3A_362 = arith.muli %scan3A_278, %mul3A_361 : i32
          %get3A_363 = arith.constant 12 : i32
          %get3A_364 = arith.index_cast %get3A_363 : i32 to index
          %get3A_365 = arith.index_cast %mul3A_362 : i32 to index
          %get3A_366 = tpu.vector_load %arg6[%get3A_364, %get3A_365] {strides = array<i32>} : memref<16x1152xf32, #tpu.memory_space<vmem>>, vector<16xf32>,
          %add3A_367 = arith.addf %add3A_353, %get3A_366 : vector<16xf32>
          %mul3A_368 = arith.constant 16 : i32
          %mul3A_369 = arith.muli %scan3A_278, %mul3A_368 : i32
          %get3A_370 = arith.constant 13 : i32
          %get3A_371 = arith.index_cast %get3A_370 : i32 to index
          %get3A_372 = arith.index_cast %mul3A_369 : i32 to index
          %get3A_373 = tpu.vector_load %arg6[%get3A_371, %get3A_372] {strides = array<i32>} : memref<16x1152xf32, #tpu.memory_space<vmem>>, vector<16xf32>,
          %add3A_374 = arith.addf %add3A_360, %get3A_373 : vector<16xf32>
          %mul3A_375 = arith.constant 16 : i32
          %mul3A_376 = arith.muli %scan3A_278, %mul3A_375 : i32
          %get3A_377 = arith.constant 14 : i32
          %get3A_378 = arith.index_cast %get3A_377 : i32 to index
          %get3A_379 = arith.index_cast %mul3A_376 : i32 to index
          %get3A_380 = tpu.vector_load %arg6[%get3A_378, %get3A_379] {strides = array<i32>} : memref<16x1152xf32, #tpu.memory_space<vmem>>, vector<16xf32>,
          %add3A_381 = arith.addf %add3A_367, %get3A_380 : vector<16xf32>
          %mul3A_382 = arith.constant 16 : i32
          %mul3A_383 = arith.muli %scan3A_278, %mul3A_382 : i32
          %get3A_384 = arith.constant 15 : i32
          %get3A_385 = arith.index_cast %get3A_384 : i32 to index
          %get3A_386 = arith.index_cast %mul3A_383 : i32 to index
          %get3A_387 = tpu.vector_load %arg6[%get3A_385, %get3A_386] {strides = array<i32>} : memref<16x1152xf32, #tpu.memory_space<vmem>>, vector<16xf32>,
          %add3A_388 = arith.addf %add3A_374, %get3A_387 : vector<16xf32>
          %add3A_389 = arith.addf %add3A_381, %add3A_388 : vector<16xf32>
          %mul3A_390 = arith.constant 16 : i32
          %mul3A_391 = arith.muli %scan3A_278, %mul3A_390 : i32
          %add3A_392 = arith.constant 768 : i32
          %add3A_393 = arith.addi %add3A_392, %mul3A_391 : i32
          %swap3A_394 = arith.index_cast %add3A_393 : i32 to index
          %swap3A_395 = tpu.vector_load %arg9[%swap3A_394] {strides = array<i32>} : memref<4736xf32, #tpu.memory_space<vmem>>, vector<16xf32>,
          tpu.vector_store %arg9[%swap3A_394], %add3A_389 {strides = array<i32>} : memref<4736xf32, #tpu.memory_space<vmem>>, vector<16xf32>,
        }
        %scan3A_106 = arith.constant 48 : i32
        %lt3A_107 = arith.constant 25 : i32
        %lt3A_108 = arith.cmpi slt, %scan3A_66, %lt3A_107 : i32
        %convert_element_type3A_109 = arith.extui %lt3A_108 : i1 to i32
        %cond3A_110 = arith.constant 0 : i32
        %cond3A_111 = arith.cmpi ne, %convert_element_type3A_109, %cond3A_110 : i32
        scf.if %cond3A_111 {
          %add3A_161 = arith.constant 1 : i32
          %add3A_162 = arith.addi %scan3A_66, %add3A_161 : i32
          %mul3A_163 = arith.constant 16 : i32
          %mul3A_164 = arith.muli %add3A_162, %mul3A_163 : i32
          %add3A_165 = arith.constant 768 : i32
          %add3A_166 = arith.addi %mul3A_13, %add3A_165 : i32
          %dma_start3A_167 = arith.constant 0 : i32
          %dma_start3A_168 = arith.constant 0 : i32
          %dma_start3A_169 = tpu.memref_slice %arg6[%dma_start3A_167, %dma_start3A_168] : memref<16x1152xf32, #tpu.memory_space<vmem>> -> memref<16x768xf32, #tpu.memory_space<vmem>>
          %dma_start3A_170 = tpu.memref_slice %arg2[%mul3A_164, %add3A_166] : memref<416x100000xf32, #tpu.memory_space<hbm>> -> memref<16x768xf32, #tpu.memory_space<hbm>>
          %dma_start3A_171 = arith.constant 0 : i32
          %dma_start3A_172 = arith.constant 0 : i32
          %dma_start3A_173 = tpu.memref_slice %arg6[%dma_start3A_171, %dma_start3A_172] : memref<16x1152xf32, #tpu.memory_space<vmem>> -> memref<16x768xf32, #tpu.memory_space<vmem>>
          %dma_start3A_174 = tpu.memref_slice %arg2[%mul3A_164, %add3A_166] : memref<416x100000xf32, #tpu.memory_space<hbm>> -> memref<16x768xf32, #tpu.memory_space<hbm>>
          tpu.enqueue_dma source(%dma_start3A_174 : memref<16x768xf32, #tpu.memory_space<hbm>>) target(%dma_start3A_173 : memref<16x768xf32, #tpu.memory_space<vmem>>) target_semaphore(%arg13 : memref<!tpu.dma_semaphore, #tpu.memory_space<semaphore_mem>>)
        } else {
        }
        %mul3A_112 = arith.constant 16 : i32
        %mul3A_113 = arith.muli %scan3A_66, %mul3A_112 : i32
        %add3A_114 = arith.constant 1536 : i32
        %add3A_115 = arith.addi %mul3A_13, %add3A_114 : i32
        %dma_wait3A_116 = arith.constant 0 : i32
        %dma_wait3A_117 = arith.constant 0 : i32
        %dma_wait3A_118 = tpu.memref_slice %arg7[%dma_wait3A_116, %dma_wait3A_117] : memref<16x1152xf32, #tpu.memory_space<vmem>> -> memref<16x768xf32, #tpu.memory_space<vmem>>
        %dma_wait3A_119 = tpu.memref_slice %arg2[%mul3A_113, %add3A_115] : memref<416x100000xf32, #tpu.memory_space<hbm>> -> memref<16x768xf32, #tpu.memory_space<hbm>>
        %dma_wait3A_120 = arith.constant 0 : i32
        %dma_wait3A_121 = arith.constant 0 : i32
        %dma_wait3A_122 = tpu.memref_slice %arg7[%dma_wait3A_120, %dma_wait3A_121] : memref<16x1152xf32, #tpu.memory_space<vmem>> -> memref<16x768xf32, #tpu.memory_space<vmem>>
        %dma_wait3A_123 = tpu.memref_slice %arg2[%mul3A_113, %add3A_115] : memref<416x100000xf32, #tpu.memory_space<hbm>> -> memref<16x768xf32, #tpu.memory_space<hbm>>
        tpu.wait_dma2 semaphore(%arg14 : memref<!tpu.dma_semaphore, #tpu.memory_space<semaphore_mem>>) src(%dma_wait3A_123 : memref<16x768xf32, #tpu.memory_space<hbm>>) dst(%dma_wait3A_122 : memref<16x768xf32, #tpu.memory_space<vmem>>)
        %scan3A_124 = arith.constant 0 : i32
        %scan3A_125 = arith.constant 0 : i32
        %scan3A_126 = arith.constant 48 : i32
        %scan3A_127 = arith.addi %scan3A_125, %scan3A_126 : i32
        %scan3A_128 = arith.constant 2 : i32
        scf.for %scan3A_161 = %scan3A_125 to %scan3A_127 step %scan3A_128  : i32 {
          %mul3A_162 = arith.constant 16 : i32
          %mul3A_163 = arith.muli %scan3A_161, %mul3A_162 : i32
          %get3A = arith.constant 0 : i32
          %get3A_164 = arith.index_cast %get3A : i32 to index
          %get3A_165 = arith.index_cast %mul3A_163 : i32 to index
          %get3A_166 = tpu.vector_load %arg7[%get3A_164, %get3A_165] {strides = array<i32>} : memref<16x1152xf32, #tpu.memory_space<vmem>>, vector<16xf32>,
          %mul3A_167 = arith.constant 16 : i32
          %mul3A_168 = arith.muli %scan3A_161, %mul3A_167 : i32
          %get3A_169 = arith.constant 1 : i32
          %get3A_170 = arith.index_cast %get3A_169 : i32 to index
          %get3A_171 = arith.index_cast %mul3A_168 : i32 to index
          %get3A_172 = tpu.vector_load %arg7[%get3A_170, %get3A_171] {strides = array<i32>} : memref<16x1152xf32, #tpu.memory_space<vmem>>, vector<16xf32>,
          %add3A_173 = arith.addf %get3A_166, %get3A_172 : vector<16xf32>
          %mul3A_174 = arith.constant 16 : i32
          %mul3A_175 = arith.muli %scan3A_161, %mul3A_174 : i32
          %get3A_176 = arith.constant 2 : i32
          %get3A_177 = arith.index_cast %get3A_176 : i32 to index
          %get3A_178 = arith.index_cast %mul3A_175 : i32 to index
          %get3A_179 = tpu.vector_load %arg7[%get3A_177, %get3A_178] {strides = array<i32>} : memref<16x1152xf32, #tpu.memory_space<vmem>>, vector<16xf32>,
          %mul3A_180 = arith.constant 16 : i32
          %mul3A_181 = arith.muli %scan3A_161, %mul3A_180 : i32
          %get3A_182 = arith.constant 3 : i32
          %get3A_183 = arith.index_cast %get3A_182 : i32 to index
          %get3A_184 = arith.index_cast %mul3A_181 : i32 to index
          %get3A_185 = tpu.vector_load %arg7[%get3A_183, %get3A_184] {strides = array<i32>} : memref<16x1152xf32, #tpu.memory_space<vmem>>, vector<16xf32>,
          %add3A_186 = arith.addf %get3A_179, %get3A_185 : vector<16xf32>
          %mul3A_187 = arith.constant 16 : i32
          %mul3A_188 = arith.muli %scan3A_161, %mul3A_187 : i32
          %get3A_189 = arith.constant 4 : i32
          %get3A_190 = arith.index_cast %get3A_189 : i32 to index
          %get3A_191 = arith.index_cast %mul3A_188 : i32 to index
          %get3A_192 = tpu.vector_load %arg7[%get3A_190, %get3A_191] {strides = array<i32>} : memref<16x1152xf32, #tpu.memory_space<vmem>>, vector<16xf32>,
          %add3A_193 = arith.addf %add3A_173, %get3A_192 : vector<16xf32>
          %mul3A_194 = arith.constant 16 : i32
          %mul3A_195 = arith.muli %scan3A_161, %mul3A_194 : i32
          %get3A_196 = arith.constant 5 : i32
          %get3A_197 = arith.index_cast %get3A_196 : i32 to index
          %get3A_198 = arith.index_cast %mul3A_195 : i32 to index
          %get3A_199 = tpu.vector_load %arg7[%get3A_197, %get3A_198] {strides = array<i32>} : memref<16x1152xf32, #tpu.memory_space<vmem>>, vector<16xf32>,
          %add3A_200 = arith.addf %add3A_186, %get3A_199 : vector<16xf32>
          %mul3A_201 = arith.constant 16 : i32
          %mul3A_202 = arith.muli %scan3A_161, %mul3A_201 : i32
          %get3A_203 = arith.constant 6 : i32
          %get3A_204 = arith.index_cast %get3A_203 : i32 to index
          %get3A_205 = arith.index_cast %mul3A_202 : i32 to index
          %get3A_206 = tpu.vector_load %arg7[%get3A_204, %get3A_205] {strides = array<i32>} : memref<16x1152xf32, #tpu.memory_space<vmem>>, vector<16xf32>,
          %add3A_207 = arith.addf %add3A_193, %get3A_206 : vector<16xf32>
          %mul3A_208 = arith.constant 16 : i32
          %mul3A_209 = arith.muli %scan3A_161, %mul3A_208 : i32
          %get3A_210 = arith.constant 7 : i32
          %get3A_211 = arith.index_cast %get3A_210 : i32 to index
          %get3A_212 = arith.index_cast %mul3A_209 : i32 to index
          %get3A_213 = tpu.vector_load %arg7[%get3A_211, %get3A_212] {strides = array<i32>} : memref<16x1152xf32, #tpu.memory_space<vmem>>, vector<16xf32>,
          %add3A_214 = arith.addf %add3A_200, %get3A_213 : vector<16xf32>
          %mul3A_215 = arith.constant 16 : i32
          %mul3A_216 = arith.muli %scan3A_161, %mul3A_215 : i32
          %get3A_217 = arith.constant 8 : i32
          %get3A_218 = arith.index_cast %get3A_217 : i32 to index
          %get3A_219 = arith.index_cast %mul3A_216 : i32 to index
          %get3A_220 = tpu.vector_load %arg7[%get3A_218, %get3A_219] {strides = array<i32>} : memref<16x1152xf32, #tpu.memory_space<vmem>>, vector<16xf32>,
          %add3A_221 = arith.addf %add3A_207, %get3A_220 : vector<16xf32>
          %mul3A_222 = arith.constant 16 : i32
          %mul3A_223 = arith.muli %scan3A_161, %mul3A_222 : i32
          %get3A_224 = arith.constant 9 : i32
          %get3A_225 = arith.index_cast %get3A_224 : i32 to index
          %get3A_226 = arith.index_cast %mul3A_223 : i32 to index
          %get3A_227 = tpu.vector_load %arg7[%get3A_225, %get3A_226] {strides = array<i32>} : memref<16x1152xf32, #tpu.memory_space<vmem>>, vector<16xf32>,
          %add3A_228 = arith.addf %add3A_214, %get3A_227 : vector<16xf32>
          %mul3A_229 = arith.constant 16 : i32
          %mul3A_230 = arith.muli %scan3A_161, %mul3A_229 : i32
          %get3A_231 = arith.constant 10 : i32
          %get3A_232 = arith.index_cast %get3A_231 : i32 to index
          %get3A_233 = arith.index_cast %mul3A_230 : i32 to index
          %get3A_234 = tpu.vector_load %arg7[%get3A_232, %get3A_233] {strides = array<i32>} : memref<16x1152xf32, #tpu.memory_space<vmem>>, vector<16xf32>,
          %add3A_235 = arith.addf %add3A_221, %get3A_234 : vector<16xf32>
          %mul3A_236 = arith.constant 16 : i32
          %mul3A_237 = arith.muli %scan3A_161, %mul3A_236 : i32
          %get3A_238 = arith.constant 11 : i32
          %get3A_239 = arith.index_cast %get3A_238 : i32 to index
          %get3A_240 = arith.index_cast %mul3A_237 : i32 to index
          %get3A_241 = tpu.vector_load %arg7[%get3A_239, %get3A_240] {strides = array<i32>} : memref<16x1152xf32, #tpu.memory_space<vmem>>, vector<16xf32>,
          %add3A_242 = arith.addf %add3A_228, %get3A_241 : vector<16xf32>
          %mul3A_243 = arith.constant 16 : i32
          %mul3A_244 = arith.muli %scan3A_161, %mul3A_243 : i32
          %get3A_245 = arith.constant 12 : i32
          %get3A_246 = arith.index_cast %get3A_245 : i32 to index
          %get3A_247 = arith.index_cast %mul3A_244 : i32 to index
          %get3A_248 = tpu.vector_load %arg7[%get3A_246, %get3A_247] {strides = array<i32>} : memref<16x1152xf32, #tpu.memory_space<vmem>>, vector<16xf32>,
          %add3A_249 = arith.addf %add3A_235, %get3A_248 : vector<16xf32>
          %mul3A_250 = arith.constant 16 : i32
          %mul3A_251 = arith.muli %scan3A_161, %mul3A_250 : i32
          %get3A_252 = arith.constant 13 : i32
          %get3A_253 = arith.index_cast %get3A_252 : i32 to index
          %get3A_254 = arith.index_cast %mul3A_251 : i32 to index
          %get3A_255 = tpu.vector_load %arg7[%get3A_253, %get3A_254] {strides = array<i32>} : memref<16x1152xf32, #tpu.memory_space<vmem>>, vector<16xf32>,
          %add3A_256 = arith.addf %add3A_242, %get3A_255 : vector<16xf32>
          %mul3A_257 = arith.constant 16 : i32
          %mul3A_258 = arith.muli %scan3A_161, %mul3A_257 : i32
          %get3A_259 = arith.constant 14 : i32
          %get3A_260 = arith.index_cast %get3A_259 : i32 to index
          %get3A_261 = arith.index_cast %mul3A_258 : i32 to index
          %get3A_262 = tpu.vector_load %arg7[%get3A_260, %get3A_261] {strides = array<i32>} : memref<16x1152xf32, #tpu.memory_space<vmem>>, vector<16xf32>,
          %add3A_263 = arith.addf %add3A_249, %get3A_262 : vector<16xf32>
          %mul3A_264 = arith.constant 16 : i32
          %mul3A_265 = arith.muli %scan3A_161, %mul3A_264 : i32
          %get3A_266 = arith.constant 15 : i32
          %get3A_267 = arith.index_cast %get3A_266 : i32 to index
          %get3A_268 = arith.index_cast %mul3A_265 : i32 to index
          %get3A_269 = tpu.vector_load %arg7[%get3A_267, %get3A_268] {strides = array<i32>} : memref<16x1152xf32, #tpu.memory_space<vmem>>, vector<16xf32>,
          %add3A_270 = arith.addf %add3A_256, %get3A_269 : vector<16xf32>
          %add3A_271 = arith.addf %add3A_263, %add3A_270 : vector<16xf32>
          %mul3A_272 = arith.constant 16 : i32
          %mul3A_273 = arith.muli %scan3A_161, %mul3A_272 : i32
          %add3A_274 = arith.constant 1536 : i32
          %add3A_275 = arith.addi %add3A_274, %mul3A_273 : i32
          %swap3A = arith.index_cast %add3A_275 : i32 to index
          %swap3A_276 = tpu.vector_load %arg9[%swap3A] {strides = array<i32>} : memref<4736xf32, #tpu.memory_space<vmem>>, vector<16xf32>,
          tpu.vector_store %arg9[%swap3A], %add3A_271 {strides = array<i32>} : memref<4736xf32, #tpu.memory_space<vmem>>, vector<16xf32>,
          %scan3A_277 = arith.constant 1 : i32
          %scan3A_278 = arith.addi %scan3A_161, %scan3A_277 : i32
          %mul3A_279 = arith.constant 16 : i32
          %mul3A_280 = arith.muli %scan3A_278, %mul3A_279 : i32
          %get3A_281 = arith.constant 0 : i32
          %get3A_282 = arith.index_cast %get3A_281 : i32 to index
          %get3A_283 = arith.index_cast %mul3A_280 : i32 to index
          %get3A_284 = tpu.vector_load %arg7[%get3A_282, %get3A_283] {strides = array<i32>} : memref<16x1152xf32, #tpu.memory_space<vmem>>, vector<16xf32>,
          %mul3A_285 = arith.constant 16 : i32
          %mul3A_286 = arith.muli %scan3A_278, %mul3A_285 : i32
          %get3A_287 = arith.constant 1 : i32
          %get3A_288 = arith.index_cast %get3A_287 : i32 to index
          %get3A_289 = arith.index_cast %mul3A_286 : i32 to index
          %get3A_290 = tpu.vector_load %arg7[%get3A_288, %get3A_289] {strides = array<i32>} : memref<16x1152xf32, #tpu.memory_space<vmem>>, vector<16xf32>,
          %add3A_291 = arith.addf %get3A_284, %get3A_290 : vector<16xf32>
          %mul3A_292 = arith.constant 16 : i32
          %mul3A_293 = arith.muli %scan3A_278, %mul3A_292 : i32
          %get3A_294 = arith.constant 2 : i32
          %get3A_295 = arith.index_cast %get3A_294 : i32 to index
          %get3A_296 = arith.index_cast %mul3A_293 : i32 to index
          %get3A_297 = tpu.vector_load %arg7[%get3A_295, %get3A_296] {strides = array<i32>} : memref<16x1152xf32, #tpu.memory_space<vmem>>, vector<16xf32>,
          %mul3A_298 = arith.constant 16 : i32
          %mul3A_299 = arith.muli %scan3A_278, %mul3A_298 : i32
          %get3A_300 = arith.constant 3 : i32
          %get3A_301 = arith.index_cast %get3A_300 : i32 to index
          %get3A_302 = arith.index_cast %mul3A_299 : i32 to index
          %get3A_303 = tpu.vector_load %arg7[%get3A_301, %get3A_302] {strides = array<i32>} : memref<16x1152xf32, #tpu.memory_space<vmem>>, vector<16xf32>,
          %add3A_304 = arith.addf %get3A_297, %get3A_303 : vector<16xf32>
          %mul3A_305 = arith.constant 16 : i32
          %mul3A_306 = arith.muli %scan3A_278, %mul3A_305 : i32
          %get3A_307 = arith.constant 4 : i32
          %get3A_308 = arith.index_cast %get3A_307 : i32 to index
          %get3A_309 = arith.index_cast %mul3A_306 : i32 to index
          %get3A_310 = tpu.vector_load %arg7[%get3A_308, %get3A_309] {strides = array<i32>} : memref<16x1152xf32, #tpu.memory_space<vmem>>, vector<16xf32>,
          %add3A_311 = arith.addf %add3A_291, %get3A_310 : vector<16xf32>
          %mul3A_312 = arith.constant 16 : i32
          %mul3A_313 = arith.muli %scan3A_278, %mul3A_312 : i32
          %get3A_314 = arith.constant 5 : i32
          %get3A_315 = arith.index_cast %get3A_314 : i32 to index
          %get3A_316 = arith.index_cast %mul3A_313 : i32 to index
          %get3A_317 = tpu.vector_load %arg7[%get3A_315, %get3A_316] {strides = array<i32>} : memref<16x1152xf32, #tpu.memory_space<vmem>>, vector<16xf32>,
          %add3A_318 = arith.addf %add3A_304, %get3A_317 : vector<16xf32>
          %mul3A_319 = arith.constant 16 : i32
          %mul3A_320 = arith.muli %scan3A_278, %mul3A_319 : i32
          %get3A_321 = arith.constant 6 : i32
          %get3A_322 = arith.index_cast %get3A_321 : i32 to index
          %get3A_323 = arith.index_cast %mul3A_320 : i32 to index
          %get3A_324 = tpu.vector_load %arg7[%get3A_322, %get3A_323] {strides = array<i32>} : memref<16x1152xf32, #tpu.memory_space<vmem>>, vector<16xf32>,
          %add3A_325 = arith.addf %add3A_311, %get3A_324 : vector<16xf32>
          %mul3A_326 = arith.constant 16 : i32
          %mul3A_327 = arith.muli %scan3A_278, %mul3A_326 : i32
          %get3A_328 = arith.constant 7 : i32
          %get3A_329 = arith.index_cast %get3A_328 : i32 to index
          %get3A_330 = arith.index_cast %mul3A_327 : i32 to index
          %get3A_331 = tpu.vector_load %arg7[%get3A_329, %get3A_330] {strides = array<i32>} : memref<16x1152xf32, #tpu.memory_space<vmem>>, vector<16xf32>,
          %add3A_332 = arith.addf %add3A_318, %get3A_331 : vector<16xf32>
          %mul3A_333 = arith.constant 16 : i32
          %mul3A_334 = arith.muli %scan3A_278, %mul3A_333 : i32
          %get3A_335 = arith.constant 8 : i32
          %get3A_336 = arith.index_cast %get3A_335 : i32 to index
          %get3A_337 = arith.index_cast %mul3A_334 : i32 to index
          %get3A_338 = tpu.vector_load %arg7[%get3A_336, %get3A_337] {strides = array<i32>} : memref<16x1152xf32, #tpu.memory_space<vmem>>, vector<16xf32>,
          %add3A_339 = arith.addf %add3A_325, %get3A_338 : vector<16xf32>
          %mul3A_340 = arith.constant 16 : i32
          %mul3A_341 = arith.muli %scan3A_278, %mul3A_340 : i32
          %get3A_342 = arith.constant 9 : i32
          %get3A_343 = arith.index_cast %get3A_342 : i32 to index
          %get3A_344 = arith.index_cast %mul3A_341 : i32 to index
          %get3A_345 = tpu.vector_load %arg7[%get3A_343, %get3A_344] {strides = array<i32>} : memref<16x1152xf32, #tpu.memory_space<vmem>>, vector<16xf32>,
          %add3A_346 = arith.addf %add3A_332, %get3A_345 : vector<16xf32>
          %mul3A_347 = arith.constant 16 : i32
          %mul3A_348 = arith.muli %scan3A_278, %mul3A_347 : i32
          %get3A_349 = arith.constant 10 : i32
          %get3A_350 = arith.index_cast %get3A_349 : i32 to index
          %get3A_351 = arith.index_cast %mul3A_348 : i32 to index
          %get3A_352 = tpu.vector_load %arg7[%get3A_350, %get3A_351] {strides = array<i32>} : memref<16x1152xf32, #tpu.memory_space<vmem>>, vector<16xf32>,
          %add3A_353 = arith.addf %add3A_339, %get3A_352 : vector<16xf32>
          %mul3A_354 = arith.constant 16 : i32
          %mul3A_355 = arith.muli %scan3A_278, %mul3A_354 : i32
          %get3A_356 = arith.constant 11 : i32
          %get3A_357 = arith.index_cast %get3A_356 : i32 to index
          %get3A_358 = arith.index_cast %mul3A_355 : i32 to index
          %get3A_359 = tpu.vector_load %arg7[%get3A_357, %get3A_358] {strides = array<i32>} : memref<16x1152xf32, #tpu.memory_space<vmem>>, vector<16xf32>,
          %add3A_360 = arith.addf %add3A_346, %get3A_359 : vector<16xf32>
          %mul3A_361 = arith.constant 16 : i32
          %mul3A_362 = arith.muli %scan3A_278, %mul3A_361 : i32
          %get3A_363 = arith.constant 12 : i32
          %get3A_364 = arith.index_cast %get3A_363 : i32 to index
          %get3A_365 = arith.index_cast %mul3A_362 : i32 to index
          %get3A_366 = tpu.vector_load %arg7[%get3A_364, %get3A_365] {strides = array<i32>} : memref<16x1152xf32, #tpu.memory_space<vmem>>, vector<16xf32>,
          %add3A_367 = arith.addf %add3A_353, %get3A_366 : vector<16xf32>
          %mul3A_368 = arith.constant 16 : i32
          %mul3A_369 = arith.muli %scan3A_278, %mul3A_368 : i32
          %get3A_370 = arith.constant 13 : i32
          %get3A_371 = arith.index_cast %get3A_370 : i32 to index
          %get3A_372 = arith.index_cast %mul3A_369 : i32 to index
          %get3A_373 = tpu.vector_load %arg7[%get3A_371, %get3A_372] {strides = array<i32>} : memref<16x1152xf32, #tpu.memory_space<vmem>>, vector<16xf32>,
          %add3A_374 = arith.addf %add3A_360, %get3A_373 : vector<16xf32>
          %mul3A_375 = arith.constant 16 : i32
          %mul3A_376 = arith.muli %scan3A_278, %mul3A_375 : i32
          %get3A_377 = arith.constant 14 : i32
          %get3A_378 = arith.index_cast %get3A_377 : i32 to index
          %get3A_379 = arith.index_cast %mul3A_376 : i32 to index
          %get3A_380 = tpu.vector_load %arg7[%get3A_378, %get3A_379] {strides = array<i32>} : memref<16x1152xf32, #tpu.memory_space<vmem>>, vector<16xf32>,
          %add3A_381 = arith.addf %add3A_367, %get3A_380 : vector<16xf32>
          %mul3A_382 = arith.constant 16 : i32
          %mul3A_383 = arith.muli %scan3A_278, %mul3A_382 : i32
          %get3A_384 = arith.constant 15 : i32
          %get3A_385 = arith.index_cast %get3A_384 : i32 to index
          %get3A_386 = arith.index_cast %mul3A_383 : i32 to index
          %get3A_387 = tpu.vector_load %arg7[%get3A_385, %get3A_386] {strides = array<i32>} : memref<16x1152xf32, #tpu.memory_space<vmem>>, vector<16xf32>,
          %add3A_388 = arith.addf %add3A_374, %get3A_387 : vector<16xf32>
          %add3A_389 = arith.addf %add3A_381, %add3A_388 : vector<16xf32>
          %mul3A_390 = arith.constant 16 : i32
          %mul3A_391 = arith.muli %scan3A_278, %mul3A_390 : i32
          %add3A_392 = arith.constant 1536 : i32
          %add3A_393 = arith.addi %add3A_392, %mul3A_391 : i32
          %swap3A_394 = arith.index_cast %add3A_393 : i32 to index
          %swap3A_395 = tpu.vector_load %arg9[%swap3A_394] {strides = array<i32>} : memref<4736xf32, #tpu.memory_space<vmem>>, vector<16xf32>,
          tpu.vector_store %arg9[%swap3A_394], %add3A_389 {strides = array<i32>} : memref<4736xf32, #tpu.memory_space<vmem>>, vector<16xf32>,
        }
        %scan3A_129 = arith.constant 48 : i32
        %lt3A_130 = arith.constant 25 : i32
        %lt3A_131 = arith.cmpi slt, %scan3A_66, %lt3A_130 : i32
        %convert_element_type3A_132 = arith.extui %lt3A_131 : i1 to i32
        %cond3A_133 = arith.constant 0 : i32
        %cond3A_134 = arith.cmpi ne, %convert_element_type3A_132, %cond3A_133 : i32
        scf.if %cond3A_134 {
          %add3A_161 = arith.constant 1 : i32
          %add3A_162 = arith.addi %scan3A_66, %add3A_161 : i32
          %mul3A_163 = arith.constant 16 : i32
          %mul3A_164 = arith.muli %add3A_162, %mul3A_163 : i32
          %add3A_165 = arith.constant 1536 : i32
          %add3A_166 = arith.addi %mul3A_13, %add3A_165 : i32
          %dma_start3A_167 = arith.constant 0 : i32
          %dma_start3A_168 = arith.constant 0 : i32
          %dma_start3A_169 = tpu.memref_slice %arg7[%dma_start3A_167, %dma_start3A_168] : memref<16x1152xf32, #tpu.memory_space<vmem>> -> memref<16x768xf32, #tpu.memory_space<vmem>>
          %dma_start3A_170 = tpu.memref_slice %arg2[%mul3A_164, %add3A_166] : memref<416x100000xf32, #tpu.memory_space<hbm>> -> memref<16x768xf32, #tpu.memory_space<hbm>>
          %dma_start3A_171 = arith.constant 0 : i32
          %dma_start3A_172 = arith.constant 0 : i32
          %dma_start3A_173 = tpu.memref_slice %arg7[%dma_start3A_171, %dma_start3A_172] : memref<16x1152xf32, #tpu.memory_space<vmem>> -> memref<16x768xf32, #tpu.memory_space<vmem>>
          %dma_start3A_174 = tpu.memref_slice %arg2[%mul3A_164, %add3A_166] : memref<416x100000xf32, #tpu.memory_space<hbm>> -> memref<16x768xf32, #tpu.memory_space<hbm>>
          tpu.enqueue_dma source(%dma_start3A_174 : memref<16x768xf32, #tpu.memory_space<hbm>>) target(%dma_start3A_173 : memref<16x768xf32, #tpu.memory_space<vmem>>) target_semaphore(%arg14 : memref<!tpu.dma_semaphore, #tpu.memory_space<semaphore_mem>>)
        } else {
        }
        %mul3A_135 = arith.constant 16 : i32
        %mul3A_136 = arith.muli %scan3A_66, %mul3A_135 : i32
        %add3A_137 = arith.constant 2304 : i32
        %add3A_138 = arith.addi %mul3A_13, %add3A_137 : i32
        %dma_wait3A_139 = arith.constant 0 : i32
        %dma_wait3A_140 = arith.constant 0 : i32
        %dma_wait3A_141 = tpu.memref_slice %arg8[%dma_wait3A_139, %dma_wait3A_140] : memref<16x1152xf32, #tpu.memory_space<vmem>> -> memref<16x768xf32, #tpu.memory_space<vmem>>
        %dma_wait3A_142 = tpu.memref_slice %arg2[%mul3A_136, %add3A_138] : memref<416x100000xf32, #tpu.memory_space<hbm>> -> memref<16x768xf32, #tpu.memory_space<hbm>>
        %dma_wait3A_143 = arith.constant 0 : i32
        %dma_wait3A_144 = arith.constant 0 : i32
        %dma_wait3A_145 = tpu.memref_slice %arg8[%dma_wait3A_143, %dma_wait3A_144] : memref<16x1152xf32, #tpu.memory_space<vmem>> -> memref<16x768xf32, #tpu.memory_space<vmem>>
        %dma_wait3A_146 = tpu.memref_slice %arg2[%mul3A_136, %add3A_138] : memref<416x100000xf32, #tpu.memory_space<hbm>> -> memref<16x768xf32, #tpu.memory_space<hbm>>
        tpu.wait_dma2 semaphore(%arg15 : memref<!tpu.dma_semaphore, #tpu.memory_space<semaphore_mem>>) src(%dma_wait3A_146 : memref<16x768xf32, #tpu.memory_space<hbm>>) dst(%dma_wait3A_145 : memref<16x768xf32, #tpu.memory_space<vmem>>)
        %scan3A_147 = arith.constant 0 : i32
        %scan3A_148 = arith.constant 0 : i32
        %scan3A_149 = arith.constant 48 : i32
        %scan3A_150 = arith.addi %scan3A_148, %scan3A_149 : i32
        %scan3A_151 = arith.constant 2 : i32
        scf.for %scan3A_161 = %scan3A_148 to %scan3A_150 step %scan3A_151  : i32 {
          %mul3A_162 = arith.constant 16 : i32
          %mul3A_163 = arith.muli %scan3A_161, %mul3A_162 : i32
          %get3A = arith.constant 0 : i32
          %get3A_164 = arith.index_cast %get3A : i32 to index
          %get3A_165 = arith.index_cast %mul3A_163 : i32 to index
          %get3A_166 = tpu.vector_load %arg8[%get3A_164, %get3A_165] {strides = array<i32>} : memref<16x1152xf32, #tpu.memory_space<vmem>>, vector<16xf32>,
          %mul3A_167 = arith.constant 16 : i32
          %mul3A_168 = arith.muli %scan3A_161, %mul3A_167 : i32
          %get3A_169 = arith.constant 1 : i32
          %get3A_170 = arith.index_cast %get3A_169 : i32 to index
          %get3A_171 = arith.index_cast %mul3A_168 : i32 to index
          %get3A_172 = tpu.vector_load %arg8[%get3A_170, %get3A_171] {strides = array<i32>} : memref<16x1152xf32, #tpu.memory_space<vmem>>, vector<16xf32>,
          %add3A_173 = arith.addf %get3A_166, %get3A_172 : vector<16xf32>
          %mul3A_174 = arith.constant 16 : i32
          %mul3A_175 = arith.muli %scan3A_161, %mul3A_174 : i32
          %get3A_176 = arith.constant 2 : i32
          %get3A_177 = arith.index_cast %get3A_176 : i32 to index
          %get3A_178 = arith.index_cast %mul3A_175 : i32 to index
          %get3A_179 = tpu.vector_load %arg8[%get3A_177, %get3A_178] {strides = array<i32>} : memref<16x1152xf32, #tpu.memory_space<vmem>>, vector<16xf32>,
          %mul3A_180 = arith.constant 16 : i32
          %mul3A_181 = arith.muli %scan3A_161, %mul3A_180 : i32
          %get3A_182 = arith.constant 3 : i32
          %get3A_183 = arith.index_cast %get3A_182 : i32 to index
          %get3A_184 = arith.index_cast %mul3A_181 : i32 to index
          %get3A_185 = tpu.vector_load %arg8[%get3A_183, %get3A_184] {strides = array<i32>} : memref<16x1152xf32, #tpu.memory_space<vmem>>, vector<16xf32>,
          %add3A_186 = arith.addf %get3A_179, %get3A_185 : vector<16xf32>
          %mul3A_187 = arith.constant 16 : i32
          %mul3A_188 = arith.muli %scan3A_161, %mul3A_187 : i32
          %get3A_189 = arith.constant 4 : i32
          %get3A_190 = arith.index_cast %get3A_189 : i32 to index
          %get3A_191 = arith.index_cast %mul3A_188 : i32 to index
          %get3A_192 = tpu.vector_load %arg8[%get3A_190, %get3A_191] {strides = array<i32>} : memref<16x1152xf32, #tpu.memory_space<vmem>>, vector<16xf32>,
          %add3A_193 = arith.addf %add3A_173, %get3A_192 : vector<16xf32>
          %mul3A_194 = arith.constant 16 : i32
          %mul3A_195 = arith.muli %scan3A_161, %mul3A_194 : i32
          %get3A_196 = arith.constant 5 : i32
          %get3A_197 = arith.index_cast %get3A_196 : i32 to index
          %get3A_198 = arith.index_cast %mul3A_195 : i32 to index
          %get3A_199 = tpu.vector_load %arg8[%get3A_197, %get3A_198] {strides = array<i32>} : memref<16x1152xf32, #tpu.memory_space<vmem>>, vector<16xf32>,
          %add3A_200 = arith.addf %add3A_186, %get3A_199 : vector<16xf32>
          %mul3A_201 = arith.constant 16 : i32
          %mul3A_202 = arith.muli %scan3A_161, %mul3A_201 : i32
          %get3A_203 = arith.constant 6 : i32
          %get3A_204 = arith.index_cast %get3A_203 : i32 to index
          %get3A_205 = arith.index_cast %mul3A_202 : i32 to index
          %get3A_206 = tpu.vector_load %arg8[%get3A_204, %get3A_205] {strides = array<i32>} : memref<16x1152xf32, #tpu.memory_space<vmem>>, vector<16xf32>,
          %add3A_207 = arith.addf %add3A_193, %get3A_206 : vector<16xf32>
          %mul3A_208 = arith.constant 16 : i32
          %mul3A_209 = arith.muli %scan3A_161, %mul3A_208 : i32
          %get3A_210 = arith.constant 7 : i32
          %get3A_211 = arith.index_cast %get3A_210 : i32 to index
          %get3A_212 = arith.index_cast %mul3A_209 : i32 to index
          %get3A_213 = tpu.vector_load %arg8[%get3A_211, %get3A_212] {strides = array<i32>} : memref<16x1152xf32, #tpu.memory_space<vmem>>, vector<16xf32>,
          %add3A_214 = arith.addf %add3A_200, %get3A_213 : vector<16xf32>
          %mul3A_215 = arith.constant 16 : i32
          %mul3A_216 = arith.muli %scan3A_161, %mul3A_215 : i32
          %get3A_217 = arith.constant 8 : i32
          %get3A_218 = arith.index_cast %get3A_217 : i32 to index
          %get3A_219 = arith.index_cast %mul3A_216 : i32 to index
          %get3A_220 = tpu.vector_load %arg8[%get3A_218, %get3A_219] {strides = array<i32>} : memref<16x1152xf32, #tpu.memory_space<vmem>>, vector<16xf32>,
          %add3A_221 = arith.addf %add3A_207, %get3A_220 : vector<16xf32>
          %mul3A_222 = arith.constant 16 : i32
          %mul3A_223 = arith.muli %scan3A_161, %mul3A_222 : i32
          %get3A_224 = arith.constant 9 : i32
          %get3A_225 = arith.index_cast %get3A_224 : i32 to index
          %get3A_226 = arith.index_cast %mul3A_223 : i32 to index
          %get3A_227 = tpu.vector_load %arg8[%get3A_225, %get3A_226] {strides = array<i32>} : memref<16x1152xf32, #tpu.memory_space<vmem>>, vector<16xf32>,
          %add3A_228 = arith.addf %add3A_214, %get3A_227 : vector<16xf32>
          %mul3A_229 = arith.constant 16 : i32
          %mul3A_230 = arith.muli %scan3A_161, %mul3A_229 : i32
          %get3A_231 = arith.constant 10 : i32
          %get3A_232 = arith.index_cast %get3A_231 : i32 to index
          %get3A_233 = arith.index_cast %mul3A_230 : i32 to index
          %get3A_234 = tpu.vector_load %arg8[%get3A_232, %get3A_233] {strides = array<i32>} : memref<16x1152xf32, #tpu.memory_space<vmem>>, vector<16xf32>,
          %add3A_235 = arith.addf %add3A_221, %get3A_234 : vector<16xf32>
          %mul3A_236 = arith.constant 16 : i32
          %mul3A_237 = arith.muli %scan3A_161, %mul3A_236 : i32
          %get3A_238 = arith.constant 11 : i32
          %get3A_239 = arith.index_cast %get3A_238 : i32 to index
          %get3A_240 = arith.index_cast %mul3A_237 : i32 to index
          %get3A_241 = tpu.vector_load %arg8[%get3A_239, %get3A_240] {strides = array<i32>} : memref<16x1152xf32, #tpu.memory_space<vmem>>, vector<16xf32>,
          %add3A_242 = arith.addf %add3A_228, %get3A_241 : vector<16xf32>
          %mul3A_243 = arith.constant 16 : i32
          %mul3A_244 = arith.muli %scan3A_161, %mul3A_243 : i32
          %get3A_245 = arith.constant 12 : i32
          %get3A_246 = arith.index_cast %get3A_245 : i32 to index
          %get3A_247 = arith.index_cast %mul3A_244 : i32 to index
          %get3A_248 = tpu.vector_load %arg8[%get3A_246, %get3A_247] {strides = array<i32>} : memref<16x1152xf32, #tpu.memory_space<vmem>>, vector<16xf32>,
          %add3A_249 = arith.addf %add3A_235, %get3A_248 : vector<16xf32>
          %mul3A_250 = arith.constant 16 : i32
          %mul3A_251 = arith.muli %scan3A_161, %mul3A_250 : i32
          %get3A_252 = arith.constant 13 : i32
          %get3A_253 = arith.index_cast %get3A_252 : i32 to index
          %get3A_254 = arith.index_cast %mul3A_251 : i32 to index
          %get3A_255 = tpu.vector_load %arg8[%get3A_253, %get3A_254] {strides = array<i32>} : memref<16x1152xf32, #tpu.memory_space<vmem>>, vector<16xf32>,
          %add3A_256 = arith.addf %add3A_242, %get3A_255 : vector<16xf32>
          %mul3A_257 = arith.constant 16 : i32
          %mul3A_258 = arith.muli %scan3A_161, %mul3A_257 : i32
          %get3A_259 = arith.constant 14 : i32
          %get3A_260 = arith.index_cast %get3A_259 : i32 to index
          %get3A_261 = arith.index_cast %mul3A_258 : i32 to index
          %get3A_262 = tpu.vector_load %arg8[%get3A_260, %get3A_261] {strides = array<i32>} : memref<16x1152xf32, #tpu.memory_space<vmem>>, vector<16xf32>,
          %add3A_263 = arith.addf %add3A_249, %get3A_262 : vector<16xf32>
          %mul3A_264 = arith.constant 16 : i32
          %mul3A_265 = arith.muli %scan3A_161, %mul3A_264 : i32
          %get3A_266 = arith.constant 15 : i32
          %get3A_267 = arith.index_cast %get3A_266 : i32 to index
          %get3A_268 = arith.index_cast %mul3A_265 : i32 to index
          %get3A_269 = tpu.vector_load %arg8[%get3A_267, %get3A_268] {strides = array<i32>} : memref<16x1152xf32, #tpu.memory_space<vmem>>, vector<16xf32>,
          %add3A_270 = arith.addf %add3A_256, %get3A_269 : vector<16xf32>
          %add3A_271 = arith.addf %add3A_263, %add3A_270 : vector<16xf32>
          %mul3A_272 = arith.constant 16 : i32
          %mul3A_273 = arith.muli %scan3A_161, %mul3A_272 : i32
          %add3A_274 = arith.constant 2304 : i32
          %add3A_275 = arith.addi %add3A_274, %mul3A_273 : i32
          %swap3A = arith.index_cast %add3A_275 : i32 to index
          %swap3A_276 = tpu.vector_load %arg9[%swap3A] {strides = array<i32>} : memref<4736xf32, #tpu.memory_space<vmem>>, vector<16xf32>,
          tpu.vector_store %arg9[%swap3A], %add3A_271 {strides = array<i32>} : memref<4736xf32, #tpu.memory_space<vmem>>, vector<16xf32>,
          %scan3A_277 = arith.constant 1 : i32
          %scan3A_278 = arith.addi %scan3A_161, %scan3A_277 : i32
          %mul3A_279 = arith.constant 16 : i32
          %mul3A_280 = arith.muli %scan3A_278, %mul3A_279 : i32
          %get3A_281 = arith.constant 0 : i32
          %get3A_282 = arith.index_cast %get3A_281 : i32 to index
          %get3A_283 = arith.index_cast %mul3A_280 : i32 to index
          %get3A_284 = tpu.vector_load %arg8[%get3A_282, %get3A_283] {strides = array<i32>} : memref<16x1152xf32, #tpu.memory_space<vmem>>, vector<16xf32>,
          %mul3A_285 = arith.constant 16 : i32
          %mul3A_286 = arith.muli %scan3A_278, %mul3A_285 : i32
          %get3A_287 = arith.constant 1 : i32
          %get3A_288 = arith.index_cast %get3A_287 : i32 to index
          %get3A_289 = arith.index_cast %mul3A_286 : i32 to index
          %get3A_290 = tpu.vector_load %arg8[%get3A_288, %get3A_289] {strides = array<i32>} : memref<16x1152xf32, #tpu.memory_space<vmem>>, vector<16xf32>,
          %add3A_291 = arith.addf %get3A_284, %get3A_290 : vector<16xf32>
          %mul3A_292 = arith.constant 16 : i32
          %mul3A_293 = arith.muli %scan3A_278, %mul3A_292 : i32
          %get3A_294 = arith.constant 2 : i32
          %get3A_295 = arith.index_cast %get3A_294 : i32 to index
          %get3A_296 = arith.index_cast %mul3A_293 : i32 to index
          %get3A_297 = tpu.vector_load %arg8[%get3A_295, %get3A_296] {strides = array<i32>} : memref<16x1152xf32, #tpu.memory_space<vmem>>, vector<16xf32>,
          %mul3A_298 = arith.constant 16 : i32
          %mul3A_299 = arith.muli %scan3A_278, %mul3A_298 : i32
          %get3A_300 = arith.constant 3 : i32
          %get3A_301 = arith.index_cast %get3A_300 : i32 to index
          %get3A_302 = arith.index_cast %mul3A_299 : i32 to index
          %get3A_303 = tpu.vector_load %arg8[%get3A_301, %get3A_302] {strides = array<i32>} : memref<16x1152xf32, #tpu.memory_space<vmem>>, vector<16xf32>,
          %add3A_304 = arith.addf %get3A_297, %get3A_303 : vector<16xf32>
          %mul3A_305 = arith.constant 16 : i32
          %mul3A_306 = arith.muli %scan3A_278, %mul3A_305 : i32
          %get3A_307 = arith.constant 4 : i32
          %get3A_308 = arith.index_cast %get3A_307 : i32 to index
          %get3A_309 = arith.index_cast %mul3A_306 : i32 to index
          %get3A_310 = tpu.vector_load %arg8[%get3A_308, %get3A_309] {strides = array<i32>} : memref<16x1152xf32, #tpu.memory_space<vmem>>, vector<16xf32>,
          %add3A_311 = arith.addf %add3A_291, %get3A_310 : vector<16xf32>
          %mul3A_312 = arith.constant 16 : i32
          %mul3A_313 = arith.muli %scan3A_278, %mul3A_312 : i32
          %get3A_314 = arith.constant 5 : i32
          %get3A_315 = arith.index_cast %get3A_314 : i32 to index
          %get3A_316 = arith.index_cast %mul3A_313 : i32 to index
          %get3A_317 = tpu.vector_load %arg8[%get3A_315, %get3A_316] {strides = array<i32>} : memref<16x1152xf32, #tpu.memory_space<vmem>>, vector<16xf32>,
          %add3A_318 = arith.addf %add3A_304, %get3A_317 : vector<16xf32>
          %mul3A_319 = arith.constant 16 : i32
          %mul3A_320 = arith.muli %scan3A_278, %mul3A_319 : i32
          %get3A_321 = arith.constant 6 : i32
          %get3A_322 = arith.index_cast %get3A_321 : i32 to index
          %get3A_323 = arith.index_cast %mul3A_320 : i32 to index
          %get3A_324 = tpu.vector_load %arg8[%get3A_322, %get3A_323] {strides = array<i32>} : memref<16x1152xf32, #tpu.memory_space<vmem>>, vector<16xf32>,
          %add3A_325 = arith.addf %add3A_311, %get3A_324 : vector<16xf32>
          %mul3A_326 = arith.constant 16 : i32
          %mul3A_327 = arith.muli %scan3A_278, %mul3A_326 : i32
          %get3A_328 = arith.constant 7 : i32
          %get3A_329 = arith.index_cast %get3A_328 : i32 to index
          %get3A_330 = arith.index_cast %mul3A_327 : i32 to index
          %get3A_331 = tpu.vector_load %arg8[%get3A_329, %get3A_330] {strides = array<i32>} : memref<16x1152xf32, #tpu.memory_space<vmem>>, vector<16xf32>,
          %add3A_332 = arith.addf %add3A_318, %get3A_331 : vector<16xf32>
          %mul3A_333 = arith.constant 16 : i32
          %mul3A_334 = arith.muli %scan3A_278, %mul3A_333 : i32
          %get3A_335 = arith.constant 8 : i32
          %get3A_336 = arith.index_cast %get3A_335 : i32 to index
          %get3A_337 = arith.index_cast %mul3A_334 : i32 to index
          %get3A_338 = tpu.vector_load %arg8[%get3A_336, %get3A_337] {strides = array<i32>} : memref<16x1152xf32, #tpu.memory_space<vmem>>, vector<16xf32>,
          %add3A_339 = arith.addf %add3A_325, %get3A_338 : vector<16xf32>
          %mul3A_340 = arith.constant 16 : i32
          %mul3A_341 = arith.muli %scan3A_278, %mul3A_340 : i32
          %get3A_342 = arith.constant 9 : i32
          %get3A_343 = arith.index_cast %get3A_342 : i32 to index
          %get3A_344 = arith.index_cast %mul3A_341 : i32 to index
          %get3A_345 = tpu.vector_load %arg8[%get3A_343, %get3A_344] {strides = array<i32>} : memref<16x1152xf32, #tpu.memory_space<vmem>>, vector<16xf32>,
          %add3A_346 = arith.addf %add3A_332, %get3A_345 : vector<16xf32>
          %mul3A_347 = arith.constant 16 : i32
          %mul3A_348 = arith.muli %scan3A_278, %mul3A_347 : i32
          %get3A_349 = arith.constant 10 : i32
          %get3A_350 = arith.index_cast %get3A_349 : i32 to index
          %get3A_351 = arith.index_cast %mul3A_348 : i32 to index
          %get3A_352 = tpu.vector_load %arg8[%get3A_350, %get3A_351] {strides = array<i32>} : memref<16x1152xf32, #tpu.memory_space<vmem>>, vector<16xf32>,
          %add3A_353 = arith.addf %add3A_339, %get3A_352 : vector<16xf32>
          %mul3A_354 = arith.constant 16 : i32
          %mul3A_355 = arith.muli %scan3A_278, %mul3A_354 : i32
          %get3A_356 = arith.constant 11 : i32
          %get3A_357 = arith.index_cast %get3A_356 : i32 to index
          %get3A_358 = arith.index_cast %mul3A_355 : i32 to index
          %get3A_359 = tpu.vector_load %arg8[%get3A_357, %get3A_358] {strides = array<i32>} : memref<16x1152xf32, #tpu.memory_space<vmem>>, vector<16xf32>,
          %add3A_360 = arith.addf %add3A_346, %get3A_359 : vector<16xf32>
          %mul3A_361 = arith.constant 16 : i32
          %mul3A_362 = arith.muli %scan3A_278, %mul3A_361 : i32
          %get3A_363 = arith.constant 12 : i32
          %get3A_364 = arith.index_cast %get3A_363 : i32 to index
          %get3A_365 = arith.index_cast %mul3A_362 : i32 to index
          %get3A_366 = tpu.vector_load %arg8[%get3A_364, %get3A_365] {strides = array<i32>} : memref<16x1152xf32, #tpu.memory_space<vmem>>, vector<16xf32>,
          %add3A_367 = arith.addf %add3A_353, %get3A_366 : vector<16xf32>
          %mul3A_368 = arith.constant 16 : i32
          %mul3A_369 = arith.muli %scan3A_278, %mul3A_368 : i32
          %get3A_370 = arith.constant 13 : i32
          %get3A_371 = arith.index_cast %get3A_370 : i32 to index
          %get3A_372 = arith.index_cast %mul3A_369 : i32 to index
          %get3A_373 = tpu.vector_load %arg8[%get3A_371, %get3A_372] {strides = array<i32>} : memref<16x1152xf32, #tpu.memory_space<vmem>>, vector<16xf32>,
          %add3A_374 = arith.addf %add3A_360, %get3A_373 : vector<16xf32>
          %mul3A_375 = arith.constant 16 : i32
          %mul3A_376 = arith.muli %scan3A_278, %mul3A_375 : i32
          %get3A_377 = arith.constant 14 : i32
          %get3A_378 = arith.index_cast %get3A_377 : i32 to index
          %get3A_379 = arith.index_cast %mul3A_376 : i32 to index
          %get3A_380 = tpu.vector_load %arg8[%get3A_378, %get3A_379] {strides = array<i32>} : memref<16x1152xf32, #tpu.memory_space<vmem>>, vector<16xf32>,
          %add3A_381 = arith.addf %add3A_367, %get3A_380 : vector<16xf32>
          %mul3A_382 = arith.constant 16 : i32
          %mul3A_383 = arith.muli %scan3A_278, %mul3A_382 : i32
          %get3A_384 = arith.constant 15 : i32
          %get3A_385 = arith.index_cast %get3A_384 : i32 to index
          %get3A_386 = arith.index_cast %mul3A_383 : i32 to index
          %get3A_387 = tpu.vector_load %arg8[%get3A_385, %get3A_386] {strides = array<i32>} : memref<16x1152xf32, #tpu.memory_space<vmem>>, vector<16xf32>,
          %add3A_388 = arith.addf %add3A_374, %get3A_387 : vector<16xf32>
          %add3A_389 = arith.addf %add3A_381, %add3A_388 : vector<16xf32>
          %mul3A_390 = arith.constant 16 : i32
          %mul3A_391 = arith.muli %scan3A_278, %mul3A_390 : i32
          %add3A_392 = arith.constant 2304 : i32
          %add3A_393 = arith.addi %add3A_392, %mul3A_391 : i32
          %swap3A_394 = arith.index_cast %add3A_393 : i32 to index
          %swap3A_395 = tpu.vector_load %arg9[%swap3A_394] {strides = array<i32>} : memref<4736xf32, #tpu.memory_space<vmem>>, vector<16xf32>,
          tpu.vector_store %arg9[%swap3A_394], %add3A_389 {strides = array<i32>} : memref<4736xf32, #tpu.memory_space<vmem>>, vector<16xf32>,
        }
        %scan3A_152 = arith.constant 48 : i32
        %lt3A_153 = arith.constant 25 : i32
        %lt3A_154 = arith.cmpi slt, %scan3A_66, %lt3A_153 : i32
        %convert_element_type3A_155 = arith.extui %lt3A_154 : i1 to i32
        %cond3A_156 = arith.constant 0 : i32
        %cond3A_157 = arith.cmpi ne, %convert_element_type3A_155, %cond3A_156 : i32
        scf.if %cond3A_157 {
          %add3A_161 = arith.constant 1 : i32
          %add3A_162 = arith.addi %scan3A_66, %add3A_161 : i32
          %mul3A_163 = arith.constant 16 : i32
          %mul3A_164 = arith.muli %add3A_162, %mul3A_163 : i32
          %add3A_165 = arith.constant 2304 : i32
          %add3A_166 = arith.addi %mul3A_13, %add3A_165 : i32
          %dma_start3A_167 = arith.constant 0 : i32
          %dma_start3A_168 = arith.constant 0 : i32
          %dma_start3A_169 = tpu.memref_slice %arg8[%dma_start3A_167, %dma_start3A_168] : memref<16x1152xf32, #tpu.memory_space<vmem>> -> memref<16x768xf32, #tpu.memory_space<vmem>>
          %dma_start3A_170 = tpu.memref_slice %arg2[%mul3A_164, %add3A_166] : memref<416x100000xf32, #tpu.memory_space<hbm>> -> memref<16x768xf32, #tpu.memory_space<hbm>>
          %dma_start3A_171 = arith.constant 0 : i32
          %dma_start3A_172 = arith.constant 0 : i32
          %dma_start3A_173 = tpu.memref_slice %arg8[%dma_start3A_171, %dma_start3A_172] : memref<16x1152xf32, #tpu.memory_space<vmem>> -> memref<16x768xf32, #tpu.memory_space<vmem>>
          %dma_start3A_174 = tpu.memref_slice %arg2[%mul3A_164, %add3A_166] : memref<416x100000xf32, #tpu.memory_space<hbm>> -> memref<16x768xf32, #tpu.memory_space<hbm>>
          tpu.enqueue_dma source(%dma_start3A_174 : memref<16x768xf32, #tpu.memory_space<hbm>>) target(%dma_start3A_173 : memref<16x768xf32, #tpu.memory_space<vmem>>) target_semaphore(%arg15 : memref<!tpu.dma_semaphore, #tpu.memory_space<semaphore_mem>>)
        } else {
        }
        %mul3A_158 = arith.constant 100000 : i32
        %mul3A_159 = arith.muli %scan3A_66, %mul3A_158 : i32
        %add3A_160 = arith.addi %mul3A_159, %mul3A_13 : i32
        "tpu.region"() ({
          %run_scoped3A = tpu.sem_alloc : memref<!tpu.dma_semaphore, #tpu.memory_space<semaphore_mem>>
          %dma_start3A_161 = arith.constant 0 : i32
          %dma_start3A_162 = tpu.memref_slice %arg9[%dma_start3A_161] : memref<4736xf32, #tpu.memory_space<vmem>> -> memref<3072xf32, #tpu.memory_space<vmem>>
          %dma_start3A_163 = tpu.memref_slice %arg4[%add3A_160] : memref<2600000xf32, #tpu.memory_space<hbm>> -> memref<3072xf32, #tpu.memory_space<hbm>>
          %dma_start3A_164 = tpu.memref_slice %arg4[%add3A_160] : memref<2600000xf32, #tpu.memory_space<hbm>> -> memref<3072xf32, #tpu.memory_space<hbm>>
          %dma_start3A_165 = arith.constant 0 : i32
          %dma_start3A_166 = tpu.memref_slice %arg9[%dma_start3A_165] : memref<4736xf32, #tpu.memory_space<vmem>> -> memref<3072xf32, #tpu.memory_space<vmem>>
          tpu.enqueue_dma source(%dma_start3A_166 : memref<3072xf32, #tpu.memory_space<vmem>>) target(%dma_start3A_164 : memref<3072xf32, #tpu.memory_space<hbm>>) target_semaphore(%run_scoped3A : memref<!tpu.dma_semaphore, #tpu.memory_space<semaphore_mem>>)
          %dma_wait3A_167 = arith.constant 0 : i32
          %dma_wait3A_168 = tpu.memref_slice %arg9[%dma_wait3A_167] : memref<4736xf32, #tpu.memory_space<vmem>> -> memref<3072xf32, #tpu.memory_space<vmem>>
          %dma_wait3A_169 = tpu.memref_slice %arg4[%add3A_160] : memref<2600000xf32, #tpu.memory_space<hbm>> -> memref<3072xf32, #tpu.memory_space<hbm>>
          %dma_wait3A_170 = tpu.memref_slice %arg4[%add3A_160] : memref<2600000xf32, #tpu.memory_space<hbm>> -> memref<3072xf32, #tpu.memory_space<hbm>>
          %dma_wait3A_171 = arith.constant 0 : i32
          %dma_wait3A_172 = tpu.memref_slice %arg9[%dma_wait3A_171] : memref<4736xf32, #tpu.memory_space<vmem>> -> memref<3072xf32, #tpu.memory_space<vmem>>
          tpu.wait_dma2 semaphore(%run_scoped3A : memref<!tpu.dma_semaphore, #tpu.memory_space<semaphore_mem>>) src(%dma_wait3A_172 : memref<3072xf32, #tpu.memory_space<vmem>>) dst(%dma_wait3A_170 : memref<3072xf32, #tpu.memory_space<hbm>>)
          tpu.yield
        }) : () -> ()
      }
      %scan3A_65 = arith.constant 26 : i32
    } else {
    }
    %eq3A = arith.constant 31 : i32
    %eq3A_3 = arith.cmpi eq, %add3A, %eq3A : i32
    %convert_element_type3A_4 = arith.extui %eq3A_3 : i1 to i32
    %cond3A_5 = arith.constant 0 : i32
    %cond3A_6 = arith.cmpi ne, %convert_element_type3A_4, %cond3A_5 : i32
    scf.if %cond3A_6 {
      %dma_start3A = arith.constant 0 : i32
      %dma_start3A_12 = arith.constant 0 : i32
      %dma_start3A_13 = tpu.memref_slice %arg5[%dma_start3A, %dma_start3A_12] : memref<16x1152xf32, #tpu.memory_space<vmem>> -> memref<16x1152xf32, #tpu.memory_space<vmem>>
      %dma_start3A_14 = arith.constant 0 : i32
      %dma_start3A_15 = arith.constant 95232 : i32
      %dma_start3A_16 = tpu.memref_slice %arg2[%dma_start3A_14, %dma_start3A_15] : memref<416x100000xf32, #tpu.memory_space<hbm>> -> memref<16x1152xf32, #tpu.memory_space<hbm>>
      %dma_start3A_17 = arith.constant 0 : i32
      %dma_start3A_18 = arith.constant 0 : i32
      %dma_start3A_19 = tpu.memref_slice %arg5[%dma_start3A_17, %dma_start3A_18] : memref<16x1152xf32, #tpu.memory_space<vmem>> -> memref<16x1152xf32, #tpu.memory_space<vmem>>
      %dma_start3A_20 = arith.constant 0 : i32
      %dma_start3A_21 = arith.constant 95232 : i32
      %dma_start3A_22 = tpu.memref_slice %arg2[%dma_start3A_20, %dma_start3A_21] : memref<416x100000xf32, #tpu.memory_space<hbm>> -> memref<16x1152xf32, #tpu.memory_space<hbm>>
      tpu.enqueue_dma source(%dma_start3A_22 : memref<16x1152xf32, #tpu.memory_space<hbm>>) target(%dma_start3A_19 : memref<16x1152xf32, #tpu.memory_space<vmem>>) target_semaphore(%arg12 : memref<!tpu.dma_semaphore, #tpu.memory_space<semaphore_mem>>)
      %dma_start3A_23 = arith.constant 0 : i32
      %dma_start3A_24 = arith.constant 0 : i32
      %dma_start3A_25 = tpu.memref_slice %arg6[%dma_start3A_23, %dma_start3A_24] : memref<16x1152xf32, #tpu.memory_space<vmem>> -> memref<16x1152xf32, #tpu.memory_space<vmem>>
      %dma_start3A_26 = arith.constant 0 : i32
      %dma_start3A_27 = arith.constant 96384 : i32
      %dma_start3A_28 = tpu.memref_slice %arg2[%dma_start3A_26, %dma_start3A_27] : memref<416x100000xf32, #tpu.memory_space<hbm>> -> memref<16x1152xf32, #tpu.memory_space<hbm>>
      %dma_start3A_29 = arith.constant 0 : i32
      %dma_start3A_30 = arith.constant 0 : i32
      %dma_start3A_31 = tpu.memref_slice %arg6[%dma_start3A_29, %dma_start3A_30] : memref<16x1152xf32, #tpu.memory_space<vmem>> -> memref<16x1152xf32, #tpu.memory_space<vmem>>
      %dma_start3A_32 = arith.constant 0 : i32
      %dma_start3A_33 = arith.constant 96384 : i32
      %dma_start3A_34 = tpu.memref_slice %arg2[%dma_start3A_32, %dma_start3A_33] : memref<416x100000xf32, #tpu.memory_space<hbm>> -> memref<16x1152xf32, #tpu.memory_space<hbm>>
      tpu.enqueue_dma source(%dma_start3A_34 : memref<16x1152xf32, #tpu.memory_space<hbm>>) target(%dma_start3A_31 : memref<16x1152xf32, #tpu.memory_space<vmem>>) target_semaphore(%arg13 : memref<!tpu.dma_semaphore, #tpu.memory_space<semaphore_mem>>)
      %dma_start3A_35 = arith.constant 0 : i32
      %dma_start3A_36 = arith.constant 0 : i32
      %dma_start3A_37 = tpu.memref_slice %arg7[%dma_start3A_35, %dma_start3A_36] : memref<16x1152xf32, #tpu.memory_space<vmem>> -> memref<16x1152xf32, #tpu.memory_space<vmem>>
      %dma_start3A_38 = arith.constant 0 : i32
      %dma_start3A_39 = arith.constant 97536 : i32
      %dma_start3A_40 = tpu.memref_slice %arg2[%dma_start3A_38, %dma_start3A_39] : memref<416x100000xf32, #tpu.memory_space<hbm>> -> memref<16x1152xf32, #tpu.memory_space<hbm>>
      %dma_start3A_41 = arith.constant 0 : i32
      %dma_start3A_42 = arith.constant 0 : i32
      %dma_start3A_43 = tpu.memref_slice %arg7[%dma_start3A_41, %dma_start3A_42] : memref<16x1152xf32, #tpu.memory_space<vmem>> -> memref<16x1152xf32, #tpu.memory_space<vmem>>
      %dma_start3A_44 = arith.constant 0 : i32
      %dma_start3A_45 = arith.constant 97536 : i32
      %dma_start3A_46 = tpu.memref_slice %arg2[%dma_start3A_44, %dma_start3A_45] : memref<416x100000xf32, #tpu.memory_space<hbm>> -> memref<16x1152xf32, #tpu.memory_space<hbm>>
      tpu.enqueue_dma source(%dma_start3A_46 : memref<16x1152xf32, #tpu.memory_space<hbm>>) target(%dma_start3A_43 : memref<16x1152xf32, #tpu.memory_space<vmem>>) target_semaphore(%arg14 : memref<!tpu.dma_semaphore, #tpu.memory_space<semaphore_mem>>)
      %dma_start3A_47 = arith.constant 0 : i32
      %dma_start3A_48 = arith.constant 0 : i32
      %dma_start3A_49 = tpu.memref_slice %arg8[%dma_start3A_47, %dma_start3A_48] : memref<16x1152xf32, #tpu.memory_space<vmem>> -> memref<16x1152xf32, #tpu.memory_space<vmem>>
      %dma_start3A_50 = arith.constant 0 : i32
      %dma_start3A_51 = arith.constant 98688 : i32
      %dma_start3A_52 = tpu.memref_slice %arg2[%dma_start3A_50, %dma_start3A_51] : memref<416x100000xf32, #tpu.memory_space<hbm>> -> memref<16x1152xf32, #tpu.memory_space<hbm>>
      %dma_start3A_53 = arith.constant 0 : i32
      %dma_start3A_54 = arith.constant 0 : i32
      %dma_start3A_55 = tpu.memref_slice %arg8[%dma_start3A_53, %dma_start3A_54] : memref<16x1152xf32, #tpu.memory_space<vmem>> -> memref<16x1152xf32, #tpu.memory_space<vmem>>
      %dma_start3A_56 = arith.constant 0 : i32
      %dma_start3A_57 = arith.constant 98688 : i32
      %dma_start3A_58 = tpu.memref_slice %arg2[%dma_start3A_56, %dma_start3A_57] : memref<416x100000xf32, #tpu.memory_space<hbm>> -> memref<16x1152xf32, #tpu.memory_space<hbm>>
      tpu.enqueue_dma source(%dma_start3A_58 : memref<16x1152xf32, #tpu.memory_space<hbm>>) target(%dma_start3A_55 : memref<16x1152xf32, #tpu.memory_space<vmem>>) target_semaphore(%arg15 : memref<!tpu.dma_semaphore, #tpu.memory_space<semaphore_mem>>)
      %scan3A = arith.constant 0 : i32
      %scan3A_59 = arith.constant 0 : i32
      %scan3A_60 = arith.constant 26 : i32
      %scan3A_61 = arith.addi %scan3A_59, %scan3A_60 : i32
      %scan3A_62 = arith.constant 1 : i32
      scf.for %scan3A_64 = %scan3A_59 to %scan3A_61 step %scan3A_62  : i32 {
        %mul3A_65 = arith.constant 16 : i32
        %mul3A_66 = arith.muli %scan3A_64, %mul3A_65 : i32
        %dma_wait3A = arith.constant 0 : i32
        %dma_wait3A_67 = arith.constant 0 : i32
        %dma_wait3A_68 = tpu.memref_slice %arg5[%dma_wait3A, %dma_wait3A_67] : memref<16x1152xf32, #tpu.memory_space<vmem>> -> memref<16x1152xf32, #tpu.memory_space<vmem>>
        %dma_wait3A_69 = arith.constant 95232 : i32
        %dma_wait3A_70 = tpu.memref_slice %arg2[%mul3A_66, %dma_wait3A_69] : memref<416x100000xf32, #tpu.memory_space<hbm>> -> memref<16x1152xf32, #tpu.memory_space<hbm>>
        %dma_wait3A_71 = arith.constant 0 : i32
        %dma_wait3A_72 = arith.constant 0 : i32
        %dma_wait3A_73 = tpu.memref_slice %arg5[%dma_wait3A_71, %dma_wait3A_72] : memref<16x1152xf32, #tpu.memory_space<vmem>> -> memref<16x1152xf32, #tpu.memory_space<vmem>>
        %dma_wait3A_74 = arith.constant 95232 : i32
        %dma_wait3A_75 = tpu.memref_slice %arg2[%mul3A_66, %dma_wait3A_74] : memref<416x100000xf32, #tpu.memory_space<hbm>> -> memref<16x1152xf32, #tpu.memory_space<hbm>>
        tpu.wait_dma2 semaphore(%arg12 : memref<!tpu.dma_semaphore, #tpu.memory_space<semaphore_mem>>) src(%dma_wait3A_75 : memref<16x1152xf32, #tpu.memory_space<hbm>>) dst(%dma_wait3A_73 : memref<16x1152xf32, #tpu.memory_space<vmem>>)
        %scan3A_76 = arith.constant 0 : i32
        %scan3A_77 = arith.constant 0 : i32
        %scan3A_78 = arith.constant 72 : i32
        %scan3A_79 = arith.addi %scan3A_77, %scan3A_78 : i32
        %scan3A_80 = arith.constant 2 : i32
        scf.for %scan3A_168 = %scan3A_77 to %scan3A_79 step %scan3A_80  : i32 {
          %mul3A_169 = arith.constant 16 : i32
          %mul3A_170 = arith.muli %scan3A_168, %mul3A_169 : i32
          %get3A = arith.constant 0 : i32
          %get3A_171 = arith.index_cast %get3A : i32 to index
          %get3A_172 = arith.index_cast %mul3A_170 : i32 to index
          %get3A_173 = tpu.vector_load %arg5[%get3A_171, %get3A_172] {strides = array<i32>} : memref<16x1152xf32, #tpu.memory_space<vmem>>, vector<16xf32>,
          %mul3A_174 = arith.constant 16 : i32
          %mul3A_175 = arith.muli %scan3A_168, %mul3A_174 : i32
          %get3A_176 = arith.constant 1 : i32
          %get3A_177 = arith.index_cast %get3A_176 : i32 to index
          %get3A_178 = arith.index_cast %mul3A_175 : i32 to index
          %get3A_179 = tpu.vector_load %arg5[%get3A_177, %get3A_178] {strides = array<i32>} : memref<16x1152xf32, #tpu.memory_space<vmem>>, vector<16xf32>,
          %add3A_180 = arith.addf %get3A_173, %get3A_179 : vector<16xf32>
          %mul3A_181 = arith.constant 16 : i32
          %mul3A_182 = arith.muli %scan3A_168, %mul3A_181 : i32
          %get3A_183 = arith.constant 2 : i32
          %get3A_184 = arith.index_cast %get3A_183 : i32 to index
          %get3A_185 = arith.index_cast %mul3A_182 : i32 to index
          %get3A_186 = tpu.vector_load %arg5[%get3A_184, %get3A_185] {strides = array<i32>} : memref<16x1152xf32, #tpu.memory_space<vmem>>, vector<16xf32>,
          %mul3A_187 = arith.constant 16 : i32
          %mul3A_188 = arith.muli %scan3A_168, %mul3A_187 : i32
          %get3A_189 = arith.constant 3 : i32
          %get3A_190 = arith.index_cast %get3A_189 : i32 to index
          %get3A_191 = arith.index_cast %mul3A_188 : i32 to index
          %get3A_192 = tpu.vector_load %arg5[%get3A_190, %get3A_191] {strides = array<i32>} : memref<16x1152xf32, #tpu.memory_space<vmem>>, vector<16xf32>,
          %add3A_193 = arith.addf %get3A_186, %get3A_192 : vector<16xf32>
          %mul3A_194 = arith.constant 16 : i32
          %mul3A_195 = arith.muli %scan3A_168, %mul3A_194 : i32
          %get3A_196 = arith.constant 4 : i32
          %get3A_197 = arith.index_cast %get3A_196 : i32 to index
          %get3A_198 = arith.index_cast %mul3A_195 : i32 to index
          %get3A_199 = tpu.vector_load %arg5[%get3A_197, %get3A_198] {strides = array<i32>} : memref<16x1152xf32, #tpu.memory_space<vmem>>, vector<16xf32>,
          %add3A_200 = arith.addf %add3A_180, %get3A_199 : vector<16xf32>
          %mul3A_201 = arith.constant 16 : i32
          %mul3A_202 = arith.muli %scan3A_168, %mul3A_201 : i32
          %get3A_203 = arith.constant 5 : i32
          %get3A_204 = arith.index_cast %get3A_203 : i32 to index
          %get3A_205 = arith.index_cast %mul3A_202 : i32 to index
          %get3A_206 = tpu.vector_load %arg5[%get3A_204, %get3A_205] {strides = array<i32>} : memref<16x1152xf32, #tpu.memory_space<vmem>>, vector<16xf32>,
          %add3A_207 = arith.addf %add3A_193, %get3A_206 : vector<16xf32>
          %mul3A_208 = arith.constant 16 : i32
          %mul3A_209 = arith.muli %scan3A_168, %mul3A_208 : i32
          %get3A_210 = arith.constant 6 : i32
          %get3A_211 = arith.index_cast %get3A_210 : i32 to index
          %get3A_212 = arith.index_cast %mul3A_209 : i32 to index
          %get3A_213 = tpu.vector_load %arg5[%get3A_211, %get3A_212] {strides = array<i32>} : memref<16x1152xf32, #tpu.memory_space<vmem>>, vector<16xf32>,
          %add3A_214 = arith.addf %add3A_200, %get3A_213 : vector<16xf32>
          %mul3A_215 = arith.constant 16 : i32
          %mul3A_216 = arith.muli %scan3A_168, %mul3A_215 : i32
          %get3A_217 = arith.constant 7 : i32
          %get3A_218 = arith.index_cast %get3A_217 : i32 to index
          %get3A_219 = arith.index_cast %mul3A_216 : i32 to index
          %get3A_220 = tpu.vector_load %arg5[%get3A_218, %get3A_219] {strides = array<i32>} : memref<16x1152xf32, #tpu.memory_space<vmem>>, vector<16xf32>,
          %add3A_221 = arith.addf %add3A_207, %get3A_220 : vector<16xf32>
          %mul3A_222 = arith.constant 16 : i32
          %mul3A_223 = arith.muli %scan3A_168, %mul3A_222 : i32
          %get3A_224 = arith.constant 8 : i32
          %get3A_225 = arith.index_cast %get3A_224 : i32 to index
          %get3A_226 = arith.index_cast %mul3A_223 : i32 to index
          %get3A_227 = tpu.vector_load %arg5[%get3A_225, %get3A_226] {strides = array<i32>} : memref<16x1152xf32, #tpu.memory_space<vmem>>, vector<16xf32>,
          %add3A_228 = arith.addf %add3A_214, %get3A_227 : vector<16xf32>
          %mul3A_229 = arith.constant 16 : i32
          %mul3A_230 = arith.muli %scan3A_168, %mul3A_229 : i32
          %get3A_231 = arith.constant 9 : i32
          %get3A_232 = arith.index_cast %get3A_231 : i32 to index
          %get3A_233 = arith.index_cast %mul3A_230 : i32 to index
          %get3A_234 = tpu.vector_load %arg5[%get3A_232, %get3A_233] {strides = array<i32>} : memref<16x1152xf32, #tpu.memory_space<vmem>>, vector<16xf32>,
          %add3A_235 = arith.addf %add3A_221, %get3A_234 : vector<16xf32>
          %mul3A_236 = arith.constant 16 : i32
          %mul3A_237 = arith.muli %scan3A_168, %mul3A_236 : i32
          %get3A_238 = arith.constant 10 : i32
          %get3A_239 = arith.index_cast %get3A_238 : i32 to index
          %get3A_240 = arith.index_cast %mul3A_237 : i32 to index
          %get3A_241 = tpu.vector_load %arg5[%get3A_239, %get3A_240] {strides = array<i32>} : memref<16x1152xf32, #tpu.memory_space<vmem>>, vector<16xf32>,
          %add3A_242 = arith.addf %add3A_228, %get3A_241 : vector<16xf32>
          %mul3A_243 = arith.constant 16 : i32
          %mul3A_244 = arith.muli %scan3A_168, %mul3A_243 : i32
          %get3A_245 = arith.constant 11 : i32
          %get3A_246 = arith.index_cast %get3A_245 : i32 to index
          %get3A_247 = arith.index_cast %mul3A_244 : i32 to index
          %get3A_248 = tpu.vector_load %arg5[%get3A_246, %get3A_247] {strides = array<i32>} : memref<16x1152xf32, #tpu.memory_space<vmem>>, vector<16xf32>,
          %add3A_249 = arith.addf %add3A_235, %get3A_248 : vector<16xf32>
          %mul3A_250 = arith.constant 16 : i32
          %mul3A_251 = arith.muli %scan3A_168, %mul3A_250 : i32
          %get3A_252 = arith.constant 12 : i32
          %get3A_253 = arith.index_cast %get3A_252 : i32 to index
          %get3A_254 = arith.index_cast %mul3A_251 : i32 to index
          %get3A_255 = tpu.vector_load %arg5[%get3A_253, %get3A_254] {strides = array<i32>} : memref<16x1152xf32, #tpu.memory_space<vmem>>, vector<16xf32>,
          %add3A_256 = arith.addf %add3A_242, %get3A_255 : vector<16xf32>
          %mul3A_257 = arith.constant 16 : i32
          %mul3A_258 = arith.muli %scan3A_168, %mul3A_257 : i32
          %get3A_259 = arith.constant 13 : i32
          %get3A_260 = arith.index_cast %get3A_259 : i32 to index
          %get3A_261 = arith.index_cast %mul3A_258 : i32 to index
          %get3A_262 = tpu.vector_load %arg5[%get3A_260, %get3A_261] {strides = array<i32>} : memref<16x1152xf32, #tpu.memory_space<vmem>>, vector<16xf32>,
          %add3A_263 = arith.addf %add3A_249, %get3A_262 : vector<16xf32>
          %mul3A_264 = arith.constant 16 : i32
          %mul3A_265 = arith.muli %scan3A_168, %mul3A_264 : i32
          %get3A_266 = arith.constant 14 : i32
          %get3A_267 = arith.index_cast %get3A_266 : i32 to index
          %get3A_268 = arith.index_cast %mul3A_265 : i32 to index
          %get3A_269 = tpu.vector_load %arg5[%get3A_267, %get3A_268] {strides = array<i32>} : memref<16x1152xf32, #tpu.memory_space<vmem>>, vector<16xf32>,
          %add3A_270 = arith.addf %add3A_256, %get3A_269 : vector<16xf32>
          %mul3A_271 = arith.constant 16 : i32
          %mul3A_272 = arith.muli %scan3A_168, %mul3A_271 : i32
          %get3A_273 = arith.constant 15 : i32
          %get3A_274 = arith.index_cast %get3A_273 : i32 to index
          %get3A_275 = arith.index_cast %mul3A_272 : i32 to index
          %get3A_276 = tpu.vector_load %arg5[%get3A_274, %get3A_275] {strides = array<i32>} : memref<16x1152xf32, #tpu.memory_space<vmem>>, vector<16xf32>,
          %add3A_277 = arith.addf %add3A_263, %get3A_276 : vector<16xf32>
          %add3A_278 = arith.addf %add3A_270, %add3A_277 : vector<16xf32>
          %mul3A_279 = arith.constant 16 : i32
          %mul3A_280 = arith.muli %scan3A_168, %mul3A_279 : i32
          %add3A_281 = arith.constant 0 : i32
          %add3A_282 = arith.addi %add3A_281, %mul3A_280 : i32
          %swap3A = arith.index_cast %add3A_282 : i32 to index
          %swap3A_283 = tpu.vector_load %arg9[%swap3A] {strides = array<i32>} : memref<4736xf32, #tpu.memory_space<vmem>>, vector<16xf32>,
          tpu.vector_store %arg9[%swap3A], %add3A_278 {strides = array<i32>} : memref<4736xf32, #tpu.memory_space<vmem>>, vector<16xf32>,
          %scan3A_284 = arith.constant 1 : i32
          %scan3A_285 = arith.addi %scan3A_168, %scan3A_284 : i32
          %mul3A_286 = arith.constant 16 : i32
          %mul3A_287 = arith.muli %scan3A_285, %mul3A_286 : i32
          %get3A_288 = arith.constant 0 : i32
          %get3A_289 = arith.index_cast %get3A_288 : i32 to index
          %get3A_290 = arith.index_cast %mul3A_287 : i32 to index
          %get3A_291 = tpu.vector_load %arg5[%get3A_289, %get3A_290] {strides = array<i32>} : memref<16x1152xf32, #tpu.memory_space<vmem>>, vector<16xf32>,
          %mul3A_292 = arith.constant 16 : i32
          %mul3A_293 = arith.muli %scan3A_285, %mul3A_292 : i32
          %get3A_294 = arith.constant 1 : i32
          %get3A_295 = arith.index_cast %get3A_294 : i32 to index
          %get3A_296 = arith.index_cast %mul3A_293 : i32 to index
          %get3A_297 = tpu.vector_load %arg5[%get3A_295, %get3A_296] {strides = array<i32>} : memref<16x1152xf32, #tpu.memory_space<vmem>>, vector<16xf32>,
          %add3A_298 = arith.addf %get3A_291, %get3A_297 : vector<16xf32>
          %mul3A_299 = arith.constant 16 : i32
          %mul3A_300 = arith.muli %scan3A_285, %mul3A_299 : i32
          %get3A_301 = arith.constant 2 : i32
          %get3A_302 = arith.index_cast %get3A_301 : i32 to index
          %get3A_303 = arith.index_cast %mul3A_300 : i32 to index
          %get3A_304 = tpu.vector_load %arg5[%get3A_302, %get3A_303] {strides = array<i32>} : memref<16x1152xf32, #tpu.memory_space<vmem>>, vector<16xf32>,
          %mul3A_305 = arith.constant 16 : i32
          %mul3A_306 = arith.muli %scan3A_285, %mul3A_305 : i32
          %get3A_307 = arith.constant 3 : i32
          %get3A_308 = arith.index_cast %get3A_307 : i32 to index
          %get3A_309 = arith.index_cast %mul3A_306 : i32 to index
          %get3A_310 = tpu.vector_load %arg5[%get3A_308, %get3A_309] {strides = array<i32>} : memref<16x1152xf32, #tpu.memory_space<vmem>>, vector<16xf32>,
          %add3A_311 = arith.addf %get3A_304, %get3A_310 : vector<16xf32>
          %mul3A_312 = arith.constant 16 : i32
          %mul3A_313 = arith.muli %scan3A_285, %mul3A_312 : i32
          %get3A_314 = arith.constant 4 : i32
          %get3A_315 = arith.index_cast %get3A_314 : i32 to index
          %get3A_316 = arith.index_cast %mul3A_313 : i32 to index
          %get3A_317 = tpu.vector_load %arg5[%get3A_315, %get3A_316] {strides = array<i32>} : memref<16x1152xf32, #tpu.memory_space<vmem>>, vector<16xf32>,
          %add3A_318 = arith.addf %add3A_298, %get3A_317 : vector<16xf32>
          %mul3A_319 = arith.constant 16 : i32
          %mul3A_320 = arith.muli %scan3A_285, %mul3A_319 : i32
          %get3A_321 = arith.constant 5 : i32
          %get3A_322 = arith.index_cast %get3A_321 : i32 to index
          %get3A_323 = arith.index_cast %mul3A_320 : i32 to index
          %get3A_324 = tpu.vector_load %arg5[%get3A_322, %get3A_323] {strides = array<i32>} : memref<16x1152xf32, #tpu.memory_space<vmem>>, vector<16xf32>,
          %add3A_325 = arith.addf %add3A_311, %get3A_324 : vector<16xf32>
          %mul3A_326 = arith.constant 16 : i32
          %mul3A_327 = arith.muli %scan3A_285, %mul3A_326 : i32
          %get3A_328 = arith.constant 6 : i32
          %get3A_329 = arith.index_cast %get3A_328 : i32 to index
          %get3A_330 = arith.index_cast %mul3A_327 : i32 to index
          %get3A_331 = tpu.vector_load %arg5[%get3A_329, %get3A_330] {strides = array<i32>} : memref<16x1152xf32, #tpu.memory_space<vmem>>, vector<16xf32>,
          %add3A_332 = arith.addf %add3A_318, %get3A_331 : vector<16xf32>
          %mul3A_333 = arith.constant 16 : i32
          %mul3A_334 = arith.muli %scan3A_285, %mul3A_333 : i32
          %get3A_335 = arith.constant 7 : i32
          %get3A_336 = arith.index_cast %get3A_335 : i32 to index
          %get3A_337 = arith.index_cast %mul3A_334 : i32 to index
          %get3A_338 = tpu.vector_load %arg5[%get3A_336, %get3A_337] {strides = array<i32>} : memref<16x1152xf32, #tpu.memory_space<vmem>>, vector<16xf32>,
          %add3A_339 = arith.addf %add3A_325, %get3A_338 : vector<16xf32>
          %mul3A_340 = arith.constant 16 : i32
          %mul3A_341 = arith.muli %scan3A_285, %mul3A_340 : i32
          %get3A_342 = arith.constant 8 : i32
          %get3A_343 = arith.index_cast %get3A_342 : i32 to index
          %get3A_344 = arith.index_cast %mul3A_341 : i32 to index
          %get3A_345 = tpu.vector_load %arg5[%get3A_343, %get3A_344] {strides = array<i32>} : memref<16x1152xf32, #tpu.memory_space<vmem>>, vector<16xf32>,
          %add3A_346 = arith.addf %add3A_332, %get3A_345 : vector<16xf32>
          %mul3A_347 = arith.constant 16 : i32
          %mul3A_348 = arith.muli %scan3A_285, %mul3A_347 : i32
          %get3A_349 = arith.constant 9 : i32
          %get3A_350 = arith.index_cast %get3A_349 : i32 to index
          %get3A_351 = arith.index_cast %mul3A_348 : i32 to index
          %get3A_352 = tpu.vector_load %arg5[%get3A_350, %get3A_351] {strides = array<i32>} : memref<16x1152xf32, #tpu.memory_space<vmem>>, vector<16xf32>,
          %add3A_353 = arith.addf %add3A_339, %get3A_352 : vector<16xf32>
          %mul3A_354 = arith.constant 16 : i32
          %mul3A_355 = arith.muli %scan3A_285, %mul3A_354 : i32
          %get3A_356 = arith.constant 10 : i32
          %get3A_357 = arith.index_cast %get3A_356 : i32 to index
          %get3A_358 = arith.index_cast %mul3A_355 : i32 to index
          %get3A_359 = tpu.vector_load %arg5[%get3A_357, %get3A_358] {strides = array<i32>} : memref<16x1152xf32, #tpu.memory_space<vmem>>, vector<16xf32>,
          %add3A_360 = arith.addf %add3A_346, %get3A_359 : vector<16xf32>
          %mul3A_361 = arith.constant 16 : i32
          %mul3A_362 = arith.muli %scan3A_285, %mul3A_361 : i32
          %get3A_363 = arith.constant 11 : i32
          %get3A_364 = arith.index_cast %get3A_363 : i32 to index
          %get3A_365 = arith.index_cast %mul3A_362 : i32 to index
          %get3A_366 = tpu.vector_load %arg5[%get3A_364, %get3A_365] {strides = array<i32>} : memref<16x1152xf32, #tpu.memory_space<vmem>>, vector<16xf32>,
          %add3A_367 = arith.addf %add3A_353, %get3A_366 : vector<16xf32>
          %mul3A_368 = arith.constant 16 : i32
          %mul3A_369 = arith.muli %scan3A_285, %mul3A_368 : i32
          %get3A_370 = arith.constant 12 : i32
          %get3A_371 = arith.index_cast %get3A_370 : i32 to index
          %get3A_372 = arith.index_cast %mul3A_369 : i32 to index
          %get3A_373 = tpu.vector_load %arg5[%get3A_371, %get3A_372] {strides = array<i32>} : memref<16x1152xf32, #tpu.memory_space<vmem>>, vector<16xf32>,
          %add3A_374 = arith.addf %add3A_360, %get3A_373 : vector<16xf32>
          %mul3A_375 = arith.constant 16 : i32
          %mul3A_376 = arith.muli %scan3A_285, %mul3A_375 : i32
          %get3A_377 = arith.constant 13 : i32
          %get3A_378 = arith.index_cast %get3A_377 : i32 to index
          %get3A_379 = arith.index_cast %mul3A_376 : i32 to index
          %get3A_380 = tpu.vector_load %arg5[%get3A_378, %get3A_379] {strides = array<i32>} : memref<16x1152xf32, #tpu.memory_space<vmem>>, vector<16xf32>,
          %add3A_381 = arith.addf %add3A_367, %get3A_380 : vector<16xf32>
          %mul3A_382 = arith.constant 16 : i32
          %mul3A_383 = arith.muli %scan3A_285, %mul3A_382 : i32
          %get3A_384 = arith.constant 14 : i32
          %get3A_385 = arith.index_cast %get3A_384 : i32 to index
          %get3A_386 = arith.index_cast %mul3A_383 : i32 to index
          %get3A_387 = tpu.vector_load %arg5[%get3A_385, %get3A_386] {strides = array<i32>} : memref<16x1152xf32, #tpu.memory_space<vmem>>, vector<16xf32>,
          %add3A_388 = arith.addf %add3A_374, %get3A_387 : vector<16xf32>
          %mul3A_389 = arith.constant 16 : i32
          %mul3A_390 = arith.muli %scan3A_285, %mul3A_389 : i32
          %get3A_391 = arith.constant 15 : i32
          %get3A_392 = arith.index_cast %get3A_391 : i32 to index
          %get3A_393 = arith.index_cast %mul3A_390 : i32 to index
          %get3A_394 = tpu.vector_load %arg5[%get3A_392, %get3A_393] {strides = array<i32>} : memref<16x1152xf32, #tpu.memory_space<vmem>>, vector<16xf32>,
          %add3A_395 = arith.addf %add3A_381, %get3A_394 : vector<16xf32>
          %add3A_396 = arith.addf %add3A_388, %add3A_395 : vector<16xf32>
          %mul3A_397 = arith.constant 16 : i32
          %mul3A_398 = arith.muli %scan3A_285, %mul3A_397 : i32
          %add3A_399 = arith.constant 0 : i32
          %add3A_400 = arith.addi %add3A_399, %mul3A_398 : i32
          %swap3A_401 = arith.index_cast %add3A_400 : i32 to index
          %swap3A_402 = tpu.vector_load %arg9[%swap3A_401] {strides = array<i32>} : memref<4736xf32, #tpu.memory_space<vmem>>, vector<16xf32>,
          tpu.vector_store %arg9[%swap3A_401], %add3A_396 {strides = array<i32>} : memref<4736xf32, #tpu.memory_space<vmem>>, vector<16xf32>,
        }
        %scan3A_81 = arith.constant 72 : i32
        %lt3A_82 = arith.constant 25 : i32
        %lt3A_83 = arith.cmpi slt, %scan3A_64, %lt3A_82 : i32
        %convert_element_type3A_84 = arith.extui %lt3A_83 : i1 to i32
        %cond3A_85 = arith.constant 0 : i32
        %cond3A_86 = arith.cmpi ne, %convert_element_type3A_84, %cond3A_85 : i32
        scf.if %cond3A_86 {
          %add3A_168 = arith.constant 1 : i32
          %add3A_169 = arith.addi %scan3A_64, %add3A_168 : i32
          %mul3A_170 = arith.constant 16 : i32
          %mul3A_171 = arith.muli %add3A_169, %mul3A_170 : i32
          %dma_start3A_172 = arith.constant 0 : i32
          %dma_start3A_173 = arith.constant 0 : i32
          %dma_start3A_174 = tpu.memref_slice %arg5[%dma_start3A_172, %dma_start3A_173] : memref<16x1152xf32, #tpu.memory_space<vmem>> -> memref<16x1152xf32, #tpu.memory_space<vmem>>
          %dma_start3A_175 = arith.constant 95232 : i32
          %dma_start3A_176 = tpu.memref_slice %arg2[%mul3A_171, %dma_start3A_175] : memref<416x100000xf32, #tpu.memory_space<hbm>> -> memref<16x1152xf32, #tpu.memory_space<hbm>>
          %dma_start3A_177 = arith.constant 0 : i32
          %dma_start3A_178 = arith.constant 0 : i32
          %dma_start3A_179 = tpu.memref_slice %arg5[%dma_start3A_177, %dma_start3A_178] : memref<16x1152xf32, #tpu.memory_space<vmem>> -> memref<16x1152xf32, #tpu.memory_space<vmem>>
          %dma_start3A_180 = arith.constant 95232 : i32
          %dma_start3A_181 = tpu.memref_slice %arg2[%mul3A_171, %dma_start3A_180] : memref<416x100000xf32, #tpu.memory_space<hbm>> -> memref<16x1152xf32, #tpu.memory_space<hbm>>
          tpu.enqueue_dma source(%dma_start3A_181 : memref<16x1152xf32, #tpu.memory_space<hbm>>) target(%dma_start3A_179 : memref<16x1152xf32, #tpu.memory_space<vmem>>) target_semaphore(%arg12 : memref<!tpu.dma_semaphore, #tpu.memory_space<semaphore_mem>>)
        } else {
        }
        %mul3A_87 = arith.constant 16 : i32
        %mul3A_88 = arith.muli %scan3A_64, %mul3A_87 : i32
        %dma_wait3A_89 = arith.constant 0 : i32
        %dma_wait3A_90 = arith.constant 0 : i32
        %dma_wait3A_91 = tpu.memref_slice %arg6[%dma_wait3A_89, %dma_wait3A_90] : memref<16x1152xf32, #tpu.memory_space<vmem>> -> memref<16x1152xf32, #tpu.memory_space<vmem>>
        %dma_wait3A_92 = arith.constant 96384 : i32
        %dma_wait3A_93 = tpu.memref_slice %arg2[%mul3A_88, %dma_wait3A_92] : memref<416x100000xf32, #tpu.memory_space<hbm>> -> memref<16x1152xf32, #tpu.memory_space<hbm>>
        %dma_wait3A_94 = arith.constant 0 : i32
        %dma_wait3A_95 = arith.constant 0 : i32
        %dma_wait3A_96 = tpu.memref_slice %arg6[%dma_wait3A_94, %dma_wait3A_95] : memref<16x1152xf32, #tpu.memory_space<vmem>> -> memref<16x1152xf32, #tpu.memory_space<vmem>>
        %dma_wait3A_97 = arith.constant 96384 : i32
        %dma_wait3A_98 = tpu.memref_slice %arg2[%mul3A_88, %dma_wait3A_97] : memref<416x100000xf32, #tpu.memory_space<hbm>> -> memref<16x1152xf32, #tpu.memory_space<hbm>>
        tpu.wait_dma2 semaphore(%arg13 : memref<!tpu.dma_semaphore, #tpu.memory_space<semaphore_mem>>) src(%dma_wait3A_98 : memref<16x1152xf32, #tpu.memory_space<hbm>>) dst(%dma_wait3A_96 : memref<16x1152xf32, #tpu.memory_space<vmem>>)
        %scan3A_99 = arith.constant 0 : i32
        %scan3A_100 = arith.constant 0 : i32
        %scan3A_101 = arith.constant 72 : i32
        %scan3A_102 = arith.addi %scan3A_100, %scan3A_101 : i32
        %scan3A_103 = arith.constant 2 : i32
        scf.for %scan3A_168 = %scan3A_100 to %scan3A_102 step %scan3A_103  : i32 {
          %mul3A_169 = arith.constant 16 : i32
          %mul3A_170 = arith.muli %scan3A_168, %mul3A_169 : i32
          %get3A = arith.constant 0 : i32
          %get3A_171 = arith.index_cast %get3A : i32 to index
          %get3A_172 = arith.index_cast %mul3A_170 : i32 to index
          %get3A_173 = tpu.vector_load %arg6[%get3A_171, %get3A_172] {strides = array<i32>} : memref<16x1152xf32, #tpu.memory_space<vmem>>, vector<16xf32>,
          %mul3A_174 = arith.constant 16 : i32
          %mul3A_175 = arith.muli %scan3A_168, %mul3A_174 : i32
          %get3A_176 = arith.constant 1 : i32
          %get3A_177 = arith.index_cast %get3A_176 : i32 to index
          %get3A_178 = arith.index_cast %mul3A_175 : i32 to index
          %get3A_179 = tpu.vector_load %arg6[%get3A_177, %get3A_178] {strides = array<i32>} : memref<16x1152xf32, #tpu.memory_space<vmem>>, vector<16xf32>,
          %add3A_180 = arith.addf %get3A_173, %get3A_179 : vector<16xf32>
          %mul3A_181 = arith.constant 16 : i32
          %mul3A_182 = arith.muli %scan3A_168, %mul3A_181 : i32
          %get3A_183 = arith.constant 2 : i32
          %get3A_184 = arith.index_cast %get3A_183 : i32 to index
          %get3A_185 = arith.index_cast %mul3A_182 : i32 to index
          %get3A_186 = tpu.vector_load %arg6[%get3A_184, %get3A_185] {strides = array<i32>} : memref<16x1152xf32, #tpu.memory_space<vmem>>, vector<16xf32>,
          %mul3A_187 = arith.constant 16 : i32
          %mul3A_188 = arith.muli %scan3A_168, %mul3A_187 : i32
          %get3A_189 = arith.constant 3 : i32
          %get3A_190 = arith.index_cast %get3A_189 : i32 to index
          %get3A_191 = arith.index_cast %mul3A_188 : i32 to index
          %get3A_192 = tpu.vector_load %arg6[%get3A_190, %get3A_191] {strides = array<i32>} : memref<16x1152xf32, #tpu.memory_space<vmem>>, vector<16xf32>,
          %add3A_193 = arith.addf %get3A_186, %get3A_192 : vector<16xf32>
          %mul3A_194 = arith.constant 16 : i32
          %mul3A_195 = arith.muli %scan3A_168, %mul3A_194 : i32
          %get3A_196 = arith.constant 4 : i32
          %get3A_197 = arith.index_cast %get3A_196 : i32 to index
          %get3A_198 = arith.index_cast %mul3A_195 : i32 to index
          %get3A_199 = tpu.vector_load %arg6[%get3A_197, %get3A_198] {strides = array<i32>} : memref<16x1152xf32, #tpu.memory_space<vmem>>, vector<16xf32>,
          %add3A_200 = arith.addf %add3A_180, %get3A_199 : vector<16xf32>
          %mul3A_201 = arith.constant 16 : i32
          %mul3A_202 = arith.muli %scan3A_168, %mul3A_201 : i32
          %get3A_203 = arith.constant 5 : i32
          %get3A_204 = arith.index_cast %get3A_203 : i32 to index
          %get3A_205 = arith.index_cast %mul3A_202 : i32 to index
          %get3A_206 = tpu.vector_load %arg6[%get3A_204, %get3A_205] {strides = array<i32>} : memref<16x1152xf32, #tpu.memory_space<vmem>>, vector<16xf32>,
          %add3A_207 = arith.addf %add3A_193, %get3A_206 : vector<16xf32>
          %mul3A_208 = arith.constant 16 : i32
          %mul3A_209 = arith.muli %scan3A_168, %mul3A_208 : i32
          %get3A_210 = arith.constant 6 : i32
          %get3A_211 = arith.index_cast %get3A_210 : i32 to index
          %get3A_212 = arith.index_cast %mul3A_209 : i32 to index
          %get3A_213 = tpu.vector_load %arg6[%get3A_211, %get3A_212] {strides = array<i32>} : memref<16x1152xf32, #tpu.memory_space<vmem>>, vector<16xf32>,
          %add3A_214 = arith.addf %add3A_200, %get3A_213 : vector<16xf32>
          %mul3A_215 = arith.constant 16 : i32
          %mul3A_216 = arith.muli %scan3A_168, %mul3A_215 : i32
          %get3A_217 = arith.constant 7 : i32
          %get3A_218 = arith.index_cast %get3A_217 : i32 to index
          %get3A_219 = arith.index_cast %mul3A_216 : i32 to index
          %get3A_220 = tpu.vector_load %arg6[%get3A_218, %get3A_219] {strides = array<i32>} : memref<16x1152xf32, #tpu.memory_space<vmem>>, vector<16xf32>,
          %add3A_221 = arith.addf %add3A_207, %get3A_220 : vector<16xf32>
          %mul3A_222 = arith.constant 16 : i32
          %mul3A_223 = arith.muli %scan3A_168, %mul3A_222 : i32
          %get3A_224 = arith.constant 8 : i32
          %get3A_225 = arith.index_cast %get3A_224 : i32 to index
          %get3A_226 = arith.index_cast %mul3A_223 : i32 to index
          %get3A_227 = tpu.vector_load %arg6[%get3A_225, %get3A_226] {strides = array<i32>} : memref<16x1152xf32, #tpu.memory_space<vmem>>, vector<16xf32>,
          %add3A_228 = arith.addf %add3A_214, %get3A_227 : vector<16xf32>
          %mul3A_229 = arith.constant 16 : i32
          %mul3A_230 = arith.muli %scan3A_168, %mul3A_229 : i32
          %get3A_231 = arith.constant 9 : i32
          %get3A_232 = arith.index_cast %get3A_231 : i32 to index
          %get3A_233 = arith.index_cast %mul3A_230 : i32 to index
          %get3A_234 = tpu.vector_load %arg6[%get3A_232, %get3A_233] {strides = array<i32>} : memref<16x1152xf32, #tpu.memory_space<vmem>>, vector<16xf32>,
          %add3A_235 = arith.addf %add3A_221, %get3A_234 : vector<16xf32>
          %mul3A_236 = arith.constant 16 : i32
          %mul3A_237 = arith.muli %scan3A_168, %mul3A_236 : i32
          %get3A_238 = arith.constant 10 : i32
          %get3A_239 = arith.index_cast %get3A_238 : i32 to index
          %get3A_240 = arith.index_cast %mul3A_237 : i32 to index
          %get3A_241 = tpu.vector_load %arg6[%get3A_239, %get3A_240] {strides = array<i32>} : memref<16x1152xf32, #tpu.memory_space<vmem>>, vector<16xf32>,
          %add3A_242 = arith.addf %add3A_228, %get3A_241 : vector<16xf32>
          %mul3A_243 = arith.constant 16 : i32
          %mul3A_244 = arith.muli %scan3A_168, %mul3A_243 : i32
          %get3A_245 = arith.constant 11 : i32
          %get3A_246 = arith.index_cast %get3A_245 : i32 to index
          %get3A_247 = arith.index_cast %mul3A_244 : i32 to index
          %get3A_248 = tpu.vector_load %arg6[%get3A_246, %get3A_247] {strides = array<i32>} : memref<16x1152xf32, #tpu.memory_space<vmem>>, vector<16xf32>,
          %add3A_249 = arith.addf %add3A_235, %get3A_248 : vector<16xf32>
          %mul3A_250 = arith.constant 16 : i32
          %mul3A_251 = arith.muli %scan3A_168, %mul3A_250 : i32
          %get3A_252 = arith.constant 12 : i32
          %get3A_253 = arith.index_cast %get3A_252 : i32 to index
          %get3A_254 = arith.index_cast %mul3A_251 : i32 to index
          %get3A_255 = tpu.vector_load %arg6[%get3A_253, %get3A_254] {strides = array<i32>} : memref<16x1152xf32, #tpu.memory_space<vmem>>, vector<16xf32>,
          %add3A_256 = arith.addf %add3A_242, %get3A_255 : vector<16xf32>
          %mul3A_257 = arith.constant 16 : i32
          %mul3A_258 = arith.muli %scan3A_168, %mul3A_257 : i32
          %get3A_259 = arith.constant 13 : i32
          %get3A_260 = arith.index_cast %get3A_259 : i32 to index
          %get3A_261 = arith.index_cast %mul3A_258 : i32 to index
          %get3A_262 = tpu.vector_load %arg6[%get3A_260, %get3A_261] {strides = array<i32>} : memref<16x1152xf32, #tpu.memory_space<vmem>>, vector<16xf32>,
          %add3A_263 = arith.addf %add3A_249, %get3A_262 : vector<16xf32>
          %mul3A_264 = arith.constant 16 : i32
          %mul3A_265 = arith.muli %scan3A_168, %mul3A_264 : i32
          %get3A_266 = arith.constant 14 : i32
          %get3A_267 = arith.index_cast %get3A_266 : i32 to index
          %get3A_268 = arith.index_cast %mul3A_265 : i32 to index
          %get3A_269 = tpu.vector_load %arg6[%get3A_267, %get3A_268] {strides = array<i32>} : memref<16x1152xf32, #tpu.memory_space<vmem>>, vector<16xf32>,
          %add3A_270 = arith.addf %add3A_256, %get3A_269 : vector<16xf32>
          %mul3A_271 = arith.constant 16 : i32
          %mul3A_272 = arith.muli %scan3A_168, %mul3A_271 : i32
          %get3A_273 = arith.constant 15 : i32
          %get3A_274 = arith.index_cast %get3A_273 : i32 to index
          %get3A_275 = arith.index_cast %mul3A_272 : i32 to index
          %get3A_276 = tpu.vector_load %arg6[%get3A_274, %get3A_275] {strides = array<i32>} : memref<16x1152xf32, #tpu.memory_space<vmem>>, vector<16xf32>,
          %add3A_277 = arith.addf %add3A_263, %get3A_276 : vector<16xf32>
          %add3A_278 = arith.addf %add3A_270, %add3A_277 : vector<16xf32>
          %mul3A_279 = arith.constant 16 : i32
          %mul3A_280 = arith.muli %scan3A_168, %mul3A_279 : i32
          %add3A_281 = arith.constant 1152 : i32
          %add3A_282 = arith.addi %add3A_281, %mul3A_280 : i32
          %swap3A = arith.index_cast %add3A_282 : i32 to index
          %swap3A_283 = tpu.vector_load %arg9[%swap3A] {strides = array<i32>} : memref<4736xf32, #tpu.memory_space<vmem>>, vector<16xf32>,
          tpu.vector_store %arg9[%swap3A], %add3A_278 {strides = array<i32>} : memref<4736xf32, #tpu.memory_space<vmem>>, vector<16xf32>,
          %scan3A_284 = arith.constant 1 : i32
          %scan3A_285 = arith.addi %scan3A_168, %scan3A_284 : i32
          %mul3A_286 = arith.constant 16 : i32
          %mul3A_287 = arith.muli %scan3A_285, %mul3A_286 : i32
          %get3A_288 = arith.constant 0 : i32
          %get3A_289 = arith.index_cast %get3A_288 : i32 to index
          %get3A_290 = arith.index_cast %mul3A_287 : i32 to index
          %get3A_291 = tpu.vector_load %arg6[%get3A_289, %get3A_290] {strides = array<i32>} : memref<16x1152xf32, #tpu.memory_space<vmem>>, vector<16xf32>,
          %mul3A_292 = arith.constant 16 : i32
          %mul3A_293 = arith.muli %scan3A_285, %mul3A_292 : i32
          %get3A_294 = arith.constant 1 : i32
          %get3A_295 = arith.index_cast %get3A_294 : i32 to index
          %get3A_296 = arith.index_cast %mul3A_293 : i32 to index
          %get3A_297 = tpu.vector_load %arg6[%get3A_295, %get3A_296] {strides = array<i32>} : memref<16x1152xf32, #tpu.memory_space<vmem>>, vector<16xf32>,
          %add3A_298 = arith.addf %get3A_291, %get3A_297 : vector<16xf32>
          %mul3A_299 = arith.constant 16 : i32
          %mul3A_300 = arith.muli %scan3A_285, %mul3A_299 : i32
          %get3A_301 = arith.constant 2 : i32
          %get3A_302 = arith.index_cast %get3A_301 : i32 to index
          %get3A_303 = arith.index_cast %mul3A_300 : i32 to index
          %get3A_304 = tpu.vector_load %arg6[%get3A_302, %get3A_303] {strides = array<i32>} : memref<16x1152xf32, #tpu.memory_space<vmem>>, vector<16xf32>,
          %mul3A_305 = arith.constant 16 : i32
          %mul3A_306 = arith.muli %scan3A_285, %mul3A_305 : i32
          %get3A_307 = arith.constant 3 : i32
          %get3A_308 = arith.index_cast %get3A_307 : i32 to index
          %get3A_309 = arith.index_cast %mul3A_306 : i32 to index
          %get3A_310 = tpu.vector_load %arg6[%get3A_308, %get3A_309] {strides = array<i32>} : memref<16x1152xf32, #tpu.memory_space<vmem>>, vector<16xf32>,
          %add3A_311 = arith.addf %get3A_304, %get3A_310 : vector<16xf32>
          %mul3A_312 = arith.constant 16 : i32
          %mul3A_313 = arith.muli %scan3A_285, %mul3A_312 : i32
          %get3A_314 = arith.constant 4 : i32
          %get3A_315 = arith.index_cast %get3A_314 : i32 to index
          %get3A_316 = arith.index_cast %mul3A_313 : i32 to index
          %get3A_317 = tpu.vector_load %arg6[%get3A_315, %get3A_316] {strides = array<i32>} : memref<16x1152xf32, #tpu.memory_space<vmem>>, vector<16xf32>,
          %add3A_318 = arith.addf %add3A_298, %get3A_317 : vector<16xf32>
          %mul3A_319 = arith.constant 16 : i32
          %mul3A_320 = arith.muli %scan3A_285, %mul3A_319 : i32
          %get3A_321 = arith.constant 5 : i32
          %get3A_322 = arith.index_cast %get3A_321 : i32 to index
          %get3A_323 = arith.index_cast %mul3A_320 : i32 to index
          %get3A_324 = tpu.vector_load %arg6[%get3A_322, %get3A_323] {strides = array<i32>} : memref<16x1152xf32, #tpu.memory_space<vmem>>, vector<16xf32>,
          %add3A_325 = arith.addf %add3A_311, %get3A_324 : vector<16xf32>
          %mul3A_326 = arith.constant 16 : i32
          %mul3A_327 = arith.muli %scan3A_285, %mul3A_326 : i32
          %get3A_328 = arith.constant 6 : i32
          %get3A_329 = arith.index_cast %get3A_328 : i32 to index
          %get3A_330 = arith.index_cast %mul3A_327 : i32 to index
          %get3A_331 = tpu.vector_load %arg6[%get3A_329, %get3A_330] {strides = array<i32>} : memref<16x1152xf32, #tpu.memory_space<vmem>>, vector<16xf32>,
          %add3A_332 = arith.addf %add3A_318, %get3A_331 : vector<16xf32>
          %mul3A_333 = arith.constant 16 : i32
          %mul3A_334 = arith.muli %scan3A_285, %mul3A_333 : i32
          %get3A_335 = arith.constant 7 : i32
          %get3A_336 = arith.index_cast %get3A_335 : i32 to index
          %get3A_337 = arith.index_cast %mul3A_334 : i32 to index
          %get3A_338 = tpu.vector_load %arg6[%get3A_336, %get3A_337] {strides = array<i32>} : memref<16x1152xf32, #tpu.memory_space<vmem>>, vector<16xf32>,
          %add3A_339 = arith.addf %add3A_325, %get3A_338 : vector<16xf32>
          %mul3A_340 = arith.constant 16 : i32
          %mul3A_341 = arith.muli %scan3A_285, %mul3A_340 : i32
          %get3A_342 = arith.constant 8 : i32
          %get3A_343 = arith.index_cast %get3A_342 : i32 to index
          %get3A_344 = arith.index_cast %mul3A_341 : i32 to index
          %get3A_345 = tpu.vector_load %arg6[%get3A_343, %get3A_344] {strides = array<i32>} : memref<16x1152xf32, #tpu.memory_space<vmem>>, vector<16xf32>,
          %add3A_346 = arith.addf %add3A_332, %get3A_345 : vector<16xf32>
          %mul3A_347 = arith.constant 16 : i32
          %mul3A_348 = arith.muli %scan3A_285, %mul3A_347 : i32
          %get3A_349 = arith.constant 9 : i32
          %get3A_350 = arith.index_cast %get3A_349 : i32 to index
          %get3A_351 = arith.index_cast %mul3A_348 : i32 to index
          %get3A_352 = tpu.vector_load %arg6[%get3A_350, %get3A_351] {strides = array<i32>} : memref<16x1152xf32, #tpu.memory_space<vmem>>, vector<16xf32>,
          %add3A_353 = arith.addf %add3A_339, %get3A_352 : vector<16xf32>
          %mul3A_354 = arith.constant 16 : i32
          %mul3A_355 = arith.muli %scan3A_285, %mul3A_354 : i32
          %get3A_356 = arith.constant 10 : i32
          %get3A_357 = arith.index_cast %get3A_356 : i32 to index
          %get3A_358 = arith.index_cast %mul3A_355 : i32 to index
          %get3A_359 = tpu.vector_load %arg6[%get3A_357, %get3A_358] {strides = array<i32>} : memref<16x1152xf32, #tpu.memory_space<vmem>>, vector<16xf32>,
          %add3A_360 = arith.addf %add3A_346, %get3A_359 : vector<16xf32>
          %mul3A_361 = arith.constant 16 : i32
          %mul3A_362 = arith.muli %scan3A_285, %mul3A_361 : i32
          %get3A_363 = arith.constant 11 : i32
          %get3A_364 = arith.index_cast %get3A_363 : i32 to index
          %get3A_365 = arith.index_cast %mul3A_362 : i32 to index
          %get3A_366 = tpu.vector_load %arg6[%get3A_364, %get3A_365] {strides = array<i32>} : memref<16x1152xf32, #tpu.memory_space<vmem>>, vector<16xf32>,
          %add3A_367 = arith.addf %add3A_353, %get3A_366 : vector<16xf32>
          %mul3A_368 = arith.constant 16 : i32
          %mul3A_369 = arith.muli %scan3A_285, %mul3A_368 : i32
          %get3A_370 = arith.constant 12 : i32
          %get3A_371 = arith.index_cast %get3A_370 : i32 to index
          %get3A_372 = arith.index_cast %mul3A_369 : i32 to index
          %get3A_373 = tpu.vector_load %arg6[%get3A_371, %get3A_372] {strides = array<i32>} : memref<16x1152xf32, #tpu.memory_space<vmem>>, vector<16xf32>,
          %add3A_374 = arith.addf %add3A_360, %get3A_373 : vector<16xf32>
          %mul3A_375 = arith.constant 16 : i32
          %mul3A_376 = arith.muli %scan3A_285, %mul3A_375 : i32
          %get3A_377 = arith.constant 13 : i32
          %get3A_378 = arith.index_cast %get3A_377 : i32 to index
          %get3A_379 = arith.index_cast %mul3A_376 : i32 to index
          %get3A_380 = tpu.vector_load %arg6[%get3A_378, %get3A_379] {strides = array<i32>} : memref<16x1152xf32, #tpu.memory_space<vmem>>, vector<16xf32>,
          %add3A_381 = arith.addf %add3A_367, %get3A_380 : vector<16xf32>
          %mul3A_382 = arith.constant 16 : i32
          %mul3A_383 = arith.muli %scan3A_285, %mul3A_382 : i32
          %get3A_384 = arith.constant 14 : i32
          %get3A_385 = arith.index_cast %get3A_384 : i32 to index
          %get3A_386 = arith.index_cast %mul3A_383 : i32 to index
          %get3A_387 = tpu.vector_load %arg6[%get3A_385, %get3A_386] {strides = array<i32>} : memref<16x1152xf32, #tpu.memory_space<vmem>>, vector<16xf32>,
          %add3A_388 = arith.addf %add3A_374, %get3A_387 : vector<16xf32>
          %mul3A_389 = arith.constant 16 : i32
          %mul3A_390 = arith.muli %scan3A_285, %mul3A_389 : i32
          %get3A_391 = arith.constant 15 : i32
          %get3A_392 = arith.index_cast %get3A_391 : i32 to index
          %get3A_393 = arith.index_cast %mul3A_390 : i32 to index
          %get3A_394 = tpu.vector_load %arg6[%get3A_392, %get3A_393] {strides = array<i32>} : memref<16x1152xf32, #tpu.memory_space<vmem>>, vector<16xf32>,
          %add3A_395 = arith.addf %add3A_381, %get3A_394 : vector<16xf32>
          %add3A_396 = arith.addf %add3A_388, %add3A_395 : vector<16xf32>
          %mul3A_397 = arith.constant 16 : i32
          %mul3A_398 = arith.muli %scan3A_285, %mul3A_397 : i32
          %add3A_399 = arith.constant 1152 : i32
          %add3A_400 = arith.addi %add3A_399, %mul3A_398 : i32
          %swap3A_401 = arith.index_cast %add3A_400 : i32 to index
          %swap3A_402 = tpu.vector_load %arg9[%swap3A_401] {strides = array<i32>} : memref<4736xf32, #tpu.memory_space<vmem>>, vector<16xf32>,
          tpu.vector_store %arg9[%swap3A_401], %add3A_396 {strides = array<i32>} : memref<4736xf32, #tpu.memory_space<vmem>>, vector<16xf32>,
        }
        %scan3A_104 = arith.constant 72 : i32
        %lt3A_105 = arith.constant 25 : i32
        %lt3A_106 = arith.cmpi slt, %scan3A_64, %lt3A_105 : i32
        %convert_element_type3A_107 = arith.extui %lt3A_106 : i1 to i32
        %cond3A_108 = arith.constant 0 : i32
        %cond3A_109 = arith.cmpi ne, %convert_element_type3A_107, %cond3A_108 : i32
        scf.if %cond3A_109 {
          %add3A_168 = arith.constant 1 : i32
          %add3A_169 = arith.addi %scan3A_64, %add3A_168 : i32
          %mul3A_170 = arith.constant 16 : i32
          %mul3A_171 = arith.muli %add3A_169, %mul3A_170 : i32
          %dma_start3A_172 = arith.constant 0 : i32
          %dma_start3A_173 = arith.constant 0 : i32
          %dma_start3A_174 = tpu.memref_slice %arg6[%dma_start3A_172, %dma_start3A_173] : memref<16x1152xf32, #tpu.memory_space<vmem>> -> memref<16x1152xf32, #tpu.memory_space<vmem>>
          %dma_start3A_175 = arith.constant 96384 : i32
          %dma_start3A_176 = tpu.memref_slice %arg2[%mul3A_171, %dma_start3A_175] : memref<416x100000xf32, #tpu.memory_space<hbm>> -> memref<16x1152xf32, #tpu.memory_space<hbm>>
          %dma_start3A_177 = arith.constant 0 : i32
          %dma_start3A_178 = arith.constant 0 : i32
          %dma_start3A_179 = tpu.memref_slice %arg6[%dma_start3A_177, %dma_start3A_178] : memref<16x1152xf32, #tpu.memory_space<vmem>> -> memref<16x1152xf32, #tpu.memory_space<vmem>>
          %dma_start3A_180 = arith.constant 96384 : i32
          %dma_start3A_181 = tpu.memref_slice %arg2[%mul3A_171, %dma_start3A_180] : memref<416x100000xf32, #tpu.memory_space<hbm>> -> memref<16x1152xf32, #tpu.memory_space<hbm>>
          tpu.enqueue_dma source(%dma_start3A_181 : memref<16x1152xf32, #tpu.memory_space<hbm>>) target(%dma_start3A_179 : memref<16x1152xf32, #tpu.memory_space<vmem>>) target_semaphore(%arg13 : memref<!tpu.dma_semaphore, #tpu.memory_space<semaphore_mem>>)
        } else {
        }
        %mul3A_110 = arith.constant 16 : i32
        %mul3A_111 = arith.muli %scan3A_64, %mul3A_110 : i32
        %dma_wait3A_112 = arith.constant 0 : i32
        %dma_wait3A_113 = arith.constant 0 : i32
        %dma_wait3A_114 = tpu.memref_slice %arg7[%dma_wait3A_112, %dma_wait3A_113] : memref<16x1152xf32, #tpu.memory_space<vmem>> -> memref<16x1152xf32, #tpu.memory_space<vmem>>
        %dma_wait3A_115 = arith.constant 97536 : i32
        %dma_wait3A_116 = tpu.memref_slice %arg2[%mul3A_111, %dma_wait3A_115] : memref<416x100000xf32, #tpu.memory_space<hbm>> -> memref<16x1152xf32, #tpu.memory_space<hbm>>
        %dma_wait3A_117 = arith.constant 0 : i32
        %dma_wait3A_118 = arith.constant 0 : i32
        %dma_wait3A_119 = tpu.memref_slice %arg7[%dma_wait3A_117, %dma_wait3A_118] : memref<16x1152xf32, #tpu.memory_space<vmem>> -> memref<16x1152xf32, #tpu.memory_space<vmem>>
        %dma_wait3A_120 = arith.constant 97536 : i32
        %dma_wait3A_121 = tpu.memref_slice %arg2[%mul3A_111, %dma_wait3A_120] : memref<416x100000xf32, #tpu.memory_space<hbm>> -> memref<16x1152xf32, #tpu.memory_space<hbm>>
        tpu.wait_dma2 semaphore(%arg14 : memref<!tpu.dma_semaphore, #tpu.memory_space<semaphore_mem>>) src(%dma_wait3A_121 : memref<16x1152xf32, #tpu.memory_space<hbm>>) dst(%dma_wait3A_119 : memref<16x1152xf32, #tpu.memory_space<vmem>>)
        %scan3A_122 = arith.constant 0 : i32
        %scan3A_123 = arith.constant 0 : i32
        %scan3A_124 = arith.constant 72 : i32
        %scan3A_125 = arith.addi %scan3A_123, %scan3A_124 : i32
        %scan3A_126 = arith.constant 2 : i32
        scf.for %scan3A_168 = %scan3A_123 to %scan3A_125 step %scan3A_126  : i32 {
          %mul3A_169 = arith.constant 16 : i32
          %mul3A_170 = arith.muli %scan3A_168, %mul3A_169 : i32
          %get3A = arith.constant 0 : i32
          %get3A_171 = arith.index_cast %get3A : i32 to index
          %get3A_172 = arith.index_cast %mul3A_170 : i32 to index
          %get3A_173 = tpu.vector_load %arg7[%get3A_171, %get3A_172] {strides = array<i32>} : memref<16x1152xf32, #tpu.memory_space<vmem>>, vector<16xf32>,
          %mul3A_174 = arith.constant 16 : i32
          %mul3A_175 = arith.muli %scan3A_168, %mul3A_174 : i32
          %get3A_176 = arith.constant 1 : i32
          %get3A_177 = arith.index_cast %get3A_176 : i32 to index
          %get3A_178 = arith.index_cast %mul3A_175 : i32 to index
          %get3A_179 = tpu.vector_load %arg7[%get3A_177, %get3A_178] {strides = array<i32>} : memref<16x1152xf32, #tpu.memory_space<vmem>>, vector<16xf32>,
          %add3A_180 = arith.addf %get3A_173, %get3A_179 : vector<16xf32>
          %mul3A_181 = arith.constant 16 : i32
          %mul3A_182 = arith.muli %scan3A_168, %mul3A_181 : i32
          %get3A_183 = arith.constant 2 : i32
          %get3A_184 = arith.index_cast %get3A_183 : i32 to index
          %get3A_185 = arith.index_cast %mul3A_182 : i32 to index
          %get3A_186 = tpu.vector_load %arg7[%get3A_184, %get3A_185] {strides = array<i32>} : memref<16x1152xf32, #tpu.memory_space<vmem>>, vector<16xf32>,
          %mul3A_187 = arith.constant 16 : i32
          %mul3A_188 = arith.muli %scan3A_168, %mul3A_187 : i32
          %get3A_189 = arith.constant 3 : i32
          %get3A_190 = arith.index_cast %get3A_189 : i32 to index
          %get3A_191 = arith.index_cast %mul3A_188 : i32 to index
          %get3A_192 = tpu.vector_load %arg7[%get3A_190, %get3A_191] {strides = array<i32>} : memref<16x1152xf32, #tpu.memory_space<vmem>>, vector<16xf32>,
          %add3A_193 = arith.addf %get3A_186, %get3A_192 : vector<16xf32>
          %mul3A_194 = arith.constant 16 : i32
          %mul3A_195 = arith.muli %scan3A_168, %mul3A_194 : i32
          %get3A_196 = arith.constant 4 : i32
          %get3A_197 = arith.index_cast %get3A_196 : i32 to index
          %get3A_198 = arith.index_cast %mul3A_195 : i32 to index
          %get3A_199 = tpu.vector_load %arg7[%get3A_197, %get3A_198] {strides = array<i32>} : memref<16x1152xf32, #tpu.memory_space<vmem>>, vector<16xf32>,
          %add3A_200 = arith.addf %add3A_180, %get3A_199 : vector<16xf32>
          %mul3A_201 = arith.constant 16 : i32
          %mul3A_202 = arith.muli %scan3A_168, %mul3A_201 : i32
          %get3A_203 = arith.constant 5 : i32
          %get3A_204 = arith.index_cast %get3A_203 : i32 to index
          %get3A_205 = arith.index_cast %mul3A_202 : i32 to index
          %get3A_206 = tpu.vector_load %arg7[%get3A_204, %get3A_205] {strides = array<i32>} : memref<16x1152xf32, #tpu.memory_space<vmem>>, vector<16xf32>,
          %add3A_207 = arith.addf %add3A_193, %get3A_206 : vector<16xf32>
          %mul3A_208 = arith.constant 16 : i32
          %mul3A_209 = arith.muli %scan3A_168, %mul3A_208 : i32
          %get3A_210 = arith.constant 6 : i32
          %get3A_211 = arith.index_cast %get3A_210 : i32 to index
          %get3A_212 = arith.index_cast %mul3A_209 : i32 to index
          %get3A_213 = tpu.vector_load %arg7[%get3A_211, %get3A_212] {strides = array<i32>} : memref<16x1152xf32, #tpu.memory_space<vmem>>, vector<16xf32>,
          %add3A_214 = arith.addf %add3A_200, %get3A_213 : vector<16xf32>
          %mul3A_215 = arith.constant 16 : i32
          %mul3A_216 = arith.muli %scan3A_168, %mul3A_215 : i32
          %get3A_217 = arith.constant 7 : i32
          %get3A_218 = arith.index_cast %get3A_217 : i32 to index
          %get3A_219 = arith.index_cast %mul3A_216 : i32 to index
          %get3A_220 = tpu.vector_load %arg7[%get3A_218, %get3A_219] {strides = array<i32>} : memref<16x1152xf32, #tpu.memory_space<vmem>>, vector<16xf32>,
          %add3A_221 = arith.addf %add3A_207, %get3A_220 : vector<16xf32>
          %mul3A_222 = arith.constant 16 : i32
          %mul3A_223 = arith.muli %scan3A_168, %mul3A_222 : i32
          %get3A_224 = arith.constant 8 : i32
          %get3A_225 = arith.index_cast %get3A_224 : i32 to index
          %get3A_226 = arith.index_cast %mul3A_223 : i32 to index
          %get3A_227 = tpu.vector_load %arg7[%get3A_225, %get3A_226] {strides = array<i32>} : memref<16x1152xf32, #tpu.memory_space<vmem>>, vector<16xf32>,
          %add3A_228 = arith.addf %add3A_214, %get3A_227 : vector<16xf32>
          %mul3A_229 = arith.constant 16 : i32
          %mul3A_230 = arith.muli %scan3A_168, %mul3A_229 : i32
          %get3A_231 = arith.constant 9 : i32
          %get3A_232 = arith.index_cast %get3A_231 : i32 to index
          %get3A_233 = arith.index_cast %mul3A_230 : i32 to index
          %get3A_234 = tpu.vector_load %arg7[%get3A_232, %get3A_233] {strides = array<i32>} : memref<16x1152xf32, #tpu.memory_space<vmem>>, vector<16xf32>,
          %add3A_235 = arith.addf %add3A_221, %get3A_234 : vector<16xf32>
          %mul3A_236 = arith.constant 16 : i32
          %mul3A_237 = arith.muli %scan3A_168, %mul3A_236 : i32
          %get3A_238 = arith.constant 10 : i32
          %get3A_239 = arith.index_cast %get3A_238 : i32 to index
          %get3A_240 = arith.index_cast %mul3A_237 : i32 to index
          %get3A_241 = tpu.vector_load %arg7[%get3A_239, %get3A_240] {strides = array<i32>} : memref<16x1152xf32, #tpu.memory_space<vmem>>, vector<16xf32>,
          %add3A_242 = arith.addf %add3A_228, %get3A_241 : vector<16xf32>
          %mul3A_243 = arith.constant 16 : i32
          %mul3A_244 = arith.muli %scan3A_168, %mul3A_243 : i32
          %get3A_245 = arith.constant 11 : i32
          %get3A_246 = arith.index_cast %get3A_245 : i32 to index
          %get3A_247 = arith.index_cast %mul3A_244 : i32 to index
          %get3A_248 = tpu.vector_load %arg7[%get3A_246, %get3A_247] {strides = array<i32>} : memref<16x1152xf32, #tpu.memory_space<vmem>>, vector<16xf32>,
          %add3A_249 = arith.addf %add3A_235, %get3A_248 : vector<16xf32>
          %mul3A_250 = arith.constant 16 : i32
          %mul3A_251 = arith.muli %scan3A_168, %mul3A_250 : i32
          %get3A_252 = arith.constant 12 : i32
          %get3A_253 = arith.index_cast %get3A_252 : i32 to index
          %get3A_254 = arith.index_cast %mul3A_251 : i32 to index
          %get3A_255 = tpu.vector_load %arg7[%get3A_253, %get3A_254] {strides = array<i32>} : memref<16x1152xf32, #tpu.memory_space<vmem>>, vector<16xf32>,
          %add3A_256 = arith.addf %add3A_242, %get3A_255 : vector<16xf32>
          %mul3A_257 = arith.constant 16 : i32
          %mul3A_258 = arith.muli %scan3A_168, %mul3A_257 : i32
          %get3A_259 = arith.constant 13 : i32
          %get3A_260 = arith.index_cast %get3A_259 : i32 to index
          %get3A_261 = arith.index_cast %mul3A_258 : i32 to index
          %get3A_262 = tpu.vector_load %arg7[%get3A_260, %get3A_261] {strides = array<i32>} : memref<16x1152xf32, #tpu.memory_space<vmem>>, vector<16xf32>,
          %add3A_263 = arith.addf %add3A_249, %get3A_262 : vector<16xf32>
          %mul3A_264 = arith.constant 16 : i32
          %mul3A_265 = arith.muli %scan3A_168, %mul3A_264 : i32
          %get3A_266 = arith.constant 14 : i32
          %get3A_267 = arith.index_cast %get3A_266 : i32 to index
          %get3A_268 = arith.index_cast %mul3A_265 : i32 to index
          %get3A_269 = tpu.vector_load %arg7[%get3A_267, %get3A_268] {strides = array<i32>} : memref<16x1152xf32, #tpu.memory_space<vmem>>, vector<16xf32>,
          %add3A_270 = arith.addf %add3A_256, %get3A_269 : vector<16xf32>
          %mul3A_271 = arith.constant 16 : i32
          %mul3A_272 = arith.muli %scan3A_168, %mul3A_271 : i32
          %get3A_273 = arith.constant 15 : i32
          %get3A_274 = arith.index_cast %get3A_273 : i32 to index
          %get3A_275 = arith.index_cast %mul3A_272 : i32 to index
          %get3A_276 = tpu.vector_load %arg7[%get3A_274, %get3A_275] {strides = array<i32>} : memref<16x1152xf32, #tpu.memory_space<vmem>>, vector<16xf32>,
          %add3A_277 = arith.addf %add3A_263, %get3A_276 : vector<16xf32>
          %add3A_278 = arith.addf %add3A_270, %add3A_277 : vector<16xf32>
          %mul3A_279 = arith.constant 16 : i32
          %mul3A_280 = arith.muli %scan3A_168, %mul3A_279 : i32
          %add3A_281 = arith.constant 2304 : i32
          %add3A_282 = arith.addi %add3A_281, %mul3A_280 : i32
          %swap3A = arith.index_cast %add3A_282 : i32 to index
          %swap3A_283 = tpu.vector_load %arg9[%swap3A] {strides = array<i32>} : memref<4736xf32, #tpu.memory_space<vmem>>, vector<16xf32>,
          tpu.vector_store %arg9[%swap3A], %add3A_278 {strides = array<i32>} : memref<4736xf32, #tpu.memory_space<vmem>>, vector<16xf32>,
          %scan3A_284 = arith.constant 1 : i32
          %scan3A_285 = arith.addi %scan3A_168, %scan3A_284 : i32
          %mul3A_286 = arith.constant 16 : i32
          %mul3A_287 = arith.muli %scan3A_285, %mul3A_286 : i32
          %get3A_288 = arith.constant 0 : i32
          %get3A_289 = arith.index_cast %get3A_288 : i32 to index
          %get3A_290 = arith.index_cast %mul3A_287 : i32 to index
          %get3A_291 = tpu.vector_load %arg7[%get3A_289, %get3A_290] {strides = array<i32>} : memref<16x1152xf32, #tpu.memory_space<vmem>>, vector<16xf32>,
          %mul3A_292 = arith.constant 16 : i32
          %mul3A_293 = arith.muli %scan3A_285, %mul3A_292 : i32
          %get3A_294 = arith.constant 1 : i32
          %get3A_295 = arith.index_cast %get3A_294 : i32 to index
          %get3A_296 = arith.index_cast %mul3A_293 : i32 to index
          %get3A_297 = tpu.vector_load %arg7[%get3A_295, %get3A_296] {strides = array<i32>} : memref<16x1152xf32, #tpu.memory_space<vmem>>, vector<16xf32>,
          %add3A_298 = arith.addf %get3A_291, %get3A_297 : vector<16xf32>
          %mul3A_299 = arith.constant 16 : i32
          %mul3A_300 = arith.muli %scan3A_285, %mul3A_299 : i32
          %get3A_301 = arith.constant 2 : i32
          %get3A_302 = arith.index_cast %get3A_301 : i32 to index
          %get3A_303 = arith.index_cast %mul3A_300 : i32 to index
          %get3A_304 = tpu.vector_load %arg7[%get3A_302, %get3A_303] {strides = array<i32>} : memref<16x1152xf32, #tpu.memory_space<vmem>>, vector<16xf32>,
          %mul3A_305 = arith.constant 16 : i32
          %mul3A_306 = arith.muli %scan3A_285, %mul3A_305 : i32
          %get3A_307 = arith.constant 3 : i32
          %get3A_308 = arith.index_cast %get3A_307 : i32 to index
          %get3A_309 = arith.index_cast %mul3A_306 : i32 to index
          %get3A_310 = tpu.vector_load %arg7[%get3A_308, %get3A_309] {strides = array<i32>} : memref<16x1152xf32, #tpu.memory_space<vmem>>, vector<16xf32>,
          %add3A_311 = arith.addf %get3A_304, %get3A_310 : vector<16xf32>
          %mul3A_312 = arith.constant 16 : i32
          %mul3A_313 = arith.muli %scan3A_285, %mul3A_312 : i32
          %get3A_314 = arith.constant 4 : i32
          %get3A_315 = arith.index_cast %get3A_314 : i32 to index
          %get3A_316 = arith.index_cast %mul3A_313 : i32 to index
          %get3A_317 = tpu.vector_load %arg7[%get3A_315, %get3A_316] {strides = array<i32>} : memref<16x1152xf32, #tpu.memory_space<vmem>>, vector<16xf32>,
          %add3A_318 = arith.addf %add3A_298, %get3A_317 : vector<16xf32>
          %mul3A_319 = arith.constant 16 : i32
          %mul3A_320 = arith.muli %scan3A_285, %mul3A_319 : i32
          %get3A_321 = arith.constant 5 : i32
          %get3A_322 = arith.index_cast %get3A_321 : i32 to index
          %get3A_323 = arith.index_cast %mul3A_320 : i32 to index
          %get3A_324 = tpu.vector_load %arg7[%get3A_322, %get3A_323] {strides = array<i32>} : memref<16x1152xf32, #tpu.memory_space<vmem>>, vector<16xf32>,
          %add3A_325 = arith.addf %add3A_311, %get3A_324 : vector<16xf32>
          %mul3A_326 = arith.constant 16 : i32
          %mul3A_327 = arith.muli %scan3A_285, %mul3A_326 : i32
          %get3A_328 = arith.constant 6 : i32
          %get3A_329 = arith.index_cast %get3A_328 : i32 to index
          %get3A_330 = arith.index_cast %mul3A_327 : i32 to index
          %get3A_331 = tpu.vector_load %arg7[%get3A_329, %get3A_330] {strides = array<i32>} : memref<16x1152xf32, #tpu.memory_space<vmem>>, vector<16xf32>,
          %add3A_332 = arith.addf %add3A_318, %get3A_331 : vector<16xf32>
          %mul3A_333 = arith.constant 16 : i32
          %mul3A_334 = arith.muli %scan3A_285, %mul3A_333 : i32
          %get3A_335 = arith.constant 7 : i32
          %get3A_336 = arith.index_cast %get3A_335 : i32 to index
          %get3A_337 = arith.index_cast %mul3A_334 : i32 to index
          %get3A_338 = tpu.vector_load %arg7[%get3A_336, %get3A_337] {strides = array<i32>} : memref<16x1152xf32, #tpu.memory_space<vmem>>, vector<16xf32>,
          %add3A_339 = arith.addf %add3A_325, %get3A_338 : vector<16xf32>
          %mul3A_340 = arith.constant 16 : i32
          %mul3A_341 = arith.muli %scan3A_285, %mul3A_340 : i32
          %get3A_342 = arith.constant 8 : i32
          %get3A_343 = arith.index_cast %get3A_342 : i32 to index
          %get3A_344 = arith.index_cast %mul3A_341 : i32 to index
          %get3A_345 = tpu.vector_load %arg7[%get3A_343, %get3A_344] {strides = array<i32>} : memref<16x1152xf32, #tpu.memory_space<vmem>>, vector<16xf32>,
          %add3A_346 = arith.addf %add3A_332, %get3A_345 : vector<16xf32>
          %mul3A_347 = arith.constant 16 : i32
          %mul3A_348 = arith.muli %scan3A_285, %mul3A_347 : i32
          %get3A_349 = arith.constant 9 : i32
          %get3A_350 = arith.index_cast %get3A_349 : i32 to index
          %get3A_351 = arith.index_cast %mul3A_348 : i32 to index
          %get3A_352 = tpu.vector_load %arg7[%get3A_350, %get3A_351] {strides = array<i32>} : memref<16x1152xf32, #tpu.memory_space<vmem>>, vector<16xf32>,
          %add3A_353 = arith.addf %add3A_339, %get3A_352 : vector<16xf32>
          %mul3A_354 = arith.constant 16 : i32
          %mul3A_355 = arith.muli %scan3A_285, %mul3A_354 : i32
          %get3A_356 = arith.constant 10 : i32
          %get3A_357 = arith.index_cast %get3A_356 : i32 to index
          %get3A_358 = arith.index_cast %mul3A_355 : i32 to index
          %get3A_359 = tpu.vector_load %arg7[%get3A_357, %get3A_358] {strides = array<i32>} : memref<16x1152xf32, #tpu.memory_space<vmem>>, vector<16xf32>,
          %add3A_360 = arith.addf %add3A_346, %get3A_359 : vector<16xf32>
          %mul3A_361 = arith.constant 16 : i32
          %mul3A_362 = arith.muli %scan3A_285, %mul3A_361 : i32
          %get3A_363 = arith.constant 11 : i32
          %get3A_364 = arith.index_cast %get3A_363 : i32 to index
          %get3A_365 = arith.index_cast %mul3A_362 : i32 to index
          %get3A_366 = tpu.vector_load %arg7[%get3A_364, %get3A_365] {strides = array<i32>} : memref<16x1152xf32, #tpu.memory_space<vmem>>, vector<16xf32>,
          %add3A_367 = arith.addf %add3A_353, %get3A_366 : vector<16xf32>
          %mul3A_368 = arith.constant 16 : i32
          %mul3A_369 = arith.muli %scan3A_285, %mul3A_368 : i32
          %get3A_370 = arith.constant 12 : i32
          %get3A_371 = arith.index_cast %get3A_370 : i32 to index
          %get3A_372 = arith.index_cast %mul3A_369 : i32 to index
          %get3A_373 = tpu.vector_load %arg7[%get3A_371, %get3A_372] {strides = array<i32>} : memref<16x1152xf32, #tpu.memory_space<vmem>>, vector<16xf32>,
          %add3A_374 = arith.addf %add3A_360, %get3A_373 : vector<16xf32>
          %mul3A_375 = arith.constant 16 : i32
          %mul3A_376 = arith.muli %scan3A_285, %mul3A_375 : i32
          %get3A_377 = arith.constant 13 : i32
          %get3A_378 = arith.index_cast %get3A_377 : i32 to index
          %get3A_379 = arith.index_cast %mul3A_376 : i32 to index
          %get3A_380 = tpu.vector_load %arg7[%get3A_378, %get3A_379] {strides = array<i32>} : memref<16x1152xf32, #tpu.memory_space<vmem>>, vector<16xf32>,
          %add3A_381 = arith.addf %add3A_367, %get3A_380 : vector<16xf32>
          %mul3A_382 = arith.constant 16 : i32
          %mul3A_383 = arith.muli %scan3A_285, %mul3A_382 : i32
          %get3A_384 = arith.constant 14 : i32
          %get3A_385 = arith.index_cast %get3A_384 : i32 to index
          %get3A_386 = arith.index_cast %mul3A_383 : i32 to index
          %get3A_387 = tpu.vector_load %arg7[%get3A_385, %get3A_386] {strides = array<i32>} : memref<16x1152xf32, #tpu.memory_space<vmem>>, vector<16xf32>,
          %add3A_388 = arith.addf %add3A_374, %get3A_387 : vector<16xf32>
          %mul3A_389 = arith.constant 16 : i32
          %mul3A_390 = arith.muli %scan3A_285, %mul3A_389 : i32
          %get3A_391 = arith.constant 15 : i32
          %get3A_392 = arith.index_cast %get3A_391 : i32 to index
          %get3A_393 = arith.index_cast %mul3A_390 : i32 to index
          %get3A_394 = tpu.vector_load %arg7[%get3A_392, %get3A_393] {strides = array<i32>} : memref<16x1152xf32, #tpu.memory_space<vmem>>, vector<16xf32>,
          %add3A_395 = arith.addf %add3A_381, %get3A_394 : vector<16xf32>
          %add3A_396 = arith.addf %add3A_388, %add3A_395 : vector<16xf32>
          %mul3A_397 = arith.constant 16 : i32
          %mul3A_398 = arith.muli %scan3A_285, %mul3A_397 : i32
          %add3A_399 = arith.constant 2304 : i32
          %add3A_400 = arith.addi %add3A_399, %mul3A_398 : i32
          %swap3A_401 = arith.index_cast %add3A_400 : i32 to index
          %swap3A_402 = tpu.vector_load %arg9[%swap3A_401] {strides = array<i32>} : memref<4736xf32, #tpu.memory_space<vmem>>, vector<16xf32>,
          tpu.vector_store %arg9[%swap3A_401], %add3A_396 {strides = array<i32>} : memref<4736xf32, #tpu.memory_space<vmem>>, vector<16xf32>,
        }
        %scan3A_127 = arith.constant 72 : i32
        %lt3A_128 = arith.constant 25 : i32
        %lt3A_129 = arith.cmpi slt, %scan3A_64, %lt3A_128 : i32
        %convert_element_type3A_130 = arith.extui %lt3A_129 : i1 to i32
        %cond3A_131 = arith.constant 0 : i32
        %cond3A_132 = arith.cmpi ne, %convert_element_type3A_130, %cond3A_131 : i32
        scf.if %cond3A_132 {
          %add3A_168 = arith.constant 1 : i32
          %add3A_169 = arith.addi %scan3A_64, %add3A_168 : i32
          %mul3A_170 = arith.constant 16 : i32
          %mul3A_171 = arith.muli %add3A_169, %mul3A_170 : i32
          %dma_start3A_172 = arith.constant 0 : i32
          %dma_start3A_173 = arith.constant 0 : i32
          %dma_start3A_174 = tpu.memref_slice %arg7[%dma_start3A_172, %dma_start3A_173] : memref<16x1152xf32, #tpu.memory_space<vmem>> -> memref<16x1152xf32, #tpu.memory_space<vmem>>
          %dma_start3A_175 = arith.constant 97536 : i32
          %dma_start3A_176 = tpu.memref_slice %arg2[%mul3A_171, %dma_start3A_175] : memref<416x100000xf32, #tpu.memory_space<hbm>> -> memref<16x1152xf32, #tpu.memory_space<hbm>>
          %dma_start3A_177 = arith.constant 0 : i32
          %dma_start3A_178 = arith.constant 0 : i32
          %dma_start3A_179 = tpu.memref_slice %arg7[%dma_start3A_177, %dma_start3A_178] : memref<16x1152xf32, #tpu.memory_space<vmem>> -> memref<16x1152xf32, #tpu.memory_space<vmem>>
          %dma_start3A_180 = arith.constant 97536 : i32
          %dma_start3A_181 = tpu.memref_slice %arg2[%mul3A_171, %dma_start3A_180] : memref<416x100000xf32, #tpu.memory_space<hbm>> -> memref<16x1152xf32, #tpu.memory_space<hbm>>
          tpu.enqueue_dma source(%dma_start3A_181 : memref<16x1152xf32, #tpu.memory_space<hbm>>) target(%dma_start3A_179 : memref<16x1152xf32, #tpu.memory_space<vmem>>) target_semaphore(%arg14 : memref<!tpu.dma_semaphore, #tpu.memory_space<semaphore_mem>>)
        } else {
        }
        %mul3A_133 = arith.constant 16 : i32
        %mul3A_134 = arith.muli %scan3A_64, %mul3A_133 : i32
        %dma_wait3A_135 = arith.constant 0 : i32
        %dma_wait3A_136 = arith.constant 0 : i32
        %dma_wait3A_137 = tpu.memref_slice %arg8[%dma_wait3A_135, %dma_wait3A_136] : memref<16x1152xf32, #tpu.memory_space<vmem>> -> memref<16x1152xf32, #tpu.memory_space<vmem>>
        %dma_wait3A_138 = arith.constant 98688 : i32
        %dma_wait3A_139 = tpu.memref_slice %arg2[%mul3A_134, %dma_wait3A_138] : memref<416x100000xf32, #tpu.memory_space<hbm>> -> memref<16x1152xf32, #tpu.memory_space<hbm>>
        %dma_wait3A_140 = arith.constant 0 : i32
        %dma_wait3A_141 = arith.constant 0 : i32
        %dma_wait3A_142 = tpu.memref_slice %arg8[%dma_wait3A_140, %dma_wait3A_141] : memref<16x1152xf32, #tpu.memory_space<vmem>> -> memref<16x1152xf32, #tpu.memory_space<vmem>>
        %dma_wait3A_143 = arith.constant 98688 : i32
        %dma_wait3A_144 = tpu.memref_slice %arg2[%mul3A_134, %dma_wait3A_143] : memref<416x100000xf32, #tpu.memory_space<hbm>> -> memref<16x1152xf32, #tpu.memory_space<hbm>>
        tpu.wait_dma2 semaphore(%arg15 : memref<!tpu.dma_semaphore, #tpu.memory_space<semaphore_mem>>) src(%dma_wait3A_144 : memref<16x1152xf32, #tpu.memory_space<hbm>>) dst(%dma_wait3A_142 : memref<16x1152xf32, #tpu.memory_space<vmem>>)
        %scan3A_145 = arith.constant 0 : i32
        %scan3A_146 = arith.constant 0 : i32
        %scan3A_147 = arith.constant 72 : i32
        %scan3A_148 = arith.addi %scan3A_146, %scan3A_147 : i32
        %scan3A_149 = arith.constant 2 : i32
        scf.for %scan3A_168 = %scan3A_146 to %scan3A_148 step %scan3A_149  : i32 {
          %mul3A_169 = arith.constant 16 : i32
          %mul3A_170 = arith.muli %scan3A_168, %mul3A_169 : i32
          %get3A = arith.constant 0 : i32
          %get3A_171 = arith.index_cast %get3A : i32 to index
          %get3A_172 = arith.index_cast %mul3A_170 : i32 to index
          %get3A_173 = tpu.vector_load %arg8[%get3A_171, %get3A_172] {strides = array<i32>} : memref<16x1152xf32, #tpu.memory_space<vmem>>, vector<16xf32>,
          %mul3A_174 = arith.constant 16 : i32
          %mul3A_175 = arith.muli %scan3A_168, %mul3A_174 : i32
          %get3A_176 = arith.constant 1 : i32
          %get3A_177 = arith.index_cast %get3A_176 : i32 to index
          %get3A_178 = arith.index_cast %mul3A_175 : i32 to index
          %get3A_179 = tpu.vector_load %arg8[%get3A_177, %get3A_178] {strides = array<i32>} : memref<16x1152xf32, #tpu.memory_space<vmem>>, vector<16xf32>,
          %add3A_180 = arith.addf %get3A_173, %get3A_179 : vector<16xf32>
          %mul3A_181 = arith.constant 16 : i32
          %mul3A_182 = arith.muli %scan3A_168, %mul3A_181 : i32
          %get3A_183 = arith.constant 2 : i32
          %get3A_184 = arith.index_cast %get3A_183 : i32 to index
          %get3A_185 = arith.index_cast %mul3A_182 : i32 to index
          %get3A_186 = tpu.vector_load %arg8[%get3A_184, %get3A_185] {strides = array<i32>} : memref<16x1152xf32, #tpu.memory_space<vmem>>, vector<16xf32>,
          %mul3A_187 = arith.constant 16 : i32
          %mul3A_188 = arith.muli %scan3A_168, %mul3A_187 : i32
          %get3A_189 = arith.constant 3 : i32
          %get3A_190 = arith.index_cast %get3A_189 : i32 to index
          %get3A_191 = arith.index_cast %mul3A_188 : i32 to index
          %get3A_192 = tpu.vector_load %arg8[%get3A_190, %get3A_191] {strides = array<i32>} : memref<16x1152xf32, #tpu.memory_space<vmem>>, vector<16xf32>,
          %add3A_193 = arith.addf %get3A_186, %get3A_192 : vector<16xf32>
          %mul3A_194 = arith.constant 16 : i32
          %mul3A_195 = arith.muli %scan3A_168, %mul3A_194 : i32
          %get3A_196 = arith.constant 4 : i32
          %get3A_197 = arith.index_cast %get3A_196 : i32 to index
          %get3A_198 = arith.index_cast %mul3A_195 : i32 to index
          %get3A_199 = tpu.vector_load %arg8[%get3A_197, %get3A_198] {strides = array<i32>} : memref<16x1152xf32, #tpu.memory_space<vmem>>, vector<16xf32>,
          %add3A_200 = arith.addf %add3A_180, %get3A_199 : vector<16xf32>
          %mul3A_201 = arith.constant 16 : i32
          %mul3A_202 = arith.muli %scan3A_168, %mul3A_201 : i32
          %get3A_203 = arith.constant 5 : i32
          %get3A_204 = arith.index_cast %get3A_203 : i32 to index
          %get3A_205 = arith.index_cast %mul3A_202 : i32 to index
          %get3A_206 = tpu.vector_load %arg8[%get3A_204, %get3A_205] {strides = array<i32>} : memref<16x1152xf32, #tpu.memory_space<vmem>>, vector<16xf32>,
          %add3A_207 = arith.addf %add3A_193, %get3A_206 : vector<16xf32>
          %mul3A_208 = arith.constant 16 : i32
          %mul3A_209 = arith.muli %scan3A_168, %mul3A_208 : i32
          %get3A_210 = arith.constant 6 : i32
          %get3A_211 = arith.index_cast %get3A_210 : i32 to index
          %get3A_212 = arith.index_cast %mul3A_209 : i32 to index
          %get3A_213 = tpu.vector_load %arg8[%get3A_211, %get3A_212] {strides = array<i32>} : memref<16x1152xf32, #tpu.memory_space<vmem>>, vector<16xf32>,
          %add3A_214 = arith.addf %add3A_200, %get3A_213 : vector<16xf32>
          %mul3A_215 = arith.constant 16 : i32
          %mul3A_216 = arith.muli %scan3A_168, %mul3A_215 : i32
          %get3A_217 = arith.constant 7 : i32
          %get3A_218 = arith.index_cast %get3A_217 : i32 to index
          %get3A_219 = arith.index_cast %mul3A_216 : i32 to index
          %get3A_220 = tpu.vector_load %arg8[%get3A_218, %get3A_219] {strides = array<i32>} : memref<16x1152xf32, #tpu.memory_space<vmem>>, vector<16xf32>,
          %add3A_221 = arith.addf %add3A_207, %get3A_220 : vector<16xf32>
          %mul3A_222 = arith.constant 16 : i32
          %mul3A_223 = arith.muli %scan3A_168, %mul3A_222 : i32
          %get3A_224 = arith.constant 8 : i32
          %get3A_225 = arith.index_cast %get3A_224 : i32 to index
          %get3A_226 = arith.index_cast %mul3A_223 : i32 to index
          %get3A_227 = tpu.vector_load %arg8[%get3A_225, %get3A_226] {strides = array<i32>} : memref<16x1152xf32, #tpu.memory_space<vmem>>, vector<16xf32>,
          %add3A_228 = arith.addf %add3A_214, %get3A_227 : vector<16xf32>
          %mul3A_229 = arith.constant 16 : i32
          %mul3A_230 = arith.muli %scan3A_168, %mul3A_229 : i32
          %get3A_231 = arith.constant 9 : i32
          %get3A_232 = arith.index_cast %get3A_231 : i32 to index
          %get3A_233 = arith.index_cast %mul3A_230 : i32 to index
          %get3A_234 = tpu.vector_load %arg8[%get3A_232, %get3A_233] {strides = array<i32>} : memref<16x1152xf32, #tpu.memory_space<vmem>>, vector<16xf32>,
          %add3A_235 = arith.addf %add3A_221, %get3A_234 : vector<16xf32>
          %mul3A_236 = arith.constant 16 : i32
          %mul3A_237 = arith.muli %scan3A_168, %mul3A_236 : i32
          %get3A_238 = arith.constant 10 : i32
          %get3A_239 = arith.index_cast %get3A_238 : i32 to index
          %get3A_240 = arith.index_cast %mul3A_237 : i32 to index
          %get3A_241 = tpu.vector_load %arg8[%get3A_239, %get3A_240] {strides = array<i32>} : memref<16x1152xf32, #tpu.memory_space<vmem>>, vector<16xf32>,
          %add3A_242 = arith.addf %add3A_228, %get3A_241 : vector<16xf32>
          %mul3A_243 = arith.constant 16 : i32
          %mul3A_244 = arith.muli %scan3A_168, %mul3A_243 : i32
          %get3A_245 = arith.constant 11 : i32
          %get3A_246 = arith.index_cast %get3A_245 : i32 to index
          %get3A_247 = arith.index_cast %mul3A_244 : i32 to index
          %get3A_248 = tpu.vector_load %arg8[%get3A_246, %get3A_247] {strides = array<i32>} : memref<16x1152xf32, #tpu.memory_space<vmem>>, vector<16xf32>,
          %add3A_249 = arith.addf %add3A_235, %get3A_248 : vector<16xf32>
          %mul3A_250 = arith.constant 16 : i32
          %mul3A_251 = arith.muli %scan3A_168, %mul3A_250 : i32
          %get3A_252 = arith.constant 12 : i32
          %get3A_253 = arith.index_cast %get3A_252 : i32 to index
          %get3A_254 = arith.index_cast %mul3A_251 : i32 to index
          %get3A_255 = tpu.vector_load %arg8[%get3A_253, %get3A_254] {strides = array<i32>} : memref<16x1152xf32, #tpu.memory_space<vmem>>, vector<16xf32>,
          %add3A_256 = arith.addf %add3A_242, %get3A_255 : vector<16xf32>
          %mul3A_257 = arith.constant 16 : i32
          %mul3A_258 = arith.muli %scan3A_168, %mul3A_257 : i32
          %get3A_259 = arith.constant 13 : i32
          %get3A_260 = arith.index_cast %get3A_259 : i32 to index
          %get3A_261 = arith.index_cast %mul3A_258 : i32 to index
          %get3A_262 = tpu.vector_load %arg8[%get3A_260, %get3A_261] {strides = array<i32>} : memref<16x1152xf32, #tpu.memory_space<vmem>>, vector<16xf32>,
          %add3A_263 = arith.addf %add3A_249, %get3A_262 : vector<16xf32>
          %mul3A_264 = arith.constant 16 : i32
          %mul3A_265 = arith.muli %scan3A_168, %mul3A_264 : i32
          %get3A_266 = arith.constant 14 : i32
          %get3A_267 = arith.index_cast %get3A_266 : i32 to index
          %get3A_268 = arith.index_cast %mul3A_265 : i32 to index
          %get3A_269 = tpu.vector_load %arg8[%get3A_267, %get3A_268] {strides = array<i32>} : memref<16x1152xf32, #tpu.memory_space<vmem>>, vector<16xf32>,
          %add3A_270 = arith.addf %add3A_256, %get3A_269 : vector<16xf32>
          %mul3A_271 = arith.constant 16 : i32
          %mul3A_272 = arith.muli %scan3A_168, %mul3A_271 : i32
          %get3A_273 = arith.constant 15 : i32
          %get3A_274 = arith.index_cast %get3A_273 : i32 to index
          %get3A_275 = arith.index_cast %mul3A_272 : i32 to index
          %get3A_276 = tpu.vector_load %arg8[%get3A_274, %get3A_275] {strides = array<i32>} : memref<16x1152xf32, #tpu.memory_space<vmem>>, vector<16xf32>,
          %add3A_277 = arith.addf %add3A_263, %get3A_276 : vector<16xf32>
          %add3A_278 = arith.addf %add3A_270, %add3A_277 : vector<16xf32>
          %mul3A_279 = arith.constant 16 : i32
          %mul3A_280 = arith.muli %scan3A_168, %mul3A_279 : i32
          %add3A_281 = arith.constant 3456 : i32
          %add3A_282 = arith.addi %add3A_281, %mul3A_280 : i32
          %swap3A = arith.index_cast %add3A_282 : i32 to index
          %swap3A_283 = tpu.vector_load %arg9[%swap3A] {strides = array<i32>} : memref<4736xf32, #tpu.memory_space<vmem>>, vector<16xf32>,
          tpu.vector_store %arg9[%swap3A], %add3A_278 {strides = array<i32>} : memref<4736xf32, #tpu.memory_space<vmem>>, vector<16xf32>,
          %scan3A_284 = arith.constant 1 : i32
          %scan3A_285 = arith.addi %scan3A_168, %scan3A_284 : i32
          %mul3A_286 = arith.constant 16 : i32
          %mul3A_287 = arith.muli %scan3A_285, %mul3A_286 : i32
          %get3A_288 = arith.constant 0 : i32
          %get3A_289 = arith.index_cast %get3A_288 : i32 to index
          %get3A_290 = arith.index_cast %mul3A_287 : i32 to index
          %get3A_291 = tpu.vector_load %arg8[%get3A_289, %get3A_290] {strides = array<i32>} : memref<16x1152xf32, #tpu.memory_space<vmem>>, vector<16xf32>,
          %mul3A_292 = arith.constant 16 : i32
          %mul3A_293 = arith.muli %scan3A_285, %mul3A_292 : i32
          %get3A_294 = arith.constant 1 : i32
          %get3A_295 = arith.index_cast %get3A_294 : i32 to index
          %get3A_296 = arith.index_cast %mul3A_293 : i32 to index
          %get3A_297 = tpu.vector_load %arg8[%get3A_295, %get3A_296] {strides = array<i32>} : memref<16x1152xf32, #tpu.memory_space<vmem>>, vector<16xf32>,
          %add3A_298 = arith.addf %get3A_291, %get3A_297 : vector<16xf32>
          %mul3A_299 = arith.constant 16 : i32
          %mul3A_300 = arith.muli %scan3A_285, %mul3A_299 : i32
          %get3A_301 = arith.constant 2 : i32
          %get3A_302 = arith.index_cast %get3A_301 : i32 to index
          %get3A_303 = arith.index_cast %mul3A_300 : i32 to index
          %get3A_304 = tpu.vector_load %arg8[%get3A_302, %get3A_303] {strides = array<i32>} : memref<16x1152xf32, #tpu.memory_space<vmem>>, vector<16xf32>,
          %mul3A_305 = arith.constant 16 : i32
          %mul3A_306 = arith.muli %scan3A_285, %mul3A_305 : i32
          %get3A_307 = arith.constant 3 : i32
          %get3A_308 = arith.index_cast %get3A_307 : i32 to index
          %get3A_309 = arith.index_cast %mul3A_306 : i32 to index
          %get3A_310 = tpu.vector_load %arg8[%get3A_308, %get3A_309] {strides = array<i32>} : memref<16x1152xf32, #tpu.memory_space<vmem>>, vector<16xf32>,
          %add3A_311 = arith.addf %get3A_304, %get3A_310 : vector<16xf32>
          %mul3A_312 = arith.constant 16 : i32
          %mul3A_313 = arith.muli %scan3A_285, %mul3A_312 : i32
          %get3A_314 = arith.constant 4 : i32
          %get3A_315 = arith.index_cast %get3A_314 : i32 to index
          %get3A_316 = arith.index_cast %mul3A_313 : i32 to index
          %get3A_317 = tpu.vector_load %arg8[%get3A_315, %get3A_316] {strides = array<i32>} : memref<16x1152xf32, #tpu.memory_space<vmem>>, vector<16xf32>,
          %add3A_318 = arith.addf %add3A_298, %get3A_317 : vector<16xf32>
          %mul3A_319 = arith.constant 16 : i32
          %mul3A_320 = arith.muli %scan3A_285, %mul3A_319 : i32
          %get3A_321 = arith.constant 5 : i32
          %get3A_322 = arith.index_cast %get3A_321 : i32 to index
          %get3A_323 = arith.index_cast %mul3A_320 : i32 to index
          %get3A_324 = tpu.vector_load %arg8[%get3A_322, %get3A_323] {strides = array<i32>} : memref<16x1152xf32, #tpu.memory_space<vmem>>, vector<16xf32>,
          %add3A_325 = arith.addf %add3A_311, %get3A_324 : vector<16xf32>
          %mul3A_326 = arith.constant 16 : i32
          %mul3A_327 = arith.muli %scan3A_285, %mul3A_326 : i32
          %get3A_328 = arith.constant 6 : i32
          %get3A_329 = arith.index_cast %get3A_328 : i32 to index
          %get3A_330 = arith.index_cast %mul3A_327 : i32 to index
          %get3A_331 = tpu.vector_load %arg8[%get3A_329, %get3A_330] {strides = array<i32>} : memref<16x1152xf32, #tpu.memory_space<vmem>>, vector<16xf32>,
          %add3A_332 = arith.addf %add3A_318, %get3A_331 : vector<16xf32>
          %mul3A_333 = arith.constant 16 : i32
          %mul3A_334 = arith.muli %scan3A_285, %mul3A_333 : i32
          %get3A_335 = arith.constant 7 : i32
          %get3A_336 = arith.index_cast %get3A_335 : i32 to index
          %get3A_337 = arith.index_cast %mul3A_334 : i32 to index
          %get3A_338 = tpu.vector_load %arg8[%get3A_336, %get3A_337] {strides = array<i32>} : memref<16x1152xf32, #tpu.memory_space<vmem>>, vector<16xf32>,
          %add3A_339 = arith.addf %add3A_325, %get3A_338 : vector<16xf32>
          %mul3A_340 = arith.constant 16 : i32
          %mul3A_341 = arith.muli %scan3A_285, %mul3A_340 : i32
          %get3A_342 = arith.constant 8 : i32
          %get3A_343 = arith.index_cast %get3A_342 : i32 to index
          %get3A_344 = arith.index_cast %mul3A_341 : i32 to index
          %get3A_345 = tpu.vector_load %arg8[%get3A_343, %get3A_344] {strides = array<i32>} : memref<16x1152xf32, #tpu.memory_space<vmem>>, vector<16xf32>,
          %add3A_346 = arith.addf %add3A_332, %get3A_345 : vector<16xf32>
          %mul3A_347 = arith.constant 16 : i32
          %mul3A_348 = arith.muli %scan3A_285, %mul3A_347 : i32
          %get3A_349 = arith.constant 9 : i32
          %get3A_350 = arith.index_cast %get3A_349 : i32 to index
          %get3A_351 = arith.index_cast %mul3A_348 : i32 to index
          %get3A_352 = tpu.vector_load %arg8[%get3A_350, %get3A_351] {strides = array<i32>} : memref<16x1152xf32, #tpu.memory_space<vmem>>, vector<16xf32>,
          %add3A_353 = arith.addf %add3A_339, %get3A_352 : vector<16xf32>
          %mul3A_354 = arith.constant 16 : i32
          %mul3A_355 = arith.muli %scan3A_285, %mul3A_354 : i32
          %get3A_356 = arith.constant 10 : i32
          %get3A_357 = arith.index_cast %get3A_356 : i32 to index
          %get3A_358 = arith.index_cast %mul3A_355 : i32 to index
          %get3A_359 = tpu.vector_load %arg8[%get3A_357, %get3A_358] {strides = array<i32>} : memref<16x1152xf32, #tpu.memory_space<vmem>>, vector<16xf32>,
          %add3A_360 = arith.addf %add3A_346, %get3A_359 : vector<16xf32>
          %mul3A_361 = arith.constant 16 : i32
          %mul3A_362 = arith.muli %scan3A_285, %mul3A_361 : i32
          %get3A_363 = arith.constant 11 : i32
          %get3A_364 = arith.index_cast %get3A_363 : i32 to index
          %get3A_365 = arith.index_cast %mul3A_362 : i32 to index
          %get3A_366 = tpu.vector_load %arg8[%get3A_364, %get3A_365] {strides = array<i32>} : memref<16x1152xf32, #tpu.memory_space<vmem>>, vector<16xf32>,
          %add3A_367 = arith.addf %add3A_353, %get3A_366 : vector<16xf32>
          %mul3A_368 = arith.constant 16 : i32
          %mul3A_369 = arith.muli %scan3A_285, %mul3A_368 : i32
          %get3A_370 = arith.constant 12 : i32
          %get3A_371 = arith.index_cast %get3A_370 : i32 to index
          %get3A_372 = arith.index_cast %mul3A_369 : i32 to index
          %get3A_373 = tpu.vector_load %arg8[%get3A_371, %get3A_372] {strides = array<i32>} : memref<16x1152xf32, #tpu.memory_space<vmem>>, vector<16xf32>,
          %add3A_374 = arith.addf %add3A_360, %get3A_373 : vector<16xf32>
          %mul3A_375 = arith.constant 16 : i32
          %mul3A_376 = arith.muli %scan3A_285, %mul3A_375 : i32
          %get3A_377 = arith.constant 13 : i32
          %get3A_378 = arith.index_cast %get3A_377 : i32 to index
          %get3A_379 = arith.index_cast %mul3A_376 : i32 to index
          %get3A_380 = tpu.vector_load %arg8[%get3A_378, %get3A_379] {strides = array<i32>} : memref<16x1152xf32, #tpu.memory_space<vmem>>, vector<16xf32>,
          %add3A_381 = arith.addf %add3A_367, %get3A_380 : vector<16xf32>
          %mul3A_382 = arith.constant 16 : i32
          %mul3A_383 = arith.muli %scan3A_285, %mul3A_382 : i32
          %get3A_384 = arith.constant 14 : i32
          %get3A_385 = arith.index_cast %get3A_384 : i32 to index
          %get3A_386 = arith.index_cast %mul3A_383 : i32 to index
          %get3A_387 = tpu.vector_load %arg8[%get3A_385, %get3A_386] {strides = array<i32>} : memref<16x1152xf32, #tpu.memory_space<vmem>>, vector<16xf32>,
          %add3A_388 = arith.addf %add3A_374, %get3A_387 : vector<16xf32>
          %mul3A_389 = arith.constant 16 : i32
          %mul3A_390 = arith.muli %scan3A_285, %mul3A_389 : i32
          %get3A_391 = arith.constant 15 : i32
          %get3A_392 = arith.index_cast %get3A_391 : i32 to index
          %get3A_393 = arith.index_cast %mul3A_390 : i32 to index
          %get3A_394 = tpu.vector_load %arg8[%get3A_392, %get3A_393] {strides = array<i32>} : memref<16x1152xf32, #tpu.memory_space<vmem>>, vector<16xf32>,
          %add3A_395 = arith.addf %add3A_381, %get3A_394 : vector<16xf32>
          %add3A_396 = arith.addf %add3A_388, %add3A_395 : vector<16xf32>
          %mul3A_397 = arith.constant 16 : i32
          %mul3A_398 = arith.muli %scan3A_285, %mul3A_397 : i32
          %add3A_399 = arith.constant 3456 : i32
          %add3A_400 = arith.addi %add3A_399, %mul3A_398 : i32
          %swap3A_401 = arith.index_cast %add3A_400 : i32 to index
          %swap3A_402 = tpu.vector_load %arg9[%swap3A_401] {strides = array<i32>} : memref<4736xf32, #tpu.memory_space<vmem>>, vector<16xf32>,
          tpu.vector_store %arg9[%swap3A_401], %add3A_396 {strides = array<i32>} : memref<4736xf32, #tpu.memory_space<vmem>>, vector<16xf32>,
        }
        %scan3A_150 = arith.constant 72 : i32
        %lt3A_151 = arith.constant 25 : i32
        %lt3A_152 = arith.cmpi slt, %scan3A_64, %lt3A_151 : i32
        %convert_element_type3A_153 = arith.extui %lt3A_152 : i1 to i32
        %cond3A_154 = arith.constant 0 : i32
        %cond3A_155 = arith.cmpi ne, %convert_element_type3A_153, %cond3A_154 : i32
        scf.if %cond3A_155 {
          %add3A_168 = arith.constant 1 : i32
          %add3A_169 = arith.addi %scan3A_64, %add3A_168 : i32
          %mul3A_170 = arith.constant 16 : i32
          %mul3A_171 = arith.muli %add3A_169, %mul3A_170 : i32
          %dma_start3A_172 = arith.constant 0 : i32
          %dma_start3A_173 = arith.constant 0 : i32
          %dma_start3A_174 = tpu.memref_slice %arg8[%dma_start3A_172, %dma_start3A_173] : memref<16x1152xf32, #tpu.memory_space<vmem>> -> memref<16x1152xf32, #tpu.memory_space<vmem>>
          %dma_start3A_175 = arith.constant 98688 : i32
          %dma_start3A_176 = tpu.memref_slice %arg2[%mul3A_171, %dma_start3A_175] : memref<416x100000xf32, #tpu.memory_space<hbm>> -> memref<16x1152xf32, #tpu.memory_space<hbm>>
          %dma_start3A_177 = arith.constant 0 : i32
          %dma_start3A_178 = arith.constant 0 : i32
          %dma_start3A_179 = tpu.memref_slice %arg8[%dma_start3A_177, %dma_start3A_178] : memref<16x1152xf32, #tpu.memory_space<vmem>> -> memref<16x1152xf32, #tpu.memory_space<vmem>>
          %dma_start3A_180 = arith.constant 98688 : i32
          %dma_start3A_181 = tpu.memref_slice %arg2[%mul3A_171, %dma_start3A_180] : memref<416x100000xf32, #tpu.memory_space<hbm>> -> memref<16x1152xf32, #tpu.memory_space<hbm>>
          tpu.enqueue_dma source(%dma_start3A_181 : memref<16x1152xf32, #tpu.memory_space<hbm>>) target(%dma_start3A_179 : memref<16x1152xf32, #tpu.memory_space<vmem>>) target_semaphore(%arg15 : memref<!tpu.dma_semaphore, #tpu.memory_space<semaphore_mem>>)
        } else {
        }
        %mul3A_156 = arith.constant 16 : i32
        %mul3A_157 = arith.muli %scan3A_64, %mul3A_156 : i32
        "tpu.region"() ({
          %run_scoped3A = tpu.sem_alloc : memref<!tpu.dma_semaphore, #tpu.memory_space<semaphore_mem>>
          %dma_start3A_168 = arith.constant 0 : i32
          %dma_start3A_169 = arith.constant 0 : i32
          %dma_start3A_170 = tpu.memref_slice %arg10[%dma_start3A_168, %dma_start3A_169] : memref<16x128xf32, #tpu.memory_space<vmem>> -> memref<16x128xf32, #tpu.memory_space<vmem>>
          %dma_start3A_171 = arith.constant 99840 : i32
          %dma_start3A_172 = tpu.memref_slice %arg2[%mul3A_157, %dma_start3A_171] : memref<416x100000xf32, #tpu.memory_space<hbm>> -> memref<16x128xf32, #tpu.memory_space<hbm>>
          %dma_start3A_173 = arith.constant 0 : i32
          %dma_start3A_174 = arith.constant 0 : i32
          %dma_start3A_175 = tpu.memref_slice %arg10[%dma_start3A_173, %dma_start3A_174] : memref<16x128xf32, #tpu.memory_space<vmem>> -> memref<16x128xf32, #tpu.memory_space<vmem>>
          %dma_start3A_176 = arith.constant 99840 : i32
          %dma_start3A_177 = tpu.memref_slice %arg2[%mul3A_157, %dma_start3A_176] : memref<416x100000xf32, #tpu.memory_space<hbm>> -> memref<16x128xf32, #tpu.memory_space<hbm>>
          tpu.enqueue_dma source(%dma_start3A_177 : memref<16x128xf32, #tpu.memory_space<hbm>>) target(%dma_start3A_175 : memref<16x128xf32, #tpu.memory_space<vmem>>) target_semaphore(%run_scoped3A : memref<!tpu.dma_semaphore, #tpu.memory_space<semaphore_mem>>)
          %dma_wait3A_178 = arith.constant 0 : i32
          %dma_wait3A_179 = arith.constant 0 : i32
          %dma_wait3A_180 = tpu.memref_slice %arg10[%dma_wait3A_178, %dma_wait3A_179] : memref<16x128xf32, #tpu.memory_space<vmem>> -> memref<16x128xf32, #tpu.memory_space<vmem>>
          %dma_wait3A_181 = arith.constant 99840 : i32
          %dma_wait3A_182 = tpu.memref_slice %arg2[%mul3A_157, %dma_wait3A_181] : memref<416x100000xf32, #tpu.memory_space<hbm>> -> memref<16x128xf32, #tpu.memory_space<hbm>>
          %dma_wait3A_183 = arith.constant 0 : i32
          %dma_wait3A_184 = arith.constant 0 : i32
          %dma_wait3A_185 = tpu.memref_slice %arg10[%dma_wait3A_183, %dma_wait3A_184] : memref<16x128xf32, #tpu.memory_space<vmem>> -> memref<16x128xf32, #tpu.memory_space<vmem>>
          %dma_wait3A_186 = arith.constant 99840 : i32
          %dma_wait3A_187 = tpu.memref_slice %arg2[%mul3A_157, %dma_wait3A_186] : memref<416x100000xf32, #tpu.memory_space<hbm>> -> memref<16x128xf32, #tpu.memory_space<hbm>>
          tpu.wait_dma2 semaphore(%run_scoped3A : memref<!tpu.dma_semaphore, #tpu.memory_space<semaphore_mem>>) src(%dma_wait3A_187 : memref<16x128xf32, #tpu.memory_space<hbm>>) dst(%dma_wait3A_185 : memref<16x128xf32, #tpu.memory_space<vmem>>)
          tpu.yield
        }) : () -> ()
        %scan3A_158 = arith.constant 0 : i32
        %scan3A_159 = arith.constant 0 : i32
        %scan3A_160 = arith.constant 8 : i32
        %scan3A_161 = arith.addi %scan3A_159, %scan3A_160 : i32
        %scan3A_162 = arith.constant 2 : i32
        scf.for %scan3A_168 = %scan3A_159 to %scan3A_161 step %scan3A_162  : i32 {
          %mul3A_169 = arith.constant 16 : i32
          %mul3A_170 = arith.muli %scan3A_168, %mul3A_169 : i32
          %get3A = arith.constant 0 : i32
          %get3A_171 = arith.index_cast %get3A : i32 to index
          %get3A_172 = arith.index_cast %mul3A_170 : i32 to index
          %get3A_173 = tpu.vector_load %arg10[%get3A_171, %get3A_172] {strides = array<i32>} : memref<16x128xf32, #tpu.memory_space<vmem>>, vector<16xf32>,
          %mul3A_174 = arith.constant 16 : i32
          %mul3A_175 = arith.muli %scan3A_168, %mul3A_174 : i32
          %get3A_176 = arith.constant 1 : i32
          %get3A_177 = arith.index_cast %get3A_176 : i32 to index
          %get3A_178 = arith.index_cast %mul3A_175 : i32 to index
          %get3A_179 = tpu.vector_load %arg10[%get3A_177, %get3A_178] {strides = array<i32>} : memref<16x128xf32, #tpu.memory_space<vmem>>, vector<16xf32>,
          %add3A_180 = arith.addf %get3A_173, %get3A_179 : vector<16xf32>
          %mul3A_181 = arith.constant 16 : i32
          %mul3A_182 = arith.muli %scan3A_168, %mul3A_181 : i32
          %get3A_183 = arith.constant 2 : i32
          %get3A_184 = arith.index_cast %get3A_183 : i32 to index
          %get3A_185 = arith.index_cast %mul3A_182 : i32 to index
          %get3A_186 = tpu.vector_load %arg10[%get3A_184, %get3A_185] {strides = array<i32>} : memref<16x128xf32, #tpu.memory_space<vmem>>, vector<16xf32>,
          %mul3A_187 = arith.constant 16 : i32
          %mul3A_188 = arith.muli %scan3A_168, %mul3A_187 : i32
          %get3A_189 = arith.constant 3 : i32
          %get3A_190 = arith.index_cast %get3A_189 : i32 to index
          %get3A_191 = arith.index_cast %mul3A_188 : i32 to index
          %get3A_192 = tpu.vector_load %arg10[%get3A_190, %get3A_191] {strides = array<i32>} : memref<16x128xf32, #tpu.memory_space<vmem>>, vector<16xf32>,
          %add3A_193 = arith.addf %get3A_186, %get3A_192 : vector<16xf32>
          %mul3A_194 = arith.constant 16 : i32
          %mul3A_195 = arith.muli %scan3A_168, %mul3A_194 : i32
          %get3A_196 = arith.constant 4 : i32
          %get3A_197 = arith.index_cast %get3A_196 : i32 to index
          %get3A_198 = arith.index_cast %mul3A_195 : i32 to index
          %get3A_199 = tpu.vector_load %arg10[%get3A_197, %get3A_198] {strides = array<i32>} : memref<16x128xf32, #tpu.memory_space<vmem>>, vector<16xf32>,
          %add3A_200 = arith.addf %add3A_180, %get3A_199 : vector<16xf32>
          %mul3A_201 = arith.constant 16 : i32
          %mul3A_202 = arith.muli %scan3A_168, %mul3A_201 : i32
          %get3A_203 = arith.constant 5 : i32
          %get3A_204 = arith.index_cast %get3A_203 : i32 to index
          %get3A_205 = arith.index_cast %mul3A_202 : i32 to index
          %get3A_206 = tpu.vector_load %arg10[%get3A_204, %get3A_205] {strides = array<i32>} : memref<16x128xf32, #tpu.memory_space<vmem>>, vector<16xf32>,
          %add3A_207 = arith.addf %add3A_193, %get3A_206 : vector<16xf32>
          %mul3A_208 = arith.constant 16 : i32
          %mul3A_209 = arith.muli %scan3A_168, %mul3A_208 : i32
          %get3A_210 = arith.constant 6 : i32
          %get3A_211 = arith.index_cast %get3A_210 : i32 to index
          %get3A_212 = arith.index_cast %mul3A_209 : i32 to index
          %get3A_213 = tpu.vector_load %arg10[%get3A_211, %get3A_212] {strides = array<i32>} : memref<16x128xf32, #tpu.memory_space<vmem>>, vector<16xf32>,
          %add3A_214 = arith.addf %add3A_200, %get3A_213 : vector<16xf32>
          %mul3A_215 = arith.constant 16 : i32
          %mul3A_216 = arith.muli %scan3A_168, %mul3A_215 : i32
          %get3A_217 = arith.constant 7 : i32
          %get3A_218 = arith.index_cast %get3A_217 : i32 to index
          %get3A_219 = arith.index_cast %mul3A_216 : i32 to index
          %get3A_220 = tpu.vector_load %arg10[%get3A_218, %get3A_219] {strides = array<i32>} : memref<16x128xf32, #tpu.memory_space<vmem>>, vector<16xf32>,
          %add3A_221 = arith.addf %add3A_207, %get3A_220 : vector<16xf32>
          %mul3A_222 = arith.constant 16 : i32
          %mul3A_223 = arith.muli %scan3A_168, %mul3A_222 : i32
          %get3A_224 = arith.constant 8 : i32
          %get3A_225 = arith.index_cast %get3A_224 : i32 to index
          %get3A_226 = arith.index_cast %mul3A_223 : i32 to index
          %get3A_227 = tpu.vector_load %arg10[%get3A_225, %get3A_226] {strides = array<i32>} : memref<16x128xf32, #tpu.memory_space<vmem>>, vector<16xf32>,
          %add3A_228 = arith.addf %add3A_214, %get3A_227 : vector<16xf32>
          %mul3A_229 = arith.constant 16 : i32
          %mul3A_230 = arith.muli %scan3A_168, %mul3A_229 : i32
          %get3A_231 = arith.constant 9 : i32
          %get3A_232 = arith.index_cast %get3A_231 : i32 to index
          %get3A_233 = arith.index_cast %mul3A_230 : i32 to index
          %get3A_234 = tpu.vector_load %arg10[%get3A_232, %get3A_233] {strides = array<i32>} : memref<16x128xf32, #tpu.memory_space<vmem>>, vector<16xf32>,
          %add3A_235 = arith.addf %add3A_221, %get3A_234 : vector<16xf32>
          %mul3A_236 = arith.constant 16 : i32
          %mul3A_237 = arith.muli %scan3A_168, %mul3A_236 : i32
          %get3A_238 = arith.constant 10 : i32
          %get3A_239 = arith.index_cast %get3A_238 : i32 to index
          %get3A_240 = arith.index_cast %mul3A_237 : i32 to index
          %get3A_241 = tpu.vector_load %arg10[%get3A_239, %get3A_240] {strides = array<i32>} : memref<16x128xf32, #tpu.memory_space<vmem>>, vector<16xf32>,
          %add3A_242 = arith.addf %add3A_228, %get3A_241 : vector<16xf32>
          %mul3A_243 = arith.constant 16 : i32
          %mul3A_244 = arith.muli %scan3A_168, %mul3A_243 : i32
          %get3A_245 = arith.constant 11 : i32
          %get3A_246 = arith.index_cast %get3A_245 : i32 to index
          %get3A_247 = arith.index_cast %mul3A_244 : i32 to index
          %get3A_248 = tpu.vector_load %arg10[%get3A_246, %get3A_247] {strides = array<i32>} : memref<16x128xf32, #tpu.memory_space<vmem>>, vector<16xf32>,
          %add3A_249 = arith.addf %add3A_235, %get3A_248 : vector<16xf32>
          %mul3A_250 = arith.constant 16 : i32
          %mul3A_251 = arith.muli %scan3A_168, %mul3A_250 : i32
          %get3A_252 = arith.constant 12 : i32
          %get3A_253 = arith.index_cast %get3A_252 : i32 to index
          %get3A_254 = arith.index_cast %mul3A_251 : i32 to index
          %get3A_255 = tpu.vector_load %arg10[%get3A_253, %get3A_254] {strides = array<i32>} : memref<16x128xf32, #tpu.memory_space<vmem>>, vector<16xf32>,
          %add3A_256 = arith.addf %add3A_242, %get3A_255 : vector<16xf32>
          %mul3A_257 = arith.constant 16 : i32
          %mul3A_258 = arith.muli %scan3A_168, %mul3A_257 : i32
          %get3A_259 = arith.constant 13 : i32
          %get3A_260 = arith.index_cast %get3A_259 : i32 to index
          %get3A_261 = arith.index_cast %mul3A_258 : i32 to index
          %get3A_262 = tpu.vector_load %arg10[%get3A_260, %get3A_261] {strides = array<i32>} : memref<16x128xf32, #tpu.memory_space<vmem>>, vector<16xf32>,
          %add3A_263 = arith.addf %add3A_249, %get3A_262 : vector<16xf32>
          %mul3A_264 = arith.constant 16 : i32
          %mul3A_265 = arith.muli %scan3A_168, %mul3A_264 : i32
          %get3A_266 = arith.constant 14 : i32
          %get3A_267 = arith.index_cast %get3A_266 : i32 to index
          %get3A_268 = arith.index_cast %mul3A_265 : i32 to index
          %get3A_269 = tpu.vector_load %arg10[%get3A_267, %get3A_268] {strides = array<i32>} : memref<16x128xf32, #tpu.memory_space<vmem>>, vector<16xf32>,
          %add3A_270 = arith.addf %add3A_256, %get3A_269 : vector<16xf32>
          %mul3A_271 = arith.constant 16 : i32
          %mul3A_272 = arith.muli %scan3A_168, %mul3A_271 : i32
          %get3A_273 = arith.constant 15 : i32
          %get3A_274 = arith.index_cast %get3A_273 : i32 to index
          %get3A_275 = arith.index_cast %mul3A_272 : i32 to index
          %get3A_276 = tpu.vector_load %arg10[%get3A_274, %get3A_275] {strides = array<i32>} : memref<16x128xf32, #tpu.memory_space<vmem>>, vector<16xf32>,
          %add3A_277 = arith.addf %add3A_263, %get3A_276 : vector<16xf32>
          %add3A_278 = arith.addf %add3A_270, %add3A_277 : vector<16xf32>
          %mul3A_279 = arith.constant 16 : i32
          %mul3A_280 = arith.muli %scan3A_168, %mul3A_279 : i32
          %add3A_281 = arith.constant 4608 : i32
          %add3A_282 = arith.addi %add3A_281, %mul3A_280 : i32
          %swap3A = arith.index_cast %add3A_282 : i32 to index
          %swap3A_283 = tpu.vector_load %arg9[%swap3A] {strides = array<i32>} : memref<4736xf32, #tpu.memory_space<vmem>>, vector<16xf32>,
          tpu.vector_store %arg9[%swap3A], %add3A_278 {strides = array<i32>} : memref<4736xf32, #tpu.memory_space<vmem>>, vector<16xf32>,
          %scan3A_284 = arith.constant 1 : i32
          %scan3A_285 = arith.addi %scan3A_168, %scan3A_284 : i32
          %mul3A_286 = arith.constant 16 : i32
          %mul3A_287 = arith.muli %scan3A_285, %mul3A_286 : i32
          %get3A_288 = arith.constant 0 : i32
          %get3A_289 = arith.index_cast %get3A_288 : i32 to index
          %get3A_290 = arith.index_cast %mul3A_287 : i32 to index
          %get3A_291 = tpu.vector_load %arg10[%get3A_289, %get3A_290] {strides = array<i32>} : memref<16x128xf32, #tpu.memory_space<vmem>>, vector<16xf32>,
          %mul3A_292 = arith.constant 16 : i32
          %mul3A_293 = arith.muli %scan3A_285, %mul3A_292 : i32
          %get3A_294 = arith.constant 1 : i32
          %get3A_295 = arith.index_cast %get3A_294 : i32 to index
          %get3A_296 = arith.index_cast %mul3A_293 : i32 to index
          %get3A_297 = tpu.vector_load %arg10[%get3A_295, %get3A_296] {strides = array<i32>} : memref<16x128xf32, #tpu.memory_space<vmem>>, vector<16xf32>,
          %add3A_298 = arith.addf %get3A_291, %get3A_297 : vector<16xf32>
          %mul3A_299 = arith.constant 16 : i32
          %mul3A_300 = arith.muli %scan3A_285, %mul3A_299 : i32
          %get3A_301 = arith.constant 2 : i32
          %get3A_302 = arith.index_cast %get3A_301 : i32 to index
          %get3A_303 = arith.index_cast %mul3A_300 : i32 to index
          %get3A_304 = tpu.vector_load %arg10[%get3A_302, %get3A_303] {strides = array<i32>} : memref<16x128xf32, #tpu.memory_space<vmem>>, vector<16xf32>,
          %mul3A_305 = arith.constant 16 : i32
          %mul3A_306 = arith.muli %scan3A_285, %mul3A_305 : i32
          %get3A_307 = arith.constant 3 : i32
          %get3A_308 = arith.index_cast %get3A_307 : i32 to index
          %get3A_309 = arith.index_cast %mul3A_306 : i32 to index
          %get3A_310 = tpu.vector_load %arg10[%get3A_308, %get3A_309] {strides = array<i32>} : memref<16x128xf32, #tpu.memory_space<vmem>>, vector<16xf32>,
          %add3A_311 = arith.addf %get3A_304, %get3A_310 : vector<16xf32>
          %mul3A_312 = arith.constant 16 : i32
          %mul3A_313 = arith.muli %scan3A_285, %mul3A_312 : i32
          %get3A_314 = arith.constant 4 : i32
          %get3A_315 = arith.index_cast %get3A_314 : i32 to index
          %get3A_316 = arith.index_cast %mul3A_313 : i32 to index
          %get3A_317 = tpu.vector_load %arg10[%get3A_315, %get3A_316] {strides = array<i32>} : memref<16x128xf32, #tpu.memory_space<vmem>>, vector<16xf32>,
          %add3A_318 = arith.addf %add3A_298, %get3A_317 : vector<16xf32>
          %mul3A_319 = arith.constant 16 : i32
          %mul3A_320 = arith.muli %scan3A_285, %mul3A_319 : i32
          %get3A_321 = arith.constant 5 : i32
          %get3A_322 = arith.index_cast %get3A_321 : i32 to index
          %get3A_323 = arith.index_cast %mul3A_320 : i32 to index
          %get3A_324 = tpu.vector_load %arg10[%get3A_322, %get3A_323] {strides = array<i32>} : memref<16x128xf32, #tpu.memory_space<vmem>>, vector<16xf32>,
          %add3A_325 = arith.addf %add3A_311, %get3A_324 : vector<16xf32>
          %mul3A_326 = arith.constant 16 : i32
          %mul3A_327 = arith.muli %scan3A_285, %mul3A_326 : i32
          %get3A_328 = arith.constant 6 : i32
          %get3A_329 = arith.index_cast %get3A_328 : i32 to index
          %get3A_330 = arith.index_cast %mul3A_327 : i32 to index
          %get3A_331 = tpu.vector_load %arg10[%get3A_329, %get3A_330] {strides = array<i32>} : memref<16x128xf32, #tpu.memory_space<vmem>>, vector<16xf32>,
          %add3A_332 = arith.addf %add3A_318, %get3A_331 : vector<16xf32>
          %mul3A_333 = arith.constant 16 : i32
          %mul3A_334 = arith.muli %scan3A_285, %mul3A_333 : i32
          %get3A_335 = arith.constant 7 : i32
          %get3A_336 = arith.index_cast %get3A_335 : i32 to index
          %get3A_337 = arith.index_cast %mul3A_334 : i32 to index
          %get3A_338 = tpu.vector_load %arg10[%get3A_336, %get3A_337] {strides = array<i32>} : memref<16x128xf32, #tpu.memory_space<vmem>>, vector<16xf32>,
          %add3A_339 = arith.addf %add3A_325, %get3A_338 : vector<16xf32>
          %mul3A_340 = arith.constant 16 : i32
          %mul3A_341 = arith.muli %scan3A_285, %mul3A_340 : i32
          %get3A_342 = arith.constant 8 : i32
          %get3A_343 = arith.index_cast %get3A_342 : i32 to index
          %get3A_344 = arith.index_cast %mul3A_341 : i32 to index
          %get3A_345 = tpu.vector_load %arg10[%get3A_343, %get3A_344] {strides = array<i32>} : memref<16x128xf32, #tpu.memory_space<vmem>>, vector<16xf32>,
          %add3A_346 = arith.addf %add3A_332, %get3A_345 : vector<16xf32>
          %mul3A_347 = arith.constant 16 : i32
          %mul3A_348 = arith.muli %scan3A_285, %mul3A_347 : i32
          %get3A_349 = arith.constant 9 : i32
          %get3A_350 = arith.index_cast %get3A_349 : i32 to index
          %get3A_351 = arith.index_cast %mul3A_348 : i32 to index
          %get3A_352 = tpu.vector_load %arg10[%get3A_350, %get3A_351] {strides = array<i32>} : memref<16x128xf32, #tpu.memory_space<vmem>>, vector<16xf32>,
          %add3A_353 = arith.addf %add3A_339, %get3A_352 : vector<16xf32>
          %mul3A_354 = arith.constant 16 : i32
          %mul3A_355 = arith.muli %scan3A_285, %mul3A_354 : i32
          %get3A_356 = arith.constant 10 : i32
          %get3A_357 = arith.index_cast %get3A_356 : i32 to index
          %get3A_358 = arith.index_cast %mul3A_355 : i32 to index
          %get3A_359 = tpu.vector_load %arg10[%get3A_357, %get3A_358] {strides = array<i32>} : memref<16x128xf32, #tpu.memory_space<vmem>>, vector<16xf32>,
          %add3A_360 = arith.addf %add3A_346, %get3A_359 : vector<16xf32>
          %mul3A_361 = arith.constant 16 : i32
          %mul3A_362 = arith.muli %scan3A_285, %mul3A_361 : i32
          %get3A_363 = arith.constant 11 : i32
          %get3A_364 = arith.index_cast %get3A_363 : i32 to index
          %get3A_365 = arith.index_cast %mul3A_362 : i32 to index
          %get3A_366 = tpu.vector_load %arg10[%get3A_364, %get3A_365] {strides = array<i32>} : memref<16x128xf32, #tpu.memory_space<vmem>>, vector<16xf32>,
          %add3A_367 = arith.addf %add3A_353, %get3A_366 : vector<16xf32>
          %mul3A_368 = arith.constant 16 : i32
          %mul3A_369 = arith.muli %scan3A_285, %mul3A_368 : i32
          %get3A_370 = arith.constant 12 : i32
          %get3A_371 = arith.index_cast %get3A_370 : i32 to index
          %get3A_372 = arith.index_cast %mul3A_369 : i32 to index
          %get3A_373 = tpu.vector_load %arg10[%get3A_371, %get3A_372] {strides = array<i32>} : memref<16x128xf32, #tpu.memory_space<vmem>>, vector<16xf32>,
          %add3A_374 = arith.addf %add3A_360, %get3A_373 : vector<16xf32>
          %mul3A_375 = arith.constant 16 : i32
          %mul3A_376 = arith.muli %scan3A_285, %mul3A_375 : i32
          %get3A_377 = arith.constant 13 : i32
          %get3A_378 = arith.index_cast %get3A_377 : i32 to index
          %get3A_379 = arith.index_cast %mul3A_376 : i32 to index
          %get3A_380 = tpu.vector_load %arg10[%get3A_378, %get3A_379] {strides = array<i32>} : memref<16x128xf32, #tpu.memory_space<vmem>>, vector<16xf32>,
          %add3A_381 = arith.addf %add3A_367, %get3A_380 : vector<16xf32>
          %mul3A_382 = arith.constant 16 : i32
          %mul3A_383 = arith.muli %scan3A_285, %mul3A_382 : i32
          %get3A_384 = arith.constant 14 : i32
          %get3A_385 = arith.index_cast %get3A_384 : i32 to index
          %get3A_386 = arith.index_cast %mul3A_383 : i32 to index
          %get3A_387 = tpu.vector_load %arg10[%get3A_385, %get3A_386] {strides = array<i32>} : memref<16x128xf32, #tpu.memory_space<vmem>>, vector<16xf32>,
          %add3A_388 = arith.addf %add3A_374, %get3A_387 : vector<16xf32>
          %mul3A_389 = arith.constant 16 : i32
          %mul3A_390 = arith.muli %scan3A_285, %mul3A_389 : i32
          %get3A_391 = arith.constant 15 : i32
          %get3A_392 = arith.index_cast %get3A_391 : i32 to index
          %get3A_393 = arith.index_cast %mul3A_390 : i32 to index
          %get3A_394 = tpu.vector_load %arg10[%get3A_392, %get3A_393] {strides = array<i32>} : memref<16x128xf32, #tpu.memory_space<vmem>>, vector<16xf32>,
          %add3A_395 = arith.addf %add3A_381, %get3A_394 : vector<16xf32>
          %add3A_396 = arith.addf %add3A_388, %add3A_395 : vector<16xf32>
          %mul3A_397 = arith.constant 16 : i32
          %mul3A_398 = arith.muli %scan3A_285, %mul3A_397 : i32
          %add3A_399 = arith.constant 4608 : i32
          %add3A_400 = arith.addi %add3A_399, %mul3A_398 : i32
          %swap3A_401 = arith.index_cast %add3A_400 : i32 to index
          %swap3A_402 = tpu.vector_load %arg9[%swap3A_401] {strides = array<i32>} : memref<4736xf32, #tpu.memory_space<vmem>>, vector<16xf32>,
          tpu.vector_store %arg9[%swap3A_401], %add3A_396 {strides = array<i32>} : memref<4736xf32, #tpu.memory_space<vmem>>, vector<16xf32>,
        }
        %scan3A_163 = arith.constant 8 : i32
        %mul3A_164 = arith.constant 100000 : i32
        %mul3A_165 = arith.muli %scan3A_64, %mul3A_164 : i32
        %add3A_166 = arith.constant 95232 : i32
        %add3A_167 = arith.addi %mul3A_165, %add3A_166 : i32
        "tpu.region"() ({
          %run_scoped3A = tpu.sem_alloc : memref<!tpu.dma_semaphore, #tpu.memory_space<semaphore_mem>>
          %dma_start3A_168 = arith.constant 0 : i32
          %dma_start3A_169 = tpu.memref_slice %arg9[%dma_start3A_168] : memref<4736xf32, #tpu.memory_space<vmem>> -> memref<4736xf32, #tpu.memory_space<vmem>>
          %dma_start3A_170 = tpu.memref_slice %arg4[%add3A_167] : memref<2600000xf32, #tpu.memory_space<hbm>> -> memref<4736xf32, #tpu.memory_space<hbm>>
          %dma_start3A_171 = tpu.memref_slice %arg4[%add3A_167] : memref<2600000xf32, #tpu.memory_space<hbm>> -> memref<4736xf32, #tpu.memory_space<hbm>>
          %dma_start3A_172 = arith.constant 0 : i32
          %dma_start3A_173 = tpu.memref_slice %arg9[%dma_start3A_172] : memref<4736xf32, #tpu.memory_space<vmem>> -> memref<4736xf32, #tpu.memory_space<vmem>>
          tpu.enqueue_dma source(%dma_start3A_173 : memref<4736xf32, #tpu.memory_space<vmem>>) target(%dma_start3A_171 : memref<4736xf32, #tpu.memory_space<hbm>>) target_semaphore(%run_scoped3A : memref<!tpu.dma_semaphore, #tpu.memory_space<semaphore_mem>>)
          %dma_wait3A_174 = arith.constant 0 : i32
          %dma_wait3A_175 = tpu.memref_slice %arg9[%dma_wait3A_174] : memref<4736xf32, #tpu.memory_space<vmem>> -> memref<4736xf32, #tpu.memory_space<vmem>>
          %dma_wait3A_176 = tpu.memref_slice %arg4[%add3A_167] : memref<2600000xf32, #tpu.memory_space<hbm>> -> memref<4736xf32, #tpu.memory_space<hbm>>
          %dma_wait3A_177 = tpu.memref_slice %arg4[%add3A_167] : memref<2600000xf32, #tpu.memory_space<hbm>> -> memref<4736xf32, #tpu.memory_space<hbm>>
          %dma_wait3A_178 = arith.constant 0 : i32
          %dma_wait3A_179 = tpu.memref_slice %arg9[%dma_wait3A_178] : memref<4736xf32, #tpu.memory_space<vmem>> -> memref<4736xf32, #tpu.memory_space<vmem>>
          tpu.wait_dma2 semaphore(%run_scoped3A : memref<!tpu.dma_semaphore, #tpu.memory_space<semaphore_mem>>) src(%dma_wait3A_179 : memref<4736xf32, #tpu.memory_space<vmem>>) dst(%dma_wait3A_177 : memref<4736xf32, #tpu.memory_space<hbm>>)
          tpu.yield
        }) : () -> ()
      }
      %scan3A_63 = arith.constant 26 : i32
    } else {
    }
    %lt3A_7 = arith.constant 26 : i32
    %lt3A_8 = arith.cmpi slt, %add3A, %lt3A_7 : i32
    %convert_element_type3A_9 = arith.extui %lt3A_8 : i1 to i32
    %cond3A_10 = arith.constant 0 : i32
    %cond3A_11 = arith.cmpi ne, %convert_element_type3A_9, %cond3A_10 : i32
    scf.if %cond3A_11 {
      %mul3A_12 = arith.constant 32 : i32
      %mul3A_13 = arith.muli %add3A, %mul3A_12 : i32
      "tpu.region"() ({
        %run_scoped3A = tpu.sem_alloc : memref<!tpu.dma_semaphore, #tpu.memory_space<semaphore_mem>>
        %dma_start3A = tpu.memref_slice %arg3[%mul3A_13] : memref<832xf32, #tpu.memory_space<hbm>> -> memref<32xf32, #tpu.memory_space<hbm>>
        %dma_start3A_18 = tpu.memref_slice %arg3[%mul3A_13] : memref<832xf32, #tpu.memory_space<hbm>> -> memref<32xf32, #tpu.memory_space<hbm>>
        tpu.enqueue_dma source(%dma_start3A_18 : memref<32xf32, #tpu.memory_space<hbm>>) target(%arg11 : memref<32xf32, #tpu.memory_space<vmem>>) target_semaphore(%run_scoped3A : memref<!tpu.dma_semaphore, #tpu.memory_space<semaphore_mem>>)
        %dma_wait3A = tpu.memref_slice %arg3[%mul3A_13] : memref<832xf32, #tpu.memory_space<hbm>> -> memref<32xf32, #tpu.memory_space<hbm>>
        %dma_wait3A_19 = tpu.memref_slice %arg3[%mul3A_13] : memref<832xf32, #tpu.memory_space<hbm>> -> memref<32xf32, #tpu.memory_space<hbm>>
        tpu.wait_dma2 semaphore(%run_scoped3A : memref<!tpu.dma_semaphore, #tpu.memory_space<semaphore_mem>>) src(%dma_wait3A_19 : memref<32xf32, #tpu.memory_space<hbm>>) dst(%arg11 : memref<32xf32, #tpu.memory_space<vmem>>)
        tpu.yield
      }) : () -> ()
      %mul3A_14 = arith.constant 100000 : i32
      %mul3A_15 = arith.muli %add3A, %mul3A_14 : i32
      %add3A_16 = arith.constant 99968 : i32
      %add3A_17 = arith.addi %mul3A_15, %add3A_16 : i32
      "tpu.region"() ({
        %run_scoped3A = tpu.sem_alloc : memref<!tpu.dma_semaphore, #tpu.memory_space<semaphore_mem>>
        %dma_start3A = tpu.memref_slice %arg4[%add3A_17] : memref<2600000xf32, #tpu.memory_space<hbm>> -> memref<32xf32, #tpu.memory_space<hbm>>
        %dma_start3A_18 = tpu.memref_slice %arg4[%add3A_17] : memref<2600000xf32, #tpu.memory_space<hbm>> -> memref<32xf32, #tpu.memory_space<hbm>>
        tpu.enqueue_dma source(%arg11 : memref<32xf32, #tpu.memory_space<vmem>>) target(%dma_start3A_18 : memref<32xf32, #tpu.memory_space<hbm>>) target_semaphore(%run_scoped3A : memref<!tpu.dma_semaphore, #tpu.memory_space<semaphore_mem>>)
        %dma_wait3A = tpu.memref_slice %arg4[%add3A_17] : memref<2600000xf32, #tpu.memory_space<hbm>> -> memref<32xf32, #tpu.memory_space<hbm>>
        %dma_wait3A_19 = tpu.memref_slice %arg4[%add3A_17] : memref<2600000xf32, #tpu.memory_space<hbm>> -> memref<32xf32, #tpu.memory_space<hbm>>
        tpu.wait_dma2 semaphore(%run_scoped3A : memref<!tpu.dma_semaphore, #tpu.memory_space<semaphore_mem>>) src(%arg11 : memref<32xf32, #tpu.memory_space<vmem>>) dst(%dma_wait3A_19 : memref<32xf32, #tpu.memory_space<hbm>>)
        tpu.yield
      }) : () -> ()
    } else {
    }
    return
  }
}

#map = affine_map<(d0, d1) -> (0)>
#map1 = affine_map<(d0, d1) -> (0, 0)>
module attributes {stable_mosaic.version = 14 : i64} {
  func.func @_sc_linear(%arg0: i32, %arg1: i32, %arg2: memref<2600000xf32, #tpu.memory_space<hbm>>, %arg3: memref<425984xi32, #tpu.memory_space<hbm>>, %arg4: memref<208xi32, #tpu.memory_space<hbm>>, %arg5: memref<16x16384xf32, #tpu.memory_space<hbm>>, %arg6: memref<16x16xf32, #tpu.memory_space<hbm>>, %arg7: memref<16384xf32, #tpu.memory_space<hbm>>, %arg8: memref<13312xi32, #tpu.memory_space<vmem>>, %arg9: memref<208xi32, #tpu.memory_space<vmem>>, %arg10: memref<16x512xf32, #tpu.memory_space<vmem>>, %arg11: memref<16x16xf32, #tpu.memory_space<vmem>>, %arg12: memref<512xf32, #tpu.memory_space<vmem>>, %arg13: memref<13312xf32, #tpu.memory_space<vmem>>, %arg14: memref<!tpu.dma_semaphore, #tpu.memory_space<semaphore_mem>>) attributes {dimension_semantics = [#tpu.dimension_semantics<core_parallel>, #tpu.dimension_semantics<subcore_parallel>], iteration_bounds = array<i64: 2, 16>, scalar_prefetch = 0 : i64, scratch_operands = 7 : i64, tpu.core_type = #tpu.core_type<sc_vector_subcore>, window_params = [{transform_indices = #map}, {transform_indices = #map}, {transform_indices = #map}, {transform_indices = #map1}, {transform_indices = #map1}, {transform_indices = #map}]} {
    %mul3A = arith.constant 2 : i32
    %mul3A_0 = arith.muli %arg1, %mul3A : i32
    %add3A = arith.addi %mul3A_0, %arg0 : i32
    %mul3A_1 = arith.constant 13312 : i32
    %mul3A_2 = arith.muli %add3A, %mul3A_1 : i32
    %mul3A_3 = arith.constant 512 : i32
    %mul3A_4 = arith.muli %add3A, %mul3A_3 : i32
    "tpu.region"() ({
      %run_scoped3A = tpu.sem_alloc : memref<!tpu.dma_semaphore, #tpu.memory_space<semaphore_mem>>
      %dma_start3A = tpu.memref_slice %arg3[%mul3A_2] : memref<425984xi32, #tpu.memory_space<hbm>> -> memref<13312xi32, #tpu.memory_space<hbm>>
      %dma_start3A_28 = tpu.memref_slice %arg3[%mul3A_2] : memref<425984xi32, #tpu.memory_space<hbm>> -> memref<13312xi32, #tpu.memory_space<hbm>>
      tpu.enqueue_dma source(%dma_start3A_28 : memref<13312xi32, #tpu.memory_space<hbm>>) target(%arg8 : memref<13312xi32, #tpu.memory_space<vmem>>) target_semaphore(%run_scoped3A : memref<!tpu.dma_semaphore, #tpu.memory_space<semaphore_mem>>)
      %dma_wait3A_29 = tpu.memref_slice %arg3[%mul3A_2] : memref<425984xi32, #tpu.memory_space<hbm>> -> memref<13312xi32, #tpu.memory_space<hbm>>
      %dma_wait3A_30 = tpu.memref_slice %arg3[%mul3A_2] : memref<425984xi32, #tpu.memory_space<hbm>> -> memref<13312xi32, #tpu.memory_space<hbm>>
      tpu.wait_dma2 semaphore(%run_scoped3A : memref<!tpu.dma_semaphore, #tpu.memory_space<semaphore_mem>>) src(%dma_wait3A_30 : memref<13312xi32, #tpu.memory_space<hbm>>) dst(%arg8 : memref<13312xi32, #tpu.memory_space<vmem>>)
      tpu.yield
    }) : () -> ()
    "tpu.region"() ({
      %run_scoped3A = tpu.sem_alloc : memref<!tpu.dma_semaphore, #tpu.memory_space<semaphore_mem>>
      tpu.enqueue_dma source(%arg4 : memref<208xi32, #tpu.memory_space<hbm>>) target(%arg9 : memref<208xi32, #tpu.memory_space<vmem>>) target_semaphore(%run_scoped3A : memref<!tpu.dma_semaphore, #tpu.memory_space<semaphore_mem>>)
      tpu.wait_dma2 semaphore(%run_scoped3A : memref<!tpu.dma_semaphore, #tpu.memory_space<semaphore_mem>>) src(%arg4 : memref<208xi32, #tpu.memory_space<hbm>>) dst(%arg9 : memref<208xi32, #tpu.memory_space<vmem>>)
      tpu.yield
    }) : () -> ()
    "tpu.region"() ({
      %run_scoped3A = tpu.sem_alloc : memref<!tpu.dma_semaphore, #tpu.memory_space<semaphore_mem>>
      tpu.enqueue_dma source(%arg6 : memref<16x16xf32, #tpu.memory_space<hbm>>) target(%arg11 : memref<16x16xf32, #tpu.memory_space<vmem>>) target_semaphore(%run_scoped3A : memref<!tpu.dma_semaphore, #tpu.memory_space<semaphore_mem>>)
      tpu.wait_dma2 semaphore(%run_scoped3A : memref<!tpu.dma_semaphore, #tpu.memory_space<semaphore_mem>>) src(%arg6 : memref<16x16xf32, #tpu.memory_space<hbm>>) dst(%arg11 : memref<16x16xf32, #tpu.memory_space<vmem>>)
      tpu.yield
    }) : () -> ()
    "tpu.region"() ({
      %run_scoped3A = tpu.sem_alloc : memref<!tpu.dma_semaphore, #tpu.memory_space<semaphore_mem>>
      %dma_start3A = arith.constant 0 : i32
      %dma_start3A_28 = tpu.memref_slice %arg5[%dma_start3A, %mul3A_4] : memref<16x16384xf32, #tpu.memory_space<hbm>> -> memref<16x512xf32, #tpu.memory_space<hbm>>
      %dma_start3A_29 = arith.constant 0 : i32
      %dma_start3A_30 = tpu.memref_slice %arg5[%dma_start3A_29, %mul3A_4] : memref<16x16384xf32, #tpu.memory_space<hbm>> -> memref<16x512xf32, #tpu.memory_space<hbm>>
      tpu.enqueue_dma source(%dma_start3A_30 : memref<16x512xf32, #tpu.memory_space<hbm>>) target(%arg10 : memref<16x512xf32, #tpu.memory_space<vmem>>) target_semaphore(%run_scoped3A : memref<!tpu.dma_semaphore, #tpu.memory_space<semaphore_mem>>)
      %dma_wait3A_31 = arith.constant 0 : i32
      %dma_wait3A_32 = tpu.memref_slice %arg5[%dma_wait3A_31, %mul3A_4] : memref<16x16384xf32, #tpu.memory_space<hbm>> -> memref<16x512xf32, #tpu.memory_space<hbm>>
      %dma_wait3A_33 = arith.constant 0 : i32
      %dma_wait3A_34 = tpu.memref_slice %arg5[%dma_wait3A_33, %mul3A_4] : memref<16x16384xf32, #tpu.memory_space<hbm>> -> memref<16x512xf32, #tpu.memory_space<hbm>>
      tpu.wait_dma2 semaphore(%run_scoped3A : memref<!tpu.dma_semaphore, #tpu.memory_space<semaphore_mem>>) src(%dma_wait3A_34 : memref<16x512xf32, #tpu.memory_space<hbm>>) dst(%arg10 : memref<16x512xf32, #tpu.memory_space<vmem>>)
      tpu.yield
    }) : () -> ()
    %scan3A = arith.constant 0 : i32
    %scan3A_5 = arith.constant 0 : i32
    %scan3A_6 = arith.constant 64 : i32
    %scan3A_7 = arith.addi %scan3A_5, %scan3A_6 : i32
    %scan3A_8 = arith.constant 1 : i32
    scf.for %scan3A_28 = %scan3A_5 to %scan3A_7 step %scan3A_8  : i32 {
      %mul3A_29 = arith.constant 13 : i32
      %mul3A_30 = arith.muli %scan3A_28, %mul3A_29 : i32
      %add3A_31 = arith.constant 0 : i32
      %add3A_32 = arith.addi %mul3A_30, %add3A_31 : i32
      %mul3A_33 = arith.constant 16 : i32
      %mul3A_34 = arith.muli %add3A_32, %mul3A_33 : i32
      %get3A = arith.index_cast %mul3A_34 : i32 to index
      %get3A_35 = tpu.vector_load %arg8[%get3A] {strides = array<i32>} : memref<13312xi32, #tpu.memory_space<vmem>>, vector<16xi32>,
      %get3A_36 = arith.constant 0 : index
      %get3A_37 = tpu.vector_load %arg9[%get3A_36] {strides = array<i32>} : memref<208xi32, #tpu.memory_space<vmem>>, vector<16xi32>,
      %add3A_38 = arith.addi %get3A_35, %get3A_37 : vector<16xi32>
      %swap3A = arith.index_cast %mul3A_34 : i32 to index
      %swap3A_39 = tpu.vector_load %arg8[%swap3A] {strides = array<i32>} : memref<13312xi32, #tpu.memory_space<vmem>>, vector<16xi32>,
      tpu.vector_store %arg8[%swap3A], %add3A_38 {strides = array<i32>} : memref<13312xi32, #tpu.memory_space<vmem>>, vector<16xi32>,
      %mul3A_40 = arith.constant 13 : i32
      %mul3A_41 = arith.muli %scan3A_28, %mul3A_40 : i32
      %add3A_42 = arith.constant 1 : i32
      %add3A_43 = arith.addi %mul3A_41, %add3A_42 : i32
      %mul3A_44 = arith.constant 16 : i32
      %mul3A_45 = arith.muli %add3A_43, %mul3A_44 : i32
      %get3A_46 = arith.index_cast %mul3A_45 : i32 to index
      %get3A_47 = tpu.vector_load %arg8[%get3A_46] {strides = array<i32>} : memref<13312xi32, #tpu.memory_space<vmem>>, vector<16xi32>,
      %get3A_48 = arith.constant 16 : index
      %get3A_49 = tpu.vector_load %arg9[%get3A_48] {strides = array<i32>} : memref<208xi32, #tpu.memory_space<vmem>>, vector<16xi32>,
      %add3A_50 = arith.addi %get3A_47, %get3A_49 : vector<16xi32>
      %swap3A_51 = arith.index_cast %mul3A_45 : i32 to index
      %swap3A_52 = tpu.vector_load %arg8[%swap3A_51] {strides = array<i32>} : memref<13312xi32, #tpu.memory_space<vmem>>, vector<16xi32>,
      tpu.vector_store %arg8[%swap3A_51], %add3A_50 {strides = array<i32>} : memref<13312xi32, #tpu.memory_space<vmem>>, vector<16xi32>,
      %mul3A_53 = arith.constant 13 : i32
      %mul3A_54 = arith.muli %scan3A_28, %mul3A_53 : i32
      %add3A_55 = arith.constant 2 : i32
      %add3A_56 = arith.addi %mul3A_54, %add3A_55 : i32
      %mul3A_57 = arith.constant 16 : i32
      %mul3A_58 = arith.muli %add3A_56, %mul3A_57 : i32
      %get3A_59 = arith.index_cast %mul3A_58 : i32 to index
      %get3A_60 = tpu.vector_load %arg8[%get3A_59] {strides = array<i32>} : memref<13312xi32, #tpu.memory_space<vmem>>, vector<16xi32>,
      %get3A_61 = arith.constant 32 : index
      %get3A_62 = tpu.vector_load %arg9[%get3A_61] {strides = array<i32>} : memref<208xi32, #tpu.memory_space<vmem>>, vector<16xi32>,
      %add3A_63 = arith.addi %get3A_60, %get3A_62 : vector<16xi32>
      %swap3A_64 = arith.index_cast %mul3A_58 : i32 to index
      %swap3A_65 = tpu.vector_load %arg8[%swap3A_64] {strides = array<i32>} : memref<13312xi32, #tpu.memory_space<vmem>>, vector<16xi32>,
      tpu.vector_store %arg8[%swap3A_64], %add3A_63 {strides = array<i32>} : memref<13312xi32, #tpu.memory_space<vmem>>, vector<16xi32>,
      %mul3A_66 = arith.constant 13 : i32
      %mul3A_67 = arith.muli %scan3A_28, %mul3A_66 : i32
      %add3A_68 = arith.constant 3 : i32
      %add3A_69 = arith.addi %mul3A_67, %add3A_68 : i32
      %mul3A_70 = arith.constant 16 : i32
      %mul3A_71 = arith.muli %add3A_69, %mul3A_70 : i32
      %get3A_72 = arith.index_cast %mul3A_71 : i32 to index
      %get3A_73 = tpu.vector_load %arg8[%get3A_72] {strides = array<i32>} : memref<13312xi32, #tpu.memory_space<vmem>>, vector<16xi32>,
      %get3A_74 = arith.constant 48 : index
      %get3A_75 = tpu.vector_load %arg9[%get3A_74] {strides = array<i32>} : memref<208xi32, #tpu.memory_space<vmem>>, vector<16xi32>,
      %add3A_76 = arith.addi %get3A_73, %get3A_75 : vector<16xi32>
      %swap3A_77 = arith.index_cast %mul3A_71 : i32 to index
      %swap3A_78 = tpu.vector_load %arg8[%swap3A_77] {strides = array<i32>} : memref<13312xi32, #tpu.memory_space<vmem>>, vector<16xi32>,
      tpu.vector_store %arg8[%swap3A_77], %add3A_76 {strides = array<i32>} : memref<13312xi32, #tpu.memory_space<vmem>>, vector<16xi32>,
      %mul3A_79 = arith.constant 13 : i32
      %mul3A_80 = arith.muli %scan3A_28, %mul3A_79 : i32
      %add3A_81 = arith.constant 4 : i32
      %add3A_82 = arith.addi %mul3A_80, %add3A_81 : i32
      %mul3A_83 = arith.constant 16 : i32
      %mul3A_84 = arith.muli %add3A_82, %mul3A_83 : i32
      %get3A_85 = arith.index_cast %mul3A_84 : i32 to index
      %get3A_86 = tpu.vector_load %arg8[%get3A_85] {strides = array<i32>} : memref<13312xi32, #tpu.memory_space<vmem>>, vector<16xi32>,
      %get3A_87 = arith.constant 64 : index
      %get3A_88 = tpu.vector_load %arg9[%get3A_87] {strides = array<i32>} : memref<208xi32, #tpu.memory_space<vmem>>, vector<16xi32>,
      %add3A_89 = arith.addi %get3A_86, %get3A_88 : vector<16xi32>
      %swap3A_90 = arith.index_cast %mul3A_84 : i32 to index
      %swap3A_91 = tpu.vector_load %arg8[%swap3A_90] {strides = array<i32>} : memref<13312xi32, #tpu.memory_space<vmem>>, vector<16xi32>,
      tpu.vector_store %arg8[%swap3A_90], %add3A_89 {strides = array<i32>} : memref<13312xi32, #tpu.memory_space<vmem>>, vector<16xi32>,
      %mul3A_92 = arith.constant 13 : i32
      %mul3A_93 = arith.muli %scan3A_28, %mul3A_92 : i32
      %add3A_94 = arith.constant 5 : i32
      %add3A_95 = arith.addi %mul3A_93, %add3A_94 : i32
      %mul3A_96 = arith.constant 16 : i32
      %mul3A_97 = arith.muli %add3A_95, %mul3A_96 : i32
      %get3A_98 = arith.index_cast %mul3A_97 : i32 to index
      %get3A_99 = tpu.vector_load %arg8[%get3A_98] {strides = array<i32>} : memref<13312xi32, #tpu.memory_space<vmem>>, vector<16xi32>,
      %get3A_100 = arith.constant 80 : index
      %get3A_101 = tpu.vector_load %arg9[%get3A_100] {strides = array<i32>} : memref<208xi32, #tpu.memory_space<vmem>>, vector<16xi32>,
      %add3A_102 = arith.addi %get3A_99, %get3A_101 : vector<16xi32>
      %swap3A_103 = arith.index_cast %mul3A_97 : i32 to index
      %swap3A_104 = tpu.vector_load %arg8[%swap3A_103] {strides = array<i32>} : memref<13312xi32, #tpu.memory_space<vmem>>, vector<16xi32>,
      tpu.vector_store %arg8[%swap3A_103], %add3A_102 {strides = array<i32>} : memref<13312xi32, #tpu.memory_space<vmem>>, vector<16xi32>,
      %mul3A_105 = arith.constant 13 : i32
      %mul3A_106 = arith.muli %scan3A_28, %mul3A_105 : i32
      %add3A_107 = arith.constant 6 : i32
      %add3A_108 = arith.addi %mul3A_106, %add3A_107 : i32
      %mul3A_109 = arith.constant 16 : i32
      %mul3A_110 = arith.muli %add3A_108, %mul3A_109 : i32
      %get3A_111 = arith.index_cast %mul3A_110 : i32 to index
      %get3A_112 = tpu.vector_load %arg8[%get3A_111] {strides = array<i32>} : memref<13312xi32, #tpu.memory_space<vmem>>, vector<16xi32>,
      %get3A_113 = arith.constant 96 : index
      %get3A_114 = tpu.vector_load %arg9[%get3A_113] {strides = array<i32>} : memref<208xi32, #tpu.memory_space<vmem>>, vector<16xi32>,
      %add3A_115 = arith.addi %get3A_112, %get3A_114 : vector<16xi32>
      %swap3A_116 = arith.index_cast %mul3A_110 : i32 to index
      %swap3A_117 = tpu.vector_load %arg8[%swap3A_116] {strides = array<i32>} : memref<13312xi32, #tpu.memory_space<vmem>>, vector<16xi32>,
      tpu.vector_store %arg8[%swap3A_116], %add3A_115 {strides = array<i32>} : memref<13312xi32, #tpu.memory_space<vmem>>, vector<16xi32>,
      %mul3A_118 = arith.constant 13 : i32
      %mul3A_119 = arith.muli %scan3A_28, %mul3A_118 : i32
      %add3A_120 = arith.constant 7 : i32
      %add3A_121 = arith.addi %mul3A_119, %add3A_120 : i32
      %mul3A_122 = arith.constant 16 : i32
      %mul3A_123 = arith.muli %add3A_121, %mul3A_122 : i32
      %get3A_124 = arith.index_cast %mul3A_123 : i32 to index
      %get3A_125 = tpu.vector_load %arg8[%get3A_124] {strides = array<i32>} : memref<13312xi32, #tpu.memory_space<vmem>>, vector<16xi32>,
      %get3A_126 = arith.constant 112 : index
      %get3A_127 = tpu.vector_load %arg9[%get3A_126] {strides = array<i32>} : memref<208xi32, #tpu.memory_space<vmem>>, vector<16xi32>,
      %add3A_128 = arith.addi %get3A_125, %get3A_127 : vector<16xi32>
      %swap3A_129 = arith.index_cast %mul3A_123 : i32 to index
      %swap3A_130 = tpu.vector_load %arg8[%swap3A_129] {strides = array<i32>} : memref<13312xi32, #tpu.memory_space<vmem>>, vector<16xi32>,
      tpu.vector_store %arg8[%swap3A_129], %add3A_128 {strides = array<i32>} : memref<13312xi32, #tpu.memory_space<vmem>>, vector<16xi32>,
      %mul3A_131 = arith.constant 13 : i32
      %mul3A_132 = arith.muli %scan3A_28, %mul3A_131 : i32
      %add3A_133 = arith.constant 8 : i32
      %add3A_134 = arith.addi %mul3A_132, %add3A_133 : i32
      %mul3A_135 = arith.constant 16 : i32
      %mul3A_136 = arith.muli %add3A_134, %mul3A_135 : i32
      %get3A_137 = arith.index_cast %mul3A_136 : i32 to index
      %get3A_138 = tpu.vector_load %arg8[%get3A_137] {strides = array<i32>} : memref<13312xi32, #tpu.memory_space<vmem>>, vector<16xi32>,
      %get3A_139 = arith.constant 128 : index
      %get3A_140 = tpu.vector_load %arg9[%get3A_139] {strides = array<i32>} : memref<208xi32, #tpu.memory_space<vmem>>, vector<16xi32>,
      %add3A_141 = arith.addi %get3A_138, %get3A_140 : vector<16xi32>
      %swap3A_142 = arith.index_cast %mul3A_136 : i32 to index
      %swap3A_143 = tpu.vector_load %arg8[%swap3A_142] {strides = array<i32>} : memref<13312xi32, #tpu.memory_space<vmem>>, vector<16xi32>,
      tpu.vector_store %arg8[%swap3A_142], %add3A_141 {strides = array<i32>} : memref<13312xi32, #tpu.memory_space<vmem>>, vector<16xi32>,
      %mul3A_144 = arith.constant 13 : i32
      %mul3A_145 = arith.muli %scan3A_28, %mul3A_144 : i32
      %add3A_146 = arith.constant 9 : i32
      %add3A_147 = arith.addi %mul3A_145, %add3A_146 : i32
      %mul3A_148 = arith.constant 16 : i32
      %mul3A_149 = arith.muli %add3A_147, %mul3A_148 : i32
      %get3A_150 = arith.index_cast %mul3A_149 : i32 to index
      %get3A_151 = tpu.vector_load %arg8[%get3A_150] {strides = array<i32>} : memref<13312xi32, #tpu.memory_space<vmem>>, vector<16xi32>,
      %get3A_152 = arith.constant 144 : index
      %get3A_153 = tpu.vector_load %arg9[%get3A_152] {strides = array<i32>} : memref<208xi32, #tpu.memory_space<vmem>>, vector<16xi32>,
      %add3A_154 = arith.addi %get3A_151, %get3A_153 : vector<16xi32>
      %swap3A_155 = arith.index_cast %mul3A_149 : i32 to index
      %swap3A_156 = tpu.vector_load %arg8[%swap3A_155] {strides = array<i32>} : memref<13312xi32, #tpu.memory_space<vmem>>, vector<16xi32>,
      tpu.vector_store %arg8[%swap3A_155], %add3A_154 {strides = array<i32>} : memref<13312xi32, #tpu.memory_space<vmem>>, vector<16xi32>,
      %mul3A_157 = arith.constant 13 : i32
      %mul3A_158 = arith.muli %scan3A_28, %mul3A_157 : i32
      %add3A_159 = arith.constant 10 : i32
      %add3A_160 = arith.addi %mul3A_158, %add3A_159 : i32
      %mul3A_161 = arith.constant 16 : i32
      %mul3A_162 = arith.muli %add3A_160, %mul3A_161 : i32
      %get3A_163 = arith.index_cast %mul3A_162 : i32 to index
      %get3A_164 = tpu.vector_load %arg8[%get3A_163] {strides = array<i32>} : memref<13312xi32, #tpu.memory_space<vmem>>, vector<16xi32>,
      %get3A_165 = arith.constant 160 : index
      %get3A_166 = tpu.vector_load %arg9[%get3A_165] {strides = array<i32>} : memref<208xi32, #tpu.memory_space<vmem>>, vector<16xi32>,
      %add3A_167 = arith.addi %get3A_164, %get3A_166 : vector<16xi32>
      %swap3A_168 = arith.index_cast %mul3A_162 : i32 to index
      %swap3A_169 = tpu.vector_load %arg8[%swap3A_168] {strides = array<i32>} : memref<13312xi32, #tpu.memory_space<vmem>>, vector<16xi32>,
      tpu.vector_store %arg8[%swap3A_168], %add3A_167 {strides = array<i32>} : memref<13312xi32, #tpu.memory_space<vmem>>, vector<16xi32>,
      %mul3A_170 = arith.constant 13 : i32
      %mul3A_171 = arith.muli %scan3A_28, %mul3A_170 : i32
      %add3A_172 = arith.constant 11 : i32
      %add3A_173 = arith.addi %mul3A_171, %add3A_172 : i32
      %mul3A_174 = arith.constant 16 : i32
      %mul3A_175 = arith.muli %add3A_173, %mul3A_174 : i32
      %get3A_176 = arith.index_cast %mul3A_175 : i32 to index
      %get3A_177 = tpu.vector_load %arg8[%get3A_176] {strides = array<i32>} : memref<13312xi32, #tpu.memory_space<vmem>>, vector<16xi32>,
      %get3A_178 = arith.constant 176 : index
      %get3A_179 = tpu.vector_load %arg9[%get3A_178] {strides = array<i32>} : memref<208xi32, #tpu.memory_space<vmem>>, vector<16xi32>,
      %add3A_180 = arith.addi %get3A_177, %get3A_179 : vector<16xi32>
      %swap3A_181 = arith.index_cast %mul3A_175 : i32 to index
      %swap3A_182 = tpu.vector_load %arg8[%swap3A_181] {strides = array<i32>} : memref<13312xi32, #tpu.memory_space<vmem>>, vector<16xi32>,
      tpu.vector_store %arg8[%swap3A_181], %add3A_180 {strides = array<i32>} : memref<13312xi32, #tpu.memory_space<vmem>>, vector<16xi32>,
      %mul3A_183 = arith.constant 13 : i32
      %mul3A_184 = arith.muli %scan3A_28, %mul3A_183 : i32
      %add3A_185 = arith.constant 12 : i32
      %add3A_186 = arith.addi %mul3A_184, %add3A_185 : i32
      %mul3A_187 = arith.constant 16 : i32
      %mul3A_188 = arith.muli %add3A_186, %mul3A_187 : i32
      %get3A_189 = arith.index_cast %mul3A_188 : i32 to index
      %get3A_190 = tpu.vector_load %arg8[%get3A_189] {strides = array<i32>} : memref<13312xi32, #tpu.memory_space<vmem>>, vector<16xi32>,
      %get3A_191 = arith.constant 192 : index
      %get3A_192 = tpu.vector_load %arg9[%get3A_191] {strides = array<i32>} : memref<208xi32, #tpu.memory_space<vmem>>, vector<16xi32>,
      %add3A_193 = arith.addi %get3A_190, %get3A_192 : vector<16xi32>
      %swap3A_194 = arith.index_cast %mul3A_188 : i32 to index
      %swap3A_195 = tpu.vector_load %arg8[%swap3A_194] {strides = array<i32>} : memref<13312xi32, #tpu.memory_space<vmem>>, vector<16xi32>,
      tpu.vector_store %arg8[%swap3A_194], %add3A_193 {strides = array<i32>} : memref<13312xi32, #tpu.memory_space<vmem>>, vector<16xi32>,
    }
    %scan3A_9 = arith.constant 64 : i32
    %scan3A_10 = arith.constant 0 : i32
    %scan3A_11 = arith.constant 0 : i32
    %scan3A_12 = arith.constant 128 : i32
    %scan3A_13 = arith.addi %scan3A_11, %scan3A_12 : i32
    %scan3A_14 = arith.constant 1 : i32
    scf.for %scan3A_28 = %scan3A_11 to %scan3A_13 step %scan3A_14  : i32 {
      %mul3A_29 = arith.constant 104 : i32
      %mul3A_30 = arith.muli %scan3A_28, %mul3A_29 : i32
      %mul3A_31 = arith.constant 104 : i32
      %mul3A_32 = arith.muli %scan3A_28, %mul3A_31 : i32
      %dma_start3A = tpu.memref_slice %arg13[%mul3A_32] : memref<13312xf32, #tpu.memory_space<vmem>> -> memref<104xf32, #tpu.memory_space<vmem>>
      %dma_start3A_33 = tpu.memref_slice %arg8[%mul3A_30] : memref<13312xi32, #tpu.memory_space<vmem>> -> memref<104xi32, #tpu.memory_space<vmem>>
      %dma_start3A_34 = arith.constant 0 : i32
      %dma_start3A_35 = tpu.memref_slice %arg2[%dma_start3A_34] : memref<2600000xf32, #tpu.memory_space<hbm>> -> memref<2600000xf32, #tpu.memory_space<hbm>>
      tpu.enqueue_indirect_dma source(%dma_start3A_35 : memref<2600000xf32, #tpu.memory_space<hbm>>) target(%dma_start3A : memref<104xf32, #tpu.memory_space<vmem>>) offsets(%dma_start3A_33 : memref<104xi32, #tpu.memory_space<vmem>>) semaphore(%arg14 : memref<!tpu.dma_semaphore, #tpu.memory_space<semaphore_mem>>)
    }
    %scan3A_15 = arith.constant 128 : i32
    %dma_wait3A = arith.constant 0 : i32
    %dma_wait3A_16 = tpu.memref_slice %arg2[%dma_wait3A] : memref<2600000xf32, #tpu.memory_space<hbm>> -> memref<13312xf32, #tpu.memory_space<hbm>>
    %dma_wait3A_17 = arith.constant 0 : i32
    %dma_wait3A_18 = tpu.memref_slice %arg2[%dma_wait3A_17] : memref<2600000xf32, #tpu.memory_space<hbm>> -> memref<13312xf32, #tpu.memory_space<hbm>>
    tpu.wait_dma2 semaphore(%arg14 : memref<!tpu.dma_semaphore, #tpu.memory_space<semaphore_mem>>) src(%dma_wait3A_18 : memref<13312xf32, #tpu.memory_space<hbm>>) dst(%arg13 : memref<13312xf32, #tpu.memory_space<vmem>>)
    %iota3A = tpu.iota {dimensions = array<i32: 0>} : vector<16xi32>
    %mul3A_19 = arith.constant 26 : i32
    %mul3A_20 = vector.broadcast %mul3A_19 : i32 to vector<16xi32>
    %mul3A_21 = arith.muli %iota3A, %mul3A_20 : vector<16xi32>
    %scan3A_22 = arith.constant 0 : i32
    %scan3A_23 = arith.constant 0 : i32
    %scan3A_24 = arith.constant 32 : i32
    %scan3A_25 = arith.addi %scan3A_23, %scan3A_24 : i32
    %scan3A_26 = arith.constant 1 : i32
    scf.for %scan3A_28 = %scan3A_23 to %scan3A_25 step %scan3A_26  : i32 {
      %mul3A_29 = arith.constant 416 : i32
      %mul3A_30 = arith.muli %scan3A_28, %mul3A_29 : i32
      %add3A_31 = vector.broadcast %mul3A_30 : i32 to vector<16xi32>
      %add3A_32 = arith.addi %mul3A_21, %add3A_31 : vector<16xi32>
      %add3A_33 = arith.constant 0 : i32
      %add3A_34 = vector.broadcast %add3A_33 : i32 to vector<16xi32>
      %add3A_35 = arith.addi %add3A_32, %add3A_34 : vector<16xi32>
      %gather3A = tpu.vector_load_idx %arg13[%add3A_35] : memref<13312xf32, #tpu.memory_space<vmem>>[vector<16xi32>], vector<16xf32>,
      %add3A_36 = arith.constant 1 : i32
      %add3A_37 = vector.broadcast %add3A_36 : i32 to vector<16xi32>
      %add3A_38 = arith.addi %add3A_32, %add3A_37 : vector<16xi32>
      %gather3A_39 = tpu.vector_load_idx %arg13[%add3A_38] : memref<13312xf32, #tpu.memory_space<vmem>>[vector<16xi32>], vector<16xf32>,
      %mul3A_40 = arith.constant 16 : i32
      %mul3A_41 = arith.muli %scan3A_28, %mul3A_40 : i32
      %get3A = arith.constant 0 : i32
      %get3A_42 = arith.index_cast %get3A : i32 to index
      %get3A_43 = arith.index_cast %mul3A_41 : i32 to index
      %get3A_44 = tpu.vector_load %arg10[%get3A_42, %get3A_43] {strides = array<i32>} : memref<16x512xf32, #tpu.memory_space<vmem>>, vector<16xf32>,
      %get3A_45 = arith.constant 0 : i32
      %get3A_46 = arith.index_cast %get3A_45 : i32 to index
      %get3A_47 = arith.constant 0 : index
      %get3A_48 = tpu.vector_load %arg11[%get3A_46, %get3A_47] {strides = array<i32>} : memref<16x16xf32, #tpu.memory_space<vmem>>, vector<16xf32>,
      %mul3A_49 = arith.mulf %get3A_44, %get3A_48 : vector<16xf32>
      %mul3A_50 = arith.constant 16 : i32
      %mul3A_51 = arith.muli %scan3A_28, %mul3A_50 : i32
      %get3A_52 = arith.constant 1 : i32
      %get3A_53 = arith.index_cast %get3A_52 : i32 to index
      %get3A_54 = arith.index_cast %mul3A_51 : i32 to index
      %get3A_55 = tpu.vector_load %arg10[%get3A_53, %get3A_54] {strides = array<i32>} : memref<16x512xf32, #tpu.memory_space<vmem>>, vector<16xf32>,
      %get3A_56 = arith.constant 1 : i32
      %get3A_57 = arith.index_cast %get3A_56 : i32 to index
      %get3A_58 = arith.constant 0 : index
      %get3A_59 = tpu.vector_load %arg11[%get3A_57, %get3A_58] {strides = array<i32>} : memref<16x16xf32, #tpu.memory_space<vmem>>, vector<16xf32>,
      %mul3A_60 = arith.mulf %get3A_55, %get3A_59 : vector<16xf32>
      %add3A_61 = arith.constant 2 : i32
      %add3A_62 = vector.broadcast %add3A_61 : i32 to vector<16xi32>
      %add3A_63 = arith.addi %add3A_32, %add3A_62 : vector<16xi32>
      %gather3A_64 = tpu.vector_load_idx %arg13[%add3A_63] : memref<13312xf32, #tpu.memory_space<vmem>>[vector<16xi32>], vector<16xf32>,
      %add3A_65 = arith.addf %gather3A, %gather3A_64 : vector<16xf32>
      %add3A_66 = arith.constant 2 : i32
      %add3A_67 = vector.broadcast %add3A_66 : i32 to vector<16xi32>
      %add3A_68 = arith.addi %add3A_32, %add3A_67 : vector<16xi32>
      %add3A_69 = arith.constant 1 : i32
      %add3A_70 = vector.broadcast %add3A_69 : i32 to vector<16xi32>
      %add3A_71 = arith.addi %add3A_68, %add3A_70 : vector<16xi32>
      %gather3A_72 = tpu.vector_load_idx %arg13[%add3A_71] : memref<13312xf32, #tpu.memory_space<vmem>>[vector<16xi32>], vector<16xf32>,
      %add3A_73 = arith.addf %gather3A_39, %gather3A_72 : vector<16xf32>
      %add3A_74 = arith.constant 4 : i32
      %add3A_75 = vector.broadcast %add3A_74 : i32 to vector<16xi32>
      %add3A_76 = arith.addi %add3A_32, %add3A_75 : vector<16xi32>
      %gather3A_77 = tpu.vector_load_idx %arg13[%add3A_76] : memref<13312xf32, #tpu.memory_space<vmem>>[vector<16xi32>], vector<16xf32>,
      %add3A_78 = arith.addf %add3A_65, %gather3A_77 : vector<16xf32>
      %add3A_79 = arith.constant 4 : i32
      %add3A_80 = vector.broadcast %add3A_79 : i32 to vector<16xi32>
      %add3A_81 = arith.addi %add3A_32, %add3A_80 : vector<16xi32>
      %add3A_82 = arith.constant 1 : i32
      %add3A_83 = vector.broadcast %add3A_82 : i32 to vector<16xi32>
      %add3A_84 = arith.addi %add3A_81, %add3A_83 : vector<16xi32>
      %gather3A_85 = tpu.vector_load_idx %arg13[%add3A_84] : memref<13312xf32, #tpu.memory_space<vmem>>[vector<16xi32>], vector<16xf32>,
      %add3A_86 = arith.addf %add3A_73, %gather3A_85 : vector<16xf32>
      %add3A_87 = arith.constant 6 : i32
      %add3A_88 = vector.broadcast %add3A_87 : i32 to vector<16xi32>
      %add3A_89 = arith.addi %add3A_32, %add3A_88 : vector<16xi32>
      %gather3A_90 = tpu.vector_load_idx %arg13[%add3A_89] : memref<13312xf32, #tpu.memory_space<vmem>>[vector<16xi32>], vector<16xf32>,
      %add3A_91 = arith.addf %add3A_78, %gather3A_90 : vector<16xf32>
      %add3A_92 = arith.constant 6 : i32
      %add3A_93 = vector.broadcast %add3A_92 : i32 to vector<16xi32>
      %add3A_94 = arith.addi %add3A_32, %add3A_93 : vector<16xi32>
      %add3A_95 = arith.constant 1 : i32
      %add3A_96 = vector.broadcast %add3A_95 : i32 to vector<16xi32>
      %add3A_97 = arith.addi %add3A_94, %add3A_96 : vector<16xi32>
      %gather3A_98 = tpu.vector_load_idx %arg13[%add3A_97] : memref<13312xf32, #tpu.memory_space<vmem>>[vector<16xi32>], vector<16xf32>,
      %add3A_99 = arith.addf %add3A_86, %gather3A_98 : vector<16xf32>
      %add3A_100 = arith.constant 8 : i32
      %add3A_101 = vector.broadcast %add3A_100 : i32 to vector<16xi32>
      %add3A_102 = arith.addi %add3A_32, %add3A_101 : vector<16xi32>
      %gather3A_103 = tpu.vector_load_idx %arg13[%add3A_102] : memref<13312xf32, #tpu.memory_space<vmem>>[vector<16xi32>], vector<16xf32>,
      %add3A_104 = arith.addf %add3A_91, %gather3A_103 : vector<16xf32>
      %add3A_105 = arith.constant 8 : i32
      %add3A_106 = vector.broadcast %add3A_105 : i32 to vector<16xi32>
      %add3A_107 = arith.addi %add3A_32, %add3A_106 : vector<16xi32>
      %add3A_108 = arith.constant 1 : i32
      %add3A_109 = vector.broadcast %add3A_108 : i32 to vector<16xi32>
      %add3A_110 = arith.addi %add3A_107, %add3A_109 : vector<16xi32>
      %gather3A_111 = tpu.vector_load_idx %arg13[%add3A_110] : memref<13312xf32, #tpu.memory_space<vmem>>[vector<16xi32>], vector<16xf32>,
      %add3A_112 = arith.addf %add3A_99, %gather3A_111 : vector<16xf32>
      %add3A_113 = arith.constant 10 : i32
      %add3A_114 = vector.broadcast %add3A_113 : i32 to vector<16xi32>
      %add3A_115 = arith.addi %add3A_32, %add3A_114 : vector<16xi32>
      %gather3A_116 = tpu.vector_load_idx %arg13[%add3A_115] : memref<13312xf32, #tpu.memory_space<vmem>>[vector<16xi32>], vector<16xf32>,
      %add3A_117 = arith.addf %add3A_104, %gather3A_116 : vector<16xf32>
      %add3A_118 = arith.constant 10 : i32
      %add3A_119 = vector.broadcast %add3A_118 : i32 to vector<16xi32>
      %add3A_120 = arith.addi %add3A_32, %add3A_119 : vector<16xi32>
      %add3A_121 = arith.constant 1 : i32
      %add3A_122 = vector.broadcast %add3A_121 : i32 to vector<16xi32>
      %add3A_123 = arith.addi %add3A_120, %add3A_122 : vector<16xi32>
      %gather3A_124 = tpu.vector_load_idx %arg13[%add3A_123] : memref<13312xf32, #tpu.memory_space<vmem>>[vector<16xi32>], vector<16xf32>,
      %add3A_125 = arith.addf %add3A_112, %gather3A_124 : vector<16xf32>
      %add3A_126 = arith.constant 12 : i32
      %add3A_127 = vector.broadcast %add3A_126 : i32 to vector<16xi32>
      %add3A_128 = arith.addi %add3A_32, %add3A_127 : vector<16xi32>
      %gather3A_129 = tpu.vector_load_idx %arg13[%add3A_128] : memref<13312xf32, #tpu.memory_space<vmem>>[vector<16xi32>], vector<16xf32>,
      %add3A_130 = arith.addf %add3A_117, %gather3A_129 : vector<16xf32>
      %add3A_131 = arith.constant 12 : i32
      %add3A_132 = vector.broadcast %add3A_131 : i32 to vector<16xi32>
      %add3A_133 = arith.addi %add3A_32, %add3A_132 : vector<16xi32>
      %add3A_134 = arith.constant 1 : i32
      %add3A_135 = vector.broadcast %add3A_134 : i32 to vector<16xi32>
      %add3A_136 = arith.addi %add3A_133, %add3A_135 : vector<16xi32>
      %gather3A_137 = tpu.vector_load_idx %arg13[%add3A_136] : memref<13312xf32, #tpu.memory_space<vmem>>[vector<16xi32>], vector<16xf32>,
      %add3A_138 = arith.addf %add3A_125, %gather3A_137 : vector<16xf32>
      %add3A_139 = arith.constant 14 : i32
      %add3A_140 = vector.broadcast %add3A_139 : i32 to vector<16xi32>
      %add3A_141 = arith.addi %add3A_32, %add3A_140 : vector<16xi32>
      %gather3A_142 = tpu.vector_load_idx %arg13[%add3A_141] : memref<13312xf32, #tpu.memory_space<vmem>>[vector<16xi32>], vector<16xf32>,
      %add3A_143 = arith.addf %add3A_130, %gather3A_142 : vector<16xf32>
      %add3A_144 = arith.constant 14 : i32
      %add3A_145 = vector.broadcast %add3A_144 : i32 to vector<16xi32>
      %add3A_146 = arith.addi %add3A_32, %add3A_145 : vector<16xi32>
      %add3A_147 = arith.constant 1 : i32
      %add3A_148 = vector.broadcast %add3A_147 : i32 to vector<16xi32>
      %add3A_149 = arith.addi %add3A_146, %add3A_148 : vector<16xi32>
      %gather3A_150 = tpu.vector_load_idx %arg13[%add3A_149] : memref<13312xf32, #tpu.memory_space<vmem>>[vector<16xi32>], vector<16xf32>,
      %add3A_151 = arith.addf %add3A_138, %gather3A_150 : vector<16xf32>
      %add3A_152 = arith.constant 16 : i32
      %add3A_153 = vector.broadcast %add3A_152 : i32 to vector<16xi32>
      %add3A_154 = arith.addi %add3A_32, %add3A_153 : vector<16xi32>
      %gather3A_155 = tpu.vector_load_idx %arg13[%add3A_154] : memref<13312xf32, #tpu.memory_space<vmem>>[vector<16xi32>], vector<16xf32>,
      %add3A_156 = arith.addf %add3A_143, %gather3A_155 : vector<16xf32>
      %add3A_157 = arith.constant 16 : i32
      %add3A_158 = vector.broadcast %add3A_157 : i32 to vector<16xi32>
      %add3A_159 = arith.addi %add3A_32, %add3A_158 : vector<16xi32>
      %add3A_160 = arith.constant 1 : i32
      %add3A_161 = vector.broadcast %add3A_160 : i32 to vector<16xi32>
      %add3A_162 = arith.addi %add3A_159, %add3A_161 : vector<16xi32>
      %gather3A_163 = tpu.vector_load_idx %arg13[%add3A_162] : memref<13312xf32, #tpu.memory_space<vmem>>[vector<16xi32>], vector<16xf32>,
      %add3A_164 = arith.addf %add3A_151, %gather3A_163 : vector<16xf32>
      %add3A_165 = arith.constant 18 : i32
      %add3A_166 = vector.broadcast %add3A_165 : i32 to vector<16xi32>
      %add3A_167 = arith.addi %add3A_32, %add3A_166 : vector<16xi32>
      %gather3A_168 = tpu.vector_load_idx %arg13[%add3A_167] : memref<13312xf32, #tpu.memory_space<vmem>>[vector<16xi32>], vector<16xf32>,
      %add3A_169 = arith.addf %add3A_156, %gather3A_168 : vector<16xf32>
      %add3A_170 = arith.constant 18 : i32
      %add3A_171 = vector.broadcast %add3A_170 : i32 to vector<16xi32>
      %add3A_172 = arith.addi %add3A_32, %add3A_171 : vector<16xi32>
      %add3A_173 = arith.constant 1 : i32
      %add3A_174 = vector.broadcast %add3A_173 : i32 to vector<16xi32>
      %add3A_175 = arith.addi %add3A_172, %add3A_174 : vector<16xi32>
      %gather3A_176 = tpu.vector_load_idx %arg13[%add3A_175] : memref<13312xf32, #tpu.memory_space<vmem>>[vector<16xi32>], vector<16xf32>,
      %add3A_177 = arith.addf %add3A_164, %gather3A_176 : vector<16xf32>
      %add3A_178 = arith.constant 20 : i32
      %add3A_179 = vector.broadcast %add3A_178 : i32 to vector<16xi32>
      %add3A_180 = arith.addi %add3A_32, %add3A_179 : vector<16xi32>
      %gather3A_181 = tpu.vector_load_idx %arg13[%add3A_180] : memref<13312xf32, #tpu.memory_space<vmem>>[vector<16xi32>], vector<16xf32>,
      %add3A_182 = arith.addf %add3A_169, %gather3A_181 : vector<16xf32>
      %add3A_183 = arith.constant 20 : i32
      %add3A_184 = vector.broadcast %add3A_183 : i32 to vector<16xi32>
      %add3A_185 = arith.addi %add3A_32, %add3A_184 : vector<16xi32>
      %add3A_186 = arith.constant 1 : i32
      %add3A_187 = vector.broadcast %add3A_186 : i32 to vector<16xi32>
      %add3A_188 = arith.addi %add3A_185, %add3A_187 : vector<16xi32>
      %gather3A_189 = tpu.vector_load_idx %arg13[%add3A_188] : memref<13312xf32, #tpu.memory_space<vmem>>[vector<16xi32>], vector<16xf32>,
      %add3A_190 = arith.addf %add3A_177, %gather3A_189 : vector<16xf32>
      %add3A_191 = arith.constant 22 : i32
      %add3A_192 = vector.broadcast %add3A_191 : i32 to vector<16xi32>
      %add3A_193 = arith.addi %add3A_32, %add3A_192 : vector<16xi32>
      %gather3A_194 = tpu.vector_load_idx %arg13[%add3A_193] : memref<13312xf32, #tpu.memory_space<vmem>>[vector<16xi32>], vector<16xf32>,
      %add3A_195 = arith.addf %add3A_182, %gather3A_194 : vector<16xf32>
      %add3A_196 = arith.constant 22 : i32
      %add3A_197 = vector.broadcast %add3A_196 : i32 to vector<16xi32>
      %add3A_198 = arith.addi %add3A_32, %add3A_197 : vector<16xi32>
      %add3A_199 = arith.constant 1 : i32
      %add3A_200 = vector.broadcast %add3A_199 : i32 to vector<16xi32>
      %add3A_201 = arith.addi %add3A_198, %add3A_200 : vector<16xi32>
      %gather3A_202 = tpu.vector_load_idx %arg13[%add3A_201] : memref<13312xf32, #tpu.memory_space<vmem>>[vector<16xi32>], vector<16xf32>,
      %add3A_203 = arith.addf %add3A_190, %gather3A_202 : vector<16xf32>
      %add3A_204 = arith.constant 24 : i32
      %add3A_205 = vector.broadcast %add3A_204 : i32 to vector<16xi32>
      %add3A_206 = arith.addi %add3A_32, %add3A_205 : vector<16xi32>
      %gather3A_207 = tpu.vector_load_idx %arg13[%add3A_206] : memref<13312xf32, #tpu.memory_space<vmem>>[vector<16xi32>], vector<16xf32>,
      %add3A_208 = arith.addf %add3A_195, %gather3A_207 : vector<16xf32>
      %add3A_209 = arith.constant 24 : i32
      %add3A_210 = vector.broadcast %add3A_209 : i32 to vector<16xi32>
      %add3A_211 = arith.addi %add3A_32, %add3A_210 : vector<16xi32>
      %add3A_212 = arith.constant 1 : i32
      %add3A_213 = vector.broadcast %add3A_212 : i32 to vector<16xi32>
      %add3A_214 = arith.addi %add3A_211, %add3A_213 : vector<16xi32>
      %gather3A_215 = tpu.vector_load_idx %arg13[%add3A_214] : memref<13312xf32, #tpu.memory_space<vmem>>[vector<16xi32>], vector<16xf32>,
      %add3A_216 = arith.addf %add3A_203, %gather3A_215 : vector<16xf32>
      %mul3A_217 = arith.constant 16 : i32
      %mul3A_218 = arith.muli %scan3A_28, %mul3A_217 : i32
      %get3A_219 = arith.constant 2 : i32
      %get3A_220 = arith.index_cast %get3A_219 : i32 to index
      %get3A_221 = arith.index_cast %mul3A_218 : i32 to index
      %get3A_222 = tpu.vector_load %arg10[%get3A_220, %get3A_221] {strides = array<i32>} : memref<16x512xf32, #tpu.memory_space<vmem>>, vector<16xf32>,
      %get3A_223 = arith.constant 2 : i32
      %get3A_224 = arith.index_cast %get3A_223 : i32 to index
      %get3A_225 = arith.constant 0 : index
      %get3A_226 = tpu.vector_load %arg11[%get3A_224, %get3A_225] {strides = array<i32>} : memref<16x16xf32, #tpu.memory_space<vmem>>, vector<16xf32>,
      %mul3A_227 = arith.mulf %get3A_222, %get3A_226 : vector<16xf32>
      %add3A_228 = arith.addf %mul3A_49, %mul3A_227 : vector<16xf32>
      %mul3A_229 = arith.constant 16 : i32
      %mul3A_230 = arith.muli %scan3A_28, %mul3A_229 : i32
      %get3A_231 = arith.constant 3 : i32
      %get3A_232 = arith.index_cast %get3A_231 : i32 to index
      %get3A_233 = arith.index_cast %mul3A_230 : i32 to index
      %get3A_234 = tpu.vector_load %arg10[%get3A_232, %get3A_233] {strides = array<i32>} : memref<16x512xf32, #tpu.memory_space<vmem>>, vector<16xf32>,
      %get3A_235 = arith.constant 3 : i32
      %get3A_236 = arith.index_cast %get3A_235 : i32 to index
      %get3A_237 = arith.constant 0 : index
      %get3A_238 = tpu.vector_load %arg11[%get3A_236, %get3A_237] {strides = array<i32>} : memref<16x16xf32, #tpu.memory_space<vmem>>, vector<16xf32>,
      %mul3A_239 = arith.mulf %get3A_234, %get3A_238 : vector<16xf32>
      %add3A_240 = arith.addf %mul3A_60, %mul3A_239 : vector<16xf32>
      %mul3A_241 = arith.constant 16 : i32
      %mul3A_242 = arith.muli %scan3A_28, %mul3A_241 : i32
      %get3A_243 = arith.constant 4 : i32
      %get3A_244 = arith.index_cast %get3A_243 : i32 to index
      %get3A_245 = arith.index_cast %mul3A_242 : i32 to index
      %get3A_246 = tpu.vector_load %arg10[%get3A_244, %get3A_245] {strides = array<i32>} : memref<16x512xf32, #tpu.memory_space<vmem>>, vector<16xf32>,
      %get3A_247 = arith.constant 4 : i32
      %get3A_248 = arith.index_cast %get3A_247 : i32 to index
      %get3A_249 = arith.constant 0 : index
      %get3A_250 = tpu.vector_load %arg11[%get3A_248, %get3A_249] {strides = array<i32>} : memref<16x16xf32, #tpu.memory_space<vmem>>, vector<16xf32>,
      %mul3A_251 = arith.mulf %get3A_246, %get3A_250 : vector<16xf32>
      %add3A_252 = arith.addf %add3A_228, %mul3A_251 : vector<16xf32>
      %mul3A_253 = arith.constant 16 : i32
      %mul3A_254 = arith.muli %scan3A_28, %mul3A_253 : i32
      %get3A_255 = arith.constant 5 : i32
      %get3A_256 = arith.index_cast %get3A_255 : i32 to index
      %get3A_257 = arith.index_cast %mul3A_254 : i32 to index
      %get3A_258 = tpu.vector_load %arg10[%get3A_256, %get3A_257] {strides = array<i32>} : memref<16x512xf32, #tpu.memory_space<vmem>>, vector<16xf32>,
      %get3A_259 = arith.constant 5 : i32
      %get3A_260 = arith.index_cast %get3A_259 : i32 to index
      %get3A_261 = arith.constant 0 : index
      %get3A_262 = tpu.vector_load %arg11[%get3A_260, %get3A_261] {strides = array<i32>} : memref<16x16xf32, #tpu.memory_space<vmem>>, vector<16xf32>,
      %mul3A_263 = arith.mulf %get3A_258, %get3A_262 : vector<16xf32>
      %add3A_264 = arith.addf %add3A_240, %mul3A_263 : vector<16xf32>
      %mul3A_265 = arith.constant 16 : i32
      %mul3A_266 = arith.muli %scan3A_28, %mul3A_265 : i32
      %get3A_267 = arith.constant 6 : i32
      %get3A_268 = arith.index_cast %get3A_267 : i32 to index
      %get3A_269 = arith.index_cast %mul3A_266 : i32 to index
      %get3A_270 = tpu.vector_load %arg10[%get3A_268, %get3A_269] {strides = array<i32>} : memref<16x512xf32, #tpu.memory_space<vmem>>, vector<16xf32>,
      %get3A_271 = arith.constant 6 : i32
      %get3A_272 = arith.index_cast %get3A_271 : i32 to index
      %get3A_273 = arith.constant 0 : index
      %get3A_274 = tpu.vector_load %arg11[%get3A_272, %get3A_273] {strides = array<i32>} : memref<16x16xf32, #tpu.memory_space<vmem>>, vector<16xf32>,
      %mul3A_275 = arith.mulf %get3A_270, %get3A_274 : vector<16xf32>
      %add3A_276 = arith.addf %add3A_252, %mul3A_275 : vector<16xf32>
      %mul3A_277 = arith.constant 16 : i32
      %mul3A_278 = arith.muli %scan3A_28, %mul3A_277 : i32
      %get3A_279 = arith.constant 7 : i32
      %get3A_280 = arith.index_cast %get3A_279 : i32 to index
      %get3A_281 = arith.index_cast %mul3A_278 : i32 to index
      %get3A_282 = tpu.vector_load %arg10[%get3A_280, %get3A_281] {strides = array<i32>} : memref<16x512xf32, #tpu.memory_space<vmem>>, vector<16xf32>,
      %get3A_283 = arith.constant 7 : i32
      %get3A_284 = arith.index_cast %get3A_283 : i32 to index
      %get3A_285 = arith.constant 0 : index
      %get3A_286 = tpu.vector_load %arg11[%get3A_284, %get3A_285] {strides = array<i32>} : memref<16x16xf32, #tpu.memory_space<vmem>>, vector<16xf32>,
      %mul3A_287 = arith.mulf %get3A_282, %get3A_286 : vector<16xf32>
      %add3A_288 = arith.addf %add3A_264, %mul3A_287 : vector<16xf32>
      %mul3A_289 = arith.constant 16 : i32
      %mul3A_290 = arith.muli %scan3A_28, %mul3A_289 : i32
      %get3A_291 = arith.constant 8 : i32
      %get3A_292 = arith.index_cast %get3A_291 : i32 to index
      %get3A_293 = arith.index_cast %mul3A_290 : i32 to index
      %get3A_294 = tpu.vector_load %arg10[%get3A_292, %get3A_293] {strides = array<i32>} : memref<16x512xf32, #tpu.memory_space<vmem>>, vector<16xf32>,
      %get3A_295 = arith.constant 8 : i32
      %get3A_296 = arith.index_cast %get3A_295 : i32 to index
      %get3A_297 = arith.constant 0 : index
      %get3A_298 = tpu.vector_load %arg11[%get3A_296, %get3A_297] {strides = array<i32>} : memref<16x16xf32, #tpu.memory_space<vmem>>, vector<16xf32>,
      %mul3A_299 = arith.mulf %get3A_294, %get3A_298 : vector<16xf32>
      %add3A_300 = arith.addf %add3A_276, %mul3A_299 : vector<16xf32>
      %mul3A_301 = arith.constant 16 : i32
      %mul3A_302 = arith.muli %scan3A_28, %mul3A_301 : i32
      %get3A_303 = arith.constant 9 : i32
      %get3A_304 = arith.index_cast %get3A_303 : i32 to index
      %get3A_305 = arith.index_cast %mul3A_302 : i32 to index
      %get3A_306 = tpu.vector_load %arg10[%get3A_304, %get3A_305] {strides = array<i32>} : memref<16x512xf32, #tpu.memory_space<vmem>>, vector<16xf32>,
      %get3A_307 = arith.constant 9 : i32
      %get3A_308 = arith.index_cast %get3A_307 : i32 to index
      %get3A_309 = arith.constant 0 : index
      %get3A_310 = tpu.vector_load %arg11[%get3A_308, %get3A_309] {strides = array<i32>} : memref<16x16xf32, #tpu.memory_space<vmem>>, vector<16xf32>,
      %mul3A_311 = arith.mulf %get3A_306, %get3A_310 : vector<16xf32>
      %add3A_312 = arith.addf %add3A_288, %mul3A_311 : vector<16xf32>
      %mul3A_313 = arith.constant 16 : i32
      %mul3A_314 = arith.muli %scan3A_28, %mul3A_313 : i32
      %get3A_315 = arith.constant 10 : i32
      %get3A_316 = arith.index_cast %get3A_315 : i32 to index
      %get3A_317 = arith.index_cast %mul3A_314 : i32 to index
      %get3A_318 = tpu.vector_load %arg10[%get3A_316, %get3A_317] {strides = array<i32>} : memref<16x512xf32, #tpu.memory_space<vmem>>, vector<16xf32>,
      %get3A_319 = arith.constant 10 : i32
      %get3A_320 = arith.index_cast %get3A_319 : i32 to index
      %get3A_321 = arith.constant 0 : index
      %get3A_322 = tpu.vector_load %arg11[%get3A_320, %get3A_321] {strides = array<i32>} : memref<16x16xf32, #tpu.memory_space<vmem>>, vector<16xf32>,
      %mul3A_323 = arith.mulf %get3A_318, %get3A_322 : vector<16xf32>
      %add3A_324 = arith.addf %add3A_300, %mul3A_323 : vector<16xf32>
      %mul3A_325 = arith.constant 16 : i32
      %mul3A_326 = arith.muli %scan3A_28, %mul3A_325 : i32
      %get3A_327 = arith.constant 11 : i32
      %get3A_328 = arith.index_cast %get3A_327 : i32 to index
      %get3A_329 = arith.index_cast %mul3A_326 : i32 to index
      %get3A_330 = tpu.vector_load %arg10[%get3A_328, %get3A_329] {strides = array<i32>} : memref<16x512xf32, #tpu.memory_space<vmem>>, vector<16xf32>,
      %get3A_331 = arith.constant 11 : i32
      %get3A_332 = arith.index_cast %get3A_331 : i32 to index
      %get3A_333 = arith.constant 0 : index
      %get3A_334 = tpu.vector_load %arg11[%get3A_332, %get3A_333] {strides = array<i32>} : memref<16x16xf32, #tpu.memory_space<vmem>>, vector<16xf32>,
      %mul3A_335 = arith.mulf %get3A_330, %get3A_334 : vector<16xf32>
      %add3A_336 = arith.addf %add3A_312, %mul3A_335 : vector<16xf32>
      %mul3A_337 = arith.constant 16 : i32
      %mul3A_338 = arith.muli %scan3A_28, %mul3A_337 : i32
      %get3A_339 = arith.constant 12 : i32
      %get3A_340 = arith.index_cast %get3A_339 : i32 to index
      %get3A_341 = arith.index_cast %mul3A_338 : i32 to index
      %get3A_342 = tpu.vector_load %arg10[%get3A_340, %get3A_341] {strides = array<i32>} : memref<16x512xf32, #tpu.memory_space<vmem>>, vector<16xf32>,
      %get3A_343 = arith.constant 12 : i32
      %get3A_344 = arith.index_cast %get3A_343 : i32 to index
      %get3A_345 = arith.constant 0 : index
      %get3A_346 = tpu.vector_load %arg11[%get3A_344, %get3A_345] {strides = array<i32>} : memref<16x16xf32, #tpu.memory_space<vmem>>, vector<16xf32>,
      %mul3A_347 = arith.mulf %get3A_342, %get3A_346 : vector<16xf32>
      %add3A_348 = arith.addf %add3A_324, %mul3A_347 : vector<16xf32>
      %mul3A_349 = arith.constant 16 : i32
      %mul3A_350 = arith.muli %scan3A_28, %mul3A_349 : i32
      %get3A_351 = arith.constant 13 : i32
      %get3A_352 = arith.index_cast %get3A_351 : i32 to index
      %get3A_353 = arith.index_cast %mul3A_350 : i32 to index
      %get3A_354 = tpu.vector_load %arg10[%get3A_352, %get3A_353] {strides = array<i32>} : memref<16x512xf32, #tpu.memory_space<vmem>>, vector<16xf32>,
      %get3A_355 = arith.constant 13 : i32
      %get3A_356 = arith.index_cast %get3A_355 : i32 to index
      %get3A_357 = arith.constant 0 : index
      %get3A_358 = tpu.vector_load %arg11[%get3A_356, %get3A_357] {strides = array<i32>} : memref<16x16xf32, #tpu.memory_space<vmem>>, vector<16xf32>,
      %mul3A_359 = arith.mulf %get3A_354, %get3A_358 : vector<16xf32>
      %add3A_360 = arith.addf %add3A_336, %mul3A_359 : vector<16xf32>
      %mul3A_361 = arith.constant 16 : i32
      %mul3A_362 = arith.muli %scan3A_28, %mul3A_361 : i32
      %get3A_363 = arith.constant 14 : i32
      %get3A_364 = arith.index_cast %get3A_363 : i32 to index
      %get3A_365 = arith.index_cast %mul3A_362 : i32 to index
      %get3A_366 = tpu.vector_load %arg10[%get3A_364, %get3A_365] {strides = array<i32>} : memref<16x512xf32, #tpu.memory_space<vmem>>, vector<16xf32>,
      %get3A_367 = arith.constant 14 : i32
      %get3A_368 = arith.index_cast %get3A_367 : i32 to index
      %get3A_369 = arith.constant 0 : index
      %get3A_370 = tpu.vector_load %arg11[%get3A_368, %get3A_369] {strides = array<i32>} : memref<16x16xf32, #tpu.memory_space<vmem>>, vector<16xf32>,
      %mul3A_371 = arith.mulf %get3A_366, %get3A_370 : vector<16xf32>
      %add3A_372 = arith.addf %add3A_348, %mul3A_371 : vector<16xf32>
      %mul3A_373 = arith.constant 16 : i32
      %mul3A_374 = arith.muli %scan3A_28, %mul3A_373 : i32
      %get3A_375 = arith.constant 15 : i32
      %get3A_376 = arith.index_cast %get3A_375 : i32 to index
      %get3A_377 = arith.index_cast %mul3A_374 : i32 to index
      %get3A_378 = tpu.vector_load %arg10[%get3A_376, %get3A_377] {strides = array<i32>} : memref<16x512xf32, #tpu.memory_space<vmem>>, vector<16xf32>,
      %get3A_379 = arith.constant 15 : i32
      %get3A_380 = arith.index_cast %get3A_379 : i32 to index
      %get3A_381 = arith.constant 0 : index
      %get3A_382 = tpu.vector_load %arg11[%get3A_380, %get3A_381] {strides = array<i32>} : memref<16x16xf32, #tpu.memory_space<vmem>>, vector<16xf32>,
      %mul3A_383 = arith.mulf %get3A_378, %get3A_382 : vector<16xf32>
      %add3A_384 = arith.addf %add3A_360, %mul3A_383 : vector<16xf32>
      %add3A_385 = arith.addf %add3A_208, %add3A_216 : vector<16xf32>
      %add3A_386 = arith.addf %add3A_372, %add3A_384 : vector<16xf32>
      %add3A_387 = arith.addf %add3A_385, %add3A_386 : vector<16xf32>
      %mul3A_388 = arith.constant 16 : i32
      %mul3A_389 = arith.muli %scan3A_28, %mul3A_388 : i32
      %swap3A = arith.index_cast %mul3A_389 : i32 to index
      %swap3A_390 = tpu.vector_load %arg12[%swap3A] {strides = array<i32>} : memref<512xf32, #tpu.memory_space<vmem>>, vector<16xf32>,
      tpu.vector_store %arg12[%swap3A], %add3A_387 {strides = array<i32>} : memref<512xf32, #tpu.memory_space<vmem>>, vector<16xf32>,
    }
    %scan3A_27 = arith.constant 32 : i32
    "tpu.region"() ({
      %run_scoped3A = tpu.sem_alloc : memref<!tpu.dma_semaphore, #tpu.memory_space<semaphore_mem>>
      %dma_start3A = tpu.memref_slice %arg7[%mul3A_4] : memref<16384xf32, #tpu.memory_space<hbm>> -> memref<512xf32, #tpu.memory_space<hbm>>
      %dma_start3A_28 = tpu.memref_slice %arg7[%mul3A_4] : memref<16384xf32, #tpu.memory_space<hbm>> -> memref<512xf32, #tpu.memory_space<hbm>>
      tpu.enqueue_dma source(%arg12 : memref<512xf32, #tpu.memory_space<vmem>>) target(%dma_start3A_28 : memref<512xf32, #tpu.memory_space<hbm>>) target_semaphore(%run_scoped3A : memref<!tpu.dma_semaphore, #tpu.memory_space<semaphore_mem>>)
      %dma_wait3A_29 = tpu.memref_slice %arg7[%mul3A_4] : memref<16384xf32, #tpu.memory_space<hbm>> -> memref<512xf32, #tpu.memory_space<hbm>>
      %dma_wait3A_30 = tpu.memref_slice %arg7[%mul3A_4] : memref<16384xf32, #tpu.memory_space<hbm>> -> memref<512xf32, #tpu.memory_space<hbm>>
      tpu.wait_dma2 semaphore(%run_scoped3A : memref<!tpu.dma_semaphore, #tpu.memory_space<semaphore_mem>>) src(%arg12 : memref<512xf32, #tpu.memory_space<vmem>>) dst(%dma_wait3A_30 : memref<512xf32, #tpu.memory_space<hbm>>)
      tpu.yield
    }) : () -> ()
    return
  }
}

</mosaic_0001>

<sc_bundles>
// kernel: kernel.4.cloned.1.call-start
scs
__scs_entry_jumppad:
0x0: {  	(pc) =	sbr.rel $0x88, $3  }
0x1: {  	(tag) =	ssettag $0x0;
	lr =	simm.s32 $0x1  }
0x2: {  	[smem:$0x3F9D] =	sst lr;
	_ =	strace $0xD0000000  }
0x3: {  	_ = 	snop  }
0x4: {  	_ = 	snop  }
0x5: {  	_ = 	snop  }
0x6: {  	_ = 	snop  }
0x7: {  	_ = 	snop  }
__scs_overlays_trampoline_lowered:
0x8: {  	[smem:$0x3FAC] =	sst s0  }
0x9: {  	[smem:$0x3FAD] =	sst s1  }
0xa: {  	[smem:$0x3FAE] =	sst s2  }
0xb: {  	[smem:$0x3FAF] =	sst s3  }
0xc: {  	[smem:$0x3FB0] =	sst s4  }
0xd: {  	[smem:$0x3FB1] =	sst s5  }
0xe: {  	[smem:$0x3FB2] =	sst s6  }
0xf: {  	[smem:$0x3FB3] =	sst s7  }
0x10: {  	[smem:$0x3FB4] =	sst s8  }
0x11: {  	[smem:$0x3FB5] =	sst s9;
	s0 =	simm.s32 @!p0 $0x0  }
0x12: {  	s1 =	sld [smem:$0x3F9B];
	s0 =	simm.s32 @p0 $0x1  }
0x13: {  	[smem:$0x3FB6] =	sst s0;
	s0 =	simm.s32 @!p1 $0x0  }
0x14: {  	s2 =	sld [smem:$0x3F9A];
	s0 =	simm.s32 @p1 $0x1  }
0x15: {  	[smem:$0x3FB7] =	sst s0;
	s0 =	simm.s32 @!p2 $0x0  }
0x16: {  	s3 =	sld [smem:$0x3FDB];
	s0 =	simm.s32 @p2 $0x1  }
0x17: {  	s4 =	simm.s32 $0x1BF5;
	[smem:$0x3FB9] =	sst s0  }
0x18: {  	s0 =	sld [smem:$0x3F9C];
	_ =	swait.ge [sflag:s4], $0x0  }
0x19: {  	s7 =	sld [smem:$0x3F9D]  }
0x1a: {  	s8 =	sadd.s32 $0xFFFFE003, lr  }
0x1b: {  	s9 =	sadd.s32 $0xFFFFFEF7, lr;
	s5 =	simm.s32 $0xFFFFFFFF;
	p2 =	slt.u32 s8, $0xFFFFF086  }
0x1c: {  	p1 =	slt.u32 s9, $0xF7A;
	s5 =	simm.s32 @!p2 $0x0  }
0x1d: {  	s5 =	simm.s32 @p1 $0x1;
	p0 =	seq.s32 s7, s2  }
0x1e: {  	s7 =	smul.u32 @!p0 $0xF7A, s2;
	p2 =	seq.s32 @!p0 s5, $0x0  }
0x1f: {  	s9 =	smul.u32 $0xF7A, s1;
	s8 =	simm.s32 @!p0 $0x1BF5;
	p2 =	por !p2, p0  }
0x20: {  	[sflag:s8] =	ssyncset.s32 @!p0 $0xFFFFF086;
	s6 =	sadd.s32 @!p0 s3, s7;
	s7 =	simm.s32 @!p0 $0x108  }
0x21: {  	s3 =	sadd.s32 s3, s9;
	s6 =	sadd.s32 @!p0 $0x88, s6;
	s7 =	simm.s32 @p2 $0x1082  }
0x22: {  	[simem:s7], [sflag:s8] =	dma.local @!p0 [hbm:s6], $0xF7A  }
0x23: {  	s9 =	sor.u32 $0xD0000000, s2;
	s6 =	simm.s32 $0x108;
	_ =	swait.ge @!p0 [sflag:s8], $0x0  }
0x24: {  	s3 =	sadd.s32 $0x88, s3;
	s6 =	simm.s32 @!p1 $0x1082;
	[sflag:s4] =	ssyncset.s32 $0xFFFFF086  }
0x25: {  	[simem:s6], [sflag:s4] =	dma.local [hbm:s3], $0xF7A  }
0x26: {  	[smem:$0x3F9D] =	sst s1;
	(tag) =	ssettag s2;
	_ =	strace s9  }
0x27: {  	s1 =	sld [smem:$0x3FAD]  }
0x28: {  	s2 =	sld [smem:$0x3FAE]  }
0x29: {  	s4 =	sld [smem:$0x3FB0]  }
0x2a: {  	p0 =	seq.s32 s5, $0x0;
	s5 =	sld [smem:$0x3FB1]  }
0x2b: {  	s6 =	sld [smem:$0x3FB2]  }
0x2c: {  	s7 =	sld [smem:$0x3FB3]  }
0x2d: {  	s3 =	simm.s32 $0x108;
	s8 =	sld [smem:$0x3FB4]  }
0x2e: {  	s3 =	simm.s32 @!p0 $0x1082;
	s9 =	sld [smem:$0x3FB5]  }
0x2f: {  	lr =	sadd.s32 s0, s3;
	s0 =	sld [smem:$0x3FAC]  }
0x30: {  	s3 =	sld [smem:$0x3FAF]  }
0x31: {  	[smem:$0x3FB8] =	sst s10  }
0x32: {  	s10 =	sld [smem:$0x3FB6];
	_ =	sdelay $0x3  }
0x33: {  	p0 =	seq.s32 s10, $0x1;
	s10 =	sld [smem:$0x3FB8];
	_ =	sdelay $0x3  }
0x34: {  	[smem:$0x3FB8] =	sst s10  }
0x35: {  	s10 =	sld [smem:$0x3FB7];
	_ =	sdelay $0x3  }
0x36: {  	p1 =	seq.s32 s10, $0x1;
	s10 =	sld [smem:$0x3FB8];
	_ =	sdelay $0x3  }
0x37: {  	[smem:$0x3FB8] =	sst s10  }
0x38: {  	s10 =	sld [smem:$0x3FB9]  }
0x39: {  	_ = 	snop;
	(pc) =	sbr.ind lr, $3  }
0x3a: {  	_ = 	snop  }
0x3b: {  	_ = 	snop  }
0x3c: {  	p2 =	seq.s32 s10, $0x1;
	s10 =	sld [smem:$0x3FB8]  }
0x3d: {  	_ =	shalt  }
0x3e: {  	_ =	shalt  }
0x3f: {  	_ =	shalt  }
0x40: {  	_ =	shalt  }
0x41: {  	_ =	shalt  }
0x42: {  	_ =	shalt  }
0x43: {  	_ =	shalt  }
0x44: {  	_ =	shalt  }
0x45: {  	_ =	shalt  }
0x46: {  	_ =	shalt  }
0x47: {  	_ =	shalt  }
0x48: {  	_ =	shalt  }
0x49: {  	_ =	shalt  }
0x4a: {  	_ =	shalt  }
0x4b: {  	_ =	shalt  }
0x4c: {  	_ =	shalt  }
0x4d: {  	_ =	shalt  }
0x4e: {  	_ =	shalt  }
0x4f: {  	_ =	shalt  }
0x50: {  	_ =	shalt  }
0x51: {  	_ =	shalt  }
0x52: {  	_ =	shalt  }
0x53: {  	_ =	shalt  }
0x54: {  	_ =	shalt  }
0x55: {  	_ =	shalt  }
0x56: {  	_ =	shalt  }
0x57: {  	_ =	shalt  }
0x58: {  	_ =	shalt  }
0x59: {  	_ =	shalt  }
0x5a: {  	_ =	shalt  }
0x5b: {  	_ =	shalt  }
0x5c: {  	_ =	shalt  }
0x5d: {  	_ =	shalt  }
0x5e: {  	_ =	shalt  }
0x5f: {  	_ =	shalt  }
0x60: {  	_ =	shalt  }
0x61: {  	_ =	shalt  }
0x62: {  	_ =	shalt  }
0x63: {  	_ =	shalt  }
0x64: {  	_ =	shalt  }
0x65: {  	_ =	shalt  }
0x66: {  	_ =	shalt  }
0x67: {  	_ =	shalt  }
0x68: {  	_ =	shalt  }
0x69: {  	_ =	shalt  }
0x6a: {  	_ =	shalt  }
0x6b: {  	_ =	shalt  }
0x6c: {  	_ =	shalt  }
0x6d: {  	_ =	shalt  }
0x6e: {  	_ =	shalt  }
0x6f: {  	_ =	shalt  }
0x70: {  	_ =	shalt  }
0x71: {  	_ =	shalt  }
0x72: {  	_ =	shalt  }
0x73: {  	_ =	shalt  }
0x74: {  	_ =	shalt  }
0x75: {  	_ =	shalt  }
0x76: {  	_ =	shalt  }
0x77: {  	_ =	shalt  }
0x78: {  	_ =	shalt  }
0x79: {  	_ =	shalt  }
0x7a: {  	_ =	shalt  }
0x7b: {  	_ =	shalt  }
0x7c: {  	_ =	shalt  }
0x7d: {  	_ =	shalt  }
0x7e: {  	_ =	shalt  }
0x7f: {  	_ =	shalt  }
0x80: {  	_ =	shalt  }
0x81: {  	_ =	shalt  }
0x82: {  	_ =	shalt  }
0x83: {  	_ =	shalt  }
0x84: {  	_ =	shalt  }
0x85: {  	_ =	shalt  }
0x86: {  	_ =	shalt  }
0x87: {  	_ =	shalt  }
.Lfunc_end0:
.L_simem_size_0:
called_computation_lowered:
.L_overlay_start_0:
0x88: {  	s2 =	sld [smem:$0x3FD9]  }
0x89: {  	s3 =	sld [smem:$0x3FFE];
	_ =	sdelay $0x1  }
0x8a: {  	s1 =	srdreg.scid  }
0x8b: {  	s0 =	sand.u32 $0x1, s1  }
0x8c: {  	s17 =	sshll.u32 s0, $0xA;
	s2 =	sadd.s32 s3, s2  }
0x8d: {  	s2 =	sadd.s32 s2, s17  }
0x8e: {  	[smem:$0x3FC4] =	sst s2  }
0x8f: {  	_ = 	snop  }
0x90: {  	s2 =	sld [smem:$0x3FC8]  }
0x91: {  	s18 =	sld [smem:$0x3FD0];
	(tm) =	ssettm $0x1  }
0x92: {  	s4 =	sld [smem:$0x3FFB];
	_ =	sdelay $0x3  }
0x93: {  	_ =	strace s4  }
0x94: {  	s4 =	sld [smem:$0x3FFC];
	_ =	sdelay $0x3  }
0x95: {  	_ =	strace s4  }
0x96: {  	s4 =	sld [smem:$0x3FFD];
	_ =	sdelay $0x3  }
0x97: {  	_ =	strace s4  }
0x98: {  	_ =	strace $0x8FFFFFFF  }
0x99: {  	s19 =	sld [smem:$0x3FDB];
	_ =	sdelay $0x1  }
0x9a: {  	s5 =	simm.s32 $_scs_section_size  }
0x9b: {  	s6 =	simm.s32 $_size__tile_overlayer_lowered;
	s7 =	simm.s32 $_tile_overlayer_lowered  }
0x9c: {  	s22 =	simm.s32 $0x1BFF;
	s21 =	sshll.u32 s7, $0x1;
	s4 =	sadd.s32 s5, s19  }
0x9d: {  	s8 =	simm.s32 $0x0;
	s20 =	sshll.u32 s6, $0x1;
	s6 =	sadd.s32 s21, s4  }
0x9e: {  	[timem:s8], [sflag:s22] =	dma.local [hbm:s6], s20  }
0x9f: {  	_ =	swait.ge [sflag:s22], s20  }
0xa0: {  	s5 =	ssub.s32 $0x0, s20;
	[sflag:s22] =	ssyncset.done $0x0  }
0xa1: {  	[sflag:s22] =	ssyncadd.s32 s5;
	_ =	sdelay $0x1  }
0xa2: {  	s23 =	simm.s32 $0x1B8B  }
0xa3: {  	_ =	swait.ge [sflag:s23], $0x1  }
0xa4: {  	[sflag:s23] =	ssyncset.done $0x0  }
0xa5: {  	s25 =	simm.s32 $0x1B8E;
	s24 =	sld [smem:$0x3FFE];
	[sflag:s23] =	ssyncadd.s32 $0xFFFFFFFF  }
0xa6: {  	s26 =	simm.s32 $execute0_lowered;
	[smem:$0x3FD2] =	sst s25  }
0xa7: {  	s6 =	sshll.u32 s26, $0x1;
	_ =	strace $0x80000046;
	[dreg:$0x1] =	wrdreg $0xFFFFFFFF  }
0xa8: {  	s28 =	simm.s32 $_size_execute0_lowered;
	s4 =	sadd.s32 s4, s6;
	[dreg:$0x0] =	wrdreg $0x0  }
0xa9: {  	s6 =	sshll.u32 s28, $0x1;
	[dreg:$0x2] =	wrdreg s4  }
0xaa: {  	[dreg:$0x3] =	wrdreg s6  }
0xab: {  	[dreg:$0x4] =	wrdreg $0xC0  }
0xac: {  	_ =	task [dreg:s8], $0x5FFFF  }
0xad: {  	[dreg:$0x1] =	wrdreg $0xFFFFFFFF  }
0xae: {  	[dreg:$0x0] =	wrdreg $0x60  }
0xaf: {  	[dreg:$0x2] =	wrdreg s2  }
0xb0: {  	[dreg:$0x3] =	wrdreg s18  }
0xb1: {  	[dreg:$0x4] =	wrdreg s24  }
0xb2: {  	[dreg:$0x5] =	wrdreg $0x9  }
0xb3: {  	_ =	task.clear_ibuf [dreg:s8], $0x6FFFF;
	_ =	strace $0x90000046  }
0xb4: {  	s29 =	simm.s32 $0x9;
	_ =	strace $0x80000048  }
0xb5: {  	_ =	swait.ge [sflag:s29], $0x1  }
0xb6: {  	[sflag:s29] =	ssyncadd.s32 $0xFFFFFFFF  }
0xb7: {  	_ =	strace $0x90000048  }
0xb8: {  	_ =	sfence  }
0xb9: {  	s30 =	sld [smem:$0x0];
	_ =	sdelay $0x2  }
0xba: {  	s31 =	sshll.u32 s1, $0xD;
	s1 =	sshrl.u32 s1, $0x2  }
0xbb: {  	s3 =	sand.u32 $0x4000, s31;
	s1 =	sadd.s32 s1, s30  }
0xbc: {  	s0 =	sor.u32 s3, s0;
	s1 =	sshll.u32 s1, $0x11  }
0xbd: {  	s0 =	sor.u32 s1, s0  }
0xbe: {  	s0 =	sadd.s32 $0x8F2B, s0  }
0xbf: {  	[sflag:s0] =	ssyncadd.remote.s32 $0x1  }
0xc0: {  	_ =	sfence.sel $0xFFFF  }
0xc1: {  	[dreg:$0x0] =	wrdreg $0xFFFFFFFF;
	(pc) =	sbr.abs _section_cstart, $3  }
0xc2: {  	[dreg:$0x1] =	wrdreg $0xFFFFFFFF  }
0xc3: {  	_ =	task.clear_ibuf [dreg:s8], $0x2FFFF;
	_ =	strace $0x9FFFFFFF  }
0xc4: {  	(tm) =	ssettm $0x7FFFFFFF  }
0xc5: {  	_ =	shalt  }
tec
execute0_lowered:
.L_overlay_start_1:
0x0: {  	(tag) =	ssettag $0x1  }
0x1: {  	s7 =	rddreg [dreg:$0x0]  }
0x2: {  	s0 =	srdreg.scid;
	s1 =	rddreg [dreg:$0x1]  }
0x3: {  	s6 =	stileid.u32;
	s3 =	rddreg [dreg:$0x2];
	s5 =	simm.s32 $0x0  }
0x4: {  	s0 =	sand.u32 $0x1, s0;
	[smem:$0x7FF] =	sst s5;
	s25 =	sadd.s32 $0x17400, s7  }
0x5: {  	s26 =	sadd.s32 $0x17880, s7;
	_ =	strace $0x80000047;
	[smem:$0x7F7] =	sst s25  }
0x6: {  	s2 =	sshll.u32 s6, $0x1;
	s28 =	sadd.s32 $0x17D00, s7;
	[smem:$0x7F8] =	sst s26  }
0x7: {  	s30 =	sadd.s32 $0x18180, s7;
	s2 =	sor.u32 s0, s2;
	[smem:$0x7F9] =	sst s28  }
0x8: {  	s8 =	sadd.s32 $0xC00, s3;
	[smem:$0x7FA] =	sst s30;
	s17 =	smul.u32 $0xC00, s2  }
0x9: {  	[dreg:$0x18] =	wrdreg s8;
	s4 =	smul.u32 $0x6000, s2;
	s29 =	sshll.u32 s2, $0x2  }
0xa: {  	s1 =	sadd.s32 s1, s29;
	[dreg:$0x1a] =	wrdreg s17  }
0xb: {  	s0 =	ssub.s32 $0x2, s0;
	s21 =	sadd.s32 $0x187000, s4;
	[smem:$0x7FB] =	sst s1  }
0xc: {  	s16 =	sshrl.u32 s0, $0x1;
	s22 =	sadd.s32 $0x188800, s4;
	[dreg:$0x1e] =	wrdreg s21  }
0xd: {  	s0 =	ssub.s32 s0, s16;
	s23 =	sadd.s32 $0x18A000, s4;
	[dreg:$0x1f] =	wrdreg s22  }
0xe: {  	s15 =	sshrl.u32 s4, $0x3;
	s4 =	sadd.s32 $0x18B800, s4;
	[smem:$0x7F5] =	sst s23  }
0xf: {  	s0 =	smax.u32 s0, $0x1;
	[smem:$0x7F6] =	sst s4  }
0x10: {  	s24 =	smul.u32 $0x186A0, s2;
	s5 =	sadd.s32 s7, s15;
	[smem:$0x7FD] =	sst s0  }
.Ltmp0:
0x11: {  	s18 =	sadd.s32 $0x300, s5;
	[dreg:$0x19] =	wrdreg s5;
	(pc) =	sbr.rel .LBB2_1-.Ltmp0, $4  }
0x12: {  	s3 =	sshrl.u32 s24, $0x3;
	s19 =	sadd.s32 $0x600, s5;
	[dreg:$0x1b] =	wrdreg s18  }
0x13: {  	s31 =	sadd.s32 s8, s3;
	s20 =	sadd.s32 $0x900, s5;
	[dreg:$0x1c] =	wrdreg s19  }
0x14: {  	p1 =	sgt.u32 s6, $0xC;
	s1 =	sadd.s32 $0x30D0, s31;
	[dreg:$0x1d] =	wrdreg s20  }
0x15: {  	p0 =	seq.s32 s2, $0x1F;
	[smem:$0x7FC] =	sst s1;
	s1 =	simm.s32 $0x0  }
.LBB2_24:
0x16: {  	s2 =	sld [smem:$0x7FB];
	_ =	sdelay $0x1  }
0x17: {  	s0 =	simm.s32 @!p1 $0x0;
	s1 =	simm.s32 @!p1 $0x13A80  }
0x18: {  	[tilespmem:s1], [sflag:$0x5] =	stream.linear.gather @!p1 [hbm4b:s2+s0], $0x20, $0x38;
	[tilespmem:$0x13B00] =	vst v63  }
0x19: {  	s2 =	simm.s32 @!p1 $0x5  }
0x1a: {  	_ =	swait.ge @!p1 [sflag:s2], $0x20  }
0x1b: {  	s3 =	sld [smem:$0x7FC]  }
0x1c: {  	[sflag:s2] =	ssyncset.done @!p1 $0x0  }
0x1d: {  	[sflag:s2] =	ssyncadd.s32 @!p1 $0xFFFFFFE0  }
0x1e: {  	[hbm4b:s3+s0] =	stream.linear.scatter @!p1 [tilespmem:s1], [sflag:$0x5], $0x20, $0x38;
	[tilespmem:$0x13B00] =	vst v63  }
0x1f: {  	_ =	swait.ge @!p1 [sflag:s2], $0x20  }
0x20: {  	s30 =	sld [smem:$0x7F4]  }
0x21: {  	s31 =	sld [smem:$0x7FD];
	_ =	sdelay $0x1  }
0x22: {  	s1 =	sadd.s32 $0x1, s30  }
0x23: {  	p2 =	sne.s32 s1, s31  }
.Ltmp1:
0x24: {  	_ = 	snop;
	(pc) =	sbr.rel @!p2 .LBB2_25-.Ltmp1, $3  }
0x25: {  	_ =	sdelay $0x1  }
0x26: {  	[sflag:s2] =	ssyncset.done @!p1 $0x0  }
0x27: {  	[sflag:s2] =	ssyncadd.s32 @!p1 $0xFFFFFFE0  }
.LBB2_1:
.Ltmp2:
0x28: {  	(pc) =	sbr.rel @!p0 .LBB2_2-.Ltmp2, $2  }
0x29: {  	_ =	sdelay $0x2  }
0x2a: {  	[smem:$0x7F4] =	sst s1  }
0x2b: {  	s0 =	sld [smem:$0x7F7]  }
0x2c: {  	s3 =	simm.s32 $0x0  }
0x2d: {  	s1 =	simm.s32 $0x2400;
	s2 =	simm.s32 $0xC3800;
	s24 =	sld [smem:$0x7F8]  }
0x2e: {  	[tilespmem:s3], [sflag:$0x1] =	stream.strided.gather [hbm4b:s0+s1], $0x4800, s2, s1, $0x38;
	[tilespmem:$0x13B00] =	vst v63  }
0x2f: {  	s25 =	simm.s32 $0x4800;
	s26 =	sld [smem:$0x7F9]  }
0x30: {  	[tilespmem:s25], [sflag:$0x2] =	stream.strided.gather [hbm4b:s24+s1], $0x4800, s2, s1, $0x38;
	[tilespmem:$0x13B00] =	vst v63  }
0x31: {  	s28 =	simm.s32 $0x9000;
	s29 =	sld [smem:$0x7FA];
	s31 =	simm.s32 $0x0  }
0x32: {  	[tilespmem:s28], [sflag:$0x3] =	stream.strided.gather [hbm4b:s26+s1], $0x4800, s2, s1, $0x38;
	[tilespmem:$0x13B00] =	vst v63  }
0x33: {  	s30 =	simm.s32 $0xD800;
	[smem:$0x7F2] =	sst s31  }
0x34: {  	[tilespmem:s30], [sflag:$0x4] =	stream.strided.gather [hbm4b:s29+s1], $0x4800, s2, s1, $0x38;
	[tilespmem:$0x13B00] =	vst v63  }
.LBB2_13:
0x35: {  	s1 =	simm.s32 $0x1  }
0x36: {  	s2 =	simm.s32 $0x0;
	_ =	swait.ge [sflag:s1], $0x4800  }
0x37: {  	s0 =	sand.u32 $0x60, s2;
	s2 =	sand.u32 $0x3C00, s2;
	[sflag:s1] =	ssyncset.done $0x0  }
0x38: {  	s23 =	sor.u32 s0, s2;
	[sflag:s1] =	ssyncadd.s32 $0xFFFFB800  }
0x39: {  	v0 =	vld [tilespmem:s23+$0x100]  }
0x3a: {  	v1 =	vld [tilespmem:s23+$0x0]  }
0x3b: {  	v2 =	vld [tilespmem:s23+$0x80]  }
0x3c: {  	v3 =	vld [tilespmem:s23+$0x180]  }
0x3d: {  	v4 =	vld [tilespmem:s23+$0x280]  }
0x3e: {  	v5 =	vld [tilespmem:s23+$0x200]  }
0x3f: {  	s3 =	sadd.s32 $0x2480, s2;
	v6 =	vld [tilespmem:s23+$0x380]  }
0x40: {  	s4 =	sadd.s32 $0x2400, s2;
	s5 =	sor.u32 s0, s3;
	v7 =	vld [tilespmem:s23+$0x300]  }
0x41: {  	s6 =	sadd.s32 $0x2580, s2;
	s24 =	sor.u32 s0, s4;
	v1 =	vadd.f32 v2, v1;
	v0 =	vadd.f32 v3, v0;
	v2 =	vld [tilespmem:s5+$0x0]  }
0x42: {  	s25 =	sadd.s32 $0x2500, s2;
	s7 =	sor.u32 s0, s6;
	v3 =	vld [tilespmem:s24+$0x0]  }
0x43: {  	s28 =	sadd.s32 $0x2680, s2;
	s26 =	sor.u32 s0, s25;
	v52 =	vld [tilespmem:s7+$0x0];
	v1 =	vadd.f32 v5, v1;
	v0 =	vadd.f32 v4, v0  }
0x44: {  	s8 =	sadd.s32 $0x2600, s2;
	s29 =	sor.u32 s0, s28;
	v53 =	vld [tilespmem:s26+$0x0]  }
0x45: {  	s11 =	sadd.s32 $0x2780, s2;
	s9 =	sor.u32 s0, s8;
	v54 =	vld [tilespmem:s29+$0x0];
	v1 =	vadd.f32 v7, v1;
	v0 =	vadd.f32 v6, v0  }
0x46: {  	s12 =	sadd.s32 $0x2700, s2;
	s30 =	sor.u32 s0, s11;
	v55 =	vld [tilespmem:s9+$0x0]  }
0x47: {  	s31 =	sor.u32 s0, s12;
	v1 =	vadd.f32 v3, v1;
	v0 =	vadd.f32 v2, v0;
	v2 =	vld [tilespmem:s30+$0x0]  }
0x48: {  	v3 =	vld [tilespmem:s31+$0x0]  }
0x49: {  	v1 =	vadd.f32 v53, v1;
	v0 =	vadd.f32 v52, v0;
	_ =	sdelay $0x1  }
0x4a: {  	v1 =	vadd.f32 v55, v1;
	v0 =	vadd.f32 v54, v0;
	_ =	sdelay $0x1  }
0x4b: {  	v1 =	vadd.f32 v3, v1;
	v0 =	vadd.f32 v2, v0;
	_ =	sdelay $0x1  }
0x4c: {  	v0 =	vadd.f32 v0, v1  }
0x4d: {  	s10 =	simm.s32 $0x12000;
	s1 =	sor.u32 $0x10, s0  }
0x4e: {  	s0 =	sor.u32 s1, s2;
	[tilespmem:s10+$0x0] =	vst v0  }
0x4f: {  	v0 =	vld [tilespmem:s0+$0x0]  }
0x50: {  	v1 =	vld [tilespmem:s0+$0x180]  }
0x51: {  	v2 =	vld [tilespmem:s0+$0x100]  }
0x52: {  	v3 =	vld [tilespmem:s0+$0x80]  }
0x53: {  	v56 =	vld [tilespmem:s0+$0x280]  }
0x54: {  	v57 =	vld [tilespmem:s0+$0x200]  }
0x55: {  	v58 =	vld [tilespmem:s0+$0x380]  }
0x56: {  	s13 =	sor.u32 s1, s3;
	v59 =	vld [tilespmem:s0+$0x300]  }
0x57: {  	s14 =	sor.u32 s1, s4;
	s15 =	sor.u32 s1, s6;
	s16 =	sor.u32 s1, s25;
	v1 =	vadd.f32 v1, v2;
	v0 =	vadd.f32 v3, v0;
	v2 =	vld [tilespmem:s13+$0x0]  }
0x58: {  	s17 =	sor.u32 s1, s28;
	s25 =	simm.s32 $0x12020;
	s18 =	sor.u32 s1, s8;
	v3 =	vld [tilespmem:s14+$0x0]  }
0x59: {  	s6 =	simm.s32 $0x100;
	s19 =	sor.u32 s1, s11;
	s21 =	sor.u32 s1, s12;
	v60 =	vld [tilespmem:s15+$0x0];
	v1 =	vadd.f32 v56, v1;
	v0 =	vadd.f32 v57, v0  }
0x5a: {  	s4 =	simm.s32 $0x12040;
	s10 =	simm.s32 $0x20;
	v61 =	vld [tilespmem:s16+$0x0];
	s15 =	sand.u32 $0x3C00, s6  }
0x5b: {  	s24 =	simm.s32 $0x2;
	v62 =	vld [tilespmem:s17+$0x0];
	s20 =	sand.u32 $0x60, s10;
	s12 =	sadd.s32 $0x2400, s15;
	v1 =	vadd.f32 v58, v1;
	v0 =	vadd.f32 v59, v0  }
0x5c: {  	s5 =	simm.s32 $0x20;
	v63 =	vld [tilespmem:s18+$0x0];
	s11 =	sadd.s32 $0x2600, s15;
	s22 =	sor.u32 s20, s12  }
0x5d: {  	s7 =	sadd.s32 $0x2700, s15;
	s29 =	sor.u32 s20, s11;
	[dreg:$0x5] =	wrdreg s22;
	v1 =	vadd.f32 v2, v1;
	v0 =	vadd.f32 v3, v0;
	v2 =	vld [tilespmem:s19+$0x0]  }
0x5e: {  	s31 =	sor.u32 s20, s7;
	s22 =	sadd.s32 $0x2580, s15;
	[dreg:$0xb] =	wrdreg s29;
	v3 =	vld [tilespmem:s21+$0x0]  }
0x5f: {  	[dreg:$0x9] =	wrdreg s31;
	s26 =	sor.u32 s20, s22;
	s13 =	sadd.s32 $0x2480, s15;
	v1 =	vadd.f32 v60, v1;
	v0 =	vadd.f32 v61, v0  }
0x60: {  	[dreg:$0x10] =	wrdreg s26;
	s14 =	sadd.s32 $0x2780, s15;
	s23 =	sor.u32 s20, s13  }
0x61: {  	s30 =	sor.u32 s20, s14;
	[dreg:$0xf] =	wrdreg s23;
	s23 =	sadd.s32 $0x2500, s15;
	v1 =	vadd.f32 v62, v1;
	v0 =	vadd.f32 v63, v0  }
0x62: {  	s0 =	simm.s32 $0x0;
	[dreg:$0x8] =	wrdreg s30;
	s28 =	sor.u32 s20, s23  }
0x63: {  	s2 =	sor.u32 s20, s15;
	[dreg:$0x11] =	wrdreg s28;
	s19 =	smov.u32 s20;
	v0 =	vadd.f32 v3, v0;
	v1 =	vadd.f32 v2, v1  }
.LBB2_14:
0x64: {  	_ = 	snop  }
0x65: {  	s0 =	sand.u32 $0x780, s0;
	v0 =	vadd.f32 v1, v0  }
0x66: {  	s0 =	sor.u32 s1, s0  }
0x67: {  	[tilespmem:s0+$0x12000] =	vst v0  }
0x68: {  	v0 =	vld [tilespmem:s2+$0x100]  }
0x69: {  	v1 =	vld [tilespmem:s2+$0x0]  }
0x6a: {  	v2 =	vld [tilespmem:s2+$0x80]  }
0x6b: {  	s10 =	sadd.s32 $0x20, s10;
	v3 =	vld [tilespmem:s2+$0x180]  }
0x6c: {  	s6 =	sadd.s32 $0x100, s6;
	s8 =	smov.u32 s10;
	v4 =	vld [tilespmem:s2+$0x280]  }
0x6d: {  	s26 =	sand.u32 $0x3C00, s6;
	[dreg:$0x15] =	wrdreg s8;
	s8 =	sand.u32 $0x60, s10;
	v5 =	vld [tilespmem:s2+$0x200]  }
0x6e: {  	[dreg:$0x17] =	wrdreg s14;
	s29 =	sadd.s32 $0x2480, s26;
	s1 =	sor.u32 s8, s26;
	v6 =	vld [tilespmem:s2+$0x380]  }
0x6f: {  	s9 =	sor.u32 s8, s29;
	v7 =	vld [tilespmem:s2+$0x300];
	s2 =	smov.u32 s1;
	s1 =	rddreg [dreg:$0xf]  }
0x70: {  	s28 =	sadd.s32 $0x2400, s26;
	v1 =	vadd.f32 v2, v1;
	v2 =	vld [tilespmem:s1+$0x0];
	s1 =	smov.u32 s9;
	s9 =	rddreg [dreg:$0x5]  }
0x71: {  	s30 =	sadd.s32 $0x2580, s26;
	s16 =	sor.u32 s8, s28;
	[dreg:$0xf] =	wrdreg s1  }
0x72: {  	s18 =	sor.u32 s8, s30;
	v0 =	vadd.f32 v3, v0;
	v3 =	vld [tilespmem:s9+$0x0];
	s9 =	smov.u32 s16;
	s16 =	rddreg [dreg:$0x10]  }
0x73: {  	s0 =	sadd.s32 $0x2500, s26;
	[dreg:$0x5] =	wrdreg s9;
	s9 =	smov.u32 s18  }
0x74: {  	s3 =	smov.u32 s5;
	s5 =	sor.u32 s8, s0;
	[dreg:$0x10] =	wrdreg s9  }
0x75: {  	v1 =	vadd.f32 v5, v1;
	v0 =	vadd.f32 v4, v0;
	v52 =	vld [tilespmem:s16+$0x0];
	s16 =	sadd.s32 $0x2680, s15;
	s18 =	smov.u32 s5;
	s9 =	rddreg [dreg:$0x11]  }
0x76: {  	s1 =	sor.u32 s19, s16;
	[dreg:$0x11] =	wrdreg s18;
	v53 =	vld [tilespmem:s9+$0x0]  }
0x77: {  	s14 =	sadd.s32 $0x2600, s26;
	s18 =	rddreg [dreg:$0xb];
	v1 =	vadd.f32 v7, v1;
	v0 =	vadd.f32 v6, v0;
	v54 =	vld [tilespmem:s1+$0x0]  }
0x78: {  	s20 =	sor.u32 s8, s14;
	v55 =	vld [tilespmem:s18+$0x0];
	s9 =	rddreg [dreg:$0x8]  }
0x79: {  	s5 =	smov.u32 s20;
	s20 =	rddreg [dreg:$0x9];
	v1 =	vadd.f32 v3, v1;
	v0 =	vadd.f32 v2, v0;
	v2 =	vld [tilespmem:s9+$0x0]  }
0x7a: {  	v3 =	vld [tilespmem:s20+$0x0]  }
0x7b: {  	v0 =	vadd.f32 v52, v0;
	v1 =	vadd.f32 v53, v1;
	_ =	sdelay $0x1  }
0x7c: {  	v0 =	vadd.f32 v54, v0;
	v1 =	vadd.f32 v55, v1;
	_ =	sdelay $0x1  }
0x7d: {  	v0 =	vadd.f32 v2, v0;
	v1 =	vadd.f32 v3, v1;
	_ =	sdelay $0x1  }
0x7e: {  	v0 =	vadd.f32 v0, v1  }
0x7f: {  	s1 =	sor.u32 $0x10, s19  }
0x80: {  	[dreg:$0xb] =	wrdreg s5;
	s5 =	sor.u32 s1, s15;
	[tilespmem:s25+$0x0] =	vst v0  }
0x81: {  	v0 =	vld [tilespmem:s5+$0x0]  }
0x82: {  	v1 =	vld [tilespmem:s5+$0x180]  }
0x83: {  	v2 =	vld [tilespmem:s5+$0x100]  }
0x84: {  	v3 =	vld [tilespmem:s5+$0x80]  }
0x85: {  	v56 =	vld [tilespmem:s5+$0x280]  }
0x86: {  	v57 =	vld [tilespmem:s5+$0x200]  }
0x87: {  	[dreg:$0x13] =	wrdreg s3;
	s3 =	smov.u32 s7;
	s7 =	sadd.s32 $0x2780, s26;
	v58 =	vld [tilespmem:s5+$0x380]  }
0x88: {  	s17 =	sadd.s32 $0x2700, s26;
	s21 =	sor.u32 s8, s7;
	s9 =	sor.u32 s1, s13;
	v1 =	vadd.f32 v1, v2;
	v2 =	vld [tilespmem:s5+$0x300]  }
0x89: {  	s31 =	sor.u32 s8, s17;
	s19 =	smov.u32 s8;
	s8 =	sor.u32 s1, s12;
	v0 =	vadd.f32 v3, v0;
	v3 =	vld [tilespmem:s9+$0x0]  }
0x8a: {  	s18 =	smov.u32 s21;
	s20 =	sor.u32 s1, s22;
	v59 =	vld [tilespmem:s8+$0x0];
	v1 =	vadd.f32 v56, v1  }
0x8b: {  	[dreg:$0x8] =	wrdreg s18;
	s18 =	sor.u32 s1, s23;
	v60 =	vld [tilespmem:s20+$0x0];
	v0 =	vadd.f32 v57, v0  }
0x8c: {  	s21 =	smov.u32 s31;
	s22 =	smov.u32 s30;
	s30 =	sor.u32 s1, s16;
	v61 =	vld [tilespmem:s18+$0x0];
	v1 =	vadd.f32 v58, v1  }
0x8d: {  	[dreg:$0x9] =	wrdreg s21;
	s21 =	sor.u32 s1, s11;
	v0 =	vadd.f32 v2, v0;
	v2 =	vld [tilespmem:s30+$0x0]  }
0x8e: {  	s31 =	sor.u32 s1, s3;
	s25 =	rddreg [dreg:$0x17];
	v1 =	vadd.f32 v3, v1;
	v3 =	vld [tilespmem:s21+$0x0]  }
0x8f: {  	s24 =	sadd.s32 $0x2, s24;
	s3 =	sor.u32 s1, s25;
	v63 =	vld [tilespmem:s31+$0x0];
	v0 =	vadd.f32 v59, v0  }
0x90: {  	p2 =	slt.u32 s24, $0x46;
	v62 =	vld [tilespmem:s3+$0x0]  }
.Ltmp3:
0x91: {  	v1 =	vadd.f32 v60, v1;
	v0 =	vadd.f32 v61, v0;
	(pc) =	sbr.rel @p2 .LBB2_14-.Ltmp3, $4  }
0x92: {  	s15 =	smov.u32 s26;
	s12 =	smov.u32 s28  }
0x93: {  	s23 =	smov.u32 s0;
	s11 =	smov.u32 s14;
	s14 =	smov.u32 s7;
	v1 =	vadd.f32 v2, v1;
	v0 =	vadd.f32 v3, v0  }
0x94: {  	s7 =	smov.u32 s17;
	s0 =	rddreg [dreg:$0x13];
	s13 =	smov.u32 s29  }
0x95: {  	s25 =	smov.u32 s4;
	s4 =	sadd.s32 $0x20, s4;
	s5 =	rddreg [dreg:$0x15];
	v1 =	vadd.f32 v62, v1;
	v0 =	vadd.f32 v63, v0  }
0x96: {  	_ = 	snop  }
0x97: {  	s0 =	sand.u32 $0x780, s0;
	v0 =	vadd.f32 v1, v0  }
0x98: {  	s0 =	sor.u32 s1, s0  }
0x99: {  	[tilespmem:s0+$0x12000] =	vst v0  }
0x9a: {  	v0 =	vld [tilespmem:s2+$0x100]  }
0x9b: {  	v1 =	vld [tilespmem:s2+$0x0]  }
0x9c: {  	v2 =	vld [tilespmem:s2+$0x80]  }
0x9d: {  	v3 =	vld [tilespmem:s2+$0x180]  }
0x9e: {  	v4 =	vld [tilespmem:s2+$0x280]  }
0x9f: {  	v5 =	vld [tilespmem:s2+$0x200]  }
0xa0: {  	v6 =	vld [tilespmem:s2+$0x380]  }
0xa1: {  	s3 =	rddreg [dreg:$0xf];
	v7 =	vld [tilespmem:s2+$0x300]  }
0xa2: {  	s4 =	rddreg [dreg:$0x5];
	v8 =	vld [tilespmem:s3+$0x0];
	v1 =	vadd.f32 v2, v1;
	v0 =	vadd.f32 v3, v0  }
0xa3: {  	s6 =	rddreg [dreg:$0x10];
	v2 =	vld [tilespmem:s4+$0x0]  }
0xa4: {  	s8 =	sadd.s32 $0x2680, s15;
	s9 =	rddreg [dreg:$0x11];
	v3 =	vld [tilespmem:s6+$0x0];
	v1 =	vadd.f32 v5, v1;
	v0 =	vadd.f32 v4, v0  }
0xa5: {  	s10 =	sor.u32 s19, s8;
	v4 =	vld [tilespmem:s9+$0x0]  }
0xa6: {  	s16 =	rddreg [dreg:$0xb];
	v5 =	vld [tilespmem:s10+$0x0];
	v1 =	vadd.f32 v7, v1;
	v0 =	vadd.f32 v6, v0  }
0xa7: {  	s18 =	rddreg [dreg:$0x9];
	v6 =	vld [tilespmem:s16+$0x0]  }
0xa8: {  	s17 =	rddreg [dreg:$0x8];
	v7 =	vld [tilespmem:s18+$0x0];
	v1 =	vadd.f32 v2, v1;
	v0 =	vadd.f32 v8, v0  }
0xa9: {  	v2 =	vld [tilespmem:s17+$0x0]  }
0xaa: {  	v1 =	vadd.f32 v4, v1;
	v0 =	vadd.f32 v3, v0;
	_ =	sdelay $0x1  }
0xab: {  	v1 =	vadd.f32 v6, v1;
	v0 =	vadd.f32 v5, v0;
	_ =	sdelay $0x1  }
0xac: {  	v1 =	vadd.f32 v7, v1;
	v0 =	vadd.f32 v2, v0;
	_ =	sdelay $0x1  }
0xad: {  	v0 =	vadd.f32 v0, v1  }
0xae: {  	s20 =	sor.u32 $0x10, s19  }
0xaf: {  	s21 =	sor.u32 s20, s15;
	[tilespmem:s25+$0x0] =	vst v0  }
0xb0: {  	v0 =	vld [tilespmem:s21+$0x0]  }
0xb1: {  	v1 =	vld [tilespmem:s21+$0x180]  }
0xb2: {  	v2 =	vld [tilespmem:s21+$0x100]  }
0xb3: {  	v3 =	vld [tilespmem:s21+$0x80]  }
0xb4: {  	v4 =	vld [tilespmem:s21+$0x280]  }
0xb5: {  	v5 =	vld [tilespmem:s21+$0x200]  }
0xb6: {  	v6 =	vld [tilespmem:s21+$0x380]  }
0xb7: {  	s3 =	sor.u32 s20, s13;
	v7 =	vld [tilespmem:s21+$0x300]  }
0xb8: {  	s24 =	sor.u32 s20, s12;
	v1 =	vadd.f32 v1, v2;
	v0 =	vadd.f32 v3, v0;
	v2 =	vld [tilespmem:s3+$0x0]  }
0xb9: {  	s25 =	sor.u32 s20, s22;
	v3 =	vld [tilespmem:s24+$0x0]  }
0xba: {  	s26 =	sor.u32 s20, s23;
	v1 =	vadd.f32 v4, v1;
	v0 =	vadd.f32 v5, v0;
	v4 =	vld [tilespmem:s25+$0x0]  }
0xbb: {  	s0 =	sor.u32 s20, s8;
	v5 =	vld [tilespmem:s26+$0x0]  }
0xbc: {  	s28 =	sor.u32 s20, s11;
	v1 =	vadd.f32 v6, v1;
	v0 =	vadd.f32 v7, v0;
	v6 =	vld [tilespmem:s0+$0x0]  }
0xbd: {  	s29 =	sor.u32 s20, s14;
	v7 =	vld [tilespmem:s28+$0x0]  }
0xbe: {  	s30 =	sor.u32 s20, s7;
	v1 =	vadd.f32 v2, v1;
	v0 =	vadd.f32 v3, v0;
	v2 =	vld [tilespmem:s29+$0x0]  }
0xbf: {  	v3 =	vld [tilespmem:s30+$0x0]  }
0xc0: {  	s0 =	sld [smem:$0x7F2];
	v1 =	vadd.f32 v4, v1;
	v0 =	vadd.f32 v5, v0;
	_ =	sdelay $0x1  }
0xc1: {  	v1 =	vadd.f32 v6, v1;
	v0 =	vadd.f32 v7, v0  }
0xc2: {  	p2 =	seq.s32 s0, $0x19  }
0xc3: {  	s0 =	smul.u32 @!p2 $0x187000, s0;
	v0 =	vadd.f32 v3, v0;
	v1 =	vadd.f32 v2, v1;
	_ =	sdelay $0x1  }
0xc4: {  	s31 =	sand.u32 $0x780, s5;
	s2 =	rddreg [dreg:$0x0];
	s15 =	sshrl.u32 @!p2 s0, $0x3;
	v0 =	vadd.f32 v1, v0  }
0xc5: {  	s3 =	simm.s32 @!p2 $0x0;
	s0 =	sor.u32 s20, s31;
	s16 =	sadd.s32 @!p2 s2, s15  }
0xc6: {  	s2 =	simm.s32 @!p2 $0xC3800;
	s1 =	sadd.s32 @!p2 $0x48200, s16;
	[tilespmem:s0+$0x12000] =	vst v0;
	s0 =	simm.s32 @!p2 $0x2400  }
0xc7: {  	[tilespmem:s3], [sflag:$0x1] =	stream.strided.gather @!p2 [hbm4b:s1+s0], $0x4800, s2, s0, $0x38;
	[tilespmem:$0x13B00] =	vst v63  }
0xc8: {  	s17 =	simm.s32 $0x0;
	s1 =	simm.s32 $0x2  }
0xc9: {  	s2 =	sand.u32 $0x3C00, s17;
	_ =	swait.ge [sflag:s1], $0x4800  }
0xca: {  	s5 =	sand.u32 $0x60, s17;
	s7 =	sadd.s32 $0x4800, s2;
	[sflag:s1] =	ssyncset.done $0x0  }
0xcb: {  	s11 =	sor.u32 s5, s7;
	[sflag:s1] =	ssyncadd.s32 $0xFFFFB800  }
0xcc: {  	v0 =	vld [tilespmem:s11+$0x100]  }
0xcd: {  	v1 =	vld [tilespmem:s11+$0x0]  }
0xce: {  	s4 =	sand.u32 $0x3, s17;
	v2 =	vld [tilespmem:s11+$0x180]  }
0xcf: {  	s4 =	sshll.u32 s4, $0x5;
	v3 =	vld [tilespmem:s11+$0x80]  }
0xd0: {  	s4 =	sadd.s32 $0x0, s4;
	v4 =	vld [tilespmem:s11+$0x280]  }
0xd1: {  	s12 =	sor.u32 $0x380, s4;
	v5 =	vld [tilespmem:s11+$0x200]  }
0xd2: {  	s6 =	sor.u32 $0x300, s4;
	s13 =	sadd.s32 $0x6C80, s2;
	v6 =	vld [tilespmem:s12+$0x4800]  }
0xd3: {  	s14 =	sadd.s32 $0x6C00, s2;
	s18 =	sor.u32 s5, s13;
	v7 =	vld [tilespmem:s6+$0x4800]  }
0xd4: {  	s8 =	sadd.s32 $0x6D80, s2;
	s19 =	sor.u32 s5, s14;
	v1 =	vadd.f32 v3, v1;
	v0 =	vadd.f32 v2, v0;
	v2 =	vld [tilespmem:s18+$0x0]  }
0xd5: {  	s10 =	sadd.s32 $0x6D00, s2;
	s20 =	sor.u32 s5, s8;
	v3 =	vld [tilespmem:s19+$0x0]  }
0xd6: {  	s22 =	sadd.s32 $0x6E80, s2;
	s21 =	sor.u32 s5, s10;
	v1 =	vadd.f32 v5, v1;
	v0 =	vadd.f32 v4, v0;
	v4 =	vld [tilespmem:s20+$0x0]  }
0xd7: {  	s23 =	sadd.s32 $0x6E00, s2;
	s24 =	sor.u32 s5, s22;
	v5 =	vld [tilespmem:s21+$0x0]  }
0xd8: {  	s25 =	sadd.s32 $0x6F80, s2;
	s9 =	sor.u32 s5, s23;
	v1 =	vadd.f32 v7, v1;
	v0 =	vadd.f32 v6, v0;
	v6 =	vld [tilespmem:s24+$0x0]  }
0xd9: {  	s0 =	sadd.s32 $0x6F00, s2;
	s26 =	sor.u32 s5, s25;
	v7 =	vld [tilespmem:s9+$0x0]  }
0xda: {  	s28 =	sor.u32 s5, s0;
	v1 =	vadd.f32 v3, v1;
	v0 =	vadd.f32 v2, v0;
	v2 =	vld [tilespmem:s26+$0x0]  }
0xdb: {  	v3 =	vld [tilespmem:s28+$0x0]  }
0xdc: {  	v1 =	vadd.f32 v5, v1;
	v0 =	vadd.f32 v4, v0;
	_ =	sdelay $0x1  }
0xdd: {  	v1 =	vadd.f32 v7, v1;
	v0 =	vadd.f32 v6, v0;
	_ =	sdelay $0x1  }
0xde: {  	v1 =	vadd.f32 v3, v1;
	v0 =	vadd.f32 v2, v0;
	_ =	sdelay $0x1  }
0xdf: {  	v0 =	vadd.f32 v0, v1  }
0xe0: {  	s29 =	sand.u32 $0x7E0, s17;
	s18 =	sor.u32 $0x10, s5  }
0xe1: {  	s30 =	sor.u32 s18, s7;
	[tilespmem:s29+$0x12480] =	vst v0  }
0xe2: {  	v3 =	vld [tilespmem:s30+$0x0]  }
0xe3: {  	v5 =	vld [tilespmem:s30+$0x180]  }
0xe4: {  	v6 =	vld [tilespmem:s30+$0x100]  }
0xe5: {  	s4 =	sadd.s32 $0x10, s4;
	v7 =	vld [tilespmem:s30+$0x80]  }
0xe6: {  	s31 =	sor.u32 $0x380, s4;
	s4 =	sor.u32 $0x300, s4;
	s3 =	simm.s32 $0x0;
	v2 =	vld [tilespmem:s30+$0x280]  }
0xe7: {  	s2 =	simm.s32 $0x12490;
	s6 =	simm.s32 $0x0;
	s12 =	sor.u32 s18, s14;
	v0 =	vld [tilespmem:s30+$0x200]  }
0xe8: {  	s5 =	sor.u32 s18, s13;
	s11 =	sor.u32 s18, s10;
	s7 =	sor.u32 s18, s23;
	v1 =	vld [tilespmem:s31+$0x4800]  }
0xe9: {  	s10 =	sor.u32 s18, s22;
	s1 =	sor.u32 s18, s0;
	s9 =	sor.u32 s18, s8;
	v4 =	vld [tilespmem:s4+$0x4800];
	v6 =	vadd.f32 v5, v6  }
0xea: {  	s8 =	sor.u32 s18, s25;
	s4 =	simm.s32 $0x124B0;
	v5 =	vadd.f32 v7, v3;
	v3 =	vld [tilespmem:s5+$0x0];
	s5 =	simm.s32 $0x20  }
.LBB2_16:
0xeb: {  	s3 =	sadd.s32 $0x2, s3;
	v2 =	vadd.f32 v2, v6;
	v6 =	vld [tilespmem:s12+$0x0];
	s17 =	sadd.s32 $0x100, s17;
	s6 =	sadd.s32 $0x1, s6  }
0xec: {  	p3 =	slt.u32 s3, $0x46;
	v0 =	vadd.f32 v0, v5;
	v5 =	vld [tilespmem:s9+$0x0]  }
0xed: {  	v1 =	vadd.f32 v1, v2;
	v2 =	vld [tilespmem:s11+$0x0]  }
0xee: {  	v0 =	vadd.f32 v4, v0;
	v4 =	vld [tilespmem:s10+$0x0]  }
0xef: {  	s0 =	sand.u32 $0x3C00, s17;
	v1 =	vadd.f32 v3, v1;
	v3 =	vld [tilespmem:s7+$0x0]  }
0xf0: {  	s13 =	sadd.s32 $0x4800, s0;
	s9 =	sadd.s32 $0x6C80, s0;
	s7 =	sand.u32 $0x60, s5;
	v0 =	vadd.f32 v6, v0;
	v6 =	vld [tilespmem:s8+$0x0]  }
0xf1: {  	s25 =	sor.u32 s7, s13;
	s8 =	sadd.s32 $0x6C00, s0;
	s14 =	sor.u32 s7, s9;
	v1 =	vadd.f32 v5, v1;
	v5 =	vld [tilespmem:s1+$0x0]  }
0xf2: {  	s10 =	sadd.s32 $0x6D80, s0;
	s20 =	sor.u32 s7, s8;
	s1 =	sadd.s32 $0x6D00, s0;
	v0 =	vadd.f32 v2, v0  }
0xf3: {  	s26 =	sadd.s32 $0x6E80, s0;
	s24 =	sor.u32 s7, s10;
	s19 =	sor.u32 s7, s1;
	v1 =	vadd.f32 v4, v1  }
0xf4: {  	s28 =	sadd.s32 $0x6E00, s0;
	s29 =	sadd.s32 $0x6F80, s0;
	s21 =	sor.u32 s7, s26;
	v0 =	vadd.f32 v3, v0  }
0xf5: {  	s31 =	sadd.s32 $0x6F00, s0;
	s30 =	sor.u32 s7, s28;
	s23 =	sor.u32 s7, s29  }
0xf6: {  	s22 =	sor.u32 s7, s31;
	s0 =	sor.u32 $0x10, s7;
	v1 =	vadd.f32 v6, v1;
	v0 =	vadd.f32 v5, v0  }
0xf7: {  	s12 =	sor.u32 s0, s8;
	s18 =	sor.u32 s0, s9;
	s9 =	sor.u32 s0, s10  }
0xf8: {  	s11 =	sor.u32 s0, s1;
	s7 =	sor.u32 s0, s28;
	s10 =	sor.u32 s0, s26;
	v0 =	vadd.f32 v1, v0  }
0xf9: {  	s1 =	sor.u32 s0, s31;
	s8 =	sor.u32 s0, s29  }
0xfa: {  	[tilespmem:s2+$0x0] =	vst v0;
	s2 =	smov.u32 s4  }
0xfb: {  	v0 =	vld [tilespmem:s25+$0x100]  }
0xfc: {  	v1 =	vld [tilespmem:s25+$0x0]  }
0xfd: {  	s26 =	sand.u32 $0x3, s6;
	v2 =	vld [tilespmem:s25+$0x180]  }
0xfe: {  	s26 =	sshll.u32 s26, $0x5;
	v3 =	vld [tilespmem:s25+$0x80]  }
0xff: {  	s26 =	sadd.s32 s26, s17;
	v4 =	vld [tilespmem:s25+$0x280]  }
0x100: {  	s28 =	sor.u32 $0x380, s26;
	v5 =	vld [tilespmem:s25+$0x200];
	s25 =	sadd.s32 $0x10, s26  }
0x101: {  	s26 =	sor.u32 $0x300, s26;
	v6 =	vld [tilespmem:s28+$0x4800]  }
0x102: {  	v7 =	vld [tilespmem:s26+$0x4800]  }
0x103: {  	v0 =	vadd.f32 v2, v0;
	v1 =	vadd.f32 v3, v1;
	v2 =	vld [tilespmem:s14+$0x0]  }
0x104: {  	v3 =	vld [tilespmem:s20+$0x0]  }
0x105: {  	v0 =	vadd.f32 v4, v0;
	v1 =	vadd.f32 v5, v1;
	v4 =	vld [tilespmem:s24+$0x0]  }
0x106: {  	v5 =	vld [tilespmem:s19+$0x0]  }
0x107: {  	v0 =	vadd.f32 v6, v0;
	v1 =	vadd.f32 v7, v1;
	v6 =	vld [tilespmem:s21+$0x0]  }
0x108: {  	v7 =	vld [tilespmem:s30+$0x0]  }
0x109: {  	v0 =	vadd.f32 v2, v0;
	v1 =	vadd.f32 v3, v1;
	v2 =	vld [tilespmem:s23+$0x0]  }
0x10a: {  	v3 =	vld [tilespmem:s22+$0x0]  }
0x10b: {  	v0 =	vadd.f32 v4, v0;
	v1 =	vadd.f32 v5, v1;
	_ =	sdelay $0x1  }
0x10c: {  	v0 =	vadd.f32 v6, v0;
	v1 =	vadd.f32 v7, v1;
	_ =	sdelay $0x1  }
0x10d: {  	v0 =	vadd.f32 v2, v0;
	v1 =	vadd.f32 v3, v1;
	_ =	sdelay $0x1  }
0x10e: {  	v0 =	vadd.f32 v0, v1  }
0x10f: {  	s14 =	sand.u32 $0x7E0, s5  }
0x110: {  	s0 =	sor.u32 s0, s13;
	[tilespmem:s14+$0x12480] =	vst v0  }
0x111: {  	v3 =	vld [tilespmem:s0+$0x0]  }
0x112: {  	v4 =	vld [tilespmem:s0+$0x180]  }
0x113: {  	v5 =	vld [tilespmem:s0+$0x100]  }
0x114: {  	v7 =	vld [tilespmem:s0+$0x80]  }
.Ltmp4:
0x115: {  	v2 =	vld [tilespmem:s0+$0x280];
	(pc) =	sbr.rel @p3 .LBB2_16-.Ltmp4, $4  }
0x116: {  	v0 =	vld [tilespmem:s0+$0x200];
	s0 =	sor.u32 $0x380, s25  }
0x117: {  	s13 =	sor.u32 $0x300, s25;
	v1 =	vld [tilespmem:s0+$0x4800]  }
0x118: {  	v6 =	vadd.f32 v4, v5;
	v4 =	vld [tilespmem:s13+$0x4800]  }
0x119: {  	s4 =	sadd.s32 $0x20, s4;
	s5 =	sadd.s32 $0x20, s5;
	v5 =	vadd.f32 v7, v3;
	v3 =	vld [tilespmem:s18+$0x0]  }
0x11a: {  	v7 =	vld [tilespmem:s12+$0x0]  }
0x11b: {  	v2 =	vadd.f32 v2, v6;
	v6 =	vld [tilespmem:s11+$0x0];
	v0 =	vadd.f32 v0, v5  }
0x11c: {  	v5 =	vld [tilespmem:s9+$0x0]  }
0x11d: {  	v1 =	vadd.f32 v1, v2;
	v2 =	vld [tilespmem:s10+$0x0];
	v0 =	vadd.f32 v4, v0  }
0x11e: {  	v4 =	vld [tilespmem:s7+$0x0]  }
0x11f: {  	v1 =	vadd.f32 v3, v1;
	v3 =	vld [tilespmem:s8+$0x0];
	v0 =	vadd.f32 v7, v0  }
0x120: {  	v7 =	vld [tilespmem:s1+$0x0]  }
0x121: {  	v1 =	vadd.f32 v5, v1;
	v0 =	vadd.f32 v6, v0;
	_ =	sdelay $0x1  }
0x122: {  	v1 =	vadd.f32 v2, v1;
	v0 =	vadd.f32 v4, v0;
	_ =	sdelay $0x1  }
0x123: {  	v1 =	vadd.f32 v3, v1;
	v0 =	vadd.f32 v7, v0;
	_ =	sdelay $0x1  }
0x124: {  	v0 =	vadd.f32 v1, v0  }
0x125: {  	s0 =	sadd.s32 @!p2 $0x48680, s16  }
0x126: {  	s3 =	simm.s32 @!p2 $0x4800;
	s1 =	simm.s32 @!p2 $0x2400;
	[tilespmem:s2+$0x0] =	vst v0;
	s2 =	simm.s32 @!p2 $0xC3800  }
0x127: {  	[tilespmem:s3], [sflag:$0x2] =	stream.strided.gather @!p2 [hbm4b:s0+s1], $0x4800, s2, s1, $0x38;
	[tilespmem:$0x13B00] =	vst v63  }
0x128: {  	s17 =	simm.s32 $0x0;
	s1 =	simm.s32 $0x3  }
0x129: {  	s2 =	sand.u32 $0x3C00, s17;
	_ =	swait.ge [sflag:s1], $0x4800  }
0x12a: {  	s7 =	sand.u32 $0x60, s17;
	s8 =	sadd.s32 $0x9000, s2;
	[sflag:s1] =	ssyncset.done $0x0  }
0x12b: {  	s10 =	sor.u32 s7, s8;
	[sflag:s1] =	ssyncadd.s32 $0xFFFFB800  }
0x12c: {  	v0 =	vld [tilespmem:s10+$0x100]  }
0x12d: {  	v1 =	vld [tilespmem:s10+$0x0]  }
0x12e: {  	s4 =	sand.u32 $0x3, s17;
	v2 =	vld [tilespmem:s10+$0x180]  }
0x12f: {  	s4 =	sshll.u32 s4, $0x5;
	v3 =	vld [tilespmem:s10+$0x80]  }
0x130: {  	s4 =	sadd.s32 $0x0, s4;
	v4 =	vld [tilespmem:s10+$0x280]  }
0x131: {  	s11 =	sor.u32 $0x380, s4;
	v5 =	vld [tilespmem:s10+$0x200]  }
0x132: {  	s6 =	sor.u32 $0x300, s4;
	s5 =	sadd.s32 $0xB480, s2;
	v6 =	vld [tilespmem:s11+$0x9000]  }
0x133: {  	s12 =	sadd.s32 $0xB400, s2;
	s13 =	sor.u32 s7, s5;
	v7 =	vld [tilespmem:s6+$0x9000]  }
0x134: {  	s18 =	sadd.s32 $0xB580, s2;
	s14 =	sor.u32 s7, s12;
	v1 =	vadd.f32 v3, v1;
	v0 =	vadd.f32 v2, v0;
	v2 =	vld [tilespmem:s13+$0x0]  }
0x135: {  	s19 =	sadd.s32 $0xB500, s2;
	s20 =	sor.u32 s7, s18;
	v3 =	vld [tilespmem:s14+$0x0]  }
0x136: {  	s22 =	sadd.s32 $0xB680, s2;
	s21 =	sor.u32 s7, s19;
	v1 =	vadd.f32 v5, v1;
	v0 =	vadd.f32 v4, v0;
	v4 =	vld [tilespmem:s20+$0x0]  }
0x137: {  	s23 =	sor.u32 s7, s22;
	s13 =	sadd.s32 $0xB600, s2;
	v5 =	vld [tilespmem:s21+$0x0]  }
0x138: {  	s24 =	sadd.s32 $0xB780, s2;
	s25 =	sor.u32 s7, s13;
	v1 =	vadd.f32 v7, v1;
	v0 =	vadd.f32 v6, v0;
	v6 =	vld [tilespmem:s23+$0x0]  }
0x139: {  	s0 =	sadd.s32 $0xB700, s2;
	s26 =	sor.u32 s7, s24;
	v7 =	vld [tilespmem:s25+$0x0]  }
0x13a: {  	s28 =	sor.u32 s7, s0;
	v1 =	vadd.f32 v3, v1;
	v0 =	vadd.f32 v2, v0;
	v2 =	vld [tilespmem:s26+$0x0]  }
0x13b: {  	v3 =	vld [tilespmem:s28+$0x0]  }
0x13c: {  	v1 =	vadd.f32 v5, v1;
	v0 =	vadd.f32 v4, v0;
	_ =	sdelay $0x1  }
0x13d: {  	v1 =	vadd.f32 v7, v1;
	v0 =	vadd.f32 v6, v0;
	_ =	sdelay $0x1  }
0x13e: {  	v1 =	vadd.f32 v3, v1;
	v0 =	vadd.f32 v2, v0;
	_ =	sdelay $0x1  }
0x13f: {  	v0 =	vadd.f32 v0, v1  }
0x140: {  	s29 =	sand.u32 $0x7E0, s17;
	s14 =	sor.u32 $0x10, s7  }
0x141: {  	s30 =	sor.u32 s14, s8;
	[tilespmem:s29+$0x12900] =	vst v0  }
0x142: {  	v3 =	vld [tilespmem:s30+$0x0]  }
0x143: {  	v5 =	vld [tilespmem:s30+$0x180]  }
0x144: {  	v6 =	vld [tilespmem:s30+$0x100]  }
0x145: {  	s4 =	sadd.s32 $0x10, s4;
	v7 =	vld [tilespmem:s30+$0x80]  }
0x146: {  	s31 =	sor.u32 $0x380, s4;
	s4 =	sor.u32 $0x300, s4;
	s3 =	simm.s32 $0x0;
	v1 =	vld [tilespmem:s30+$0x280]  }
0x147: {  	s6 =	simm.s32 $0x0;
	s2 =	simm.s32 $0x12910;
	s12 =	sor.u32 s14, s12;
	v0 =	vld [tilespmem:s30+$0x200]  }
0x148: {  	s5 =	sor.u32 s14, s5;
	s9 =	sor.u32 s14, s18;
	s10 =	sor.u32 s14, s19;
	v2 =	vld [tilespmem:s31+$0x9000]  }
0x149: {  	s7 =	sor.u32 s14, s13;
	s11 =	sor.u32 s14, s22;
	s1 =	sor.u32 s14, s0;
	v4 =	vld [tilespmem:s4+$0x9000];
	v6 =	vadd.f32 v5, v6  }
0x14a: {  	s8 =	sor.u32 s14, s24;
	s4 =	simm.s32 $0x12930;
	v5 =	vadd.f32 v7, v3;
	v3 =	vld [tilespmem:s5+$0x0];
	s5 =	simm.s32 $0x20  }
.LBB2_18:
0x14b: {  	s3 =	sadd.s32 $0x2, s3;
	v1 =	vadd.f32 v1, v6;
	v6 =	vld [tilespmem:s12+$0x0];
	s17 =	sadd.s32 $0x100, s17;
	s6 =	sadd.s32 $0x1, s6  }
0x14c: {  	p3 =	slt.u32 s3, $0x46;
	v0 =	vadd.f32 v0, v5;
	v5 =	vld [tilespmem:s9+$0x0]  }
0x14d: {  	v1 =	vadd.f32 v2, v1;
	v2 =	vld [tilespmem:s10+$0x0]  }
0x14e: {  	v0 =	vadd.f32 v4, v0;
	v4 =	vld [tilespmem:s11+$0x0]  }
0x14f: {  	s0 =	sand.u32 $0x3C00, s17;
	v1 =	vadd.f32 v3, v1;
	v3 =	vld [tilespmem:s7+$0x0]  }
0x150: {  	s13 =	sadd.s32 $0x9000, s0;
	s9 =	sadd.s32 $0xB480, s0;
	s7 =	sand.u32 $0x60, s5;
	v0 =	vadd.f32 v6, v0;
	v6 =	vld [tilespmem:s8+$0x0]  }
0x151: {  	s25 =	sor.u32 s7, s13;
	s8 =	sadd.s32 $0xB400, s0;
	s14 =	sor.u32 s7, s9;
	v1 =	vadd.f32 v5, v1;
	v5 =	vld [tilespmem:s1+$0x0]  }
0x152: {  	s10 =	sadd.s32 $0xB580, s0;
	s20 =	sor.u32 s7, s8;
	s1 =	sadd.s32 $0xB500, s0;
	v0 =	vadd.f32 v2, v0  }
0x153: {  	s11 =	sadd.s32 $0xB680, s0;
	s24 =	sor.u32 s7, s10;
	s19 =	sor.u32 s7, s1;
	v1 =	vadd.f32 v4, v1  }
0x154: {  	s26 =	sadd.s32 $0xB600, s0;
	s28 =	sadd.s32 $0xB780, s0;
	s21 =	sor.u32 s7, s11;
	v0 =	vadd.f32 v3, v0  }
0x155: {  	s30 =	sadd.s32 $0xB700, s0;
	s29 =	sor.u32 s7, s26;
	s23 =	sor.u32 s7, s28  }
0x156: {  	s22 =	sor.u32 s7, s30;
	s0 =	sor.u32 $0x10, s7;
	v1 =	vadd.f32 v6, v1;
	v0 =	vadd.f32 v5, v0  }
0x157: {  	s12 =	sor.u32 s0, s8;
	s18 =	sor.u32 s0, s9;
	s9 =	sor.u32 s0, s10  }
0x158: {  	s10 =	sor.u32 s0, s1;
	s7 =	sor.u32 s0, s26;
	s11 =	sor.u32 s0, s11;
	v0 =	vadd.f32 v1, v0  }
0x159: {  	s1 =	sor.u32 s0, s30;
	s8 =	sor.u32 s0, s28  }
0x15a: {  	[tilespmem:s2+$0x0] =	vst v0;
	s2 =	smov.u32 s4  }
0x15b: {  	v0 =	vld [tilespmem:s25+$0x100]  }
0x15c: {  	v1 =	vld [tilespmem:s25+$0x0]  }
0x15d: {  	s26 =	sand.u32 $0x3, s6;
	v2 =	vld [tilespmem:s25+$0x180]  }
0x15e: {  	s26 =	sshll.u32 s26, $0x5;
	v3 =	vld [tilespmem:s25+$0x80]  }
0x15f: {  	s26 =	sadd.s32 s26, s17;
	v4 =	vld [tilespmem:s25+$0x280]  }
0x160: {  	s28 =	sor.u32 $0x380, s26;
	v5 =	vld [tilespmem:s25+$0x200];
	s25 =	sadd.s32 $0x10, s26  }
0x161: {  	s26 =	sor.u32 $0x300, s26;
	v6 =	vld [tilespmem:s28+$0x9000]  }
0x162: {  	v7 =	vld [tilespmem:s26+$0x9000]  }
0x163: {  	v0 =	vadd.f32 v2, v0;
	v1 =	vadd.f32 v3, v1;
	v2 =	vld [tilespmem:s14+$0x0]  }
0x164: {  	v3 =	vld [tilespmem:s20+$0x0]  }
0x165: {  	v0 =	vadd.f32 v4, v0;
	v1 =	vadd.f32 v5, v1;
	v4 =	vld [tilespmem:s24+$0x0]  }
0x166: {  	v5 =	vld [tilespmem:s19+$0x0]  }
0x167: {  	v0 =	vadd.f32 v6, v0;
	v1 =	vadd.f32 v7, v1;
	v6 =	vld [tilespmem:s21+$0x0]  }
0x168: {  	v7 =	vld [tilespmem:s29+$0x0]  }
0x169: {  	v0 =	vadd.f32 v2, v0;
	v1 =	vadd.f32 v3, v1;
	v2 =	vld [tilespmem:s23+$0x0]  }
0x16a: {  	v3 =	vld [tilespmem:s22+$0x0]  }
0x16b: {  	v0 =	vadd.f32 v4, v0;
	v1 =	vadd.f32 v5, v1;
	_ =	sdelay $0x1  }
0x16c: {  	v0 =	vadd.f32 v6, v0;
	v1 =	vadd.f32 v7, v1;
	_ =	sdelay $0x1  }
0x16d: {  	v0 =	vadd.f32 v2, v0;
	v1 =	vadd.f32 v3, v1;
	_ =	sdelay $0x1  }
0x16e: {  	v0 =	vadd.f32 v0, v1  }
0x16f: {  	s14 =	sand.u32 $0x7E0, s5  }
0x170: {  	s0 =	sor.u32 s0, s13;
	[tilespmem:s14+$0x12900] =	vst v0  }
0x171: {  	v3 =	vld [tilespmem:s0+$0x0]  }
0x172: {  	v4 =	vld [tilespmem:s0+$0x180]  }
0x173: {  	v5 =	vld [tilespmem:s0+$0x100]  }
0x174: {  	v7 =	vld [tilespmem:s0+$0x80]  }
.Ltmp5:
0x175: {  	v1 =	vld [tilespmem:s0+$0x280];
	(pc) =	sbr.rel @p3 .LBB2_18-.Ltmp5, $4  }
0x176: {  	v0 =	vld [tilespmem:s0+$0x200];
	s0 =	sor.u32 $0x380, s25  }
0x177: {  	s13 =	sor.u32 $0x300, s25;
	v2 =	vld [tilespmem:s0+$0x9000]  }
0x178: {  	v6 =	vadd.f32 v4, v5;
	v4 =	vld [tilespmem:s13+$0x9000]  }
0x179: {  	s4 =	sadd.s32 $0x20, s4;
	s5 =	sadd.s32 $0x20, s5;
	v5 =	vadd.f32 v7, v3;
	v3 =	vld [tilespmem:s18+$0x0]  }
0x17a: {  	v7 =	vld [tilespmem:s12+$0x0]  }
0x17b: {  	v1 =	vadd.f32 v1, v6;
	v6 =	vld [tilespmem:s10+$0x0];
	v0 =	vadd.f32 v0, v5  }
0x17c: {  	v5 =	vld [tilespmem:s9+$0x0]  }
0x17d: {  	v1 =	vadd.f32 v2, v1;
	v2 =	vld [tilespmem:s11+$0x0];
	v0 =	vadd.f32 v4, v0  }
0x17e: {  	v4 =	vld [tilespmem:s7+$0x0]  }
0x17f: {  	v1 =	vadd.f32 v3, v1;
	v3 =	vld [tilespmem:s8+$0x0];
	v0 =	vadd.f32 v7, v0  }
0x180: {  	v7 =	vld [tilespmem:s1+$0x0]  }
0x181: {  	v1 =	vadd.f32 v5, v1;
	v0 =	vadd.f32 v6, v0;
	_ =	sdelay $0x1  }
0x182: {  	v1 =	vadd.f32 v2, v1;
	v0 =	vadd.f32 v4, v0;
	_ =	sdelay $0x1  }
0x183: {  	v1 =	vadd.f32 v3, v1;
	v0 =	vadd.f32 v7, v0;
	_ =	sdelay $0x1  }
0x184: {  	v0 =	vadd.f32 v1, v0  }
0x185: {  	s0 =	sadd.s32 @!p2 $0x48B00, s16;
	s3 =	simm.s32 @!p2 $0x9000;
	s17 =	simm.s32 $0x0  }
0x186: {  	s26 =	simm.s32 $0x4;
	s1 =	simm.s32 @!p2 $0x2400;
	[tilespmem:s2+$0x0] =	vst v0;
	s2 =	simm.s32 @!p2 $0xC3800  }
0x187: {  	[tilespmem:s3], [sflag:$0x3] =	stream.strided.gather @!p2 [hbm4b:s0+s1], $0x4800, s2, s1, $0x38;
	[tilespmem:$0x13B00] =	vst v63  }
0x188: {  	s28 =	sand.u32 $0x3C00, s17;
	_ =	swait.ge [sflag:s26], $0x4800  }
0x189: {  	s29 =	sand.u32 $0x60, s17;
	s30 =	sadd.s32 $0xD800, s28;
	[sflag:s26] =	ssyncset.done $0x0  }
0x18a: {  	s6 =	sor.u32 s29, s30;
	[sflag:s26] =	ssyncadd.s32 $0xFFFFB800  }
0x18b: {  	v0 =	vld [tilespmem:s6+$0x100]  }
0x18c: {  	v1 =	vld [tilespmem:s6+$0x0]  }
0x18d: {  	s4 =	sand.u32 $0x3, s17;
	v2 =	vld [tilespmem:s6+$0x180]  }
0x18e: {  	s4 =	sshll.u32 s4, $0x5;
	v3 =	vld [tilespmem:s6+$0x80]  }
0x18f: {  	s4 =	sadd.s32 $0x0, s4;
	v4 =	vld [tilespmem:s6+$0x280]  }
0x190: {  	s7 =	sor.u32 $0x380, s4;
	v5 =	vld [tilespmem:s6+$0x200]  }
0x191: {  	s5 =	sadd.s32 $0xFC80, s28;
	s6 =	sor.u32 $0x300, s4;
	v6 =	vld [tilespmem:s7+$0xD800]  }
0x192: {  	s9 =	sor.u32 s29, s5;
	s8 =	sadd.s32 $0xFC00, s28;
	v7 =	vld [tilespmem:s6+$0xD800]  }
0x193: {  	s11 =	sadd.s32 $0xFD80, s28;
	s10 =	sor.u32 s29, s8;
	v1 =	vadd.f32 v3, v1;
	v0 =	vadd.f32 v2, v0;
	v2 =	vld [tilespmem:s9+$0x0]  }
0x194: {  	s18 =	sadd.s32 $0xFD00, s28;
	s19 =	sor.u32 s29, s11;
	v3 =	vld [tilespmem:s10+$0x0]  }
0x195: {  	s21 =	sadd.s32 $0xFE80, s28;
	s20 =	sor.u32 s29, s18;
	v1 =	vadd.f32 v5, v1;
	v0 =	vadd.f32 v4, v0;
	v4 =	vld [tilespmem:s19+$0x0]  }
0x196: {  	s13 =	sadd.s32 $0xFE00, s28;
	s22 =	sor.u32 s29, s21;
	v5 =	vld [tilespmem:s20+$0x0]  }
0x197: {  	s23 =	sadd.s32 $0xFF80, s28;
	s24 =	sor.u32 s29, s13;
	v1 =	vadd.f32 v7, v1;
	v0 =	vadd.f32 v6, v0;
	v6 =	vld [tilespmem:s22+$0x0]  }
0x198: {  	s25 =	sor.u32 s29, s23;
	s0 =	sadd.s32 $0xFF00, s28;
	v7 =	vld [tilespmem:s24+$0x0]  }
0x199: {  	s26 =	sor.u32 s29, s0;
	v1 =	vadd.f32 v3, v1;
	v0 =	vadd.f32 v2, v0;
	v2 =	vld [tilespmem:s25+$0x0]  }
0x19a: {  	v3 =	vld [tilespmem:s26+$0x0]  }
0x19b: {  	v1 =	vadd.f32 v5, v1;
	v0 =	vadd.f32 v4, v0;
	_ =	sdelay $0x1  }
0x19c: {  	v1 =	vadd.f32 v7, v1;
	v0 =	vadd.f32 v6, v0;
	_ =	sdelay $0x1  }
0x19d: {  	v1 =	vadd.f32 v3, v1;
	v0 =	vadd.f32 v2, v0;
	_ =	sdelay $0x1  }
0x19e: {  	v0 =	vadd.f32 v0, v1  }
0x19f: {  	s14 =	sor.u32 $0x10, s29;
	s28 =	sand.u32 $0x7E0, s17  }
0x1a0: {  	s29 =	sor.u32 s14, s30;
	[tilespmem:s28+$0x12D80] =	vst v0  }
0x1a1: {  	v3 =	vld [tilespmem:s29+$0x0]  }
0x1a2: {  	v5 =	vld [tilespmem:s29+$0x180]  }
0x1a3: {  	v6 =	vld [tilespmem:s29+$0x100]  }
0x1a4: {  	s5 =	sor.u32 s14, s5;
	s12 =	sor.u32 s14, s8;
	v7 =	vld [tilespmem:s29+$0x80]  }
0x1a5: {  	s8 =	sor.u32 s14, s23;
	s2 =	simm.s32 $0x12D90;
	s4 =	sadd.s32 $0x10, s4;
	v1 =	vld [tilespmem:s29+$0x280]  }
0x1a6: {  	s3 =	simm.s32 $0x0;
	s1 =	sor.u32 s14, s0;
	s30 =	sor.u32 $0x380, s4;
	v0 =	vld [tilespmem:s29+$0x200]  }
0x1a7: {  	s7 =	sor.u32 s14, s13;
	s31 =	rddreg [dreg:$0x0];
	s4 =	sor.u32 $0x300, s4;
	v2 =	vld [tilespmem:s30+$0xD800]  }
0x1a8: {  	s6 =	simm.s32 $0x0;
	s9 =	sor.u32 s14, s11;
	s10 =	sor.u32 s14, s18;
	v4 =	vld [tilespmem:s4+$0xD800];
	v6 =	vadd.f32 v5, v6  }
0x1a9: {  	s11 =	sor.u32 s14, s21;
	s4 =	simm.s32 $0x12DB0;
	v5 =	vadd.f32 v7, v3;
	v3 =	vld [tilespmem:s5+$0x0];
	s5 =	simm.s32 $0x20  }
.LBB2_20:
0x1aa: {  	s3 =	sadd.s32 $0x2, s3;
	v1 =	vadd.f32 v1, v6;
	v6 =	vld [tilespmem:s12+$0x0];
	s17 =	sadd.s32 $0x100, s17;
	s6 =	sadd.s32 $0x1, s6  }
0x1ab: {  	p3 =	slt.u32 s3, $0x46;
	v0 =	vadd.f32 v0, v5;
	v5 =	vld [tilespmem:s9+$0x0]  }
0x1ac: {  	v1 =	vadd.f32 v2, v1;
	v2 =	vld [tilespmem:s10+$0x0]  }
0x1ad: {  	v0 =	vadd.f32 v4, v0;
	v4 =	vld [tilespmem:s11+$0x0]  }
0x1ae: {  	s0 =	sand.u32 $0x3C00, s17;
	v1 =	vadd.f32 v3, v1;
	v3 =	vld [tilespmem:s7+$0x0]  }
0x1af: {  	s13 =	sadd.s32 $0xD800, s0;
	s9 =	sadd.s32 $0xFC80, s0;
	s7 =	sand.u32 $0x60, s5;
	v0 =	vadd.f32 v6, v0;
	v6 =	vld [tilespmem:s8+$0x0]  }
0x1b0: {  	s25 =	sor.u32 s7, s13;
	s8 =	sadd.s32 $0xFC00, s0;
	s14 =	sor.u32 s7, s9;
	v1 =	vadd.f32 v5, v1;
	v5 =	vld [tilespmem:s1+$0x0]  }
0x1b1: {  	s10 =	sadd.s32 $0xFD80, s0;
	s20 =	sor.u32 s7, s8;
	s1 =	sadd.s32 $0xFD00, s0;
	v0 =	vadd.f32 v2, v0  }
0x1b2: {  	s11 =	sadd.s32 $0xFE80, s0;
	s24 =	sor.u32 s7, s10;
	s19 =	sor.u32 s7, s1;
	v1 =	vadd.f32 v4, v1  }
0x1b3: {  	s26 =	sadd.s32 $0xFE00, s0;
	s28 =	sadd.s32 $0xFF80, s0;
	s21 =	sor.u32 s7, s11;
	v0 =	vadd.f32 v3, v0  }
0x1b4: {  	s30 =	sadd.s32 $0xFF00, s0;
	s29 =	sor.u32 s7, s26;
	s23 =	sor.u32 s7, s28  }
0x1b5: {  	s22 =	sor.u32 s7, s30;
	s0 =	sor.u32 $0x10, s7;
	v1 =	vadd.f32 v6, v1;
	v0 =	vadd.f32 v5, v0  }
0x1b6: {  	s12 =	sor.u32 s0, s8;
	s18 =	sor.u32 s0, s9;
	s9 =	sor.u32 s0, s10  }
0x1b7: {  	s10 =	sor.u32 s0, s1;
	s7 =	sor.u32 s0, s26;
	s11 =	sor.u32 s0, s11;
	v0 =	vadd.f32 v1, v0  }
0x1b8: {  	s1 =	sor.u32 s0, s30;
	s8 =	sor.u32 s0, s28  }
0x1b9: {  	[tilespmem:s2+$0x0] =	vst v0;
	s2 =	smov.u32 s4  }
0x1ba: {  	v0 =	vld [tilespmem:s25+$0x100]  }
0x1bb: {  	v1 =	vld [tilespmem:s25+$0x0]  }
0x1bc: {  	s26 =	sand.u32 $0x3, s6;
	v2 =	vld [tilespmem:s25+$0x180]  }
0x1bd: {  	s26 =	sshll.u32 s26, $0x5;
	v3 =	vld [tilespmem:s25+$0x80]  }
0x1be: {  	s26 =	sadd.s32 s26, s17;
	v4 =	vld [tilespmem:s25+$0x280]  }
0x1bf: {  	s28 =	sor.u32 $0x380, s26;
	v5 =	vld [tilespmem:s25+$0x200];
	s25 =	sadd.s32 $0x10, s26  }
0x1c0: {  	s26 =	sor.u32 $0x300, s26;
	v6 =	vld [tilespmem:s28+$0xD800]  }
0x1c1: {  	v7 =	vld [tilespmem:s26+$0xD800]  }
0x1c2: {  	v0 =	vadd.f32 v2, v0;
	v1 =	vadd.f32 v3, v1;
	v2 =	vld [tilespmem:s14+$0x0]  }
0x1c3: {  	v3 =	vld [tilespmem:s20+$0x0]  }
0x1c4: {  	v0 =	vadd.f32 v4, v0;
	v1 =	vadd.f32 v5, v1;
	v4 =	vld [tilespmem:s24+$0x0]  }
0x1c5: {  	v5 =	vld [tilespmem:s19+$0x0]  }
0x1c6: {  	v0 =	vadd.f32 v6, v0;
	v1 =	vadd.f32 v7, v1;
	v6 =	vld [tilespmem:s21+$0x0]  }
0x1c7: {  	v7 =	vld [tilespmem:s29+$0x0]  }
0x1c8: {  	v0 =	vadd.f32 v2, v0;
	v1 =	vadd.f32 v3, v1;
	v2 =	vld [tilespmem:s23+$0x0]  }
0x1c9: {  	v3 =	vld [tilespmem:s22+$0x0]  }
0x1ca: {  	v0 =	vadd.f32 v4, v0;
	v1 =	vadd.f32 v5, v1;
	_ =	sdelay $0x1  }
0x1cb: {  	v0 =	vadd.f32 v6, v0;
	v1 =	vadd.f32 v7, v1;
	_ =	sdelay $0x1  }
0x1cc: {  	v0 =	vadd.f32 v2, v0;
	v1 =	vadd.f32 v3, v1;
	_ =	sdelay $0x1  }
0x1cd: {  	v0 =	vadd.f32 v0, v1  }
0x1ce: {  	s14 =	sand.u32 $0x7E0, s5  }
0x1cf: {  	s0 =	sor.u32 s0, s13;
	[tilespmem:s14+$0x12D80] =	vst v0  }
0x1d0: {  	v3 =	vld [tilespmem:s0+$0x0]  }
0x1d1: {  	v4 =	vld [tilespmem:s0+$0x180]  }
0x1d2: {  	v5 =	vld [tilespmem:s0+$0x100]  }
0x1d3: {  	v7 =	vld [tilespmem:s0+$0x80]  }
.Ltmp6:
0x1d4: {  	v1 =	vld [tilespmem:s0+$0x280];
	(pc) =	sbr.rel @p3 .LBB2_20-.Ltmp6, $4  }
0x1d5: {  	v0 =	vld [tilespmem:s0+$0x200];
	s0 =	sor.u32 $0x380, s25  }
0x1d6: {  	s13 =	sor.u32 $0x300, s25;
	v2 =	vld [tilespmem:s0+$0xD800]  }
0x1d7: {  	v6 =	vadd.f32 v4, v5;
	v4 =	vld [tilespmem:s13+$0xD800]  }
0x1d8: {  	s4 =	sadd.s32 $0x20, s4;
	s5 =	sadd.s32 $0x20, s5;
	v5 =	vadd.f32 v7, v3;
	v3 =	vld [tilespmem:s18+$0x0]  }
0x1d9: {  	v7 =	vld [tilespmem:s12+$0x0]  }
0x1da: {  	v1 =	vadd.f32 v1, v6;
	v54 =	vld [tilespmem:s10+$0x0];
	v0 =	vadd.f32 v0, v5  }
0x1db: {  	v5 =	vld [tilespmem:s9+$0x0]  }
0x1dc: {  	v1 =	vadd.f32 v2, v1;
	v2 =	vld [tilespmem:s11+$0x0];
	v0 =	vadd.f32 v4, v0  }
0x1dd: {  	v4 =	vld [tilespmem:s7+$0x0]  }
0x1de: {  	v55 =	vld [tilespmem:s1+$0x0];
	v1 =	vadd.f32 v3, v1;
	v0 =	vadd.f32 v7, v0  }
0x1df: {  	v3 =	vld [tilespmem:s8+$0x0]  }
0x1e0: {  	v1 =	vadd.f32 v5, v1;
	v0 =	vadd.f32 v54, v0;
	_ =	sdelay $0x1  }
0x1e1: {  	v1 =	vadd.f32 v2, v1;
	v0 =	vadd.f32 v4, v0;
	_ =	sdelay $0x1  }
0x1e2: {  	v1 =	vadd.f32 v3, v1;
	v0 =	vadd.f32 v55, v0;
	_ =	sdelay $0x1  }
0x1e3: {  	v0 =	vadd.f32 v1, v0  }
0x1e4: {  	s0 =	sadd.s32 @!p2 $0x48F80, s16  }
0x1e5: {  	s1 =	simm.s32 @!p2 $0x2400;
	s3 =	simm.s32 @!p2 $0xD800;
	[tilespmem:s2+$0x0] =	vst v0;
	s2 =	simm.s32 @!p2 $0xC3800  }
0x1e6: {  	[tilespmem:s3], [sflag:$0x4] =	stream.strided.gather @!p2 [hbm4b:s0+s1], $0x4800, s2, s1, $0x38;
	[tilespmem:$0x13B00] =	vst v63  }
0x1e7: {  	s0 =	sadd.s32 @!p2 $0x18600, s15  }
0x1e8: {  	s28 =	simm.s32 $0xC3800;
	s29 =	simm.s32 $0x400;
	s0 =	simm.s32 @p2 $0x4DE400  }
0x1e9: {  	s30 =	simm.s32 $0x13280;
	s0 =	sadd.s32 s31, s0;
	s31 =	simm.s32 $0x5  }
0x1ea: {  	[tilespmem:s30], [sflag:$0x5] =	stream.strided.gather [hbm4b:s0+s29], $0x800, s28, s29, $0x38;
	[tilespmem:$0x13B00] =	vst v63  }
0x1eb: {  	_ =	swait.ge [sflag:s31], $0x800  }
0x1ec: {  	[sflag:s31] =	ssyncset.done $0x0  }
0x1ed: {  	s2 =	simm.s32 $0x13680;
	[sflag:s31] =	ssyncadd.s32 $0xFFFFF800  }
0x1ee: {  	v0 =	vld [tilespmem:s2+$0xFFFFFD00]  }
0x1ef: {  	v1 =	vld [tilespmem:s2+$0xFFFFFC80]  }
0x1f0: {  	v2 =	vld [tilespmem:s2+$0xFFFFFC00]  }
0x1f1: {  	v3 =	vld [tilespmem:s2+$0xFFFFFD80]  }
0x1f2: {  	v4 =	vld [tilespmem:s2+$0xFFFFFE00]  }
0x1f3: {  	v5 =	vld [tilespmem:s2+$0xFFFFFE80]  }
0x1f4: {  	v56 =	vld [tilespmem:s2+$0xFFFFFF00]  }
0x1f5: {  	v57 =	vld [tilespmem:s2+$0xFFFFFF80]  }
0x1f6: {  	v1 =	vadd.f32 v1, v2;
	v0 =	vadd.f32 v3, v0;
	v2 =	vld [tilespmem:s2+$0x0]  }
0x1f7: {  	v3 =	vld [tilespmem:s2+$0x80]  }
0x1f8: {  	v1 =	vadd.f32 v4, v1;
	v0 =	vadd.f32 v5, v0;
	v4 =	vld [tilespmem:s2+$0x100]  }
0x1f9: {  	v5 =	vld [tilespmem:s2+$0x180]  }
0x1fa: {  	v58 =	vld [tilespmem:s2+$0x200];
	v1 =	vadd.f32 v56, v1;
	v0 =	vadd.f32 v57, v0  }
0x1fb: {  	v59 =	vld [tilespmem:s2+$0x280]  }
0x1fc: {  	v1 =	vadd.f32 v2, v1;
	v0 =	vadd.f32 v3, v0;
	v2 =	vld [tilespmem:s2+$0x380]  }
0x1fd: {  	v3 =	vld [tilespmem:s2+$0x300]  }
0x1fe: {  	v1 =	vadd.f32 v4, v1;
	v0 =	vadd.f32 v5, v0;
	_ =	sdelay $0x1  }
0x1ff: {  	v1 =	vadd.f32 v58, v1;
	v0 =	vadd.f32 v59, v0;
	_ =	sdelay $0x1  }
0x200: {  	v1 =	vadd.f32 v3, v1;
	v0 =	vadd.f32 v2, v0;
	_ =	sdelay $0x1  }
0x201: {  	v0 =	vadd.f32 v0, v1  }
0x202: {  	s1 =	simm.s32 $0x13210  }
0x203: {  	[tilespmem:s1+$0xFFFFFFF0] =	vst v0  }
0x204: {  	v0 =	vld [tilespmem:s2+$0xFFFFFC10]  }
0x205: {  	v1 =	vld [tilespmem:s2+$0xFFFFFD90]  }
0x206: {  	v3 =	vld [tilespmem:s2+$0xFFFFFC90]  }
0x207: {  	v2 =	vld [tilespmem:s2+$0xFFFFFD10]  }
0x208: {  	v5 =	vld [tilespmem:s2+$0xFFFFFE10]  }
0x209: {  	v4 =	vld [tilespmem:s2+$0xFFFFFE90]  }
0x20a: {  	v61 =	vld [tilespmem:s2+$0xFFFFFF10]  }
0x20b: {  	v60 =	vld [tilespmem:s2+$0xFFFFFF90];
	v0 =	vadd.f32 v3, v0  }
0x20c: {  	v1 =	vadd.f32 v1, v2;
	v3 =	vld [tilespmem:s2+$0x10]  }
0x20d: {  	v2 =	vld [tilespmem:s2+$0x90];
	v0 =	vadd.f32 v5, v0  }
0x20e: {  	v1 =	vadd.f32 v4, v1;
	v5 =	vld [tilespmem:s2+$0x110]  }
0x20f: {  	v4 =	vld [tilespmem:s2+$0x190];
	v0 =	vadd.f32 v61, v0  }
0x210: {  	v1 =	vadd.f32 v60, v1  }
0x211: {  	v62 =	vld [tilespmem:s2+$0x290];
	v0 =	vadd.f32 v3, v0  }
0x212: {  	v63 =	vld [tilespmem:s2+$0x210];
	v1 =	vadd.f32 v2, v1  }
0x213: {  	v2 =	vadd.f32 v5, v0;
	v0 =	vld [tilespmem:s2+$0x390]  }
0x214: {  	v3 =	vadd.f32 v4, v1;
	v1 =	vld [tilespmem:s2+$0x310];
	_ =	sdelay $0x2  }
0x215: {  	s4 =	simm.s32 $0x0;
	s3 =	simm.s32 $0x13210;
	v2 =	vadd.f32 v63, v2;
	v3 =	vadd.f32 v62, v3  }
.LBB2_22:
0x216: {  	s4 =	sadd.s32 $0x2, s4;
	s1 =	sadd.s32 $0x20, s1;
	s2 =	sadd.s32 $0x20, s2  }
0x217: {  	p2 =	slt.u32 s4, $0x6;
	v1 =	vadd.f32 v1, v2;
	v0 =	vadd.f32 v0, v3;
	_ =	sdelay $0x1  }
0x218: {  	v0 =	vadd.f32 v0, v1;
	_ =	sdelay $0x1  }
0x219: {  	[tilespmem:s3+$0x0] =	vst v0;
	s3 =	smov.u32 s1  }
0x21a: {  	v0 =	vld [tilespmem:s2+$0xFFFFFD00]  }
0x21b: {  	v1 =	vld [tilespmem:s2+$0xFFFFFC80]  }
0x21c: {  	v2 =	vld [tilespmem:s2+$0xFFFFFC00]  }
0x21d: {  	v3 =	vld [tilespmem:s2+$0xFFFFFD80]  }
0x21e: {  	v4 =	vld [tilespmem:s2+$0xFFFFFE00]  }
0x21f: {  	v5 =	vld [tilespmem:s2+$0xFFFFFE80]  }
0x220: {  	v6 =	vld [tilespmem:s2+$0xFFFFFF00]  }
0x221: {  	v1 =	vadd.f32 v1, v2;
	v2 =	vld [tilespmem:s2+$0xFFFFFF80]  }
0x222: {  	v0 =	vadd.f32 v3, v0;
	v3 =	vld [tilespmem:s2+$0x0]  }
0x223: {  	v1 =	vadd.f32 v4, v1;
	v4 =	vld [tilespmem:s2+$0x80]  }
0x224: {  	v0 =	vadd.f32 v5, v0;
	v5 =	vld [tilespmem:s2+$0x100]  }
0x225: {  	v1 =	vadd.f32 v6, v1;
	v6 =	vld [tilespmem:s2+$0x180]  }
0x226: {  	v0 =	vadd.f32 v2, v0;
	v2 =	vld [tilespmem:s2+$0x200]  }
0x227: {  	v1 =	vadd.f32 v3, v1;
	v3 =	vld [tilespmem:s2+$0x280]  }
0x228: {  	v0 =	vadd.f32 v4, v0;
	v4 =	vld [tilespmem:s2+$0x380]  }
0x229: {  	v1 =	vadd.f32 v5, v1;
	v5 =	vld [tilespmem:s2+$0x300]  }
0x22a: {  	v0 =	vadd.f32 v6, v0  }
0x22b: {  	v1 =	vadd.f32 v2, v1  }
0x22c: {  	v0 =	vadd.f32 v3, v0;
	_ =	sdelay $0x1  }
0x22d: {  	v1 =	vadd.f32 v5, v1;
	v0 =	vadd.f32 v4, v0;
	_ =	sdelay $0x1  }
0x22e: {  	v0 =	vadd.f32 v0, v1;
	_ =	sdelay $0x1  }
0x22f: {  	[tilespmem:s1+$0xFFFFFFF0] =	vst v0  }
0x230: {  	v0 =	vld [tilespmem:s2+$0xFFFFFC10]  }
0x231: {  	v1 =	vld [tilespmem:s2+$0xFFFFFD90]  }
0x232: {  	v2 =	vld [tilespmem:s2+$0xFFFFFD10]  }
0x233: {  	v3 =	vld [tilespmem:s2+$0xFFFFFC90]  }
0x234: {  	v4 =	vld [tilespmem:s2+$0xFFFFFE90]  }
0x235: {  	v5 =	vld [tilespmem:s2+$0xFFFFFE10]  }
0x236: {  	v6 =	vld [tilespmem:s2+$0xFFFFFF90]  }
0x237: {  	v1 =	vadd.f32 v1, v2;
	v2 =	vld [tilespmem:s2+$0xFFFFFF10]  }
0x238: {  	v0 =	vadd.f32 v3, v0;
	v3 =	vld [tilespmem:s2+$0x90]  }
0x239: {  	v1 =	vadd.f32 v4, v1;
	v4 =	vld [tilespmem:s2+$0x10]  }
0x23a: {  	v0 =	vadd.f32 v5, v0;
	v5 =	vld [tilespmem:s2+$0x190]  }
0x23b: {  	v1 =	vadd.f32 v6, v1;
	v6 =	vld [tilespmem:s2+$0x110]  }
0x23c: {  	v0 =	vadd.f32 v2, v0;
	v7 =	vld [tilespmem:s2+$0x290]  }
0x23d: {  	v1 =	vadd.f32 v3, v1;
	v2 =	vld [tilespmem:s2+$0x210]  }
.Ltmp7:
0x23e: {  	v3 =	vadd.f32 v4, v0;
	v0 =	vld [tilespmem:s2+$0x390];
	(pc) =	sbr.rel @p2 .LBB2_22-.Ltmp7, $3  }
0x23f: {  	v4 =	vadd.f32 v5, v1;
	v1 =	vld [tilespmem:s2+$0x310]  }
0x240: {  	v3 =	vadd.f32 v6, v3;
	_ =	sdelay $0x1  }
0x241: {  	v2 =	vadd.f32 v2, v3;
	v3 =	vadd.f32 v7, v4  }
0x242: {  	s4 =	sld [smem:$0x7F2];
	_ =	sdelay $0x2  }
0x243: {  	v1 =	vadd.f32 v1, v2;
	v0 =	vadd.f32 v0, v3;
	s0 =	smul.u32 $0x186A0, s4;
	_ =	sdelay $0x1  }
0x244: {  	s1 =	rddreg [dreg:$0x18];
	v0 =	vadd.f32 v0, v1;
	s0 =	sshrl.u32 s0, $0x3  }
0x245: {  	s30 =	simm.s32 $0x0;
	s4 =	sadd.s32 $0x1, s4;
	s0 =	sadd.s32 s1, s0  }
0x246: {  	s2 =	simm.s32 $0x12000;
	p2 =	sne.s32 s4, $0x1A;
	[tilespmem:s3+$0x0] =	vst v0;
	s0 =	sadd.s32 $0x2E80, s0  }
0x247: {  	[hbm4b:s0+s30] =	stream.linear.scatter [tilespmem:s2], [sflag:$0x5], $0x1280, $0x38;
	[tilespmem:$0x13B00] =	vst v63  }
.Ltmp8:
0x248: {  	_ = 	snop;
	(pc) =	sbr.rel @p2 .LBB2_13-.Ltmp8, $4  }
.Ltmp9:
0x249: {  	s31 =	simm.s32 $0x5;
	(pc) =	sbr.rel @!p2 .LBB2_24-.Ltmp9, $4  }
0x24a: {  	_ =	swait.ge [sflag:s31], $0x1280  }
0x24b: {  	[sflag:s31] =	ssyncset.done $0x0  }
0x24c: {  	[smem:$0x7F2] =	sst s4;
	[sflag:s31] =	ssyncadd.s32 $0xFFFFED80  }
0x24d: {  	_ = 	snop  }
.LBB2_2:
0x24e: {  	s2 =	simm.s32 $0x0;
	s0 =	rddreg [dreg:$0x19]  }
0x24f: {  	[tilespmem:s2], [sflag:$0x1] =	stream.linear.gather [hbm4b:s0+s2], $0x1800, $0x38;
	[tilespmem:$0x13B00] =	vst v63  }
0x250: {  	s1 =	simm.s32 $0x2400;
	s0 =	sadd.s32 $0x18700, s0  }
0x251: {  	[tilespmem:s1], [sflag:$0x1] =	stream.linear.gather [hbm4b:s0+s2], $0x1800, $0x38;
	[tilespmem:$0x13B00] =	vst v63  }
0x252: {  	s21 =	rddreg [dreg:$0x1b];
	s22 =	simm.s32 $0x4800  }
0x253: {  	[tilespmem:s22], [sflag:$0x2] =	stream.linear.gather [hbm4b:s21+s2], $0x1800, $0x38;
	[tilespmem:$0x13B00] =	vst v63  }
0x254: {  	s23 =	simm.s32 $0x6C00;
	s0 =	sadd.s32 $0x18700, s21  }
0x255: {  	[tilespmem:s23], [sflag:$0x2] =	stream.linear.gather [hbm4b:s0+s2], $0x1800, $0x38;
	[tilespmem:$0x13B00] =	vst v63  }
0x256: {  	s24 =	rddreg [dreg:$0x1c];
	s25 =	simm.s32 $0x9000  }
0x257: {  	[tilespmem:s25], [sflag:$0x3] =	stream.linear.gather [hbm4b:s24+s2], $0x1800, $0x38;
	[tilespmem:$0x13B00] =	vst v63  }
0x258: {  	s26 =	simm.s32 $0xB400;
	s0 =	sadd.s32 $0x18700, s24  }
0x259: {  	[tilespmem:s26], [sflag:$0x3] =	stream.linear.gather [hbm4b:s0+s2], $0x1800, $0x38;
	[tilespmem:$0x13B00] =	vst v63  }
0x25a: {  	s28 =	rddreg [dreg:$0x1d];
	s29 =	simm.s32 $0xD800;
	s31 =	simm.s32 $0x0  }
0x25b: {  	[tilespmem:s29], [sflag:$0x4] =	stream.linear.gather [hbm4b:s28+s2], $0x1800, $0x38;
	[tilespmem:$0x13B00] =	vst v63  }
0x25c: {  	s30 =	simm.s32 $0xFC00;
	[smem:$0x7F3] =	sst s31;
	s0 =	sadd.s32 $0x18700, s28  }
0x25d: {  	[tilespmem:s30], [sflag:$0x4] =	stream.linear.gather [hbm4b:s0+s2], $0x1800, $0x38;
	[tilespmem:$0x13B00] =	vst v63  }
.LBB2_3:
0x25e: {  	s1 =	simm.s32 $0x1  }
0x25f: {  	s2 =	simm.s32 $0x0;
	_ =	swait.ge [sflag:s1], $0x3000  }
0x260: {  	s0 =	sand.u32 $0x60, s2;
	s2 =	sand.u32 $0x1C00, s2;
	[sflag:s1] =	ssyncset.done $0x0  }
0x261: {  	s21 =	sor.u32 s0, s2;
	[sflag:s1] =	ssyncadd.s32 $0xFFFFD000  }
0x262: {  	v0 =	vld [tilespmem:s21+$0x100]  }
0x263: {  	v1 =	vld [tilespmem:s21+$0x0]  }
0x264: {  	v2 =	vld [tilespmem:s21+$0x80]  }
0x265: {  	v3 =	vld [tilespmem:s21+$0x180]  }
0x266: {  	v4 =	vld [tilespmem:s21+$0x280]  }
0x267: {  	v5 =	vld [tilespmem:s21+$0x200]  }
0x268: {  	s3 =	sadd.s32 $0x2480, s2;
	v6 =	vld [tilespmem:s21+$0x380]  }
0x269: {  	s4 =	sadd.s32 $0x2400, s2;
	s5 =	sor.u32 s0, s3;
	v7 =	vld [tilespmem:s21+$0x300]  }
0x26a: {  	s6 =	sadd.s32 $0x2580, s2;
	s22 =	sor.u32 s0, s4;
	v1 =	vadd.f32 v2, v1;
	v0 =	vadd.f32 v3, v0;
	v2 =	vld [tilespmem:s5+$0x0]  }
0x26b: {  	s23 =	sadd.s32 $0x2500, s2;
	s7 =	sor.u32 s0, s6;
	v3 =	vld [tilespmem:s22+$0x0]  }
0x26c: {  	s25 =	sadd.s32 $0x2680, s2;
	s24 =	sor.u32 s0, s23;
	v52 =	vld [tilespmem:s7+$0x0];
	v1 =	vadd.f32 v5, v1;
	v0 =	vadd.f32 v4, v0  }
0x26d: {  	s8 =	sadd.s32 $0x2600, s2;
	s26 =	sor.u32 s0, s25;
	v53 =	vld [tilespmem:s24+$0x0]  }
0x26e: {  	s11 =	sadd.s32 $0x2780, s2;
	s9 =	sor.u32 s0, s8;
	v54 =	vld [tilespmem:s26+$0x0];
	v1 =	vadd.f32 v7, v1;
	v0 =	vadd.f32 v6, v0  }
0x26f: {  	s12 =	sadd.s32 $0x2700, s2;
	s28 =	sor.u32 s0, s11;
	v55 =	vld [tilespmem:s9+$0x0]  }
0x270: {  	s29 =	sor.u32 s0, s12;
	v1 =	vadd.f32 v3, v1;
	v0 =	vadd.f32 v2, v0;
	v2 =	vld [tilespmem:s28+$0x0]  }
0x271: {  	v3 =	vld [tilespmem:s29+$0x0]  }
0x272: {  	v1 =	vadd.f32 v53, v1;
	v0 =	vadd.f32 v52, v0;
	_ =	sdelay $0x1  }
0x273: {  	v1 =	vadd.f32 v55, v1;
	v0 =	vadd.f32 v54, v0;
	_ =	sdelay $0x1  }
0x274: {  	v1 =	vadd.f32 v3, v1;
	v0 =	vadd.f32 v2, v0;
	_ =	sdelay $0x1  }
0x275: {  	v0 =	vadd.f32 v0, v1  }
0x276: {  	s30 =	simm.s32 $0x12000;
	s1 =	sor.u32 $0x10, s0  }
0x277: {  	s0 =	sor.u32 s1, s2;
	[tilespmem:s30+$0x0] =	vst v0  }
0x278: {  	v0 =	vld [tilespmem:s0+$0x0]  }
0x279: {  	v1 =	vld [tilespmem:s0+$0x180]  }
0x27a: {  	v2 =	vld [tilespmem:s0+$0x100]  }
0x27b: {  	v3 =	vld [tilespmem:s0+$0x80]  }
0x27c: {  	v56 =	vld [tilespmem:s0+$0x280]  }
0x27d: {  	v57 =	vld [tilespmem:s0+$0x200]  }
0x27e: {  	v58 =	vld [tilespmem:s0+$0x380]  }
0x27f: {  	s10 =	sor.u32 s1, s3;
	v59 =	vld [tilespmem:s0+$0x300]  }
0x280: {  	s17 =	simm.s32 $0x12020;
	s13 =	sor.u32 s1, s4;
	s14 =	sor.u32 s1, s6;
	v1 =	vadd.f32 v1, v2;
	v0 =	vadd.f32 v3, v0;
	v2 =	vld [tilespmem:s10+$0x0]  }
0x281: {  	s15 =	sor.u32 s1, s23;
	s16 =	sor.u32 s1, s25;
	s24 =	simm.s32 $0x2;
	v3 =	vld [tilespmem:s13+$0x0]  }
0x282: {  	s18 =	sor.u32 s1, s8;
	s6 =	simm.s32 $0x100;
	s19 =	sor.u32 s1, s11;
	v60 =	vld [tilespmem:s14+$0x0];
	v1 =	vadd.f32 v56, v1;
	v0 =	vadd.f32 v57, v0  }
0x283: {  	s21 =	sor.u32 s1, s12;
	v61 =	vld [tilespmem:s15+$0x0];
	s15 =	sand.u32 $0x1C00, s6;
	s10 =	simm.s32 $0x20  }
0x284: {  	s4 =	simm.s32 $0x12040;
	v62 =	vld [tilespmem:s16+$0x0];
	s12 =	sadd.s32 $0x2400, s15;
	s20 =	sand.u32 $0x60, s10;
	v1 =	vadd.f32 v58, v1;
	v0 =	vadd.f32 v59, v0  }
0x285: {  	s5 =	simm.s32 $0x20;
	v63 =	vld [tilespmem:s18+$0x0];
	s13 =	sadd.s32 $0x2480, s15;
	s22 =	sor.u32 s20, s12  }
0x286: {  	s11 =	sadd.s32 $0x2600, s15;
	s23 =	sor.u32 s20, s13;
	[dreg:$0x4] =	wrdreg s22;
	v1 =	vadd.f32 v2, v1;
	v0 =	vadd.f32 v3, v0;
	v2 =	vld [tilespmem:s19+$0x0]  }
0x287: {  	s14 =	sadd.s32 $0x2780, s15;
	s28 =	sor.u32 s20, s11;
	[dreg:$0xc] =	wrdreg s23;
	v3 =	vld [tilespmem:s21+$0x0]  }
0x288: {  	s7 =	sadd.s32 $0x2700, s15;
	s29 =	sor.u32 s20, s14;
	[dreg:$0xa] =	wrdreg s28;
	v1 =	vadd.f32 v60, v1;
	v0 =	vadd.f32 v61, v0  }
0x289: {  	s30 =	sor.u32 s20, s7;
	s22 =	sadd.s32 $0x2580, s15;
	[dreg:$0x6] =	wrdreg s29  }
0x28a: {  	s23 =	sadd.s32 $0x2500, s15;
	[dreg:$0x7] =	wrdreg s30;
	s25 =	sor.u32 s20, s22;
	v1 =	vadd.f32 v62, v1;
	v0 =	vadd.f32 v63, v0  }
0x28b: {  	s0 =	simm.s32 $0x0;
	s26 =	sor.u32 s20, s23;
	[dreg:$0xd] =	wrdreg s25  }
0x28c: {  	s31 =	sor.u32 s20, s15;
	[dreg:$0xe] =	wrdreg s26;
	s19 =	smov.u32 s20;
	v0 =	vadd.f32 v3, v0;
	v1 =	vadd.f32 v2, v1  }
.LBB2_4:
0x28d: {  	_ = 	snop  }
0x28e: {  	s0 =	sand.u32 $0x380, s0;
	v0 =	vadd.f32 v1, v0  }
0x28f: {  	s0 =	sor.u32 s1, s0  }
0x290: {  	[tilespmem:s0+$0x12000] =	vst v0  }
0x291: {  	v0 =	vld [tilespmem:s31+$0x100]  }
0x292: {  	v1 =	vld [tilespmem:s31+$0x0]  }
0x293: {  	v2 =	vld [tilespmem:s31+$0x80]  }
0x294: {  	s10 =	sadd.s32 $0x20, s10;
	v3 =	vld [tilespmem:s31+$0x180]  }
0x295: {  	s6 =	sadd.s32 $0x100, s6;
	s8 =	smov.u32 s10;
	v4 =	vld [tilespmem:s31+$0x280]  }
0x296: {  	s26 =	sand.u32 $0x1C00, s6;
	[dreg:$0x14] =	wrdreg s8;
	s8 =	sand.u32 $0x60, s10;
	v5 =	vld [tilespmem:s31+$0x200]  }
0x297: {  	s29 =	sadd.s32 $0x2480, s26;
	s1 =	sor.u32 s8, s26;
	v6 =	vld [tilespmem:s31+$0x380]  }
0x298: {  	s9 =	sor.u32 s8, s29;
	v7 =	vld [tilespmem:s31+$0x300];
	s31 =	smov.u32 s1;
	s1 =	rddreg [dreg:$0xc]  }
0x299: {  	s28 =	sadd.s32 $0x2400, s26;
	v1 =	vadd.f32 v2, v1;
	v2 =	vld [tilespmem:s1+$0x0];
	s1 =	smov.u32 s9;
	s9 =	rddreg [dreg:$0x4]  }
0x29a: {  	s16 =	sor.u32 s8, s28;
	s0 =	sadd.s32 $0x2580, s26;
	[dreg:$0xc] =	wrdreg s1  }
0x29b: {  	s18 =	sor.u32 s8, s0;
	v0 =	vadd.f32 v3, v0;
	v3 =	vld [tilespmem:s9+$0x0];
	s9 =	smov.u32 s16;
	s16 =	rddreg [dreg:$0xd]  }
0x29c: {  	s30 =	sadd.s32 $0x2500, s26;
	[dreg:$0x4] =	wrdreg s9;
	s9 =	smov.u32 s18  }
0x29d: {  	s2 =	smov.u32 s5;
	s5 =	sor.u32 s8, s30;
	[dreg:$0xd] =	wrdreg s9  }
0x29e: {  	v1 =	vadd.f32 v5, v1;
	v0 =	vadd.f32 v4, v0;
	v52 =	vld [tilespmem:s16+$0x0];
	s16 =	sadd.s32 $0x2680, s15;
	s18 =	smov.u32 s5;
	s9 =	rddreg [dreg:$0xe]  }
0x29f: {  	s1 =	sor.u32 s19, s16;
	[dreg:$0xe] =	wrdreg s18;
	v53 =	vld [tilespmem:s9+$0x0]  }
0x2a0: {  	s25 =	sadd.s32 $0x2600, s26;
	s18 =	rddreg [dreg:$0xa];
	v1 =	vadd.f32 v7, v1;
	v0 =	vadd.f32 v6, v0;
	v54 =	vld [tilespmem:s1+$0x0]  }
0x2a1: {  	s20 =	sor.u32 s8, s25;
	v55 =	vld [tilespmem:s18+$0x0];
	s9 =	rddreg [dreg:$0x6]  }
0x2a2: {  	s5 =	smov.u32 s20;
	s20 =	rddreg [dreg:$0x7];
	v1 =	vadd.f32 v3, v1;
	v0 =	vadd.f32 v2, v0;
	v2 =	vld [tilespmem:s9+$0x0]  }
0x2a3: {  	v3 =	vld [tilespmem:s20+$0x0]  }
0x2a4: {  	v0 =	vadd.f32 v52, v0;
	v1 =	vadd.f32 v53, v1;
	_ =	sdelay $0x1  }
0x2a5: {  	v0 =	vadd.f32 v54, v0;
	v1 =	vadd.f32 v55, v1;
	_ =	sdelay $0x1  }
0x2a6: {  	v0 =	vadd.f32 v2, v0;
	v1 =	vadd.f32 v3, v1  }
0x2a7: {  	[dreg:$0x16] =	wrdreg s14;
	s3 =	smov.u32 s7;
	s14 =	smov.u32 s17  }
0x2a8: {  	[dreg:$0x12] =	wrdreg s2;
	s7 =	sadd.s32 $0x2780, s26;
	s17 =	sadd.s32 $0x2700, s26;
	v0 =	vadd.f32 v0, v1  }
0x2a9: {  	s21 =	sor.u32 s8, s7;
	s2 =	sor.u32 s8, s17;
	s1 =	sor.u32 $0x10, s19  }
0x2aa: {  	s18 =	smov.u32 s21;
	s21 =	smov.u32 s2;
	s2 =	sor.u32 s1, s15;
	[tilespmem:s14+$0x0] =	vst v0  }
0x2ab: {  	v0 =	vld [tilespmem:s2+$0x0]  }
0x2ac: {  	v1 =	vld [tilespmem:s2+$0x180]  }
0x2ad: {  	v2 =	vld [tilespmem:s2+$0x100]  }
0x2ae: {  	v3 =	vld [tilespmem:s2+$0x80]  }
0x2af: {  	v56 =	vld [tilespmem:s2+$0x280]  }
0x2b0: {  	v57 =	vld [tilespmem:s2+$0x200]  }
0x2b1: {  	v58 =	vld [tilespmem:s2+$0x380]  }
0x2b2: {  	[dreg:$0xa] =	wrdreg s5;
	s19 =	smov.u32 s8;
	s8 =	sor.u32 s1, s13;
	v1 =	vadd.f32 v1, v2;
	v2 =	vld [tilespmem:s2+$0x300]  }
0x2b3: {  	[dreg:$0x6] =	wrdreg s18;
	s5 =	sor.u32 s1, s12;
	v0 =	vadd.f32 v3, v0;
	v3 =	vld [tilespmem:s8+$0x0]  }
0x2b4: {  	[dreg:$0x7] =	wrdreg s21;
	s18 =	sor.u32 s1, s22;
	v59 =	vld [tilespmem:s5+$0x0];
	v1 =	vadd.f32 v56, v1  }
0x2b5: {  	s21 =	sor.u32 s1, s3;
	s9 =	sor.u32 s1, s23;
	s23 =	rddreg [dreg:$0x16];
	v60 =	vld [tilespmem:s18+$0x0];
	v0 =	vadd.f32 v57, v0  }
0x2b6: {  	s3 =	sor.u32 s1, s23;
	s23 =	smov.u32 s30;
	s30 =	sor.u32 s1, s16;
	v61 =	vld [tilespmem:s9+$0x0];
	v1 =	vadd.f32 v58, v1  }
0x2b7: {  	s20 =	sor.u32 s1, s11;
	v0 =	vadd.f32 v2, v0;
	v2 =	vld [tilespmem:s30+$0x0]  }
0x2b8: {  	v1 =	vadd.f32 v3, v1;
	v3 =	vld [tilespmem:s20+$0x0]  }
0x2b9: {  	s24 =	sadd.s32 $0x2, s24;
	v62 =	vld [tilespmem:s3+$0x0];
	v0 =	vadd.f32 v59, v0  }
0x2ba: {  	p2 =	slt.u32 s24, $0x2E;
	v63 =	vld [tilespmem:s21+$0x0]  }
.Ltmp10:
0x2bb: {  	v1 =	vadd.f32 v60, v1;
	v0 =	vadd.f32 v61, v0;
	(pc) =	sbr.rel @p2 .LBB2_4-.Ltmp10, $4  }
0x2bc: {  	s15 =	smov.u32 s26;
	s12 =	smov.u32 s28  }
0x2bd: {  	s13 =	smov.u32 s29;
	s22 =	smov.u32 s0;
	s0 =	rddreg [dreg:$0x12];
	v1 =	vadd.f32 v2, v1;
	v0 =	vadd.f32 v3, v0  }
0x2be: {  	s11 =	smov.u32 s25;
	s14 =	smov.u32 s7;
	s7 =	smov.u32 s17  }
0x2bf: {  	s17 =	smov.u32 s4;
	s4 =	sadd.s32 $0x20, s4;
	s5 =	rddreg [dreg:$0x14];
	v1 =	vadd.f32 v62, v1;
	v0 =	vadd.f32 v63, v0  }
0x2c0: {  	_ = 	snop  }
0x2c1: {  	s0 =	sand.u32 $0x380, s0;
	v0 =	vadd.f32 v1, v0  }
0x2c2: {  	s0 =	sor.u32 s1, s0  }
0x2c3: {  	[tilespmem:s0+$0x12000] =	vst v0  }
0x2c4: {  	v0 =	vld [tilespmem:s31+$0x100]  }
0x2c5: {  	v1 =	vld [tilespmem:s31+$0x0]  }
0x2c6: {  	v2 =	vld [tilespmem:s31+$0x80]  }
0x2c7: {  	v3 =	vld [tilespmem:s31+$0x180]  }
0x2c8: {  	v4 =	vld [tilespmem:s31+$0x280]  }
0x2c9: {  	v5 =	vld [tilespmem:s31+$0x200]  }
0x2ca: {  	v6 =	vld [tilespmem:s31+$0x380]  }
0x2cb: {  	s21 =	rddreg [dreg:$0xc];
	v7 =	vld [tilespmem:s31+$0x300]  }
0x2cc: {  	s24 =	rddreg [dreg:$0x4];
	v8 =	vld [tilespmem:s21+$0x0];
	v1 =	vadd.f32 v2, v1;
	v0 =	vadd.f32 v3, v0  }
0x2cd: {  	s25 =	rddreg [dreg:$0xd];
	v2 =	vld [tilespmem:s24+$0x0]  }
0x2ce: {  	s26 =	sadd.s32 $0x2680, s15;
	s28 =	rddreg [dreg:$0xe];
	v3 =	vld [tilespmem:s25+$0x0];
	v1 =	vadd.f32 v5, v1;
	v0 =	vadd.f32 v4, v0  }
0x2cf: {  	s29 =	sor.u32 s19, s26;
	v4 =	vld [tilespmem:s28+$0x0]  }
0x2d0: {  	s30 =	rddreg [dreg:$0xa];
	v5 =	vld [tilespmem:s29+$0x0];
	v1 =	vadd.f32 v7, v1;
	v0 =	vadd.f32 v6, v0  }
0x2d1: {  	s3 =	rddreg [dreg:$0x7];
	v6 =	vld [tilespmem:s30+$0x0]  }
0x2d2: {  	s2 =	rddreg [dreg:$0x6];
	v7 =	vld [tilespmem:s3+$0x0];
	v1 =	vadd.f32 v2, v1;
	v0 =	vadd.f32 v8, v0  }
0x2d3: {  	v2 =	vld [tilespmem:s2+$0x0]  }
0x2d4: {  	v1 =	vadd.f32 v4, v1;
	v0 =	vadd.f32 v3, v0;
	_ =	sdelay $0x1  }
0x2d5: {  	v1 =	vadd.f32 v6, v1;
	v0 =	vadd.f32 v5, v0;
	_ =	sdelay $0x1  }
0x2d6: {  	v1 =	vadd.f32 v7, v1;
	v0 =	vadd.f32 v2, v0;
	_ =	sdelay $0x1  }
0x2d7: {  	v0 =	vadd.f32 v0, v1  }
0x2d8: {  	s4 =	sor.u32 $0x10, s19  }
0x2d9: {  	s2 =	sor.u32 s4, s15;
	[tilespmem:s17+$0x0] =	vst v0  }
0x2da: {  	v0 =	vld [tilespmem:s2+$0x0]  }
0x2db: {  	v1 =	vld [tilespmem:s2+$0x180]  }
0x2dc: {  	v2 =	vld [tilespmem:s2+$0x100]  }
0x2dd: {  	v3 =	vld [tilespmem:s2+$0x80]  }
0x2de: {  	v4 =	vld [tilespmem:s2+$0x280]  }
0x2df: {  	v5 =	vld [tilespmem:s2+$0x200]  }
0x2e0: {  	v6 =	vld [tilespmem:s2+$0x380]  }
0x2e1: {  	s3 =	sor.u32 s4, s13;
	v7 =	vld [tilespmem:s2+$0x300]  }
0x2e2: {  	s6 =	sor.u32 s4, s12;
	v1 =	vadd.f32 v1, v2;
	v0 =	vadd.f32 v3, v0;
	v2 =	vld [tilespmem:s3+$0x0]  }
0x2e3: {  	s8 =	sor.u32 s4, s22;
	v3 =	vld [tilespmem:s6+$0x0]  }
0x2e4: {  	s9 =	sor.u32 s4, s23;
	v1 =	vadd.f32 v4, v1;
	v0 =	vadd.f32 v5, v0;
	v4 =	vld [tilespmem:s8+$0x0]  }
0x2e5: {  	s0 =	sor.u32 s4, s26;
	v5 =	vld [tilespmem:s9+$0x0]  }
0x2e6: {  	s10 =	sor.u32 s4, s11;
	v1 =	vadd.f32 v6, v1;
	v0 =	vadd.f32 v7, v0;
	v6 =	vld [tilespmem:s0+$0x0]  }
0x2e7: {  	s11 =	sor.u32 s4, s14;
	v7 =	vld [tilespmem:s10+$0x0]  }
0x2e8: {  	s12 =	sor.u32 s4, s7;
	v1 =	vadd.f32 v2, v1;
	v0 =	vadd.f32 v3, v0;
	v2 =	vld [tilespmem:s11+$0x0]  }
0x2e9: {  	v3 =	vld [tilespmem:s12+$0x0]  }
0x2ea: {  	s0 =	sld [smem:$0x7F3];
	v1 =	vadd.f32 v4, v1;
	v0 =	vadd.f32 v5, v0;
	_ =	sdelay $0x1  }
0x2eb: {  	v1 =	vadd.f32 v6, v1;
	v0 =	vadd.f32 v7, v0  }
0x2ec: {  	p2 =	seq.s32 s0, $0x19  }
0x2ed: {  	s15 =	smul.u32 @!p2 $0x187000, s0;
	v0 =	vadd.f32 v3, v0;
	v1 =	vadd.f32 v2, v1  }
0x2ee: {  	s2 =	rddreg [dreg:$0x1e]  }
0x2ef: {  	s13 =	sand.u32 $0x380, s5;
	s2 =	sadd.s32 @!p2 s15, s2;
	v0 =	vadd.f32 v1, v0  }
0x2f0: {  	s31 =	rddreg [dreg:$0x0];
	s0 =	sor.u32 s4, s13;
	s1 =	sshrl.u32 @!p2 s2, $0x3  }
0x2f1: {  	s16 =	simm.s32 $0x0;
	[tilespmem:s0+$0x12000] =	vst v0;
	s0 =	sadd.s32 @!p2 s31, s1;
	s1 =	simm.s32 @!p2 $0x0  }
0x2f2: {  	[tilespmem:s1], [sflag:$0x1] =	stream.linear.gather @!p2 [hbm4b:s0+s1], $0x1800, $0x38;
	[tilespmem:$0x13B00] =	vst v63  }
0x2f3: {  	s14 =	simm.s32 $0x2;
	s2 =	simm.s32 @!p2 $0x2400;
	s0 =	sadd.s32 @!p2 $0x18700, s0  }
0x2f4: {  	[tilespmem:s2], [sflag:$0x1] =	stream.linear.gather @!p2 [hbm4b:s0+s1], $0x1800, $0x38;
	[tilespmem:$0x13B00] =	vst v63  }
0x2f5: {  	s17 =	sand.u32 $0x1C00, s16;
	_ =	swait.ge [sflag:s14], $0x3000  }
0x2f6: {  	s18 =	sand.u32 $0x60, s16;
	s2 =	sadd.s32 $0x4800, s17;
	[sflag:s14] =	ssyncset.done $0x0  }
0x2f7: {  	s19 =	sor.u32 s18, s2;
	[sflag:s14] =	ssyncadd.s32 $0xFFFFD000  }
0x2f8: {  	v0 =	vld [tilespmem:s19+$0x180]  }
0x2f9: {  	v1 =	vld [tilespmem:s19+$0x0]  }
0x2fa: {  	v2 =	vld [tilespmem:s19+$0x100]  }
0x2fb: {  	s4 =	sand.u32 $0x3, s16;
	v3 =	vld [tilespmem:s19+$0x80]  }
0x2fc: {  	s20 =	sor.u32 s16, s16;
	s4 =	sshll.u32 s4, $0x5;
	v4 =	vld [tilespmem:s19+$0x280]  }
0x2fd: {  	s22 =	sor.u32 $0x380, s20;
	s21 =	sadd.s32 $0x0, s4;
	v5 =	vld [tilespmem:s19+$0x200]  }
0x2fe: {  	s23 =	sadd.s32 $0x6C80, s17;
	s6 =	sor.u32 $0x300, s21;
	v6 =	vld [tilespmem:s22+$0x4800]  }
0x2ff: {  	s24 =	sor.u32 s18, s23;
	s4 =	sadd.s32 $0x6C00, s17;
	v7 =	vld [tilespmem:s6+$0x4800]  }
0x300: {  	s8 =	sadd.s32 $0x6D80, s17;
	s25 =	sor.u32 s18, s4;
	v0 =	vadd.f32 v0, v2;
	v1 =	vadd.f32 v3, v1;
	v2 =	vld [tilespmem:s24+$0x0]  }
0x301: {  	s26 =	sadd.s32 $0x6D00, s17;
	s9 =	sor.u32 s18, s8;
	v3 =	vld [tilespmem:s25+$0x0]  }
0x302: {  	s28 =	sor.u32 s18, s26;
	s10 =	sadd.s32 $0x6E80, s17;
	v0 =	vadd.f32 v4, v0;
	v1 =	vadd.f32 v5, v1;
	v4 =	vld [tilespmem:s9+$0x0]  }
0x303: {  	s29 =	sor.u32 s18, s10;
	s9 =	sadd.s32 $0x6E00, s17;
	v5 =	vld [tilespmem:s28+$0x0]  }
0x304: {  	s30 =	sadd.s32 $0x6F00, s17;
	v62 =	vld [tilespmem:s29+$0x0];
	s12 =	sor.u32 s18, s9;
	v0 =	vadd.f32 v6, v0;
	v1 =	vadd.f32 v7, v1  }
0x305: {  	s13 =	sor.u32 s18, s30;
	s0 =	sadd.s32 $0x6F80, s17;
	v6 =	vld [tilespmem:s12+$0x0]  }
0x306: {  	s14 =	sor.u32 s18, s0;
	v7 =	vld [tilespmem:s13+$0x0];
	v0 =	vadd.f32 v2, v0;
	v1 =	vadd.f32 v3, v1  }
0x307: {  	v2 =	vld [tilespmem:s14+$0x0]  }
0x308: {  	v0 =	vadd.f32 v4, v0;
	v1 =	vadd.f32 v5, v1;
	_ =	sdelay $0x1  }
0x309: {  	v0 =	vadd.f32 v62, v0;
	v1 =	vadd.f32 v6, v1;
	_ =	sdelay $0x1  }
0x30a: {  	v1 =	vadd.f32 v7, v1;
	v0 =	vadd.f32 v2, v0;
	_ =	sdelay $0x1  }
0x30b: {  	v0 =	vadd.f32 v0, v1  }
0x30c: {  	s17 =	sor.u32 $0x10, s18;
	s18 =	sand.u32 $0x3E0, s16  }
0x30d: {  	s19 =	sor.u32 s17, s2;
	[tilespmem:s18+$0x12300] =	vst v0  }
0x30e: {  	v0 =	vld [tilespmem:s19+$0x0]  }
0x30f: {  	v1 =	vld [tilespmem:s19+$0x180]  }
0x310: {  	v2 =	vld [tilespmem:s19+$0x80]  }
0x311: {  	v3 =	vld [tilespmem:s19+$0x100]  }
0x312: {  	s20 =	sadd.s32 $0x10, s21;
	v4 =	vld [tilespmem:s19+$0x200]  }
0x313: {  	s21 =	sor.u32 $0x300, s20;
	v5 =	vld [tilespmem:s19+$0x280]  }
0x314: {  	s22 =	sor.u32 $0x380, s20;
	v6 =	vld [tilespmem:s21+$0x4800]  }
0x315: {  	s24 =	sor.u32 s17, s4;
	v7 =	vld [tilespmem:s22+$0x4800];
	v0 =	vadd.f32 v2, v0  }
0x316: {  	s23 =	sor.u32 s17, s23;
	v1 =	vadd.f32 v1, v3;
	v3 =	vld [tilespmem:s24+$0x0]  }
0x317: {  	s26 =	sor.u32 s17, s26;
	v63 =	vld [tilespmem:s23+$0x0];
	v0 =	vadd.f32 v4, v0  }
0x318: {  	s25 =	sor.u32 s17, s8;
	v1 =	vadd.f32 v5, v1;
	v4 =	vld [tilespmem:s26+$0x0]  }
0x319: {  	s29 =	sor.u32 s17, s9;
	v9 =	vld [tilespmem:s25+$0x0];
	v5 =	vadd.f32 v6, v0  }
0x31a: {  	s28 =	sor.u32 s17, s10;
	v2 =	vld [tilespmem:s29+$0x0];
	v1 =	vadd.f32 v7, v1  }
0x31b: {  	s30 =	sor.u32 s17, s30;
	v0 =	vld [tilespmem:s28+$0x0];
	v5 =	vadd.f32 v3, v5  }
0x31c: {  	s0 =	sor.u32 s17, s0;
	v6 =	vadd.f32 v63, v1;
	v3 =	vld [tilespmem:s30+$0x0]  }
0x31d: {  	s5 =	simm.s32 $0x0;
	s3 =	simm.s32 $0x20;
	v1 =	vld [tilespmem:s0+$0x0];
	v5 =	vadd.f32 v4, v5  }
0x31e: {  	s1 =	simm.s32 $0x12310;
	s2 =	simm.s32 $0x0;
	s4 =	simm.s32 $0x12330;
	v4 =	vadd.f32 v9, v6  }
.LBB2_6:
0x31f: {  	s2 =	sadd.s32 $0x2, s2;
	v2 =	vadd.f32 v2, v5;
	s16 =	sadd.s32 $0x100, s16;
	s5 =	sadd.s32 $0x1, s5  }
0x320: {  	p3 =	slt.u32 s2, $0x2E;
	v0 =	vadd.f32 v0, v4  }
0x321: {  	v2 =	vadd.f32 v3, v2  }
0x322: {  	v0 =	vadd.f32 v1, v0;
	_ =	sdelay $0x1  }
0x323: {  	s0 =	sand.u32 $0x1C00, s16;
	v0 =	vadd.f32 v0, v2  }
0x324: {  	s7 =	sand.u32 $0x60, s3;
	s6 =	sadd.s32 $0x4800, s0;
	s8 =	sadd.s32 $0x6C80, s0  }
0x325: {  	s10 =	sadd.s32 $0x6C00, s0;
	s9 =	sor.u32 s7, s6;
	s12 =	sor.u32 s7, s8;
	[tilespmem:s1+$0x0] =	vst v0  }
0x326: {  	s17 =	sadd.s32 $0x6D00, s0;
	s18 =	sadd.s32 $0x6D80, s0;
	s1 =	sor.u32 s7, s10;
	v0 =	vld [tilespmem:s9+$0x180]  }
0x327: {  	s21 =	sadd.s32 $0x6E80, s0;
	s19 =	sor.u32 s7, s17;
	s20 =	sor.u32 s7, s18;
	v1 =	vld [tilespmem:s9+$0x0]  }
0x328: {  	s22 =	sadd.s32 $0x6E00, s0;
	s24 =	sadd.s32 $0x6F00, s0;
	s23 =	sor.u32 s7, s21;
	v2 =	vld [tilespmem:s9+$0x100]  }
0x329: {  	s11 =	sand.u32 $0x3, s5;
	s26 =	sadd.s32 $0x6F80, s0;
	s25 =	sor.u32 s7, s22;
	v3 =	vld [tilespmem:s9+$0x80]  }
0x32a: {  	s0 =	sshll.u32 s11, $0x5;
	s11 =	sor.u32 s16, s3;
	s28 =	sor.u32 s7, s24;
	v4 =	vld [tilespmem:s9+$0x280]  }
0x32b: {  	s0 =	sadd.s32 s0, s16;
	s29 =	sor.u32 s7, s26;
	v5 =	vld [tilespmem:s9+$0x200];
	s9 =	sor.u32 $0x380, s11  }
0x32c: {  	s30 =	sor.u32 $0x10, s7;
	s13 =	sadd.s32 $0x10, s0;
	s11 =	sor.u32 $0x300, s0;
	v6 =	vld [tilespmem:s9+$0x4800]  }
0x32d: {  	s14 =	sor.u32 s30, s8;
	s9 =	sor.u32 s30, s18;
	v0 =	vadd.f32 v0, v2;
	v2 =	vld [tilespmem:s11+$0x4800];
	s11 =	sor.u32 s30, s10  }
0x32e: {  	s7 =	sor.u32 s30, s22;
	s10 =	sor.u32 s30, s21;
	v1 =	vadd.f32 v3, v1;
	v3 =	vld [tilespmem:s12+$0x0];
	s12 =	sor.u32 s30, s17  }
0x32f: {  	s8 =	sor.u32 s30, s26;
	s0 =	sor.u32 s30, s24;
	v0 =	vadd.f32 v4, v0;
	v4 =	vld [tilespmem:s1+$0x0];
	s1 =	smov.u32 s4  }
0x330: {  	v1 =	vadd.f32 v5, v1;
	v5 =	vld [tilespmem:s20+$0x0]  }
0x331: {  	v0 =	vadd.f32 v6, v0;
	v6 =	vld [tilespmem:s19+$0x0]  }
0x332: {  	v1 =	vadd.f32 v2, v1;
	v2 =	vld [tilespmem:s23+$0x0]  }
0x333: {  	v0 =	vadd.f32 v3, v0;
	v3 =	vld [tilespmem:s25+$0x0]  }
0x334: {  	v1 =	vadd.f32 v4, v1;
	v4 =	vld [tilespmem:s28+$0x0]  }
0x335: {  	v0 =	vadd.f32 v5, v0;
	v5 =	vld [tilespmem:s29+$0x0]  }
0x336: {  	v1 =	vadd.f32 v6, v1  }
0x337: {  	v0 =	vadd.f32 v2, v0  }
0x338: {  	v1 =	vadd.f32 v3, v1;
	_ =	sdelay $0x1  }
0x339: {  	v1 =	vadd.f32 v4, v1;
	v0 =	vadd.f32 v5, v0;
	_ =	sdelay $0x1  }
0x33a: {  	v0 =	vadd.f32 v0, v1  }
0x33b: {  	s17 =	sand.u32 $0x3E0, s3  }
0x33c: {  	s6 =	sor.u32 s30, s6;
	[tilespmem:s17+$0x12300] =	vst v0  }
0x33d: {  	v0 =	vld [tilespmem:s6+$0x200]  }
0x33e: {  	v1 =	vld [tilespmem:s6+$0x0]  }
0x33f: {  	v2 =	vld [tilespmem:s6+$0x180]  }
0x340: {  	v3 =	vld [tilespmem:s6+$0x80]  }
0x341: {  	v4 =	vld [tilespmem:s6+$0x100]  }
0x342: {  	v5 =	vld [tilespmem:s6+$0x280];
	s6 =	sor.u32 $0x300, s13  }
0x343: {  	v6 =	vld [tilespmem:s6+$0x4800]  }
0x344: {  	s6 =	sor.u32 $0x380, s13;
	v7 =	vld [tilespmem:s14+$0x0]  }
0x345: {  	v1 =	vadd.f32 v3, v1;
	v3 =	vld [tilespmem:s6+$0x4800]  }
0x346: {  	v2 =	vadd.f32 v2, v4;
	v4 =	vld [tilespmem:s11+$0x0]  }
0x347: {  	v0 =	vadd.f32 v0, v1;
	v8 =	vld [tilespmem:s9+$0x0]  }
0x348: {  	v1 =	vadd.f32 v5, v2;
	v5 =	vld [tilespmem:s12+$0x0]  }
0x349: {  	v6 =	vadd.f32 v6, v0;
	v0 =	vld [tilespmem:s10+$0x0]  }
.Ltmp11:
0x34a: {  	v3 =	vadd.f32 v3, v1;
	v2 =	vld [tilespmem:s7+$0x0];
	(pc) =	sbr.rel @p3 .LBB2_6-.Ltmp11, $4  }
0x34b: {  	v4 =	vadd.f32 v4, v6;
	v1 =	vld [tilespmem:s8+$0x0]  }
0x34c: {  	v6 =	vadd.f32 v7, v3;
	v3 =	vld [tilespmem:s0+$0x0]  }
0x34d: {  	v5 =	vadd.f32 v5, v4  }
0x34e: {  	s3 =	sadd.s32 $0x20, s3;
	s4 =	sadd.s32 $0x20, s4;
	v4 =	vadd.f32 v8, v6  }
0x34f: {  	_ = 	snop  }
0x350: {  	v2 =	vadd.f32 v2, v5;
	v0 =	vadd.f32 v0, v4;
	_ =	sdelay $0x1  }
0x351: {  	v2 =	vadd.f32 v3, v2;
	v0 =	vadd.f32 v1, v0  }
0x352: {  	s0 =	rddreg [dreg:$0x1f]  }
0x353: {  	s0 =	sadd.s32 @!p2 s15, s0;
	v0 =	vadd.f32 v0, v2  }
0x354: {  	s2 =	simm.s32 @!p2 $0x4800;
	s0 =	sshrl.u32 @!p2 s0, $0x3  }
0x355: {  	s16 =	simm.s32 $0x0;
	s0 =	sadd.s32 @!p2 s31, s0;
	[tilespmem:s1+$0x0] =	vst v0;
	s1 =	simm.s32 @!p2 $0x0  }
0x356: {  	[tilespmem:s2], [sflag:$0x2] =	stream.linear.gather @!p2 [hbm4b:s0+s1], $0x1800, $0x38;
	[tilespmem:$0x13B00] =	vst v63  }
0x357: {  	s3 =	simm.s32 $0x3;
	s0 =	sadd.s32 @!p2 $0x18700, s0;
	s2 =	simm.s32 @!p2 $0x6C00  }
0x358: {  	[tilespmem:s2], [sflag:$0x2] =	stream.linear.gather @!p2 [hbm4b:s0+s1], $0x1800, $0x38;
	[tilespmem:$0x13B00] =	vst v63  }
0x359: {  	s17 =	sand.u32 $0x1C00, s16;
	_ =	swait.ge [sflag:s3], $0x3000  }
0x35a: {  	s18 =	sand.u32 $0x60, s16;
	s19 =	sadd.s32 $0x9000, s17;
	[sflag:s3] =	ssyncset.done $0x0  }
0x35b: {  	s20 =	sor.u32 s18, s19;
	[sflag:s3] =	ssyncadd.s32 $0xFFFFD000  }
0x35c: {  	v0 =	vld [tilespmem:s20+$0x180]  }
0x35d: {  	v1 =	vld [tilespmem:s20+$0x0]  }
0x35e: {  	v2 =	vld [tilespmem:s20+$0x100]  }
0x35f: {  	s4 =	sand.u32 $0x3, s16;
	v3 =	vld [tilespmem:s20+$0x80]  }
0x360: {  	s5 =	sor.u32 s16, s16;
	s4 =	sshll.u32 s4, $0x5;
	v4 =	vld [tilespmem:s20+$0x280]  }
0x361: {  	s22 =	sor.u32 $0x380, s5;
	s21 =	sadd.s32 $0x0, s4;
	v5 =	vld [tilespmem:s20+$0x200]  }
0x362: {  	s23 =	sadd.s32 $0xB480, s17;
	s6 =	sor.u32 $0x300, s21;
	v6 =	vld [tilespmem:s22+$0x9000]  }
0x363: {  	s24 =	sadd.s32 $0xB400, s17;
	s7 =	sor.u32 s18, s23;
	v7 =	vld [tilespmem:s6+$0x9000]  }
0x364: {  	s8 =	sadd.s32 $0xB580, s17;
	s25 =	sor.u32 s18, s24;
	v0 =	vadd.f32 v0, v2;
	v1 =	vadd.f32 v3, v1;
	v2 =	vld [tilespmem:s7+$0x0]  }
0x365: {  	s26 =	sadd.s32 $0xB500, s17;
	s9 =	sor.u32 s18, s8;
	v3 =	vld [tilespmem:s25+$0x0]  }
0x366: {  	s10 =	sadd.s32 $0xB680, s17;
	s28 =	sor.u32 s18, s26;
	v0 =	vadd.f32 v4, v0;
	v1 =	vadd.f32 v5, v1;
	v4 =	vld [tilespmem:s9+$0x0]  }
0x367: {  	s29 =	sadd.s32 $0xB600, s17;
	s11 =	sor.u32 s18, s10;
	v5 =	vld [tilespmem:s28+$0x0]  }
0x368: {  	s30 =	sadd.s32 $0xB700, s17;
	s12 =	sor.u32 s18, s29;
	v8 =	vld [tilespmem:s11+$0x0];
	v0 =	vadd.f32 v6, v0;
	v1 =	vadd.f32 v7, v1  }
0x369: {  	s13 =	sor.u32 s18, s30;
	s0 =	sadd.s32 $0xB780, s17;
	v6 =	vld [tilespmem:s12+$0x0]  }
0x36a: {  	s14 =	sor.u32 s18, s0;
	v7 =	vld [tilespmem:s13+$0x0];
	v0 =	vadd.f32 v2, v0;
	v1 =	vadd.f32 v3, v1  }
0x36b: {  	v2 =	vld [tilespmem:s14+$0x0]  }
0x36c: {  	v0 =	vadd.f32 v4, v0;
	v1 =	vadd.f32 v5, v1;
	_ =	sdelay $0x1  }
0x36d: {  	v0 =	vadd.f32 v8, v0;
	v1 =	vadd.f32 v6, v1;
	_ =	sdelay $0x1  }
0x36e: {  	v1 =	vadd.f32 v7, v1;
	v0 =	vadd.f32 v2, v0;
	_ =	sdelay $0x1  }
0x36f: {  	v0 =	vadd.f32 v0, v1  }
0x370: {  	s17 =	sor.u32 $0x10, s18;
	s18 =	sand.u32 $0x3E0, s16  }
0x371: {  	s19 =	sor.u32 s17, s19;
	[tilespmem:s18+$0x12600] =	vst v0  }
0x372: {  	v0 =	vld [tilespmem:s19+$0x0]  }
0x373: {  	v1 =	vld [tilespmem:s19+$0x180]  }
0x374: {  	v2 =	vld [tilespmem:s19+$0x80]  }
0x375: {  	v3 =	vld [tilespmem:s19+$0x100]  }
0x376: {  	s20 =	sadd.s32 $0x10, s21;
	v4 =	vld [tilespmem:s19+$0x200]  }
0x377: {  	s21 =	sor.u32 $0x300, s20;
	v5 =	vld [tilespmem:s19+$0x280]  }
0x378: {  	s22 =	sor.u32 $0x380, s20;
	v6 =	vld [tilespmem:s21+$0x9000]  }
0x379: {  	s24 =	sor.u32 s17, s24;
	v7 =	vld [tilespmem:s22+$0x9000];
	v0 =	vadd.f32 v2, v0  }
0x37a: {  	s23 =	sor.u32 s17, s23;
	v1 =	vadd.f32 v1, v3;
	v3 =	vld [tilespmem:s24+$0x0]  }
0x37b: {  	s26 =	sor.u32 s17, s26;
	v63 =	vld [tilespmem:s23+$0x0];
	v0 =	vadd.f32 v4, v0  }
0x37c: {  	s25 =	sor.u32 s17, s8;
	v1 =	vadd.f32 v5, v1;
	v4 =	vld [tilespmem:s26+$0x0]  }
0x37d: {  	s29 =	sor.u32 s17, s29;
	v9 =	vld [tilespmem:s25+$0x0];
	v5 =	vadd.f32 v6, v0  }
0x37e: {  	s28 =	sor.u32 s17, s10;
	v2 =	vld [tilespmem:s29+$0x0];
	v1 =	vadd.f32 v7, v1  }
0x37f: {  	s30 =	sor.u32 s17, s30;
	v0 =	vld [tilespmem:s28+$0x0];
	v5 =	vadd.f32 v3, v5  }
0x380: {  	s0 =	sor.u32 s17, s0;
	v6 =	vadd.f32 v63, v1;
	v3 =	vld [tilespmem:s30+$0x0]  }
0x381: {  	s5 =	simm.s32 $0x0;
	s4 =	simm.s32 $0x12630;
	v1 =	vld [tilespmem:s0+$0x0];
	v5 =	vadd.f32 v4, v5  }
0x382: {  	s1 =	simm.s32 $0x12610;
	s2 =	simm.s32 $0x0;
	s3 =	simm.s32 $0x20;
	v4 =	vadd.f32 v9, v6  }
.LBB2_8:
0x383: {  	s2 =	sadd.s32 $0x2, s2;
	v2 =	vadd.f32 v2, v5;
	s16 =	sadd.s32 $0x100, s16;
	s5 =	sadd.s32 $0x1, s5  }
0x384: {  	p3 =	slt.u32 s2, $0x2E;
	v0 =	vadd.f32 v0, v4  }
0x385: {  	v2 =	vadd.f32 v3, v2  }
0x386: {  	v0 =	vadd.f32 v1, v0;
	_ =	sdelay $0x1  }
0x387: {  	s0 =	sand.u32 $0x1C00, s16;
	v0 =	vadd.f32 v0, v2  }
0x388: {  	s7 =	sand.u32 $0x60, s3;
	s6 =	sadd.s32 $0x9000, s0;
	s8 =	sadd.s32 $0xB480, s0  }
0x389: {  	s10 =	sadd.s32 $0xB400, s0;
	s9 =	sor.u32 s7, s6;
	s12 =	sor.u32 s7, s8;
	[tilespmem:s1+$0x0] =	vst v0  }
0x38a: {  	s17 =	sadd.s32 $0xB500, s0;
	s18 =	sadd.s32 $0xB580, s0;
	s1 =	sor.u32 s7, s10;
	v0 =	vld [tilespmem:s9+$0x180]  }
0x38b: {  	s21 =	sadd.s32 $0xB680, s0;
	s19 =	sor.u32 s7, s17;
	s20 =	sor.u32 s7, s18;
	v1 =	vld [tilespmem:s9+$0x0]  }
0x38c: {  	s22 =	sadd.s32 $0xB600, s0;
	s24 =	sadd.s32 $0xB700, s0;
	s23 =	sor.u32 s7, s21;
	v2 =	vld [tilespmem:s9+$0x100]  }
0x38d: {  	s11 =	sand.u32 $0x3, s5;
	s26 =	sadd.s32 $0xB780, s0;
	s25 =	sor.u32 s7, s22;
	v3 =	vld [tilespmem:s9+$0x80]  }
0x38e: {  	s0 =	sshll.u32 s11, $0x5;
	s11 =	sor.u32 s16, s3;
	s28 =	sor.u32 s7, s24;
	v4 =	vld [tilespmem:s9+$0x280]  }
0x38f: {  	s0 =	sadd.s32 s0, s16;
	s29 =	sor.u32 s7, s26;
	v5 =	vld [tilespmem:s9+$0x200];
	s9 =	sor.u32 $0x380, s11  }
0x390: {  	s30 =	sor.u32 $0x10, s7;
	s13 =	sadd.s32 $0x10, s0;
	s11 =	sor.u32 $0x300, s0;
	v6 =	vld [tilespmem:s9+$0x9000]  }
0x391: {  	s14 =	sor.u32 s30, s8;
	s9 =	sor.u32 s30, s18;
	v0 =	vadd.f32 v0, v2;
	v2 =	vld [tilespmem:s11+$0x9000];
	s11 =	sor.u32 s30, s10  }
0x392: {  	s7 =	sor.u32 s30, s22;
	s10 =	sor.u32 s30, s21;
	v1 =	vadd.f32 v3, v1;
	v3 =	vld [tilespmem:s12+$0x0];
	s12 =	sor.u32 s30, s17  }
0x393: {  	s8 =	sor.u32 s30, s26;
	s0 =	sor.u32 s30, s24;
	v0 =	vadd.f32 v4, v0;
	v4 =	vld [tilespmem:s1+$0x0];
	s1 =	smov.u32 s4  }
0x394: {  	v1 =	vadd.f32 v5, v1;
	v5 =	vld [tilespmem:s20+$0x0]  }
0x395: {  	v0 =	vadd.f32 v6, v0;
	v6 =	vld [tilespmem:s19+$0x0]  }
0x396: {  	v1 =	vadd.f32 v2, v1;
	v2 =	vld [tilespmem:s23+$0x0]  }
0x397: {  	v0 =	vadd.f32 v3, v0;
	v3 =	vld [tilespmem:s25+$0x0]  }
0x398: {  	v1 =	vadd.f32 v4, v1;
	v4 =	vld [tilespmem:s28+$0x0]  }
0x399: {  	v0 =	vadd.f32 v5, v0;
	v5 =	vld [tilespmem:s29+$0x0]  }
0x39a: {  	v1 =	vadd.f32 v6, v1  }
0x39b: {  	v0 =	vadd.f32 v2, v0  }
0x39c: {  	v1 =	vadd.f32 v3, v1;
	_ =	sdelay $0x1  }
0x39d: {  	v1 =	vadd.f32 v4, v1;
	v0 =	vadd.f32 v5, v0;
	_ =	sdelay $0x1  }
0x39e: {  	v0 =	vadd.f32 v0, v1  }
0x39f: {  	s17 =	sand.u32 $0x3E0, s3  }
0x3a0: {  	s6 =	sor.u32 s30, s6;
	[tilespmem:s17+$0x12600] =	vst v0  }
0x3a1: {  	v0 =	vld [tilespmem:s6+$0x200]  }
0x3a2: {  	v1 =	vld [tilespmem:s6+$0x0]  }
0x3a3: {  	v2 =	vld [tilespmem:s6+$0x180]  }
0x3a4: {  	v3 =	vld [tilespmem:s6+$0x80]  }
0x3a5: {  	v4 =	vld [tilespmem:s6+$0x100]  }
0x3a6: {  	v5 =	vld [tilespmem:s6+$0x280];
	s6 =	sor.u32 $0x300, s13  }
0x3a7: {  	v6 =	vld [tilespmem:s6+$0x9000]  }
0x3a8: {  	s6 =	sor.u32 $0x380, s13;
	v7 =	vld [tilespmem:s14+$0x0]  }
0x3a9: {  	v1 =	vadd.f32 v3, v1;
	v3 =	vld [tilespmem:s6+$0x9000]  }
0x3aa: {  	v2 =	vadd.f32 v2, v4;
	v4 =	vld [tilespmem:s11+$0x0]  }
0x3ab: {  	v0 =	vadd.f32 v0, v1;
	v8 =	vld [tilespmem:s9+$0x0]  }
0x3ac: {  	v1 =	vadd.f32 v5, v2;
	v5 =	vld [tilespmem:s12+$0x0]  }
0x3ad: {  	v6 =	vadd.f32 v6, v0;
	v0 =	vld [tilespmem:s10+$0x0]  }
.Ltmp12:
0x3ae: {  	v3 =	vadd.f32 v3, v1;
	v2 =	vld [tilespmem:s7+$0x0];
	(pc) =	sbr.rel @p3 .LBB2_8-.Ltmp12, $4  }
0x3af: {  	v4 =	vadd.f32 v4, v6;
	v1 =	vld [tilespmem:s8+$0x0]  }
0x3b0: {  	v6 =	vadd.f32 v7, v3;
	v3 =	vld [tilespmem:s0+$0x0]  }
0x3b1: {  	v5 =	vadd.f32 v5, v4  }
0x3b2: {  	s3 =	sadd.s32 $0x20, s3;
	s4 =	sadd.s32 $0x20, s4;
	v4 =	vadd.f32 v8, v6  }
0x3b3: {  	_ = 	snop  }
0x3b4: {  	v2 =	vadd.f32 v2, v5;
	v0 =	vadd.f32 v0, v4  }
0x3b5: {  	s0 =	sld [smem:$0x7F5]  }
0x3b6: {  	v2 =	vadd.f32 v3, v2;
	v0 =	vadd.f32 v1, v0;
	_ =	sdelay $0x1  }
0x3b7: {  	s0 =	sadd.s32 @!p2 s15, s0;
	v0 =	vadd.f32 v0, v2  }
0x3b8: {  	s2 =	simm.s32 @!p2 $0x9000;
	s0 =	sshrl.u32 @!p2 s0, $0x3  }
0x3b9: {  	s16 =	simm.s32 $0x0;
	s0 =	sadd.s32 @!p2 s31, s0;
	[tilespmem:s1+$0x0] =	vst v0;
	s1 =	simm.s32 @!p2 $0x0  }
0x3ba: {  	[tilespmem:s2], [sflag:$0x3] =	stream.linear.gather @!p2 [hbm4b:s0+s1], $0x1800, $0x38;
	[tilespmem:$0x13B00] =	vst v63  }
0x3bb: {  	s3 =	simm.s32 $0x4;
	s0 =	sadd.s32 @!p2 $0x18700, s0;
	s2 =	simm.s32 @!p2 $0xB400  }
0x3bc: {  	[tilespmem:s2], [sflag:$0x3] =	stream.linear.gather @!p2 [hbm4b:s0+s1], $0x1800, $0x38;
	[tilespmem:$0x13B00] =	vst v63  }
0x3bd: {  	s17 =	sand.u32 $0x1C00, s16;
	_ =	swait.ge [sflag:s3], $0x3000  }
0x3be: {  	s18 =	sand.u32 $0x60, s16;
	s19 =	sadd.s32 $0xD800, s17;
	[sflag:s3] =	ssyncset.done $0x0  }
0x3bf: {  	s20 =	sor.u32 s18, s19;
	[sflag:s3] =	ssyncadd.s32 $0xFFFFD000  }
0x3c0: {  	v0 =	vld [tilespmem:s20+$0x180]  }
0x3c1: {  	v1 =	vld [tilespmem:s20+$0x0]  }
0x3c2: {  	v2 =	vld [tilespmem:s20+$0x100]  }
0x3c3: {  	s4 =	sand.u32 $0x3, s16;
	v3 =	vld [tilespmem:s20+$0x80]  }
0x3c4: {  	s5 =	sor.u32 s16, s16;
	s4 =	sshll.u32 s4, $0x5;
	v4 =	vld [tilespmem:s20+$0x280]  }
0x3c5: {  	s22 =	sor.u32 $0x380, s5;
	s21 =	sadd.s32 $0x0, s4;
	v5 =	vld [tilespmem:s20+$0x200]  }
0x3c6: {  	s23 =	sadd.s32 $0xFC80, s17;
	s6 =	sor.u32 $0x300, s21;
	v6 =	vld [tilespmem:s22+$0xD800]  }
0x3c7: {  	s24 =	sadd.s32 $0xFC00, s17;
	s7 =	sor.u32 s18, s23;
	v7 =	vld [tilespmem:s6+$0xD800]  }
0x3c8: {  	s8 =	sadd.s32 $0xFD80, s17;
	s25 =	sor.u32 s18, s24;
	v0 =	vadd.f32 v0, v2;
	v1 =	vadd.f32 v3, v1;
	v2 =	vld [tilespmem:s7+$0x0]  }
0x3c9: {  	s26 =	sadd.s32 $0xFD00, s17;
	s9 =	sor.u32 s18, s8;
	v3 =	vld [tilespmem:s25+$0x0]  }
0x3ca: {  	s10 =	sadd.s32 $0xFE80, s17;
	s28 =	sor.u32 s18, s26;
	v0 =	vadd.f32 v4, v0;
	v1 =	vadd.f32 v5, v1;
	v4 =	vld [tilespmem:s9+$0x0]  }
0x3cb: {  	s29 =	sadd.s32 $0xFE00, s17;
	s11 =	sor.u32 s18, s10;
	v5 =	vld [tilespmem:s28+$0x0]  }
0x3cc: {  	s30 =	sadd.s32 $0xFF00, s17;
	s12 =	sor.u32 s18, s29;
	v8 =	vld [tilespmem:s11+$0x0];
	v0 =	vadd.f32 v6, v0;
	v1 =	vadd.f32 v7, v1  }
0x3cd: {  	s13 =	sor.u32 s18, s30;
	s0 =	sadd.s32 $0xFF80, s17;
	v6 =	vld [tilespmem:s12+$0x0]  }
0x3ce: {  	s14 =	sor.u32 s18, s0;
	v7 =	vld [tilespmem:s13+$0x0];
	v0 =	vadd.f32 v2, v0;
	v1 =	vadd.f32 v3, v1  }
0x3cf: {  	v2 =	vld [tilespmem:s14+$0x0]  }
0x3d0: {  	v0 =	vadd.f32 v4, v0;
	v1 =	vadd.f32 v5, v1;
	_ =	sdelay $0x1  }
0x3d1: {  	v0 =	vadd.f32 v8, v0;
	v1 =	vadd.f32 v6, v1;
	_ =	sdelay $0x1  }
0x3d2: {  	v1 =	vadd.f32 v7, v1;
	v0 =	vadd.f32 v2, v0;
	_ =	sdelay $0x1  }
0x3d3: {  	v0 =	vadd.f32 v0, v1  }
0x3d4: {  	s17 =	sor.u32 $0x10, s18;
	s18 =	sand.u32 $0x3E0, s16  }
0x3d5: {  	s19 =	sor.u32 s17, s19;
	[tilespmem:s18+$0x12900] =	vst v0  }
0x3d6: {  	v0 =	vld [tilespmem:s19+$0x0]  }
0x3d7: {  	v1 =	vld [tilespmem:s19+$0x180]  }
0x3d8: {  	v2 =	vld [tilespmem:s19+$0x80]  }
0x3d9: {  	v3 =	vld [tilespmem:s19+$0x100]  }
0x3da: {  	s20 =	sadd.s32 $0x10, s21;
	v4 =	vld [tilespmem:s19+$0x200]  }
0x3db: {  	s21 =	sor.u32 $0x300, s20;
	v5 =	vld [tilespmem:s19+$0x280]  }
0x3dc: {  	s22 =	sor.u32 $0x380, s20;
	v6 =	vld [tilespmem:s21+$0xD800]  }
0x3dd: {  	s24 =	sor.u32 s17, s24;
	v7 =	vld [tilespmem:s22+$0xD800];
	v0 =	vadd.f32 v2, v0  }
0x3de: {  	s23 =	sor.u32 s17, s23;
	v1 =	vadd.f32 v1, v3;
	v3 =	vld [tilespmem:s24+$0x0]  }
0x3df: {  	s26 =	sor.u32 s17, s26;
	v63 =	vld [tilespmem:s23+$0x0];
	v0 =	vadd.f32 v4, v0  }
0x3e0: {  	s25 =	sor.u32 s17, s8;
	v1 =	vadd.f32 v5, v1;
	v4 =	vld [tilespmem:s26+$0x0]  }
0x3e1: {  	s29 =	sor.u32 s17, s29;
	v9 =	vld [tilespmem:s25+$0x0];
	v5 =	vadd.f32 v6, v0  }
0x3e2: {  	s28 =	sor.u32 s17, s10;
	v2 =	vld [tilespmem:s29+$0x0];
	v1 =	vadd.f32 v7, v1  }
0x3e3: {  	s30 =	sor.u32 s17, s30;
	v0 =	vld [tilespmem:s28+$0x0];
	v5 =	vadd.f32 v3, v5  }
0x3e4: {  	s0 =	sor.u32 s17, s0;
	v6 =	vadd.f32 v63, v1;
	v3 =	vld [tilespmem:s30+$0x0]  }
0x3e5: {  	s5 =	simm.s32 $0x0;
	s4 =	simm.s32 $0x12930;
	v1 =	vld [tilespmem:s0+$0x0];
	v5 =	vadd.f32 v4, v5  }
0x3e6: {  	s1 =	simm.s32 $0x12910;
	s2 =	simm.s32 $0x0;
	s3 =	simm.s32 $0x20;
	v4 =	vadd.f32 v9, v6  }
.LBB2_10:
0x3e7: {  	s2 =	sadd.s32 $0x2, s2;
	v2 =	vadd.f32 v2, v5;
	s16 =	sadd.s32 $0x100, s16;
	s5 =	sadd.s32 $0x1, s5  }
0x3e8: {  	p3 =	slt.u32 s2, $0x2E;
	v0 =	vadd.f32 v0, v4  }
0x3e9: {  	v2 =	vadd.f32 v3, v2  }
0x3ea: {  	v0 =	vadd.f32 v1, v0;
	_ =	sdelay $0x1  }
0x3eb: {  	s0 =	sand.u32 $0x1C00, s16;
	v0 =	vadd.f32 v0, v2  }
0x3ec: {  	s7 =	sand.u32 $0x60, s3;
	s6 =	sadd.s32 $0xD800, s0;
	s8 =	sadd.s32 $0xFC80, s0  }
0x3ed: {  	s10 =	sadd.s32 $0xFC00, s0;
	s9 =	sor.u32 s7, s6;
	s12 =	sor.u32 s7, s8;
	[tilespmem:s1+$0x0] =	vst v0  }
0x3ee: {  	s17 =	sadd.s32 $0xFD00, s0;
	s18 =	sadd.s32 $0xFD80, s0;
	s1 =	sor.u32 s7, s10;
	v0 =	vld [tilespmem:s9+$0x180]  }
0x3ef: {  	s21 =	sadd.s32 $0xFE80, s0;
	s19 =	sor.u32 s7, s17;
	s20 =	sor.u32 s7, s18;
	v1 =	vld [tilespmem:s9+$0x0]  }
0x3f0: {  	s22 =	sadd.s32 $0xFE00, s0;
	s24 =	sadd.s32 $0xFF00, s0;
	s23 =	sor.u32 s7, s21;
	v2 =	vld [tilespmem:s9+$0x100]  }
0x3f1: {  	s11 =	sand.u32 $0x3, s5;
	s26 =	sadd.s32 $0xFF80, s0;
	s25 =	sor.u32 s7, s22;
	v3 =	vld [tilespmem:s9+$0x80]  }
0x3f2: {  	s0 =	sshll.u32 s11, $0x5;
	s11 =	sor.u32 s16, s3;
	s28 =	sor.u32 s7, s24;
	v4 =	vld [tilespmem:s9+$0x280]  }
0x3f3: {  	s0 =	sadd.s32 s0, s16;
	s29 =	sor.u32 s7, s26;
	v5 =	vld [tilespmem:s9+$0x200];
	s9 =	sor.u32 $0x380, s11  }
0x3f4: {  	s30 =	sor.u32 $0x10, s7;
	s13 =	sadd.s32 $0x10, s0;
	s11 =	sor.u32 $0x300, s0;
	v6 =	vld [tilespmem:s9+$0xD800]  }
0x3f5: {  	s14 =	sor.u32 s30, s8;
	s9 =	sor.u32 s30, s18;
	v0 =	vadd.f32 v0, v2;
	v2 =	vld [tilespmem:s11+$0xD800];
	s11 =	sor.u32 s30, s10  }
0x3f6: {  	s7 =	sor.u32 s30, s22;
	s10 =	sor.u32 s30, s21;
	v1 =	vadd.f32 v3, v1;
	v3 =	vld [tilespmem:s12+$0x0];
	s12 =	sor.u32 s30, s17  }
0x3f7: {  	s8 =	sor.u32 s30, s26;
	s0 =	sor.u32 s30, s24;
	v0 =	vadd.f32 v4, v0;
	v4 =	vld [tilespmem:s1+$0x0];
	s1 =	smov.u32 s4  }
0x3f8: {  	v1 =	vadd.f32 v5, v1;
	v5 =	vld [tilespmem:s20+$0x0]  }
0x3f9: {  	v0 =	vadd.f32 v6, v0;
	v6 =	vld [tilespmem:s19+$0x0]  }
0x3fa: {  	v1 =	vadd.f32 v2, v1;
	v2 =	vld [tilespmem:s23+$0x0]  }
0x3fb: {  	v0 =	vadd.f32 v3, v0;
	v3 =	vld [tilespmem:s25+$0x0]  }
0x3fc: {  	v1 =	vadd.f32 v4, v1;
	v4 =	vld [tilespmem:s28+$0x0]  }
0x3fd: {  	v0 =	vadd.f32 v5, v0;
	v5 =	vld [tilespmem:s29+$0x0]  }
0x3fe: {  	v1 =	vadd.f32 v6, v1  }
0x3ff: {  	v0 =	vadd.f32 v2, v0  }
0x400: {  	v1 =	vadd.f32 v3, v1;
	_ =	sdelay $0x1  }
0x401: {  	v1 =	vadd.f32 v4, v1;
	v0 =	vadd.f32 v5, v0;
	_ =	sdelay $0x1  }
0x402: {  	v0 =	vadd.f32 v0, v1  }
0x403: {  	s17 =	sand.u32 $0x3E0, s3  }
0x404: {  	s6 =	sor.u32 s30, s6;
	[tilespmem:s17+$0x12900] =	vst v0  }
0x405: {  	v0 =	vld [tilespmem:s6+$0x200]  }
0x406: {  	v1 =	vld [tilespmem:s6+$0x0]  }
0x407: {  	v2 =	vld [tilespmem:s6+$0x180]  }
0x408: {  	v3 =	vld [tilespmem:s6+$0x80]  }
0x409: {  	v4 =	vld [tilespmem:s6+$0x100]  }
0x40a: {  	v5 =	vld [tilespmem:s6+$0x280];
	s6 =	sor.u32 $0x300, s13  }
0x40b: {  	v6 =	vld [tilespmem:s6+$0xD800]  }
0x40c: {  	s6 =	sor.u32 $0x380, s13;
	v7 =	vld [tilespmem:s14+$0x0]  }
0x40d: {  	v1 =	vadd.f32 v3, v1;
	v3 =	vld [tilespmem:s6+$0xD800]  }
0x40e: {  	v2 =	vadd.f32 v2, v4;
	v4 =	vld [tilespmem:s11+$0x0]  }
0x40f: {  	v0 =	vadd.f32 v0, v1;
	v8 =	vld [tilespmem:s9+$0x0]  }
0x410: {  	v1 =	vadd.f32 v5, v2;
	v5 =	vld [tilespmem:s12+$0x0]  }
0x411: {  	v6 =	vadd.f32 v6, v0;
	v0 =	vld [tilespmem:s10+$0x0]  }
.Ltmp13:
0x412: {  	v3 =	vadd.f32 v3, v1;
	v2 =	vld [tilespmem:s7+$0x0];
	(pc) =	sbr.rel @p3 .LBB2_10-.Ltmp13, $4  }
0x413: {  	v4 =	vadd.f32 v4, v6;
	v1 =	vld [tilespmem:s8+$0x0]  }
0x414: {  	v6 =	vadd.f32 v7, v3;
	v3 =	vld [tilespmem:s0+$0x0]  }
0x415: {  	v5 =	vadd.f32 v5, v4  }
0x416: {  	s3 =	sadd.s32 $0x20, s3;
	s4 =	sadd.s32 $0x20, s4;
	v4 =	vadd.f32 v8, v6  }
0x417: {  	_ = 	snop  }
0x418: {  	v2 =	vadd.f32 v2, v5;
	v0 =	vadd.f32 v0, v4  }
0x419: {  	s0 =	sld [smem:$0x7F6]  }
0x41a: {  	v2 =	vadd.f32 v3, v2;
	v0 =	vadd.f32 v1, v0;
	_ =	sdelay $0x1  }
0x41b: {  	s0 =	sadd.s32 @!p2 s15, s0;
	v0 =	vadd.f32 v0, v2  }
0x41c: {  	s2 =	simm.s32 @!p2 $0xD800;
	s4 =	sld [smem:$0x7F3];
	s0 =	sshrl.u32 @!p2 s0, $0x3  }
0x41d: {  	s26 =	rddreg [dreg:$0x1a];
	s0 =	sadd.s32 @!p2 s31, s0;
	[tilespmem:s1+$0x0] =	vst v0;
	s1 =	simm.s32 @!p2 $0x0  }
0x41e: {  	[tilespmem:s2], [sflag:$0x4] =	stream.linear.gather @!p2 [hbm4b:s0+s1], $0x1800, $0x38;
	[tilespmem:$0x13B00] =	vst v63  }
0x41f: {  	s3 =	smul.u32 $0x186A0, s4;
	s0 =	sadd.s32 @!p2 $0x18700, s0;
	s2 =	simm.s32 @!p2 $0xFC00  }
0x420: {  	[tilespmem:s2], [sflag:$0x4] =	stream.linear.gather @!p2 [hbm4b:s0+s1], $0x1800, $0x38;
	[tilespmem:$0x13B00] =	vst v63  }
0x421: {  	s28 =	rddreg [dreg:$0x18];
	s0 =	sadd.s32 s26, s3  }
0x422: {  	s29 =	simm.s32 $0x0;
	s4 =	sadd.s32 $0x1, s4;
	s0 =	sshrl.u32 s0, $0x3  }
0x423: {  	s30 =	simm.s32 $0x12000;
	p2 =	seq.s32 s4, $0x1A;
	s0 =	sadd.s32 s28, s0  }
0x424: {  	[hbm4b:s0+s29] =	stream.linear.scatter [tilespmem:s30], [sflag:$0x5], $0xC00, $0x38;
	[tilespmem:$0x13B00] =	vst v63  }
.Ltmp14:
0x425: {  	_ = 	snop;
	(pc) =	sbr.rel @!p2 .LBB2_3-.Ltmp14, $4  }
.Ltmp15:
0x426: {  	s31 =	simm.s32 $0x5;
	(pc) =	sbr.rel @p2 .LBB2_24-.Ltmp15, $4  }
0x427: {  	_ =	swait.ge [sflag:s31], $0xC00  }
0x428: {  	[sflag:s31] =	ssyncset.done $0x0  }
0x429: {  	[smem:$0x7F3] =	sst s4;
	[sflag:s31] =	ssyncadd.s32 $0xFFFFF400  }
0x42a: {  	_ = 	snop  }
.LBB2_25:
0x42b: {  	_ =	sfence.sel $0x180000  }
0x42c: {  	[bflag:$0x0] =	sbarrier.arrive $0xFFFF  }
0x42d: {  	_ =	strace $0x90000047  }
0x42e: {  	s0 =	stileid.u32;
	[bflag:$0x2] =	sbarrier.arrive $0xFFFF  }
0x42f: {  	p0 =	sne.s32 s0, $0x0;
	s0 =	rddreg [dreg:$0x3]  }
0x430: {  	s0 =	sadd.s32 @!p0 $0x100000, s0  }
0x431: {  	[sflag:s0] =	ssyncadd.tile.s32 @!p0 $0x1;
	_ =	shalt  }
.Lfunc_end2:
_tile_overlayer_lowered:
.L_overlay_start_2:
0x432: {  	(tag) =	ssettag $0x2  }
0x433: {  	s0 =	rddreg [dreg:$0x0];
	s2 =	stileid.u32  }
0x434: {  	s1 =	rddreg [dreg:$0x1];
	p0 =	sne.s32 s2, $0x0  }
0x435: {  	s3 =	rddreg [dreg:$0x2];
	[bflag:$0x3] =	sbarrier.arrive $0xFFFF;
	s2 =	simm.s32 @!p0 $0x1C05  }
0x436: {  	[timem:s3], [sflag:s2] =	dma.local @!p0 [hbm:s0], s1  }
0x437: {  	s0 =	simm.s32 @!p0 $0x5  }
0x438: {  	_ =	swait.ge @!p0 [sflag:s0], s1  }
0x439: {  	s1 =	ssub.s32 @!p0 $0x0, s1;
	[sflag:s0] =	ssyncset.done @!p0 $0x0  }
0x43a: {  	[sflag:s0] =	ssyncadd.s32 @!p0 s1  }
0x43b: {  	[bflag:$0x3] =	sbarrier.arrive $0xFFFF  }
0x43c: {  	_ =	shalt  }

// kernel: kernel.7.cloned.1.call-start
scs
__scs_entry_jumppad:
0x0: {  	(pc) =	sbr.rel $0x88, $3  }
0x1: {  	(tag) =	ssettag $0x0;
	lr =	simm.s32 $0x1  }
0x2: {  	[smem:$0x3F9D] =	sst lr;
	_ =	strace $0xD0000000  }
0x3: {  	_ = 	snop  }
0x4: {  	_ = 	snop  }
0x5: {  	_ = 	snop  }
0x6: {  	_ = 	snop  }
0x7: {  	_ = 	snop  }
__scs_overlays_trampoline_lowered:
0x8: {  	[smem:$0x3FAC] =	sst s0  }
0x9: {  	[smem:$0x3FAD] =	sst s1  }
0xa: {  	[smem:$0x3FAE] =	sst s2  }
0xb: {  	[smem:$0x3FAF] =	sst s3  }
0xc: {  	[smem:$0x3FB0] =	sst s4  }
0xd: {  	[smem:$0x3FB1] =	sst s5  }
0xe: {  	[smem:$0x3FB2] =	sst s6  }
0xf: {  	[smem:$0x3FB3] =	sst s7  }
0x10: {  	[smem:$0x3FB4] =	sst s8  }
0x11: {  	[smem:$0x3FB5] =	sst s9;
	s0 =	simm.s32 @!p0 $0x0  }
0x12: {  	s1 =	sld [smem:$0x3F9B];
	s0 =	simm.s32 @p0 $0x1  }
0x13: {  	[smem:$0x3FB6] =	sst s0;
	s0 =	simm.s32 @!p1 $0x0  }
0x14: {  	s2 =	sld [smem:$0x3F9A];
	s0 =	simm.s32 @p1 $0x1  }
0x15: {  	[smem:$0x3FB7] =	sst s0;
	s0 =	simm.s32 @!p2 $0x0  }
0x16: {  	s3 =	sld [smem:$0x3FDB];
	s0 =	simm.s32 @p2 $0x1  }
0x17: {  	s4 =	simm.s32 $0x1BF5;
	[smem:$0x3FB9] =	sst s0  }
0x18: {  	s0 =	sld [smem:$0x3F9C];
	_ =	swait.ge [sflag:s4], $0x0  }
0x19: {  	s7 =	sld [smem:$0x3F9D]  }
0x1a: {  	s8 =	sadd.s32 $0xFFFFE003, lr  }
0x1b: {  	s9 =	sadd.s32 $0xFFFFFEF7, lr;
	s5 =	simm.s32 $0xFFFFFFFF;
	p2 =	slt.u32 s8, $0xFFFFF086  }
0x1c: {  	p1 =	slt.u32 s9, $0xF7A;
	s5 =	simm.s32 @!p2 $0x0  }
0x1d: {  	s5 =	simm.s32 @p1 $0x1;
	p0 =	seq.s32 s7, s2  }
0x1e: {  	s7 =	smul.u32 @!p0 $0xF7A, s2;
	p2 =	seq.s32 @!p0 s5, $0x0  }
0x1f: {  	s9 =	smul.u32 $0xF7A, s1;
	s8 =	simm.s32 @!p0 $0x1BF5;
	p2 =	por !p2, p0  }
0x20: {  	[sflag:s8] =	ssyncset.s32 @!p0 $0xFFFFF086;
	s6 =	sadd.s32 @!p0 s3, s7;
	s7 =	simm.s32 @!p0 $0x108  }
0x21: {  	s3 =	sadd.s32 s3, s9;
	s6 =	sadd.s32 @!p0 $0x88, s6;
	s7 =	simm.s32 @p2 $0x1082  }
0x22: {  	[simem:s7], [sflag:s8] =	dma.local @!p0 [hbm:s6], $0xF7A  }
0x23: {  	s9 =	sor.u32 $0xD0000000, s2;
	s6 =	simm.s32 $0x108;
	_ =	swait.ge @!p0 [sflag:s8], $0x0  }
0x24: {  	s3 =	sadd.s32 $0x88, s3;
	s6 =	simm.s32 @!p1 $0x1082;
	[sflag:s4] =	ssyncset.s32 $0xFFFFF086  }
0x25: {  	[simem:s6], [sflag:s4] =	dma.local [hbm:s3], $0xF7A  }
0x26: {  	[smem:$0x3F9D] =	sst s1;
	(tag) =	ssettag s2;
	_ =	strace s9  }
0x27: {  	s1 =	sld [smem:$0x3FAD]  }
0x28: {  	s2 =	sld [smem:$0x3FAE]  }
0x29: {  	s4 =	sld [smem:$0x3FB0]  }
0x2a: {  	p0 =	seq.s32 s5, $0x0;
	s5 =	sld [smem:$0x3FB1]  }
0x2b: {  	s6 =	sld [smem:$0x3FB2]  }
0x2c: {  	s7 =	sld [smem:$0x3FB3]  }
0x2d: {  	s3 =	simm.s32 $0x108;
	s8 =	sld [smem:$0x3FB4]  }
0x2e: {  	s3 =	simm.s32 @!p0 $0x1082;
	s9 =	sld [smem:$0x3FB5]  }
0x2f: {  	lr =	sadd.s32 s0, s3;
	s0 =	sld [smem:$0x3FAC]  }
0x30: {  	s3 =	sld [smem:$0x3FAF]  }
0x31: {  	[smem:$0x3FB8] =	sst s10  }
0x32: {  	s10 =	sld [smem:$0x3FB6];
	_ =	sdelay $0x3  }
0x33: {  	p0 =	seq.s32 s10, $0x1;
	s10 =	sld [smem:$0x3FB8];
	_ =	sdelay $0x3  }
0x34: {  	[smem:$0x3FB8] =	sst s10  }
0x35: {  	s10 =	sld [smem:$0x3FB7];
	_ =	sdelay $0x3  }
0x36: {  	p1 =	seq.s32 s10, $0x1;
	s10 =	sld [smem:$0x3FB8];
	_ =	sdelay $0x3  }
0x37: {  	[smem:$0x3FB8] =	sst s10  }
0x38: {  	s10 =	sld [smem:$0x3FB9]  }
0x39: {  	_ = 	snop;
	(pc) =	sbr.ind lr, $3  }
0x3a: {  	_ = 	snop  }
0x3b: {  	_ = 	snop  }
0x3c: {  	p2 =	seq.s32 s10, $0x1;
	s10 =	sld [smem:$0x3FB8]  }
0x3d: {  	_ =	shalt  }
0x3e: {  	_ =	shalt  }
0x3f: {  	_ =	shalt  }
0x40: {  	_ =	shalt  }
0x41: {  	_ =	shalt  }
0x42: {  	_ =	shalt  }
0x43: {  	_ =	shalt  }
0x44: {  	_ =	shalt  }
0x45: {  	_ =	shalt  }
0x46: {  	_ =	shalt  }
0x47: {  	_ =	shalt  }
0x48: {  	_ =	shalt  }
0x49: {  	_ =	shalt  }
0x4a: {  	_ =	shalt  }
0x4b: {  	_ =	shalt  }
0x4c: {  	_ =	shalt  }
0x4d: {  	_ =	shalt  }
0x4e: {  	_ =	shalt  }
0x4f: {  	_ =	shalt  }
0x50: {  	_ =	shalt  }
0x51: {  	_ =	shalt  }
0x52: {  	_ =	shalt  }
0x53: {  	_ =	shalt  }
0x54: {  	_ =	shalt  }
0x55: {  	_ =	shalt  }
0x56: {  	_ =	shalt  }
0x57: {  	_ =	shalt  }
0x58: {  	_ =	shalt  }
0x59: {  	_ =	shalt  }
0x5a: {  	_ =	shalt  }
0x5b: {  	_ =	shalt  }
0x5c: {  	_ =	shalt  }
0x5d: {  	_ =	shalt  }
0x5e: {  	_ =	shalt  }
0x5f: {  	_ =	shalt  }
0x60: {  	_ =	shalt  }
0x61: {  	_ =	shalt  }
0x62: {  	_ =	shalt  }
0x63: {  	_ =	shalt  }
0x64: {  	_ =	shalt  }
0x65: {  	_ =	shalt  }
0x66: {  	_ =	shalt  }
0x67: {  	_ =	shalt  }
0x68: {  	_ =	shalt  }
0x69: {  	_ =	shalt  }
0x6a: {  	_ =	shalt  }
0x6b: {  	_ =	shalt  }
0x6c: {  	_ =	shalt  }
0x6d: {  	_ =	shalt  }
0x6e: {  	_ =	shalt  }
0x6f: {  	_ =	shalt  }
0x70: {  	_ =	shalt  }
0x71: {  	_ =	shalt  }
0x72: {  	_ =	shalt  }
0x73: {  	_ =	shalt  }
0x74: {  	_ =	shalt  }
0x75: {  	_ =	shalt  }
0x76: {  	_ =	shalt  }
0x77: {  	_ =	shalt  }
0x78: {  	_ =	shalt  }
0x79: {  	_ =	shalt  }
0x7a: {  	_ =	shalt  }
0x7b: {  	_ =	shalt  }
0x7c: {  	_ =	shalt  }
0x7d: {  	_ =	shalt  }
0x7e: {  	_ =	shalt  }
0x7f: {  	_ =	shalt  }
0x80: {  	_ =	shalt  }
0x81: {  	_ =	shalt  }
0x82: {  	_ =	shalt  }
0x83: {  	_ =	shalt  }
0x84: {  	_ =	shalt  }
0x85: {  	_ =	shalt  }
0x86: {  	_ =	shalt  }
0x87: {  	_ =	shalt  }
.Lfunc_end0:
.L_simem_size_0:
called_computation.1_lowered:
.L_overlay_start_0:
0x88: {  	s2 =	sld [smem:$0x3FD9]  }
0x89: {  	s3 =	sld [smem:$0x3FFE];
	_ =	sdelay $0x1  }
0x8a: {  	s1 =	srdreg.scid  }
0x8b: {  	s0 =	sand.u32 $0x1, s1  }
0x8c: {  	s17 =	sshll.u32 s0, $0xA;
	s2 =	sadd.s32 s3, s2  }
0x8d: {  	s2 =	sadd.s32 s2, s17  }
0x8e: {  	[smem:$0x3FC4] =	sst s2  }
0x8f: {  	_ = 	snop  }
0x90: {  	s2 =	sld [smem:$0x3FD0];
	(tm) =	ssettm $0x1  }
0x91: {  	s18 =	sld [smem:$0x3FFB];
	_ =	sdelay $0x3  }
0x92: {  	_ =	strace s18  }
0x93: {  	s3 =	sld [smem:$0x3FFC];
	_ =	sdelay $0x3  }
0x94: {  	_ =	strace s3  }
0x95: {  	s3 =	sld [smem:$0x3FFD];
	_ =	sdelay $0x3  }
0x96: {  	_ =	strace s3  }
0x97: {  	_ =	strace $0x8FFFFFFF  }
0x98: {  	s19 =	sld [smem:$0x3FDB];
	_ =	sdelay $0x1  }
0x99: {  	s4 =	simm.s32 $_scs_section_size  }
0x9a: {  	s5 =	simm.s32 $_size__tile_overlayer_lowered;
	s6 =	simm.s32 $_tile_overlayer_lowered  }
0x9b: {  	s22 =	simm.s32 $0x1BFF;
	s21 =	sshll.u32 s6, $0x1;
	s3 =	sadd.s32 s4, s19  }
0x9c: {  	s7 =	simm.s32 $0x0;
	s20 =	sshll.u32 s5, $0x1;
	s5 =	sadd.s32 s21, s3  }
0x9d: {  	[timem:s7], [sflag:s22] =	dma.local [hbm:s5], s20  }
0x9e: {  	_ =	swait.ge [sflag:s22], s20  }
0x9f: {  	s4 =	ssub.s32 $0x0, s20;
	[sflag:s22] =	ssyncset.done $0x0  }
0xa0: {  	[sflag:s22] =	ssyncadd.s32 s4;
	_ =	sdelay $0x1  }
0xa1: {  	s23 =	simm.s32 $0x1B8B  }
0xa2: {  	_ =	swait.ge [sflag:s23], $0x1  }
0xa3: {  	[sflag:s23] =	ssyncset.done $0x0  }
0xa4: {  	s25 =	simm.s32 $0x1B8E;
	s24 =	sld [smem:$0x3FFE];
	[sflag:s23] =	ssyncadd.s32 $0xFFFFFFFF  }
0xa5: {  	s26 =	simm.s32 $execute0_lowered;
	[smem:$0x3FD2] =	sst s25  }
0xa6: {  	s5 =	sshll.u32 s26, $0x1;
	_ =	strace $0x80000049;
	[dreg:$0x1] =	wrdreg $0xFFFFFFFF  }
0xa7: {  	s28 =	simm.s32 $_size_execute0_lowered;
	s3 =	sadd.s32 s3, s5;
	[dreg:$0x0] =	wrdreg $0x0  }
0xa8: {  	s5 =	sshll.u32 s28, $0x1;
	[dreg:$0x2] =	wrdreg s3  }
0xa9: {  	[dreg:$0x3] =	wrdreg s5  }
0xaa: {  	[dreg:$0x4] =	wrdreg $0xC0  }
0xab: {  	_ =	task [dreg:s7], $0x5FFFF  }
0xac: {  	[dreg:$0x1] =	wrdreg $0xFFFFFFFF  }
0xad: {  	[dreg:$0x0] =	wrdreg $0x60  }
0xae: {  	[dreg:$0x2] =	wrdreg s24  }
0xaf: {  	[dreg:$0x3] =	wrdreg s2  }
0xb0: {  	[dreg:$0x4] =	wrdreg $0x9  }
0xb1: {  	_ =	task.clear_ibuf [dreg:s7], $0x5FFFF;
	_ =	strace $0x90000049  }
0xb2: {  	s29 =	simm.s32 $0x9;
	_ =	strace $0x8000004B  }
0xb3: {  	_ =	swait.ge [sflag:s29], $0x1  }
0xb4: {  	[sflag:s29] =	ssyncadd.s32 $0xFFFFFFFF  }
0xb5: {  	_ =	strace $0x9000004B  }
0xb6: {  	_ =	sfence  }
0xb7: {  	s30 =	sld [smem:$0x0];
	_ =	sdelay $0x2  }
0xb8: {  	s31 =	sshll.u32 s1, $0xD;
	s1 =	sshrl.u32 s1, $0x2  }
0xb9: {  	s3 =	sand.u32 $0x4000, s31;
	s1 =	sadd.s32 s1, s30  }
0xba: {  	s0 =	sor.u32 s3, s0;
	s1 =	sshll.u32 s1, $0x11  }
0xbb: {  	s0 =	sor.u32 s1, s0  }
0xbc: {  	s0 =	sadd.s32 $0x8F2B, s0  }
0xbd: {  	[sflag:s0] =	ssyncadd.remote.s32 $0x1  }
0xbe: {  	_ =	sfence.sel $0xFFFF  }
0xbf: {  	[dreg:$0x0] =	wrdreg $0xFFFFFFFF;
	(pc) =	sbr.abs _section_cstart, $3  }
0xc0: {  	[dreg:$0x1] =	wrdreg $0xFFFFFFFF  }
0xc1: {  	_ =	task.clear_ibuf [dreg:s7], $0x2FFFF;
	_ =	strace $0x9FFFFFFF  }
0xc2: {  	(tm) =	ssettm $0x7FFFFFFF  }
0xc3: {  	_ =	shalt  }
tec
execute0_lowered:
.L_overlay_start_1:
0x0: {  	(tag) =	ssettag $0x1  }
0x1: {  	s5 =	rddreg [dreg:$0x0];
	s1 =	srdreg.scid  }
0x2: {  	s0 =	stileid.u32;
	s8 =	rddreg [dreg:$0x1];
	v0 =	vlaneseq.u32  }
0x3: {  	s2 =	simm.s32 $0x0;
	s12 =	simm.s32 $0x5500;
	s13 =	simm.s32 $0x1000;
	v0 =	vmul.u32 $0x1A, v0  }
0x4: {  	s14 =	simm.s32 $0x20000;
	s15 =	simm.s32 $0x3500;
	s16 =	simm.s32 $0x68  }
0x5: {  	s17 =	simm.s32 $0x1;
	s18 =	simm.s32 $0x5F00;
	s19 =	simm.s32 $0x5D00;
	v1 =	vor.u32 $0x1, v0  }
0x6: {  	s4 =	sand.u32 $0x1, s1;
	s3 =	sshll.u32 s0, $0x1;
	[smem:$0x7FF] =	sst s2;
	v2 =	vadd.s32 $0x2, v0;
	v3 =	vadd.s32 $0x3, v0;
	v4 =	vadd.s32 $0x4, v0  }
0x7: {  	s1 =	rddreg [dreg:$0x2];
	s6 =	sor.u32 s4, s3;
	_ =	strace $0x8000004A;
	v8 =	vadd.s32 $0x5, v0;
	v27 =	vadd.s32 $0x7, v0;
	v13 =	vadd.s32 $0x8, v0  }
0x8: {  	s3 =	sadd.s32 $0xC00, s5;
	s10 =	ssub.s32 $0x2, s4;
	s4 =	sadd.s32 $0x5D200, s5;
	v12 =	vadd.s32 $0x9, v0;
	v5 =	vadd.s32 $0xB, v0;
	v6 =	vadd.s32 $0xC, v0;
	[tilespmem:$0x1FFA0] =	vst v4  }
0x9: {  	s20 =	simm.s32 $0x0;
	s7 =	smul.u32 $0x680, s6;
	s9 =	sshll.u32 s6, $0x9;
	v7 =	vadd.s32 $0xD, v0;
	v14 =	vadd.s32 $0xE, v0;
	v15 =	vadd.s32 $0xF, v0;
	[tilespmem:$0x1FFB0] =	vst v12  }
0xa: {  	s11 =	sshrl.u32 s10, $0x1;
	s31 =	sshll.u32 s6, $0x6;
	v16 =	vadd.s32 $0x10, v0;
	v17 =	vadd.s32 $0x11, v0;
	v18 =	vadd.s32 $0x12, v0;
	s9 =	sadd.s32 s9, s5;
	[tilespmem:$0x1FFC0] =	vst v13  }
0xb: {  	v19 =	vadd.s32 $0x13, v0;
	v20 =	vadd.s32 $0x14, v0;
	v21 =	vadd.s32 $0x15, v0;
	s10 =	ssub.s32 s10, s11;
	s8 =	sadd.s32 s8, s31;
	[tilespmem:$0x1FFD0] =	vst v27;
	s7 =	sadd.s32 s7, s5  }
0xc: {  	v26 =	vadd.s32 $0x6, v0;
	v22 =	vadd.s32 $0x16, v0;
	v23 =	vadd.s32 $0x17, v0;
	s11 =	simm.s32 $0x3400;
	[tilespmem:$0x1FFE0] =	vst v8;
	s5 =	sadd.s32 $0x65400, s5;
	s6 =	sadd.s32 $0x50200, s7  }
0xd: {  	v24 =	vadd.s32 $0x18, v0;
	v25 =	vadd.s32 $0x19, v0;
	v4 =	vadd.s32 $0xA, v0;
	[tilespmem:$0x1FFF0] =	vst v26;
	s7 =	sadd.s32 $0x5D400, s9;
	s9 =	smax.u32 s10, $0x1;
	s10 =	simm.s32 $0x2  }
.LBB2_1:
0xe: {  	[tilespmem:s2], [sflag:$0x2] =	stream.linear.gather [hbm4b:s6+s2], $0x3400, $0x38;
	[tilespmem:$0x9300] =	vst v63  }
0xf: {  	_ =	swait.ge [sflag:s10], $0x3400  }
0x10: {  	[sflag:s10] =	ssyncset.done $0x0  }
0x11: {  	[sflag:s10] =	ssyncadd.s32 $0xFFFFCC00  }
0x12: {  	[tilespmem:s11], [sflag:$0x2] =	stream.linear.gather [hbm4b:s4+s2], $0x100, $0x38;
	[tilespmem:$0x9300] =	vst v63  }
0x13: {  	_ =	swait.ge [sflag:s10], $0x100  }
0x14: {  	[sflag:s10] =	ssyncset.done $0x0  }
0x15: {  	[sflag:s10] =	ssyncadd.s32 $0xFFFFFF00  }
0x16: {  	[tilespmem:s12], [sflag:$0x2] =	stream.linear.gather [hbm4b:s5+s2], $0x800, $0x38;
	[tilespmem:$0x9300] =	vst v63  }
0x17: {  	_ =	swait.ge [sflag:s10], $0x800  }
0x18: {  	[sflag:s10] =	ssyncset.done $0x0  }
0x19: {  	[sflag:s10] =	ssyncadd.s32 $0xFFFFF800  }
0x1a: {  	[tilespmem:s15], [sflag:$0x2] =	stream.strided.gather [hbm4b:s7+s13], $0x2000, s14, s13, $0x38;
	[tilespmem:$0x9300] =	vst v63  }
0x1b: {  	_ =	swait.ge [sflag:s10], $0x2000  }
0x1c: {  	[sflag:s10] =	ssyncset.done $0x0  }
0x1d: {  	s21 =	simm.s32 $0x60;
	[sflag:s10] =	ssyncadd.s32 $0xFFFFE000  }
0x1e: {  	v10 =	vmov v26;
	v26 =	vld [tilespmem:s21+$0xFFFFFFA0]  }
0x1f: {  	v11 =	vmov v27;
	v27 =	vld [tilespmem:$0x3400];
	_ =	sdelay $0x4  }
0x20: {  	v26 =	vadd.s32 v26, v27  }
0x21: {  	[tilespmem:s21+$0xFFFFFFA0] =	vst v26;
	v26 =	vld [tilespmem:s21+$0xFFFFFFB0]  }
0x22: {  	v27 =	vld [tilespmem:$0x3410];
	_ =	sdelay $0x4  }
0x23: {  	v26 =	vadd.s32 v26, v27  }
0x24: {  	[tilespmem:s21+$0xFFFFFFB0] =	vst v26;
	v26 =	vld [tilespmem:s21+$0xFFFFFFC0]  }
0x25: {  	v27 =	vld [tilespmem:$0x3420];
	_ =	sdelay $0x4  }
0x26: {  	v26 =	vadd.s32 v26, v27  }
0x27: {  	[tilespmem:s21+$0xFFFFFFC0] =	vst v26;
	v26 =	vld [tilespmem:s21+$0xFFFFFFD0]  }
0x28: {  	v27 =	vld [tilespmem:$0x3430];
	_ =	sdelay $0x4  }
0x29: {  	v26 =	vadd.s32 v26, v27  }
0x2a: {  	[tilespmem:s21+$0xFFFFFFD0] =	vst v26;
	v26 =	vld [tilespmem:s21+$0xFFFFFFE0]  }
0x2b: {  	v27 =	vld [tilespmem:$0x3440];
	_ =	sdelay $0x4  }
0x2c: {  	v26 =	vadd.s32 v26, v27  }
0x2d: {  	[tilespmem:s21+$0xFFFFFFE0] =	vst v26;
	v26 =	vld [tilespmem:s21+$0xFFFFFFF0]  }
0x2e: {  	v27 =	vld [tilespmem:$0x3450];
	_ =	sdelay $0x4  }
0x2f: {  	v26 =	vadd.s32 v26, v27  }
0x30: {  	[tilespmem:s21+$0xFFFFFFF0] =	vst v26;
	v26 =	vld [tilespmem:s21+$0x0]  }
0x31: {  	v27 =	vld [tilespmem:$0x3460];
	_ =	sdelay $0x4  }
0x32: {  	v26 =	vadd.s32 v26, v27  }
0x33: {  	[tilespmem:s21+$0x0] =	vst v26;
	v26 =	vld [tilespmem:s21+$0x10]  }
0x34: {  	v27 =	vld [tilespmem:$0x3470];
	_ =	sdelay $0x4  }
0x35: {  	v26 =	vadd.s32 v26, v27  }
0x36: {  	s22 =	sand.u32 $0x3FF0, s2;
	[tilespmem:s21+$0x10] =	vst v26  }
0x37: {  	v26 =	vld [tilespmem:s22+$0x80]  }
0x38: {  	v27 =	vld [tilespmem:$0x3480];
	_ =	sdelay $0x4  }
0x39: {  	v26 =	vadd.s32 v26, v27  }
0x3a: {  	[tilespmem:s22+$0x80] =	vst v26  }
0x3b: {  	v26 =	vld [tilespmem:s21+$0x30]  }
0x3c: {  	v27 =	vld [tilespmem:$0x3490];
	_ =	sdelay $0x4  }
0x3d: {  	v26 =	vadd.s32 v26, v27  }
0x3e: {  	v27 =	vld [tilespmem:s21+$0x40];
	[tilespmem:s21+$0x30] =	vst v26  }
0x3f: {  	v26 =	vld [tilespmem:$0x34A0];
	_ =	sdelay $0x4  }
0x40: {  	v26 =	vadd.s32 v27, v26  }
0x41: {  	v27 =	vld [tilespmem:s21+$0x50];
	[tilespmem:s21+$0x40] =	vst v26  }
0x42: {  	v26 =	vld [tilespmem:$0x34B0];
	_ =	sdelay $0x4  }
0x43: {  	v27 =	vadd.s32 v27, v26  }
0x44: {  	v26 =	vld [tilespmem:s21+$0x60];
	[tilespmem:s21+$0x50] =	vst v27  }
0x45: {  	v9 =	vmov v8;
	s23 =	simm.s32 $0x60;
	s22 =	simm.s32 $0xD0;
	v27 =	vld [tilespmem:$0x34C0]  }
.LBB2_2:
0x46: {  	_ =	sdelay $0x1  }
0x47: {  	p0 =	sne.s32 s22, $0x3330  }
0x48: {  	s21 =	sadd.s32 $0xD0, s21;
	s24 =	smov.u32 s22;
	s22 =	sadd.s32 $0xD0, s22  }
0x49: {  	v26 =	vadd.s32 v26, v27  }
0x4a: {  	v27 =	vld [tilespmem:s21+$0xFFFFFFA0];
	[tilespmem:s23+$0x60] =	vst v26;
	s23 =	smov.u32 s21  }
0x4b: {  	v26 =	vld [tilespmem:$0x3400];
	_ =	sdelay $0x4  }
0x4c: {  	v26 =	vadd.s32 v27, v26  }
0x4d: {  	[tilespmem:s21+$0xFFFFFFA0] =	vst v26;
	v26 =	vld [tilespmem:s21+$0xFFFFFFB0]  }
0x4e: {  	v27 =	vld [tilespmem:$0x3410];
	_ =	sdelay $0x4  }
0x4f: {  	v26 =	vadd.s32 v26, v27  }
0x50: {  	[tilespmem:s21+$0xFFFFFFB0] =	vst v26;
	v26 =	vld [tilespmem:s21+$0xFFFFFFC0]  }
0x51: {  	v27 =	vld [tilespmem:$0x3420];
	_ =	sdelay $0x4  }
0x52: {  	v26 =	vadd.s32 v26, v27  }
0x53: {  	[tilespmem:s21+$0xFFFFFFC0] =	vst v26;
	v26 =	vld [tilespmem:s21+$0xFFFFFFD0]  }
0x54: {  	v27 =	vld [tilespmem:$0x3430];
	_ =	sdelay $0x4  }
0x55: {  	v26 =	vadd.s32 v26, v27  }
0x56: {  	[tilespmem:s21+$0xFFFFFFD0] =	vst v26;
	v26 =	vld [tilespmem:s21+$0xFFFFFFE0]  }
0x57: {  	v27 =	vld [tilespmem:$0x3440];
	_ =	sdelay $0x4  }
0x58: {  	v26 =	vadd.s32 v26, v27  }
0x59: {  	[tilespmem:s21+$0xFFFFFFE0] =	vst v26;
	v26 =	vld [tilespmem:s21+$0xFFFFFFF0]  }
0x5a: {  	v27 =	vld [tilespmem:$0x3450];
	_ =	sdelay $0x4  }
0x5b: {  	v26 =	vadd.s32 v26, v27  }
0x5c: {  	[tilespmem:s21+$0xFFFFFFF0] =	vst v26;
	v26 =	vld [tilespmem:s21+$0x0]  }
0x5d: {  	v27 =	vld [tilespmem:$0x3460];
	_ =	sdelay $0x4  }
0x5e: {  	v26 =	vadd.s32 v26, v27  }
0x5f: {  	[tilespmem:s21+$0x0] =	vst v26;
	v26 =	vld [tilespmem:s21+$0x10]  }
0x60: {  	v27 =	vld [tilespmem:$0x3470];
	_ =	sdelay $0x4  }
0x61: {  	v26 =	vadd.s32 v26, v27  }
0x62: {  	s24 =	sand.u32 $0x3FF0, s24;
	[tilespmem:s21+$0x10] =	vst v26  }
0x63: {  	v26 =	vld [tilespmem:s24+$0x80]  }
0x64: {  	v27 =	vld [tilespmem:$0x3480];
	_ =	sdelay $0x4  }
0x65: {  	v26 =	vadd.s32 v26, v27  }
0x66: {  	[tilespmem:s24+$0x80] =	vst v26  }
0x67: {  	v26 =	vld [tilespmem:s21+$0x30]  }
0x68: {  	v27 =	vld [tilespmem:$0x3490];
	_ =	sdelay $0x4  }
0x69: {  	v26 =	vadd.s32 v26, v27;
	v27 =	vld [tilespmem:s21+$0x40]  }
0x6a: {  	[tilespmem:s21+$0x30] =	vst v26  }
0x6b: {  	v26 =	vld [tilespmem:$0x34A0];
	_ =	sdelay $0x4  }
0x6c: {  	v26 =	vadd.s32 v27, v26;
	v27 =	vld [tilespmem:s21+$0x50]  }
0x6d: {  	[tilespmem:s21+$0x40] =	vst v26  }
0x6e: {  	v26 =	vld [tilespmem:$0x34B0];
	_ =	sdelay $0x2  }
.Ltmp0:
0x6f: {  	(pc) =	sbr.rel @p0 .LBB2_2-.Ltmp0, $4  }
0x70: {  	_ = 	snop  }
0x71: {  	v27 =	vadd.s32 v27, v26;
	v26 =	vld [tilespmem:s21+$0x60]  }
0x72: {  	[tilespmem:s21+$0x50] =	vst v27  }
0x73: {  	v27 =	vld [tilespmem:$0x34C0]  }
0x74: {  	_ =	sdelay $0x3  }
0x75: {  	v26 =	vadd.s32 v26, v27  }
0x76: {  	s21 =	simm.s32 $0x1A0;
	s24 =	simm.s32 $0x5F00;
	v8 =	vld [tilespmem:$0x1FFA0];
	[tilespmem:s23+$0x60] =	vst v26;
	s23 =	simm.s32 $0x0  }
.LBB2_4:
0x77: {  	[tilespmem:s24], [sflag:$0x1] =	stream.indirect.gather [hbm4b:s3+s16], $0x1, s23, s16, $0xb8;
	[tilespmem:$0x9300] =	vst v63  }
0x78: {  	s22 =	smov.u32 s21;
	p0 =	sne.s32 s21, $0xCE60  }
.Ltmp1:
0x79: {  	s21 =	sadd.s32 $0x1A0, s21;
	(pc) =	sbr.rel @p0 .LBB2_4-.Ltmp1, $3  }
0x7a: {  	_ =	sdelay $0x1  }
0x7b: {  	s23 =	sshra.s32 s22, $0x2  }
0x7c: {  	s24 =	sadd.s32 $0x5F00, s23  }
0x7d: {  	[tilespmem:s24], [sflag:$0x1] =	stream.indirect.gather [hbm4b:s3+s16], $0x1, s23, s16, $0xb8;
	[tilespmem:$0x9300] =	vst v63  }
0x7e: {  	s22 =	simm.s32 $0x0;
	_ =	swait.ge [sflag:s17], $0x3400  }
0x7f: {  	s21 =	sand.u32 $0x70, s22;
	s31 =	sand.u32 $0xC00, s22;
	[sflag:s17] =	ssyncset.done $0x0  }
0x80: {  	v61 =	vadd.s32 s22, v9;
	s21 =	sor.u32 s21, s31;
	v9 =	vld [tilespmem:$0x1FFC0];
	[sflag:s17] =	ssyncadd.s32 $0xFFFFCC00  }
0x81: {  	v33 =	vld [tilespmem:s21+$0x4700]  }
0x82: {  	v35 =	vld [tilespmem:$0x5B00]  }
0x83: {  	v37 =	vld [tilespmem:s21+$0x4600]  }
0x84: {  	v39 =	vld [tilespmem:$0x5A00]  }
0x85: {  	v41 =	vld [tilespmem:s21+$0x4500]  }
0x86: {  	v43 =	vld [tilespmem:$0x5900]  }
0x87: {  	v45 =	vld [tilespmem:s21+$0x3800]  }
0x88: {  	v47 =	vld [tilespmem:$0x5800]  }
0x89: {  	v48 =	vld [tilespmem:s21+$0x3700]  }
0x8a: {  	v49 =	vld [tilespmem:$0x5700]  }
0x8b: {  	v50 =	vld [tilespmem:s21+$0x3500]  }
0x8c: {  	v26 =	vadd.s32 s22, v22;
	v51 =	vld [tilespmem:$0x5500]  }
0x8d: {  	v27 =	vadd.s32 s22, v20;
	v54 =	vld [tilespmem:s21+$0x3600]  }
0x8e: {  	v28 =	vadd.s32 s22, v21;
	v56 =	vld [tilespmem:$0x5600]  }
0x8f: {  	v30 =	vadd.s32 s22, v18;
	v57 =	vld [tilespmem:s21+$0x3580]  }
0x90: {  	v32 =	vadd.s32 s22, v19;
	v59 =	vld [tilespmem:$0x5580]  }
0x91: {  	v34 =	vadd.s32 s22, v16;
	v12 =	vld.idx.msk [tilespmem:v26+s18+$0x0], $0xffff  }
0x92: {  	v36 =	vadd.s32 s22, v17;
	v29 =	vld.idx.msk [tilespmem:v27+s18+$0x0], $0xffff  }
0x93: {  	v38 =	vadd.s32 s22, v14;
	v31 =	vld.idx.msk [tilespmem:v28+s18+$0x0], $0xffff  }
0x94: {  	v40 =	vadd.s32 s22, v15;
	v30 =	vld.idx.msk [tilespmem:v30+s18+$0x0], $0xffff  }
0x95: {  	v42 =	vadd.s32 s22, v6;
	v32 =	vld.idx.msk [tilespmem:v32+s18+$0x0], $0xffff  }
0x96: {  	v44 =	vadd.s32 s22, v7;
	v34 =	vld.idx.msk [tilespmem:v34+s18+$0x0], $0xffff  }
0x97: {  	v46 =	vadd.s32 s22, v4;
	v36 =	vld.idx.msk [tilespmem:v36+s18+$0x0], $0xffff  }
0x98: {  	v52 =	vadd.s32 s22, v2;
	v38 =	vld.idx.msk [tilespmem:v38+s18+$0x0], $0xffff  }
0x99: {  	v53 =	vadd.s32 s22, v0;
	v40 =	vld.idx.msk [tilespmem:v40+s18+$0x0], $0xffff  }
0x9a: {  	v55 =	vadd.s32 s22, v1;
	v42 =	vld.idx.msk [tilespmem:v42+s18+$0x0], $0xffff  }
0x9b: {  	v58 =	vadd.s32 s22, v3;
	v44 =	vld.idx.msk [tilespmem:v44+s18+$0x0], $0xffff  }
0x9c: {  	v60 =	vadd.s32 s22, v8;
	v46 =	vld.idx.msk [tilespmem:v46+s18+$0x0], $0xffff  }
0x9d: {  	v52 =	vld.idx.msk [tilespmem:v52+s18+$0x0], $0xffff  }
0x9e: {  	v62 =	vadd.s32 s22, v10;
	v53 =	vld.idx.msk [tilespmem:v53+s18+$0x0], $0xffff  }
0x9f: {  	v55 =	vld.idx.msk [tilespmem:v55+s18+$0x0], $0xffff  }
0xa0: {  	v63 =	vadd.s32 s22, v11;
	v58 =	vld.idx.msk [tilespmem:v58+s18+$0x0], $0xffff  }
0xa1: {  	v60 =	vld.idx.msk [tilespmem:v60+s18+$0x0], $0xffff  }
0xa2: {  	v61 =	vld.idx.msk [tilespmem:v61+s18+$0x0], $0xffff  }
0xa3: {  	v62 =	vld.idx.msk [tilespmem:v62+s18+$0x0], $0xffff;
	v28 =	vadd.s32 s22, v5  }
0xa4: {  	v26 =	vadd.s32 s22, v9;
	v9 =	vld [tilespmem:$0x1FFB0]  }
0xa5: {  	v63 =	vld.idx.msk [tilespmem:v63+s18+$0x0], $0xffff  }
0xa6: {  	[tilespmem:$0x1FF90] =	vst v12;
	v12 =	vld [tilespmem:s21+$0x4800]  }
0xa7: {  	v58 =	vadd.f32 v58, v55;
	v55 =	vld [tilespmem:s21+$0x3680]  }
0xa8: {  	v28 =	vld.idx.msk [tilespmem:v28+s18+$0x0], $0xffff  }
0xa9: {  	v52 =	vadd.f32 v52, v53;
	v27 =	vadd.s32 s22, v9;
	v26 =	vld.idx.msk [tilespmem:v26+s18+$0x0], $0xffff  }
0xaa: {  	v53 =	vadd.f32 v61, v58;
	v58 =	vld [tilespmem:$0x5680]  }
0xab: {  	v52 =	vadd.f32 v60, v52;
	v60 =	vld [tilespmem:s21+$0x3780]  }
0xac: {  	v61 =	vld [tilespmem:$0x5780]  }
0xad: {  	v52 =	vadd.f32 v62, v52;
	v62 =	vmul.f32 v56, v54;
	v56 =	vld [tilespmem:$0x5880]  }
0xae: {  	v27 =	vld.idx.msk [tilespmem:v27+s18+$0x0], $0xffff  }
0xaf: {  	v53 =	vadd.f32 v63, v53;
	v63 =	vmul.f32 v59, v57;
	v57 =	vld [tilespmem:s21+$0x4680];
	v26 =	vadd.f32 v26, v52  }
0xb0: {  	[tilespmem:$0x1FF70] =	vst v12;
	v12 =	vld [tilespmem:$0x5C00]  }
0xb1: {  	v59 =	vld [tilespmem:$0x5B80];
	v26 =	vadd.f32 v46, v26  }
0xb2: {  	v50 =	vmul.f32 v51, v50;
	v52 =	vld [tilespmem:$0x5980]  }
0xb3: {  	v48 =	vmul.f32 v49, v48;
	v26 =	vadd.f32 v42, v26;
	v27 =	vadd.f32 v27, v53;
	v53 =	vld [tilespmem:s21+$0x3880]  }
0xb4: {  	v49 =	vadd.s32 s22, v24;
	v50 =	vadd.f32 v62, v50;
	v9 =	vld [tilespmem:$0x1FF70];
	v55 =	vmul.f32 v58, v55  }
0xb5: {  	v51 =	vmul.f32 v61, v60;
	[tilespmem:$0x1FF80] =	vst v12;
	v26 =	vadd.f32 v38, v26;
	v27 =	vadd.f32 v28, v27;
	v28 =	vld [tilespmem:s21+$0x4580]  }
0xb6: {  	v13 =	vmovc v10;
	v61 =	vmul.f32 v47, v45;
	v62 =	vadd.f32 v48, v50;
	v54 =	vadd.f32 v55, v63;
	v10 =	vld [tilespmem:$0x1FF80]  }
0xb7: {  	v45 =	vld [tilespmem:$0x5C80];
	v46 =	vadd.s32 s22, v23;
	v26 =	vadd.f32 v34, v26;
	v27 =	vadd.f32 v44, v27  }
0xb8: {  	v60 =	vadd.f32 v61, v62;
	v63 =	vadd.f32 v51, v54;
	v44 =	vld [tilespmem:$0x5A80];
	v54 =	vmul.f32 v56, v53  }
0xb9: {  	v55 =	vadd.s32 s22, v25;
	v62 =	vld [tilespmem:s21+$0x4880];
	v26 =	vadd.f32 v30, v26;
	v27 =	vadd.f32 v40, v27  }
0xba: {  	v58 =	vmul.f32 v43, v41;
	v56 =	vld [tilespmem:s21+$0x4780];
	v61 =	vadd.f32 v54, v63;
	v28 =	vmul.f32 v52, v28  }
0xbb: {  	v26 =	vadd.f32 v29, v26;
	v29 =	vmul.f32 v10, v9;
	v9 =	vld [tilespmem:$0x1FF90];
	v27 =	vadd.f32 v36, v27  }
0xbc: {  	v38 =	vadd.f32 v58, v60;
	v46 =	vld.idx.msk [tilespmem:v46+s18+$0x0], $0xffff;
	v63 =	vmul.f32 v39, v37  }
0xbd: {  	v48 =	vld.idx.msk [tilespmem:v49+s18+$0x0], $0xffff;
	v28 =	vadd.f32 v28, v61;
	v47 =	vmul.f32 v44, v57;
	v27 =	vadd.f32 v32, v27  }
0xbe: {  	v49 =	vld.idx.msk [tilespmem:v55+s18+$0x0], $0xffff;
	v30 =	vmul.f32 v35, v33;
	v51 =	vadd.f32 v63, v38  }
0xbf: {  	v52 =	vmul.f32 v59, v56;
	v28 =	vadd.f32 v47, v28;
	v27 =	vadd.f32 v31, v27  }
0xc0: {  	v30 =	vadd.f32 v30, v51;
	v26 =	vadd.f32 v9, v26  }
0xc1: {  	v31 =	vmul.f32 v45, v62;
	v28 =	vadd.f32 v52, v28;
	v27 =	vadd.f32 v46, v27  }
0xc2: {  	v29 =	vadd.f32 v29, v30;
	v26 =	vadd.f32 v48, v26  }
0xc3: {  	v28 =	vadd.f32 v31, v28;
	v27 =	vadd.f32 v49, v27  }
0xc4: {  	s22 =	simm.s32 $0x1A0  }
0xc5: {  	v30 =	vadd.s32 s22, v22;
	v26 =	vadd.f32 v27, v26;
	v27 =	vadd.f32 v28, v29  }
0xc6: {  	v28 =	vadd.s32 s22, v23  }
0xc7: {  	v26 =	vadd.f32 v27, v26  }
0xc8: {  	s21 =	simm.s32 $0x5D00  }
0xc9: {  	s23 =	simm.s32 $0x80;
	s24 =	simm.s32 $0x10;
	v31 =	vadd.s32 s22, v20;
	[tilespmem:s21+$0x0] =	vst v26  }
0xca: {  	s25 =	sand.u32 $0x70, s24;
	s26 =	sand.u32 $0xC00, s23;
	v53 =	vadd.s32 s22, v21;
	v26 =	vld.idx.msk [tilespmem:v30+s18+$0x0], $0xffff  }
0xcb: {  	s25 =	sor.u32 s25, s26;
	v27 =	vld.idx.msk [tilespmem:v28+s18+$0x0], $0xffff  }
0xcc: {  	v28 =	vld [tilespmem:s25+$0x4800]  }
0xcd: {  	v54 =	vadd.s32 s22, v18;
	v29 =	vld [tilespmem:$0x5C00]  }
0xce: {  	v55 =	vadd.s32 s22, v19;
	v30 =	vld.idx.msk [tilespmem:v31+s18+$0x0], $0xffff  }
0xcf: {  	v31 =	vld.idx.msk [tilespmem:v53+s18+$0x0], $0xffff  }
0xd0: {  	v32 =	vld [tilespmem:s25+$0x4700]  }
0xd1: {  	v56 =	vadd.s32 s22, v16;
	v33 =	vld [tilespmem:$0x5B00]  }
0xd2: {  	v57 =	vadd.s32 s22, v17;
	v34 =	vld.idx.msk [tilespmem:v54+s18+$0x0], $0xffff  }
0xd3: {  	v35 =	vld.idx.msk [tilespmem:v55+s18+$0x0], $0xffff  }
0xd4: {  	v36 =	vld [tilespmem:s25+$0x4600]  }
0xd5: {  	v58 =	vadd.s32 s22, v14;
	v37 =	vld [tilespmem:$0x5A00]  }
0xd6: {  	v59 =	vadd.s32 s22, v15;
	v38 =	vld.idx.msk [tilespmem:v56+s18+$0x0], $0xffff  }
0xd7: {  	v39 =	vld.idx.msk [tilespmem:v57+s18+$0x0], $0xffff  }
0xd8: {  	v40 =	vld [tilespmem:s25+$0x4500]  }
0xd9: {  	v60 =	vadd.s32 s22, v6;
	v41 =	vld [tilespmem:$0x5900]  }
0xda: {  	v61 =	vadd.s32 s22, v7;
	v42 =	vld.idx.msk [tilespmem:v58+s18+$0x0], $0xffff  }
0xdb: {  	v43 =	vld.idx.msk [tilespmem:v59+s18+$0x0], $0xffff  }
0xdc: {  	v44 =	vld [tilespmem:s25+$0x3800]  }
0xdd: {  	v62 =	vadd.s32 s22, v4;
	v45 =	vld [tilespmem:$0x5800]  }
0xde: {  	v63 =	vadd.s32 s22, v5;
	v46 =	vld.idx.msk [tilespmem:v60+s18+$0x0], $0xffff  }
0xdf: {  	v47 =	vld.idx.msk [tilespmem:v61+s18+$0x0], $0xffff  }
0xe0: {  	v48 =	vld [tilespmem:s25+$0x3700]  }
0xe1: {  	v49 =	vld [tilespmem:$0x5700]  }
0xe2: {  	v50 =	vld.idx.msk [tilespmem:v62+s18+$0x0], $0xffff  }
0xe3: {  	v51 =	vld.idx.msk [tilespmem:v63+s18+$0x0], $0xffff  }
0xe4: {  	v11 =	vmovc v24;
	v24 =	vmov v20;
	v12 =	vmov v25;
	v25 =	vmov v21;
	v53 =	vld [tilespmem:s25+$0x3500]  }
0xe5: {  	v21 =	vmovc v17;
	v10 =	vmovc v22;
	v17 =	vmov v7;
	v7 =	vmov v3;
	v9 =	vmov v23;
	v56 =	vld [tilespmem:$0x5500]  }
0xe6: {  	v22 =	vmovc v18;
	v18 =	vmovc v14;
	v14 =	vmov v4;
	v4 =	vmov v0;
	v20 =	vmov v16;
	v52 =	vld [tilespmem:s25+$0x3600]  }
0xe7: {  	v16 =	vmovc v6;
	v6 =	vmovc v2;
	v23 =	vmov v19;
	v19 =	vmov v15;
	v60 =	vadd.s32 s22, v2;
	v54 =	vld [tilespmem:$0x5600]  }
0xe8: {  	s26 =	simm.s32 $0x340;
	v15 =	vmovc v5;
	v5 =	vmovc v1;
	v58 =	vadd.s32 s22, v0;
	v57 =	vadd.s32 s22, v1;
	v55 =	vld [tilespmem:s25+$0x3580];
	v59 =	vadd.s32 s22, v3  }
.LBB2_6:
0xe9: {  	v0 =	vld [tilespmem:$0x1FFE0]  }
0xea: {  	v61 =	vld [tilespmem:$0x5580]  }
0xeb: {  	v1 =	vld [tilespmem:$0x1FFD0]  }
0xec: {  	v2 =	vld [tilespmem:$0x1FFC0]  }
0xed: {  	v62 =	vadd.s32 s22, v8;
	v3 =	vld [tilespmem:$0x1FFB0]  }
0xee: {  	v60 =	vld.idx.msk [tilespmem:v60+s18+$0x0], $0xffff;
	v63 =	vadd.s32 s22, v0  }
0xef: {  	v58 =	vld.idx.msk [tilespmem:v58+s18+$0x0], $0xffff;
	v0 =	vadd.s32 s22, v13  }
0xf0: {  	v57 =	vld.idx.msk [tilespmem:v57+s18+$0x0], $0xffff;
	v1 =	vadd.s32 s22, v1  }
0xf1: {  	v59 =	vld.idx.msk [tilespmem:v59+s18+$0x0], $0xffff;
	v2 =	vadd.s32 s22, v2  }
0xf2: {  	v62 =	vld.idx.msk [tilespmem:v62+s18+$0x0], $0xffff;
	v3 =	vadd.s32 s22, v3  }
0xf3: {  	v63 =	vld.idx.msk [tilespmem:v63+s18+$0x0], $0xffff  }
0xf4: {  	v0 =	vld.idx.msk [tilespmem:v0+s18+$0x0], $0xffff  }
0xf5: {  	v58 =	vadd.f32 v60, v58;
	v1 =	vld.idx.msk [tilespmem:v1+s18+$0x0], $0xffff  }
0xf6: {  	v57 =	vadd.f32 v59, v57;
	v2 =	vld.idx.msk [tilespmem:v2+s18+$0x0], $0xffff  }
0xf7: {  	v3 =	vld.idx.msk [tilespmem:v3+s18+$0x0], $0xffff;
	v58 =	vadd.f32 v62, v58  }
0xf8: {  	v59 =	vld [tilespmem:s25+$0x3680];
	v57 =	vadd.f32 v63, v57  }
0xf9: {  	v60 =	vld [tilespmem:$0x5680];
	v0 =	vadd.f32 v0, v58  }
0xfa: {  	v62 =	vld [tilespmem:s25+$0x3780];
	v1 =	vadd.f32 v1, v57  }
0xfb: {  	v57 =	vld [tilespmem:$0x5780];
	v0 =	vadd.f32 v2, v0  }
0xfc: {  	v53 =	vmul.f32 v56, v53;
	v56 =	vadd.s32 s22, v11;
	v58 =	vld [tilespmem:s25+$0x3880];
	v1 =	vadd.f32 v3, v1  }
0xfd: {  	v48 =	vmul.f32 v49, v48;
	v2 =	vmul.f32 v54, v52;
	v3 =	vld [tilespmem:$0x5880];
	v0 =	vadd.f32 v50, v0  }
0xfe: {  	v49 =	vld [tilespmem:$0x5980];
	v60 =	vmul.f32 v60, v59;
	v63 =	vmul.f32 v61, v55;
	v1 =	vadd.f32 v51, v1  }
0xff: {  	v44 =	vmul.f32 v45, v44;
	v59 =	vld [tilespmem:s25+$0x4580];
	v2 =	vadd.f32 v2, v53;
	v0 =	vadd.f32 v46, v0  }
0x100: {  	v61 =	vadd.f32 v60, v63;
	v52 =	vld [tilespmem:s25+$0x4680];
	v63 =	vmul.f32 v57, v62;
	v1 =	vadd.f32 v47, v1  }
0x101: {  	v54 =	vadd.s32 s22, v12;
	v2 =	vadd.f32 v48, v2;
	v57 =	vld [tilespmem:$0x5A80];
	v0 =	vadd.f32 v42, v0  }
0x102: {  	v62 =	vld [tilespmem:$0x5B80];
	v60 =	vadd.f32 v63, v61;
	v3 =	vmul.f32 v3, v58;
	v1 =	vadd.f32 v43, v1  }
0x103: {  	v40 =	vmul.f32 v41, v40;
	v2 =	vadd.f32 v44, v2;
	v61 =	vld [tilespmem:s25+$0x4780];
	v0 =	vadd.f32 v38, v0  }
0x104: {  	v46 =	vld [tilespmem:s25+$0x4880];
	v63 =	vmul.f32 v49, v59;
	v3 =	vadd.f32 v3, v60;
	v1 =	vadd.f32 v39, v1  }
0x105: {  	v36 =	vmul.f32 v37, v36;
	v48 =	vld [tilespmem:$0x5C80];
	v2 =	vadd.f32 v40, v2;
	v0 =	vadd.f32 v34, v0  }
0x106: {  	v49 =	vld.idx.msk [tilespmem:v56+s18+$0x0], $0xffff;
	v50 =	vmul.f32 v57, v52;
	v3 =	vadd.f32 v63, v3;
	v1 =	vadd.f32 v35, v1  }
0x107: {  	v32 =	vmul.f32 v33, v32;
	v51 =	vld.idx.msk [tilespmem:v54+s18+$0x0], $0xffff;
	v2 =	vadd.f32 v36, v2;
	v0 =	vadd.f32 v30, v0  }
0x108: {  	v52 =	vmul.f32 v62, v61;
	v3 =	vadd.f32 v50, v3;
	v1 =	vadd.f32 v31, v1  }
0x109: {  	v28 =	vmul.f32 v29, v28;
	v2 =	vadd.f32 v32, v2;
	v0 =	vadd.f32 v26, v0  }
0x10a: {  	v29 =	vmul.f32 v48, v46;
	v3 =	vadd.f32 v52, v3;
	v1 =	vadd.f32 v27, v1  }
0x10b: {  	v2 =	vadd.f32 v28, v2;
	v0 =	vadd.f32 v49, v0  }
0x10c: {  	v3 =	vadd.f32 v29, v3;
	v1 =	vadd.f32 v51, v1;
	_ =	sdelay $0x1  }
0x10d: {  	v26 =	vadd.s32 s26, v10;
	v53 =	vadd.f32 v3, v2;
	v0 =	vadd.f32 v1, v0  }
0x10e: {  	v54 =	vadd.s32 s26, v9  }
0x10f: {  	v0 =	vadd.f32 v53, v0  }
0x110: {  	s21 =	sadd.s32 $0x10, s21  }
0x111: {  	s23 =	sadd.s32 $0x80, s23;
	s24 =	sadd.s32 $0x10, s24;
	v55 =	vadd.s32 s26, v24;
	[tilespmem:s21+$0x0] =	vst v0  }
0x112: {  	s31 =	sand.u32 $0x70, s24;
	s28 =	sand.u32 $0xC00, s23;
	v56 =	vadd.s32 s26, v25;
	v26 =	vld.idx.msk [tilespmem:v26+s18+$0x0], $0xffff  }
0x113: {  	s25 =	sor.u32 s31, s28;
	v27 =	vld.idx.msk [tilespmem:v54+s18+$0x0], $0xffff  }
0x114: {  	v28 =	vld [tilespmem:s25+$0x4800]  }
0x115: {  	v57 =	vadd.s32 s26, v22;
	v29 =	vld [tilespmem:$0x5C00]  }
0x116: {  	v3 =	vadd.s32 s26, v23;
	v30 =	vld.idx.msk [tilespmem:v55+s18+$0x0], $0xffff  }
0x117: {  	v31 =	vld.idx.msk [tilespmem:v56+s18+$0x0], $0xffff  }
0x118: {  	v32 =	vld [tilespmem:s25+$0x4700]  }
0x119: {  	v58 =	vadd.s32 s26, v20;
	v33 =	vld [tilespmem:$0x5B00]  }
0x11a: {  	v59 =	vadd.s32 s26, v21;
	v34 =	vld.idx.msk [tilespmem:v57+s18+$0x0], $0xffff  }
0x11b: {  	v35 =	vld.idx.msk [tilespmem:v3+s18+$0x0], $0xffff  }
0x11c: {  	v36 =	vld [tilespmem:s25+$0x4600]  }
0x11d: {  	v60 =	vadd.s32 s26, v18;
	v37 =	vld [tilespmem:$0x5A00]  }
0x11e: {  	v38 =	vld.idx.msk [tilespmem:v58+s18+$0x0], $0xffff  }
0x11f: {  	v39 =	vld.idx.msk [tilespmem:v59+s18+$0x0], $0xffff  }
0x120: {  	v61 =	vadd.s32 s26, v16;
	v40 =	vld [tilespmem:s25+$0x4500]  }
0x121: {  	v62 =	vadd.s32 s26, v17;
	v41 =	vld [tilespmem:$0x5900]  }
0x122: {  	v42 =	vld.idx.msk [tilespmem:v60+s18+$0x0], $0xffff  }
0x123: {  	v44 =	vld [tilespmem:s25+$0x3800]  }
0x124: {  	v63 =	vadd.s32 s26, v14;
	v45 =	vld [tilespmem:$0x5800]  }
0x125: {  	v46 =	vld.idx.msk [tilespmem:v61+s18+$0x0], $0xffff  }
0x126: {  	v3 =	vadd.s32 s26, v19;
	v47 =	vld.idx.msk [tilespmem:v62+s18+$0x0], $0xffff  }
0x127: {  	v48 =	vld [tilespmem:s25+$0x3700]  }
0x128: {  	v49 =	vld [tilespmem:$0x5700]  }
0x129: {  	v50 =	vld.idx.msk [tilespmem:v63+s18+$0x0], $0xffff  }
0x12a: {  	v53 =	vld [tilespmem:s25+$0x3500]  }
0x12b: {  	p0 =	sne.s32 s26, $0x3260;
	v43 =	vld.idx.msk [tilespmem:v3+s18+$0x0], $0xffff;
	v3 =	vadd.s32 s26, v15  }
.Ltmp2:
0x12c: {  	v56 =	vld [tilespmem:$0x5500];
	(pc) =	sbr.rel @p0 .LBB2_6-.Ltmp2, $4  }
0x12d: {  	v52 =	vld [tilespmem:s25+$0x3600]  }
0x12e: {  	v54 =	vld [tilespmem:$0x5600]  }
0x12f: {  	s22 =	smov.u32 s26;
	v60 =	vadd.s32 s26, v6;
	v55 =	vld [tilespmem:s25+$0x3580]  }
0x130: {  	v58 =	vadd.s32 s26, v4;
	v57 =	vadd.s32 s26, v5;
	v59 =	vadd.s32 s22, v7;
	s26 =	sadd.s32 $0x1A0, s26;
	v51 =	vld.idx.msk [tilespmem:v3+s18+$0x0], $0xffff  }
0x131: {  	_ =	sdelay $0x3  }
0x132: {  	v2 =	vld.idx.msk [tilespmem:v60+s18+$0x0], $0xffff  }
0x133: {  	v60 =	vadd.s32 s22, v13;
	v13 =	vld [tilespmem:$0x1FFD0]  }
0x134: {  	v0 =	vld [tilespmem:$0x5580]  }
0x135: {  	v1 =	vadd.s32 s22, v8;
	v8 =	vld [tilespmem:$0x1FFE0]  }
0x136: {  	v57 =	vld.idx.msk [tilespmem:v57+s18+$0x0], $0xffff  }
0x137: {  	v59 =	vld.idx.msk [tilespmem:v59+s18+$0x0], $0xffff  }
0x138: {  	v61 =	vadd.s32 s22, v13;
	v13 =	vld [tilespmem:$0x1FFC0]  }
0x139: {  	[tilespmem:$0x1FF60] =	vst v0;
	v0 =	vld [tilespmem:$0x1FFB0]  }
0x13a: {  	v3 =	vadd.s32 s22, v8  }
0x13b: {  	v58 =	vld.idx.msk [tilespmem:v58+s18+$0x0], $0xffff  }
0x13c: {  	v1 =	vld.idx.msk [tilespmem:v1+s18+$0x0], $0xffff  }
0x13d: {  	v60 =	vld.idx.msk [tilespmem:v60+s18+$0x0], $0xffff;
	v62 =	vadd.s32 s22, v13  }
0x13e: {  	v57 =	vadd.f32 v59, v57;
	v59 =	vld [tilespmem:s25+$0x3680];
	v63 =	vadd.s32 s22, v0  }
0x13f: {  	v3 =	vld.idx.msk [tilespmem:v3+s18+$0x0], $0xffff  }
0x140: {  	v61 =	vld.idx.msk [tilespmem:v61+s18+$0x0], $0xffff  }
0x141: {  	v2 =	vadd.f32 v2, v58;
	v0 =	vld [tilespmem:$0x1FF60]  }
0x142: {  	v62 =	vld.idx.msk [tilespmem:v62+s18+$0x0], $0xffff  }
0x143: {  	v1 =	vadd.f32 v1, v2;
	v58 =	vld.idx.msk [tilespmem:v63+s18+$0x0], $0xffff  }
0x144: {  	v2 =	vadd.f32 v3, v57;
	v3 =	vld [tilespmem:$0x5680]  }
0x145: {  	v1 =	vadd.f32 v60, v1;
	v60 =	vld [tilespmem:$0x5780]  }
0x146: {  	v57 =	vld [tilespmem:s25+$0x3780];
	v2 =	vadd.f32 v61, v2  }
0x147: {  	v53 =	vmul.f32 v56, v53;
	v52 =	vmul.f32 v54, v52;
	v54 =	vld [tilespmem:$0x5880]  }
0x148: {  	v48 =	vmul.f32 v49, v48;
	v61 =	vld [tilespmem:s25+$0x3880];
	v1 =	vadd.f32 v62, v1;
	v2 =	vadd.f32 v58, v2  }
0x149: {  	v56 =	vadd.s32 s22, v11;
	v49 =	vld [tilespmem:$0x5980];
	v0 =	vmul.f32 v0, v55;
	v3 =	vmul.f32 v3, v59  }
0x14a: {  	v44 =	vmul.f32 v45, v44;
	v58 =	vld [tilespmem:s25+$0x4580];
	v1 =	vadd.f32 v50, v1;
	v2 =	vadd.f32 v51, v2  }
0x14b: {  	v63 =	vld [tilespmem:$0x5A80];
	v59 =	vadd.f32 v52, v53;
	v0 =	vadd.f32 v3, v0;
	v3 =	vmul.f32 v60, v57  }
0x14c: {  	v40 =	vmul.f32 v41, v40;
	v62 =	vld [tilespmem:s25+$0x4680];
	v1 =	vadd.f32 v46, v1;
	v2 =	vadd.f32 v47, v2  }
0x14d: {  	v53 =	vld [tilespmem:s25+$0x4780];
	v52 =	vadd.f32 v48, v59;
	v0 =	vadd.f32 v3, v0;
	v3 =	vmul.f32 v54, v61  }
0x14e: {  	v55 =	vadd.s32 s22, v12;
	v54 =	vld [tilespmem:$0x5B80];
	v1 =	vadd.f32 v42, v1;
	v2 =	vadd.f32 v43, v2  }
0x14f: {  	v59 =	vld [tilespmem:$0x5C80];
	v57 =	vadd.f32 v44, v52;
	v0 =	vadd.f32 v3, v0;
	v3 =	vmul.f32 v49, v58  }
0x150: {  	v36 =	vmul.f32 v37, v36;
	v58 =	vld [tilespmem:s25+$0x4880];
	v1 =	vadd.f32 v38, v1;
	v2 =	vadd.f32 v39, v2  }
0x151: {  	v60 =	vadd.f32 v40, v57;
	v0 =	vadd.f32 v3, v0;
	v3 =	vmul.f32 v63, v62  }
0x152: {  	v32 =	vmul.f32 v33, v32;
	v61 =	vld.idx.msk [tilespmem:v56+s18+$0x0], $0xffff;
	v1 =	vadd.f32 v34, v1;
	v2 =	vadd.f32 v35, v2  }
0x153: {  	v62 =	vld.idx.msk [tilespmem:v55+s18+$0x0], $0xffff;
	v63 =	vadd.f32 v36, v60;
	v0 =	vadd.f32 v3, v0;
	v3 =	vmul.f32 v54, v53  }
0x154: {  	v28 =	vmul.f32 v29, v28;
	v1 =	vadd.f32 v30, v1;
	v2 =	vadd.f32 v31, v2  }
0x155: {  	v29 =	vadd.f32 v32, v63;
	v0 =	vadd.f32 v3, v0;
	v3 =	vmul.f32 v59, v58  }
0x156: {  	v1 =	vadd.f32 v26, v1;
	v2 =	vadd.f32 v27, v2  }
0x157: {  	v26 =	vadd.f32 v28, v29;
	v0 =	vadd.f32 v3, v0  }
0x158: {  	v1 =	vadd.f32 v61, v1;
	v2 =	vadd.f32 v62, v2;
	_ =	sdelay $0x1  }
0x159: {  	v0 =	vadd.f32 v0, v26;
	v1 =	vadd.f32 v2, v1;
	_ =	sdelay $0x1  }
0x15a: {  	s20 =	sadd.s32 $0x1, s20;
	v0 =	vadd.f32 v0, v1  }
0x15b: {  	s21 =	sadd.s32 $0x10, s21;
	p0 =	sne.s32 s20, s9  }
.Ltmp3:
0x15c: {  	[tilespmem:s21+$0x0] =	vst v0;
	(pc) =	sbr.rel @p0 .LBB2_1-.Ltmp3, $4  }
0x15d: {  	v3 =	vmovc v7;
	v7 =	vmovc v17;
	v17 =	vmov v21;
	v21 =	vmov v25;
	v25 =	vmov v12;
	[hbm4b:s8+s2] =	stream.linear.scatter [tilespmem:s19], [sflag:$0x2], $0x200, $0x38;
	[tilespmem:$0x9300] =	vst v63  }
0x15e: {  	v2 =	vmovc v6;
	v6 =	vmovc v16;
	v16 =	vmov v20;
	v20 =	vmov v24;
	v24 =	vmov v11;
	_ =	swait.ge [sflag:s10], $0x200  }
0x15f: {  	v1 =	vmovc v5;
	v5 =	vmovc v15;
	v15 =	vmov v19;
	v19 =	vmov v23;
	v23 =	vmov v9;
	[sflag:s10] =	ssyncset.done $0x0;
	v26 =	vld [tilespmem:$0x1FFF0]  }
0x160: {  	v0 =	vmovc v4;
	v4 =	vmovc v14;
	v14 =	vmov v18;
	v18 =	vmov v22;
	v22 =	vmov v10;
	v27 =	vld [tilespmem:$0x1FFD0];
	[sflag:s10] =	ssyncadd.s32 $0xFFFFFE00  }
0x161: {  	_ =	sfence.sel $0x180000  }
0x162: {  	[bflag:$0x0] =	sbarrier.arrive $0xFFFF  }
0x163: {  	p0 =	sne.s32 s0, $0x0;
	_ =	strace $0x9000004A  }
0x164: {  	s0 =	sadd.s32 @!p0 $0x100000, s1;
	[bflag:$0x2] =	sbarrier.arrive $0xFFFF  }
0x165: {  	[sflag:s0] =	ssyncadd.tile.s32 @!p0 $0x1;
	_ =	shalt  }
.Lfunc_end2:
_tile_overlayer_lowered:
.L_overlay_start_2:
0x166: {  	(tag) =	ssettag $0x2  }
0x167: {  	s0 =	rddreg [dreg:$0x0];
	s2 =	stileid.u32  }
0x168: {  	s1 =	rddreg [dreg:$0x1];
	p0 =	sne.s32 s2, $0x0  }
0x169: {  	s3 =	rddreg [dreg:$0x2];
	[bflag:$0x3] =	sbarrier.arrive $0xFFFF;
	s2 =	simm.s32 @!p0 $0x1C02  }
0x16a: {  	[timem:s3], [sflag:s2] =	dma.local @!p0 [hbm:s0], s1  }
0x16b: {  	s0 =	simm.s32 @!p0 $0x2  }
0x16c: {  	_ =	swait.ge @!p0 [sflag:s0], s1  }
0x16d: {  	s1 =	ssub.s32 @!p0 $0x0, s1;
	[sflag:s0] =	ssyncset.done @!p0 $0x0  }
0x16e: {  	[sflag:s0] =	ssyncadd.s32 @!p0 s1  }
0x16f: {  	[bflag:$0x3] =	sbarrier.arrive $0xFFFF  }
0x170: {  	_ =	shalt  }

</sc_bundles>
